<compile_context>
chip_gen: v7x
topology: tpu7x:2x2x1
jax: 0.10.2.dev20260603
libtpu: 0.0.44.dev20260713+nightly
codegen_flags: <defaults>
</compile_context>

<pallas_src>
import functools

import jax
import jax.numpy as jnp
from jax import lax
from jax.experimental import pallas as pl
from jax.experimental.pallas import tpu as pltpu
from jax.experimental.pallas import tpu_sc as plsc

_B = 1024
_D = 128
_KM = 100000
_TK = 5
_KB = 2000
_KBP = 2048
_G = 8
_GPB = _KBP // _G
_NCAND = _TK * _G
_CPB = 4
_NSTEP3 = _NCAND // _CPB
_NEG = float("-inf")
_BIG = 1 << 30
_FBIG = 1e9

_NC = 2
_NS = 16
_NW = _NC * _NS


def _gtopk_body(xt_ref, pos_ref, neg_ref, gp_ref, gn_ref,
                xn_ref, scr_ref, rvp_ref, rip_ref, rvn_ref, rin_ref):
    step = pl.program_id(0)
    nsteps = pl.num_programs(0)
    nb = xt_ref.shape[1]

    @pl.when(step == 0)
    def _init():
        xv = xt_ref[...]
        ss = jnp.sum(xv * xv, axis=0, keepdims=True)
        xn_ref[...] = xv / (jnp.sqrt(ss) + 1e-8)
        scr_ref[_KB:, :] = jnp.full((_KBP - _KB, nb), _NEG, jnp.float32)
        neg_fill = jnp.full((8, nb), _NEG, jnp.float32)
        zf = jnp.zeros((8, nb), jnp.float32)
        rvp_ref[...] = neg_fill
        rvn_ref[...] = neg_fill
        rip_ref[...] = zf
        rin_ref[...] = zf

    xn = xn_ref[...]
    base = step * _KBP
    iota_g = lax.broadcasted_iota(jnp.int32, (_GPB, nb), 0).astype(jnp.float32)

    for bank_ref, rv_ref, ri_ref, out_ref in (
            (pos_ref, rvp_ref, rip_ref, gp_ref),
            (neg_ref, rvn_ref, rin_ref, gn_ref)):
        blk = bank_ref[...]
        ss = jnp.sum(blk * blk, axis=1, keepdims=True)
        bn = blk / (jnp.sqrt(ss) + 1e-8)
        scr_ref[:_KB, :] = jnp.dot(bn, xn,
                                   preferred_element_type=jnp.float32)
        t1 = jnp.maximum(scr_ref[:_KBP // 2, :], scr_ref[_KBP // 2:, :])
        t2 = jnp.maximum(t1[:_KBP // 4], t1[_KBP // 4:])
        mg = jnp.maximum(t2[:_GPB], t2[_GPB:])
        ig = jnp.full((_GPB, nb), _FBIG, jnp.float32)
        for j in range(_G):
            rid = iota_g + (base + _GPB * j).astype(jnp.float32)
            ig = jnp.minimum(
                ig, jnp.where(scr_ref[_GPB * j:_GPB * (j + 1), :] == mg, rid,
                              _FBIG))

        rv = rv_ref[...]
        ri = ri_ref[...]
        vals, idxs = [], []
        for _ in range(_TK):
            m = jnp.maximum(jnp.max(mg, axis=0, keepdims=True),
                            jnp.max(rv, axis=0, keepdims=True))
            f_mg = jnp.min(jnp.where(mg == m, ig, _FBIG), axis=0,
                           keepdims=True)
            f_run = jnp.min(jnp.where(rv == m, ri, _FBIG), axis=0,
                            keepdims=True)
            sel = jnp.minimum(f_mg, f_run)
            vals.append(m)
            idxs.append(sel)
            if len(vals) < _TK:
                mg = jnp.where(ig == sel, _NEG, mg)
                rv = jnp.where(ri == sel, _NEG, rv)
        new_rv = jnp.concatenate(
            vals + [jnp.full((8 - _TK, nb), _NEG, jnp.float32)], axis=0)
        new_ri = jnp.concatenate(
            idxs + [jnp.zeros((8 - _TK, nb), jnp.float32)], axis=0)
        rv_ref[...] = new_rv
        ri_ref[...] = new_ri

        @pl.when(step == nsteps - 1)
        def _emit():
            out_ref[...] = new_ri.astype(jnp.int32)


def _gtopk_call(xt, pos_bank, neg_bank):
    km = pos_bank.shape[0]
    nb = xt.shape[1]
    nsteps = km // _KB
    assert nsteps * _KB == km
    return pl.pallas_call(
        _gtopk_body,
        grid=(nsteps,),
        in_specs=[
            pl.BlockSpec((_D, nb), lambda i: (0, 0)),
            pl.BlockSpec((_KB, _D), lambda i: (i, 0)),
            pl.BlockSpec((_KB, _D), lambda i: (i, 0)),
        ],
        out_specs=[
            pl.BlockSpec((8, nb), lambda i: (0, 0)),
            pl.BlockSpec((8, nb), lambda i: (0, 0)),
        ],
        out_shape=[
            jax.ShapeDtypeStruct((8, nb), jnp.int32),
            jax.ShapeDtypeStruct((8, nb), jnp.int32),
        ],
        scratch_shapes=[
            pltpu.VMEM((_D, nb), jnp.float32),
            pltpu.VMEM((_KBP, nb), jnp.float32),
            pltpu.VMEM((8, nb), jnp.float32),
            pltpu.VMEM((8, nb), jnp.float32),
            pltpu.VMEM((8, nb), jnp.float32),
            pltpu.VMEM((8, nb), jnp.float32),
        ],
        compiler_params=pltpu.CompilerParams(
            dimension_semantics=("arbitrary",)),
    )(xt, pos_bank, neg_bank)


def _sc_gather_cands(pos_bank, neg_bank, fp2, fn2):
    nrows = fp2.shape[0]
    chunk = 80
    r_per_w = nrows // _NW
    nchunk = r_per_w // chunk
    mesh = plsc.VectorSubcoreMesh(core_axis_name="c", subcore_axis_name="s")

    @functools.partial(
        pl.kernel,
        mesh=mesh,
        out_type=[
            jax.ShapeDtypeStruct((nrows, _D), jnp.float32),
            jax.ShapeDtypeStruct((nrows, _D), jnp.float32),
        ],
        scratch_types=[
            pltpu.VMEM((chunk,), jnp.int32),
            pltpu.VMEM((chunk,), jnp.int32),
            pltpu.VMEM((chunk, _D), jnp.float32),
            pltpu.VMEM((chunk, _D), jnp.float32),
            pltpu.SemaphoreType.DMA,
            pltpu.SemaphoreType.DMA,
            pltpu.SemaphoreType.DMA,
            pltpu.SemaphoreType.DMA,
            pltpu.SemaphoreType.DMA,
            pltpu.SemaphoreType.DMA,
        ],
    )
    def gk(posb, negb, fph, fnh, gp, gn, idx_a, idx_b, rows_a, rows_b,
           isem_a, isem_b, gsem_a, gsem_b, wsem_a, wsem_b):
        cid = lax.axis_index("c")
        sid = lax.axis_index("s")
        wid = sid * _NC + cid
        rbase = wid * r_per_w
        idxb = (idx_a, idx_b)
        rows = (rows_a, rows_b)
        isems = (isem_a, isem_b)
        gsems = (gsem_a, gsem_b)
        wsems = (wsem_a, wsem_b)
        for bank_h, idx_h, out_h in ((posb, fph, gp), (negb, fnh, gn)):
            ipend = [None, None]
            gpend = [None, None]
            wpend = [None, None]
            for h in range(min(2, nchunk)):
                ipend[h] = pltpu.async_copy(
                    idx_h.at[pl.ds(rbase + h * chunk, chunk)], idxb[h],
                    isems[h])
            for h in range(nchunk):
                b = h % 2
                if wpend[b] is not None:
                    wpend[b].wait()
                ipend[b].wait()
                gpend[b] = pltpu.async_copy(bank_h.at[idxb[b]], rows[b],
                                            gsems[b])
                if h > 0:
                    bp = 1 - b
                    gpend[bp].wait()
                    wpend[bp] = pltpu.async_copy(
                        rows[bp],
                        out_h.at[pl.ds(rbase + (h - 1) * chunk, chunk)],
                        wsems[bp])
                    if h + 1 < nchunk:
                        ipend[bp] = pltpu.async_copy(
                            idx_h.at[pl.ds(rbase + (h + 1) * chunk, chunk)],
                            idxb[bp], isems[bp])
            bl = (nchunk - 1) % 2
            gpend[bl].wait()
            wpend[bl] = pltpu.async_copy(
                rows[bl],
                out_h.at[pl.ds(rbase + (nchunk - 1) * chunk, chunk)],
                wsems[bl])
            if wpend[1 - bl] is not None:
                wpend[1 - bl].wait()
            wpend[bl].wait()

    return gk(pos_bank, neg_bank, fp2, fn2)


def _rescore_body(gp_ref, gn_ref, x_ref, idsp_ref, idsn_ref, wf_ref, bf_ref,
                  w1_ref, b1_ref, w2_ref, b2_ref, o_ref,
                  xn_ref, sp_ref, sn_ref, mp_ref, mn_ref, ap_ref, an_ref):
    i = pl.program_id(0)
    nb = x_ref.shape[0]
    lane = lax.broadcasted_iota(jnp.int32, (1, _D), 1)

    @pl.when(i == 0)
    def _init():
        xv = x_ref[...]
        ss = jnp.sum(xv * xv, axis=1, keepdims=True)
        xn_ref[...] = xv / (jnp.sqrt(ss) + 1e-8)
        zf = jnp.zeros((nb, _D), jnp.float32)
        sp_ref[...] = zf
        sn_ref[...] = zf
        ap_ref[...] = zf
        an_ref[...] = zf

    @pl.when(i < _NSTEP3)
    def _score():
        xn = xn_ref[...]
        ones_col = jnp.ones((_D, 1), jnp.float32)
        for g_ref, s_ref in ((gp_ref, sp_ref), (gn_ref, sn_ref)):
            acc = jnp.zeros((nb, _D), jnp.float32)
            for sub in range(_CPB):
                c = i * _CPB + sub
                oneh = (lane == c).astype(jnp.float32)
                g = g_ref[sub * nb:(sub + 1) * nb, :]
                rn = jnp.sqrt(
                    jnp.dot(g * g, ones_col,
                            preferred_element_type=jnp.float32)) + 1e-8
                s_col = jnp.dot(g * xn, ones_col,
                                preferred_element_type=jnp.float32) / rn
                acc = acc + s_col * oneh
            s_ref[...] += acc

    @pl.when(i == _NSTEP3)
    def _select():
        for s_ref, ids_ref, m_ref in ((sp_ref, idsp_ref, mp_ref),
                                      (sn_ref, idsn_ref, mn_ref)):
            ids = ids_ref[...]
            s = jnp.where(ids < _BIG, s_ref[...], _NEG)
            mask = jnp.zeros((nb, _D), jnp.float32)
            for _ in range(_TK):
                m = jnp.max(s, axis=1, keepdims=True)
                sel = jnp.min(jnp.where(s == m, ids, _BIG), axis=1,
                              keepdims=True)
                hit = (ids == sel)
                mask = mask + hit.astype(jnp.float32)
                s = jnp.where(hit, _NEG, s)
            m_ref[...] = mask

    @pl.when(i >= _NSTEP3)
    def _accum():
        for g_ref, m_ref, a_ref in ((gp_ref, mp_ref, ap_ref),
                                    (gn_ref, mn_ref, an_ref)):
            mval = m_ref[...]
            acc = jnp.zeros((nb, _D), jnp.float32)
            for sub in range(_CPB):
                col = mval[:, 0:1]
                acc = acc + g_ref[sub * nb:(sub + 1) * nb, :] * col
                mval = pltpu.roll(mval, _D - 1, 1)
            a_ref[...] += acc
            m_ref[...] = mval

    @pl.when(i == 2 * _NSTEP3 - 1)
    def _head():
        xv = x_ref[...]
        pv = ap_ref[...] / jnp.float32(_TK)
        nv = an_ref[...] / jnp.float32(_TK)
        wf = wf_ref[...]
        a = (jnp.dot(xv, wf[0:_D], preferred_element_type=jnp.float32)
             + jnp.dot(pv, wf[_D:2 * _D], preferred_element_type=jnp.float32)
             + jnp.dot(nv, wf[2 * _D:3 * _D],
                       preferred_element_type=jnp.float32)
             + bf_ref[...])
        calib = xv + jnp.tanh(a)
        h = jnp.maximum(
            jnp.dot(calib, w1_ref[...], preferred_element_type=jnp.float32)
            + b1_ref[...], 0.0)
        o_ref[...] = (jnp.dot(h, w2_ref[...],
                              preferred_element_type=jnp.float32)
                      + b2_ref[...])


def _rescore_call(gp, gn, x, idsp, idsn, w_fuse, bf, w1p, b1p, w2p, b2p):
    nb = x.shape[0]
    cand_map = lambda i: (i % _NSTEP3, 0)
    const_map = lambda i: (0, 0)
    return pl.pallas_call(
        _rescore_body,
        grid=(2 * _NSTEP3,),
        in_specs=[
            pl.BlockSpec((_CPB * nb, _D), cand_map),
            pl.BlockSpec((_CPB * nb, _D), cand_map),
            pl.BlockSpec((nb, _D), const_map),
            pl.BlockSpec((nb, _D), const_map),
            pl.BlockSpec((nb, _D), const_map),
            pl.BlockSpec((3 * _D, _D), const_map),
            pl.BlockSpec((1, _D), const_map),
            pl.BlockSpec((_D, _D), const_map),
            pl.BlockSpec((1, _D), const_map),
            pl.BlockSpec((_D, _D), const_map),
            pl.BlockSpec((1, _D), const_map),
        ],
        out_specs=pl.BlockSpec((nb, _D), const_map),
        out_shape=jax.ShapeDtypeStruct((nb, _D), jnp.float32),
        scratch_shapes=[pltpu.VMEM((nb, _D), jnp.float32) for _ in range(7)],
        compiler_params=pltpu.CompilerParams(
            dimension_semantics=("arbitrary",)),
    )(gp, gn, x, idsp, idsn, w_fuse, bf, w1p, b1p, w2p, b2p)


def kernel(x, pos_bank, neg_bank, W_fuse, b_fuse, W1, b1, W2, b2):
    nb, d = x.shape
    xt = x.T

    gp8, gn8 = _gtopk_call(xt, pos_bank, neg_bank)

    def _expand(a8):
        aid = a8[:_TK].T
        stp = aid // _KBP
        g = (aid % _KBP) % _GPB
        off = jnp.arange(_G, dtype=jnp.int32) * _GPB
        local = (g[:, :, None] + off).reshape(nb, _NCAND)
        stp = jnp.repeat(stp, _G, axis=1)
        valid = local < _KB
        ids = jnp.where(valid, stp * _KBP + local, _BIG)
        grow = jnp.where(valid, stp * _KB + local, 0)
        return ids, grow

    idsp_c, gp_rows = _expand(gp8)
    idsn_c, gn_rows = _expand(gn8)
    fp2 = gp_rows.T.reshape(-1)
    fn2 = gn_rows.T.reshape(-1)
    idsp = jnp.pad(idsp_c, ((0, 0), (0, _D - _NCAND)), constant_values=_BIG)
    idsn = jnp.pad(idsn_c, ((0, 0), (0, _D - _NCAND)), constant_values=_BIG)

    gpr, gnr = _sc_gather_cands(pos_bank, neg_bank, fp2, fn2)

    w1p = jnp.pad(W1, ((0, 0), (0, _D - W1.shape[1])))
    b1p = jnp.pad(b1, (0, _D - b1.shape[0])).reshape(1, _D)
    w2p = jnp.pad(W2, ((0, _D - W2.shape[0]), (0, _D - W2.shape[1])))
    b2p = jnp.pad(b2, (0, _D - b2.shape[0])).reshape(1, _D)
    bf = b_fuse.reshape(1, _D)

    out = _rescore_call(gpr, gnr, x, idsp, idsn, W_fuse, bf, w1p, b1p, w2p,
                        b2p)
    return out[:, :W2.shape[1]]

# --- scband reference (transcript-rebuilt; emitter-appended) ---
"""Pipeline reference for scband-toxi-share-network-62216896250317 (READ-ONLY COPY).

The authoritative reference and input builder live on the scoring server;
editing this copy changes nothing except your own understanding.
"""

import jax, jax.numpy as jnp
import numpy as np

B, D, K_MEM, TOP_K = 1024, 128, 100000, 5

def _l2n(a):
    return a / (jnp.linalg.norm(a, axis=-1, keepdims=True) + 1e-8)

def setup_inputs(seed: int = 0):
    key = jax.random.key(seed)
    ks = jax.random.split(key, 8)
    x = jax.random.normal(ks[0], (B, D), dtype=jnp.float32)
    # TopologicalMemory: dual contrastive banks (positive / negative prototypes)
    pos_bank = jax.random.normal(ks[1], (K_MEM, D), dtype=jnp.float32)
    neg_bank = jax.random.normal(ks[2], (K_MEM, D), dtype=jnp.float32)
    # ContrastiveCalibrator params: fuse [x; p_mem; n_mem] -> residual correction
    W_fuse = jax.random.normal(ks[3], (3 * D, D), dtype=jnp.float32) * 0.05
    b_fuse = jnp.zeros((D,), dtype=jnp.float32)
    # classifier: Linear(D,64) -> ReLU -> Linear(64,2)
    W1 = jax.random.normal(ks[4], (D, 64), dtype=jnp.float32) * 0.05
    b1 = jnp.zeros((64,), dtype=jnp.float32)
    W2 = jax.random.normal(ks[5], (64, 2), dtype=jnp.float32) * 0.05
    b2 = jnp.zeros((2,), dtype=jnp.float32)
    return {"x": x, "pos_bank": pos_bank, "neg_bank": neg_bank,
            "W_fuse": W_fuse, "b_fuse": b_fuse,
            "W1": W1, "b1": b1, "W2": W2, "b2": b2}

def reference(x, pos_bank, neg_bank, W_fuse, b_fuse, W1, b1, W2, b2):
    # retrieve_dual_contrastive (vectorized over the batch loop):
    # cosine similarity of each query against both banks, top_k=5 each,
    # mean-pool the retrieved raw bank vectors.
    xn = _l2n(x)
    sim_p = xn @ _l2n(pos_bank).T            # [B, K_MEM]
    sim_n = xn @ _l2n(neg_bank).T            # [B, K_MEM]
    _, idx_p = jax.lax.top_k(sim_p, TOP_K)   # [B, 5]
    _, idx_n = jax.lax.top_k(sim_n, TOP_K)   # [B, 5]
    p_mem = jnp.take(pos_bank, idx_p, axis=0).mean(axis=1)  # [B, D]
    n_mem = jnp.take(neg_bank, idx_n, axis=0).mean(axis=1)  # [B, D]
    # ContrastiveCalibrator: residual fusion of query with dual memories
    fused = jnp.concatenate([x, p_mem, n_mem], axis=-1)      # [B, 3D]
    calib = x + jnp.tanh(fused @ W_fuse + b_fuse)            # [B, D]
    # classifier head
    h = jax.nn.relu(calib @ W1 + b1)
    logits = h @ W2 + b2                                     # [B, 2]
    return logits

if __name__ == "__main__":
    import jax
    _d = setup_inputs()
    print(jax.jit(kernel)(*tuple(_d.values())))

</pallas_src>

<mosaic_0001>
#map = affine_map<(d0, d1) -> (0, 0)>
#map1 = affine_map<(d0, d1) -> (0)>
module attributes {stable_mosaic.version = 14 : i64} {
  func.func @gk(%arg0: i32, %arg1: i32, %arg2: memref<100000x128xf32, #tpu.memory_space<hbm>>, %arg3: memref<100000x128xf32, #tpu.memory_space<hbm>>, %arg4: memref<40960xi32, #tpu.memory_space<hbm>>, %arg5: memref<40960xi32, #tpu.memory_space<hbm>>, %arg6: memref<40960x128xf32, #tpu.memory_space<hbm>>, %arg7: memref<40960x128xf32, #tpu.memory_space<hbm>>, %arg8: memref<80xi32, #tpu.memory_space<vmem>>, %arg9: memref<80xi32, #tpu.memory_space<vmem>>, %arg10: memref<80x128xf32, #tpu.memory_space<vmem>>, %arg11: memref<80x128xf32, #tpu.memory_space<vmem>>, %arg12: memref<!tpu.dma_semaphore, #tpu.memory_space<semaphore_mem>>, %arg13: memref<!tpu.dma_semaphore, #tpu.memory_space<semaphore_mem>>, %arg14: memref<!tpu.dma_semaphore, #tpu.memory_space<semaphore_mem>>, %arg15: memref<!tpu.dma_semaphore, #tpu.memory_space<semaphore_mem>>, %arg16: memref<!tpu.dma_semaphore, #tpu.memory_space<semaphore_mem>>, %arg17: memref<!tpu.dma_semaphore, #tpu.memory_space<semaphore_mem>>) attributes {dimension_semantics = [#tpu.dimension_semantics<core_parallel>, #tpu.dimension_semantics<subcore_parallel>], iteration_bounds = array<i64: 2, 16>, scalar_prefetch = 0 : i64, scratch_operands = 10 : i64, tpu.core_type = #tpu.core_type<sc_vector_subcore>, window_params = [{transform_indices = #map}, {transform_indices = #map}, {transform_indices = #map1}, {transform_indices = #map1}, {transform_indices = #map}, {transform_indices = #map}]} {
    %mul3A = arith.constant 2 : i32
    %mul3A_0 = arith.muli %arg1, %mul3A : i32
    %add3A = arith.addi %mul3A_0, %arg0 : i32
    %mul3A_1 = arith.constant 1280 : i32
    %mul3A_2 = arith.muli %add3A, %mul3A_1 : i32
    %add3A_3 = arith.constant 0 : i32
    %add3A_4 = arith.addi %mul3A_2, %add3A_3 : i32
    %dma_start3A = tpu.memref_slice %arg4[%add3A_4] : memref<40960xi32, #tpu.memory_space<hbm>> -> memref<80xi32, #tpu.memory_space<hbm>>
    %dma_start3A_5 = tpu.memref_slice %arg4[%add3A_4] : memref<40960xi32, #tpu.memory_space<hbm>> -> memref<80xi32, #tpu.memory_space<hbm>>
    tpu.enqueue_dma source(%dma_start3A_5 : memref<80xi32, #tpu.memory_space<hbm>>) target(%arg8 : memref<80xi32, #tpu.memory_space<vmem>>) target_semaphore(%arg12 : memref<!tpu.dma_semaphore, #tpu.memory_space<semaphore_mem>>)
    %add3A_6 = arith.constant 80 : i32
    %add3A_7 = arith.addi %mul3A_2, %add3A_6 : i32
    %dma_start3A_8 = tpu.memref_slice %arg4[%add3A_7] : memref<40960xi32, #tpu.memory_space<hbm>> -> memref<80xi32, #tpu.memory_space<hbm>>
    %dma_start3A_9 = tpu.memref_slice %arg4[%add3A_7] : memref<40960xi32, #tpu.memory_space<hbm>> -> memref<80xi32, #tpu.memory_space<hbm>>
    tpu.enqueue_dma source(%dma_start3A_9 : memref<80xi32, #tpu.memory_space<hbm>>) target(%arg9 : memref<80xi32, #tpu.memory_space<vmem>>) target_semaphore(%arg13 : memref<!tpu.dma_semaphore, #tpu.memory_space<semaphore_mem>>)
    %dma_wait3A = tpu.memref_slice %arg4[%add3A_4] : memref<40960xi32, #tpu.memory_space<hbm>> -> memref<80xi32, #tpu.memory_space<hbm>>
    %dma_wait3A_10 = tpu.memref_slice %arg4[%add3A_4] : memref<40960xi32, #tpu.memory_space<hbm>> -> memref<80xi32, #tpu.memory_space<hbm>>
    tpu.wait_dma2 semaphore(%arg12 : memref<!tpu.dma_semaphore, #tpu.memory_space<semaphore_mem>>) src(%dma_wait3A_10 : memref<80xi32, #tpu.memory_space<hbm>>) dst(%arg8 : memref<80xi32, #tpu.memory_space<vmem>>)
    %dma_start3A_11 = arith.constant 0 : i32
    %dma_start3A_12 = arith.constant 0 : i32
    %dma_start3A_13 = tpu.memref_slice %arg2[%dma_start3A_11, %dma_start3A_12] : memref<100000x128xf32, #tpu.memory_space<hbm>> -> memref<100000x128xf32, #tpu.memory_space<hbm>>
    tpu.enqueue_indirect_dma source(%dma_start3A_13 : memref<100000x128xf32, #tpu.memory_space<hbm>>) target(%arg10 : memref<80x128xf32, #tpu.memory_space<vmem>>) offsets(%arg8 : memref<80xi32, #tpu.memory_space<vmem>>) semaphore(%arg14 : memref<!tpu.dma_semaphore, #tpu.memory_space<semaphore_mem>>)
    %dma_wait3A_14 = tpu.memref_slice %arg4[%add3A_7] : memref<40960xi32, #tpu.memory_space<hbm>> -> memref<80xi32, #tpu.memory_space<hbm>>
    %dma_wait3A_15 = tpu.memref_slice %arg4[%add3A_7] : memref<40960xi32, #tpu.memory_space<hbm>> -> memref<80xi32, #tpu.memory_space<hbm>>
    tpu.wait_dma2 semaphore(%arg13 : memref<!tpu.dma_semaphore, #tpu.memory_space<semaphore_mem>>) src(%dma_wait3A_15 : memref<80xi32, #tpu.memory_space<hbm>>) dst(%arg9 : memref<80xi32, #tpu.memory_space<vmem>>)
    %dma_start3A_16 = arith.constant 0 : i32
    %dma_start3A_17 = arith.constant 0 : i32
    %dma_start3A_18 = tpu.memref_slice %arg2[%dma_start3A_16, %dma_start3A_17] : memref<100000x128xf32, #tpu.memory_space<hbm>> -> memref<100000x128xf32, #tpu.memory_space<hbm>>
    tpu.enqueue_indirect_dma source(%dma_start3A_18 : memref<100000x128xf32, #tpu.memory_space<hbm>>) target(%arg11 : memref<80x128xf32, #tpu.memory_space<vmem>>) offsets(%arg9 : memref<80xi32, #tpu.memory_space<vmem>>) semaphore(%arg15 : memref<!tpu.dma_semaphore, #tpu.memory_space<semaphore_mem>>)
    %dma_wait3A_19 = arith.constant 0 : i32
    %dma_wait3A_20 = arith.constant 0 : i32
    %dma_wait3A_21 = tpu.memref_slice %arg2[%dma_wait3A_19, %dma_wait3A_20] : memref<100000x128xf32, #tpu.memory_space<hbm>> -> memref<100000x128xf32, #tpu.memory_space<hbm>>
    tpu.wait_indirect_dma semaphore(%arg14 : memref<!tpu.dma_semaphore, #tpu.memory_space<semaphore_mem>>) src(%dma_wait3A_21 : memref<100000x128xf32, #tpu.memory_space<hbm>>) dst(%arg10 : memref<80x128xf32, #tpu.memory_space<vmem>>)
    %add3A_22 = arith.constant 0 : i32
    %add3A_23 = arith.addi %mul3A_2, %add3A_22 : i32
    %dma_start3A_24 = arith.constant 0 : i32
    %dma_start3A_25 = tpu.memref_slice %arg6[%add3A_23, %dma_start3A_24] : memref<40960x128xf32, #tpu.memory_space<hbm>> -> memref<80x128xf32, #tpu.memory_space<hbm>>
    %dma_start3A_26 = arith.constant 0 : i32
    %dma_start3A_27 = tpu.memref_slice %arg6[%add3A_23, %dma_start3A_26] : memref<40960x128xf32, #tpu.memory_space<hbm>> -> memref<80x128xf32, #tpu.memory_space<hbm>>
    tpu.enqueue_dma source(%arg10 : memref<80x128xf32, #tpu.memory_space<vmem>>) target(%dma_start3A_27 : memref<80x128xf32, #tpu.memory_space<hbm>>) target_semaphore(%arg16 : memref<!tpu.dma_semaphore, #tpu.memory_space<semaphore_mem>>)
    %add3A_28 = arith.constant 160 : i32
    %add3A_29 = arith.addi %mul3A_2, %add3A_28 : i32
    %dma_start3A_30 = tpu.memref_slice %arg4[%add3A_29] : memref<40960xi32, #tpu.memory_space<hbm>> -> memref<80xi32, #tpu.memory_space<hbm>>
    %dma_start3A_31 = tpu.memref_slice %arg4[%add3A_29] : memref<40960xi32, #tpu.memory_space<hbm>> -> memref<80xi32, #tpu.memory_space<hbm>>
    tpu.enqueue_dma source(%dma_start3A_31 : memref<80xi32, #tpu.memory_space<hbm>>) target(%arg8 : memref<80xi32, #tpu.memory_space<vmem>>) target_semaphore(%arg12 : memref<!tpu.dma_semaphore, #tpu.memory_space<semaphore_mem>>)
    %dma_wait3A_32 = arith.constant 0 : i32
    %dma_wait3A_33 = tpu.memref_slice %arg6[%add3A_23, %dma_wait3A_32] : memref<40960x128xf32, #tpu.memory_space<hbm>> -> memref<80x128xf32, #tpu.memory_space<hbm>>
    %dma_wait3A_34 = arith.constant 0 : i32
    %dma_wait3A_35 = tpu.memref_slice %arg6[%add3A_23, %dma_wait3A_34] : memref<40960x128xf32, #tpu.memory_space<hbm>> -> memref<80x128xf32, #tpu.memory_space<hbm>>
    tpu.wait_dma2 semaphore(%arg16 : memref<!tpu.dma_semaphore, #tpu.memory_space<semaphore_mem>>) src(%arg10 : memref<80x128xf32, #tpu.memory_space<vmem>>) dst(%dma_wait3A_35 : memref<80x128xf32, #tpu.memory_space<hbm>>)
    %dma_wait3A_36 = tpu.memref_slice %arg4[%add3A_29] : memref<40960xi32, #tpu.memory_space<hbm>> -> memref<80xi32, #tpu.memory_space<hbm>>
    %dma_wait3A_37 = tpu.memref_slice %arg4[%add3A_29] : memref<40960xi32, #tpu.memory_space<hbm>> -> memref<80xi32, #tpu.memory_space<hbm>>
    tpu.wait_dma2 semaphore(%arg12 : memref<!tpu.dma_semaphore, #tpu.memory_space<semaphore_mem>>) src(%dma_wait3A_37 : memref<80xi32, #tpu.memory_space<hbm>>) dst(%arg8 : memref<80xi32, #tpu.memory_space<vmem>>)
    %dma_start3A_38 = arith.constant 0 : i32
    %dma_start3A_39 = arith.constant 0 : i32
    %dma_start3A_40 = tpu.memref_slice %arg2[%dma_start3A_38, %dma_start3A_39] : memref<100000x128xf32, #tpu.memory_space<hbm>> -> memref<100000x128xf32, #tpu.memory_space<hbm>>
    tpu.enqueue_indirect_dma source(%dma_start3A_40 : memref<100000x128xf32, #tpu.memory_space<hbm>>) target(%arg10 : memref<80x128xf32, #tpu.memory_space<vmem>>) offsets(%arg8 : memref<80xi32, #tpu.memory_space<vmem>>) semaphore(%arg14 : memref<!tpu.dma_semaphore, #tpu.memory_space<semaphore_mem>>)
    %dma_wait3A_41 = arith.constant 0 : i32
    %dma_wait3A_42 = arith.constant 0 : i32
    %dma_wait3A_43 = tpu.memref_slice %arg2[%dma_wait3A_41, %dma_wait3A_42] : memref<100000x128xf32, #tpu.memory_space<hbm>> -> memref<100000x128xf32, #tpu.memory_space<hbm>>
    tpu.wait_indirect_dma semaphore(%arg15 : memref<!tpu.dma_semaphore, #tpu.memory_space<semaphore_mem>>) src(%dma_wait3A_43 : memref<100000x128xf32, #tpu.memory_space<hbm>>) dst(%arg11 : memref<80x128xf32, #tpu.memory_space<vmem>>)
    %add3A_44 = arith.constant 80 : i32
    %add3A_45 = arith.addi %mul3A_2, %add3A_44 : i32
    %dma_start3A_46 = arith.constant 0 : i32
    %dma_start3A_47 = tpu.memref_slice %arg6[%add3A_45, %dma_start3A_46] : memref<40960x128xf32, #tpu.memory_space<hbm>> -> memref<80x128xf32, #tpu.memory_space<hbm>>
    %dma_start3A_48 = arith.constant 0 : i32
    %dma_start3A_49 = tpu.memref_slice %arg6[%add3A_45, %dma_start3A_48] : memref<40960x128xf32, #tpu.memory_space<hbm>> -> memref<80x128xf32, #tpu.memory_space<hbm>>
    tpu.enqueue_dma source(%arg11 : memref<80x128xf32, #tpu.memory_space<vmem>>) target(%dma_start3A_49 : memref<80x128xf32, #tpu.memory_space<hbm>>) target_semaphore(%arg17 : memref<!tpu.dma_semaphore, #tpu.memory_space<semaphore_mem>>)
    %add3A_50 = arith.constant 240 : i32
    %add3A_51 = arith.addi %mul3A_2, %add3A_50 : i32
    %dma_start3A_52 = tpu.memref_slice %arg4[%add3A_51] : memref<40960xi32, #tpu.memory_space<hbm>> -> memref<80xi32, #tpu.memory_space<hbm>>
    %dma_start3A_53 = tpu.memref_slice %arg4[%add3A_51] : memref<40960xi32, #tpu.memory_space<hbm>> -> memref<80xi32, #tpu.memory_space<hbm>>
    tpu.enqueue_dma source(%dma_start3A_53 : memref<80xi32, #tpu.memory_space<hbm>>) target(%arg9 : memref<80xi32, #tpu.memory_space<vmem>>) target_semaphore(%arg13 : memref<!tpu.dma_semaphore, #tpu.memory_space<semaphore_mem>>)
    %dma_wait3A_54 = arith.constant 0 : i32
    %dma_wait3A_55 = tpu.memref_slice %arg6[%add3A_45, %dma_wait3A_54] : memref<40960x128xf32, #tpu.memory_space<hbm>> -> memref<80x128xf32, #tpu.memory_space<hbm>>
    %dma_wait3A_56 = arith.constant 0 : i32
    %dma_wait3A_57 = tpu.memref_slice %arg6[%add3A_45, %dma_wait3A_56] : memref<40960x128xf32, #tpu.memory_space<hbm>> -> memref<80x128xf32, #tpu.memory_space<hbm>>
    tpu.wait_dma2 semaphore(%arg17 : memref<!tpu.dma_semaphore, #tpu.memory_space<semaphore_mem>>) src(%arg11 : memref<80x128xf32, #tpu.memory_space<vmem>>) dst(%dma_wait3A_57 : memref<80x128xf32, #tpu.memory_space<hbm>>)
    %dma_wait3A_58 = tpu.memref_slice %arg4[%add3A_51] : memref<40960xi32, #tpu.memory_space<hbm>> -> memref<80xi32, #tpu.memory_space<hbm>>
    %dma_wait3A_59 = tpu.memref_slice %arg4[%add3A_51] : memref<40960xi32, #tpu.memory_space<hbm>> -> memref<80xi32, #tpu.memory_space<hbm>>
    tpu.wait_dma2 semaphore(%arg13 : memref<!tpu.dma_semaphore, #tpu.memory_space<semaphore_mem>>) src(%dma_wait3A_59 : memref<80xi32, #tpu.memory_space<hbm>>) dst(%arg9 : memref<80xi32, #tpu.memory_space<vmem>>)
    %dma_start3A_60 = arith.constant 0 : i32
    %dma_start3A_61 = arith.constant 0 : i32
    %dma_start3A_62 = tpu.memref_slice %arg2[%dma_start3A_60, %dma_start3A_61] : memref<100000x128xf32, #tpu.memory_space<hbm>> -> memref<100000x128xf32, #tpu.memory_space<hbm>>
    tpu.enqueue_indirect_dma source(%dma_start3A_62 : memref<100000x128xf32, #tpu.memory_space<hbm>>) target(%arg11 : memref<80x128xf32, #tpu.memory_space<vmem>>) offsets(%arg9 : memref<80xi32, #tpu.memory_space<vmem>>) semaphore(%arg15 : memref<!tpu.dma_semaphore, #tpu.memory_space<semaphore_mem>>)
    %dma_wait3A_63 = arith.constant 0 : i32
    %dma_wait3A_64 = arith.constant 0 : i32
    %dma_wait3A_65 = tpu.memref_slice %arg2[%dma_wait3A_63, %dma_wait3A_64] : memref<100000x128xf32, #tpu.memory_space<hbm>> -> memref<100000x128xf32, #tpu.memory_space<hbm>>
    tpu.wait_indirect_dma semaphore(%arg14 : memref<!tpu.dma_semaphore, #tpu.memory_space<semaphore_mem>>) src(%dma_wait3A_65 : memref<100000x128xf32, #tpu.memory_space<hbm>>) dst(%arg10 : memref<80x128xf32, #tpu.memory_space<vmem>>)
    %add3A_66 = arith.constant 160 : i32
    %add3A_67 = arith.addi %mul3A_2, %add3A_66 : i32
    %dma_start3A_68 = arith.constant 0 : i32
    %dma_start3A_69 = tpu.memref_slice %arg6[%add3A_67, %dma_start3A_68] : memref<40960x128xf32, #tpu.memory_space<hbm>> -> memref<80x128xf32, #tpu.memory_space<hbm>>
    %dma_start3A_70 = arith.constant 0 : i32
    %dma_start3A_71 = tpu.memref_slice %arg6[%add3A_67, %dma_start3A_70] : memref<40960x128xf32, #tpu.memory_space<hbm>> -> memref<80x128xf32, #tpu.memory_space<hbm>>
    tpu.enqueue_dma source(%arg10 : memref<80x128xf32, #tpu.memory_space<vmem>>) target(%dma_start3A_71 : memref<80x128xf32, #tpu.memory_space<hbm>>) target_semaphore(%arg16 : memref<!tpu.dma_semaphore, #tpu.memory_space<semaphore_mem>>)
    %add3A_72 = arith.constant 320 : i32
    %add3A_73 = arith.addi %mul3A_2, %add3A_72 : i32
    %dma_start3A_74 = tpu.memref_slice %arg4[%add3A_73] : memref<40960xi32, #tpu.memory_space<hbm>> -> memref<80xi32, #tpu.memory_space<hbm>>
    %dma_start3A_75 = tpu.memref_slice %arg4[%add3A_73] : memref<40960xi32, #tpu.memory_space<hbm>> -> memref<80xi32, #tpu.memory_space<hbm>>
    tpu.enqueue_dma source(%dma_start3A_75 : memref<80xi32, #tpu.memory_space<hbm>>) target(%arg8 : memref<80xi32, #tpu.memory_space<vmem>>) target_semaphore(%arg12 : memref<!tpu.dma_semaphore, #tpu.memory_space<semaphore_mem>>)
    %dma_wait3A_76 = arith.constant 0 : i32
    %dma_wait3A_77 = tpu.memref_slice %arg6[%add3A_67, %dma_wait3A_76] : memref<40960x128xf32, #tpu.memory_space<hbm>> -> memref<80x128xf32, #tpu.memory_space<hbm>>
    %dma_wait3A_78 = arith.constant 0 : i32
    %dma_wait3A_79 = tpu.memref_slice %arg6[%add3A_67, %dma_wait3A_78] : memref<40960x128xf32, #tpu.memory_space<hbm>> -> memref<80x128xf32, #tpu.memory_space<hbm>>
    tpu.wait_dma2 semaphore(%arg16 : memref<!tpu.dma_semaphore, #tpu.memory_space<semaphore_mem>>) src(%arg10 : memref<80x128xf32, #tpu.memory_space<vmem>>) dst(%dma_wait3A_79 : memref<80x128xf32, #tpu.memory_space<hbm>>)
    %dma_wait3A_80 = tpu.memref_slice %arg4[%add3A_73] : memref<40960xi32, #tpu.memory_space<hbm>> -> memref<80xi32, #tpu.memory_space<hbm>>
    %dma_wait3A_81 = tpu.memref_slice %arg4[%add3A_73] : memref<40960xi32, #tpu.memory_space<hbm>> -> memref<80xi32, #tpu.memory_space<hbm>>
    tpu.wait_dma2 semaphore(%arg12 : memref<!tpu.dma_semaphore, #tpu.memory_space<semaphore_mem>>) src(%dma_wait3A_81 : memref<80xi32, #tpu.memory_space<hbm>>) dst(%arg8 : memref<80xi32, #tpu.memory_space<vmem>>)
    %dma_start3A_82 = arith.constant 0 : i32
    %dma_start3A_83 = arith.constant 0 : i32
    %dma_start3A_84 = tpu.memref_slice %arg2[%dma_start3A_82, %dma_start3A_83] : memref<100000x128xf32, #tpu.memory_space<hbm>> -> memref<100000x128xf32, #tpu.memory_space<hbm>>
    tpu.enqueue_indirect_dma source(%dma_start3A_84 : memref<100000x128xf32, #tpu.memory_space<hbm>>) target(%arg10 : memref<80x128xf32, #tpu.memory_space<vmem>>) offsets(%arg8 : memref<80xi32, #tpu.memory_space<vmem>>) semaphore(%arg14 : memref<!tpu.dma_semaphore, #tpu.memory_space<semaphore_mem>>)
    %dma_wait3A_85 = arith.constant 0 : i32
    %dma_wait3A_86 = arith.constant 0 : i32
    %dma_wait3A_87 = tpu.memref_slice %arg2[%dma_wait3A_85, %dma_wait3A_86] : memref<100000x128xf32, #tpu.memory_space<hbm>> -> memref<100000x128xf32, #tpu.memory_space<hbm>>
    tpu.wait_indirect_dma semaphore(%arg15 : memref<!tpu.dma_semaphore, #tpu.memory_space<semaphore_mem>>) src(%dma_wait3A_87 : memref<100000x128xf32, #tpu.memory_space<hbm>>) dst(%arg11 : memref<80x128xf32, #tpu.memory_space<vmem>>)
    %add3A_88 = arith.constant 240 : i32
    %add3A_89 = arith.addi %mul3A_2, %add3A_88 : i32
    %dma_start3A_90 = arith.constant 0 : i32
    %dma_start3A_91 = tpu.memref_slice %arg6[%add3A_89, %dma_start3A_90] : memref<40960x128xf32, #tpu.memory_space<hbm>> -> memref<80x128xf32, #tpu.memory_space<hbm>>
    %dma_start3A_92 = arith.constant 0 : i32
    %dma_start3A_93 = tpu.memref_slice %arg6[%add3A_89, %dma_start3A_92] : memref<40960x128xf32, #tpu.memory_space<hbm>> -> memref<80x128xf32, #tpu.memory_space<hbm>>
    tpu.enqueue_dma source(%arg11 : memref<80x128xf32, #tpu.memory_space<vmem>>) target(%dma_start3A_93 : memref<80x128xf32, #tpu.memory_space<hbm>>) target_semaphore(%arg17 : memref<!tpu.dma_semaphore, #tpu.memory_space<semaphore_mem>>)
    %add3A_94 = arith.constant 400 : i32
    %add3A_95 = arith.addi %mul3A_2, %add3A_94 : i32
    %dma_start3A_96 = tpu.memref_slice %arg4[%add3A_95] : memref<40960xi32, #tpu.memory_space<hbm>> -> memref<80xi32, #tpu.memory_space<hbm>>
    %dma_start3A_97 = tpu.memref_slice %arg4[%add3A_95] : memref<40960xi32, #tpu.memory_space<hbm>> -> memref<80xi32, #tpu.memory_space<hbm>>
    tpu.enqueue_dma source(%dma_start3A_97 : memref<80xi32, #tpu.memory_space<hbm>>) target(%arg9 : memref<80xi32, #tpu.memory_space<vmem>>) target_semaphore(%arg13 : memref<!tpu.dma_semaphore, #tpu.memory_space<semaphore_mem>>)
    %dma_wait3A_98 = arith.constant 0 : i32
    %dma_wait3A_99 = tpu.memref_slice %arg6[%add3A_89, %dma_wait3A_98] : memref<40960x128xf32, #tpu.memory_space<hbm>> -> memref<80x128xf32, #tpu.memory_space<hbm>>
    %dma_wait3A_100 = arith.constant 0 : i32
    %dma_wait3A_101 = tpu.memref_slice %arg6[%add3A_89, %dma_wait3A_100] : memref<40960x128xf32, #tpu.memory_space<hbm>> -> memref<80x128xf32, #tpu.memory_space<hbm>>
    tpu.wait_dma2 semaphore(%arg17 : memref<!tpu.dma_semaphore, #tpu.memory_space<semaphore_mem>>) src(%arg11 : memref<80x128xf32, #tpu.memory_space<vmem>>) dst(%dma_wait3A_101 : memref<80x128xf32, #tpu.memory_space<hbm>>)
    %dma_wait3A_102 = tpu.memref_slice %arg4[%add3A_95] : memref<40960xi32, #tpu.memory_space<hbm>> -> memref<80xi32, #tpu.memory_space<hbm>>
    %dma_wait3A_103 = tpu.memref_slice %arg4[%add3A_95] : memref<40960xi32, #tpu.memory_space<hbm>> -> memref<80xi32, #tpu.memory_space<hbm>>
    tpu.wait_dma2 semaphore(%arg13 : memref<!tpu.dma_semaphore, #tpu.memory_space<semaphore_mem>>) src(%dma_wait3A_103 : memref<80xi32, #tpu.memory_space<hbm>>) dst(%arg9 : memref<80xi32, #tpu.memory_space<vmem>>)
    %dma_start3A_104 = arith.constant 0 : i32
    %dma_start3A_105 = arith.constant 0 : i32
    %dma_start3A_106 = tpu.memref_slice %arg2[%dma_start3A_104, %dma_start3A_105] : memref<100000x128xf32, #tpu.memory_space<hbm>> -> memref<100000x128xf32, #tpu.memory_space<hbm>>
    tpu.enqueue_indirect_dma source(%dma_start3A_106 : memref<100000x128xf32, #tpu.memory_space<hbm>>) target(%arg11 : memref<80x128xf32, #tpu.memory_space<vmem>>) offsets(%arg9 : memref<80xi32, #tpu.memory_space<vmem>>) semaphore(%arg15 : memref<!tpu.dma_semaphore, #tpu.memory_space<semaphore_mem>>)
    %dma_wait3A_107 = arith.constant 0 : i32
    %dma_wait3A_108 = arith.constant 0 : i32
    %dma_wait3A_109 = tpu.memref_slice %arg2[%dma_wait3A_107, %dma_wait3A_108] : memref<100000x128xf32, #tpu.memory_space<hbm>> -> memref<100000x128xf32, #tpu.memory_space<hbm>>
    tpu.wait_indirect_dma semaphore(%arg14 : memref<!tpu.dma_semaphore, #tpu.memory_space<semaphore_mem>>) src(%dma_wait3A_109 : memref<100000x128xf32, #tpu.memory_space<hbm>>) dst(%arg10 : memref<80x128xf32, #tpu.memory_space<vmem>>)
    %add3A_110 = arith.constant 320 : i32
    %add3A_111 = arith.addi %mul3A_2, %add3A_110 : i32
    %dma_start3A_112 = arith.constant 0 : i32
    %dma_start3A_113 = tpu.memref_slice %arg6[%add3A_111, %dma_start3A_112] : memref<40960x128xf32, #tpu.memory_space<hbm>> -> memref<80x128xf32, #tpu.memory_space<hbm>>
    %dma_start3A_114 = arith.constant 0 : i32
    %dma_start3A_115 = tpu.memref_slice %arg6[%add3A_111, %dma_start3A_114] : memref<40960x128xf32, #tpu.memory_space<hbm>> -> memref<80x128xf32, #tpu.memory_space<hbm>>
    tpu.enqueue_dma source(%arg10 : memref<80x128xf32, #tpu.memory_space<vmem>>) target(%dma_start3A_115 : memref<80x128xf32, #tpu.memory_space<hbm>>) target_semaphore(%arg16 : memref<!tpu.dma_semaphore, #tpu.memory_space<semaphore_mem>>)
    %add3A_116 = arith.constant 480 : i32
    %add3A_117 = arith.addi %mul3A_2, %add3A_116 : i32
    %dma_start3A_118 = tpu.memref_slice %arg4[%add3A_117] : memref<40960xi32, #tpu.memory_space<hbm>> -> memref<80xi32, #tpu.memory_space<hbm>>
    %dma_start3A_119 = tpu.memref_slice %arg4[%add3A_117] : memref<40960xi32, #tpu.memory_space<hbm>> -> memref<80xi32, #tpu.memory_space<hbm>>
    tpu.enqueue_dma source(%dma_start3A_119 : memref<80xi32, #tpu.memory_space<hbm>>) target(%arg8 : memref<80xi32, #tpu.memory_space<vmem>>) target_semaphore(%arg12 : memref<!tpu.dma_semaphore, #tpu.memory_space<semaphore_mem>>)
    %dma_wait3A_120 = arith.constant 0 : i32
    %dma_wait3A_121 = tpu.memref_slice %arg6[%add3A_111, %dma_wait3A_120] : memref<40960x128xf32, #tpu.memory_space<hbm>> -> memref<80x128xf32, #tpu.memory_space<hbm>>
    %dma_wait3A_122 = arith.constant 0 : i32
    %dma_wait3A_123 = tpu.memref_slice %arg6[%add3A_111, %dma_wait3A_122] : memref<40960x128xf32, #tpu.memory_space<hbm>> -> memref<80x128xf32, #tpu.memory_space<hbm>>
    tpu.wait_dma2 semaphore(%arg16 : memref<!tpu.dma_semaphore, #tpu.memory_space<semaphore_mem>>) src(%arg10 : memref<80x128xf32, #tpu.memory_space<vmem>>) dst(%dma_wait3A_123 : memref<80x128xf32, #tpu.memory_space<hbm>>)
    %dma_wait3A_124 = tpu.memref_slice %arg4[%add3A_117] : memref<40960xi32, #tpu.memory_space<hbm>> -> memref<80xi32, #tpu.memory_space<hbm>>
    %dma_wait3A_125 = tpu.memref_slice %arg4[%add3A_117] : memref<40960xi32, #tpu.memory_space<hbm>> -> memref<80xi32, #tpu.memory_space<hbm>>
    tpu.wait_dma2 semaphore(%arg12 : memref<!tpu.dma_semaphore, #tpu.memory_space<semaphore_mem>>) src(%dma_wait3A_125 : memref<80xi32, #tpu.memory_space<hbm>>) dst(%arg8 : memref<80xi32, #tpu.memory_space<vmem>>)
    %dma_start3A_126 = arith.constant 0 : i32
    %dma_start3A_127 = arith.constant 0 : i32
    %dma_start3A_128 = tpu.memref_slice %arg2[%dma_start3A_126, %dma_start3A_127] : memref<100000x128xf32, #tpu.memory_space<hbm>> -> memref<100000x128xf32, #tpu.memory_space<hbm>>
    tpu.enqueue_indirect_dma source(%dma_start3A_128 : memref<100000x128xf32, #tpu.memory_space<hbm>>) target(%arg10 : memref<80x128xf32, #tpu.memory_space<vmem>>) offsets(%arg8 : memref<80xi32, #tpu.memory_space<vmem>>) semaphore(%arg14 : memref<!tpu.dma_semaphore, #tpu.memory_space<semaphore_mem>>)
    %dma_wait3A_129 = arith.constant 0 : i32
    %dma_wait3A_130 = arith.constant 0 : i32
    %dma_wait3A_131 = tpu.memref_slice %arg2[%dma_wait3A_129, %dma_wait3A_130] : memref<100000x128xf32, #tpu.memory_space<hbm>> -> memref<100000x128xf32, #tpu.memory_space<hbm>>
    tpu.wait_indirect_dma semaphore(%arg15 : memref<!tpu.dma_semaphore, #tpu.memory_space<semaphore_mem>>) src(%dma_wait3A_131 : memref<100000x128xf32, #tpu.memory_space<hbm>>) dst(%arg11 : memref<80x128xf32, #tpu.memory_space<vmem>>)
    %add3A_132 = arith.constant 400 : i32
    %add3A_133 = arith.addi %mul3A_2, %add3A_132 : i32
    %dma_start3A_134 = arith.constant 0 : i32
    %dma_start3A_135 = tpu.memref_slice %arg6[%add3A_133, %dma_start3A_134] : memref<40960x128xf32, #tpu.memory_space<hbm>> -> memref<80x128xf32, #tpu.memory_space<hbm>>
    %dma_start3A_136 = arith.constant 0 : i32
    %dma_start3A_137 = tpu.memref_slice %arg6[%add3A_133, %dma_start3A_136] : memref<40960x128xf32, #tpu.memory_space<hbm>> -> memref<80x128xf32, #tpu.memory_space<hbm>>
    tpu.enqueue_dma source(%arg11 : memref<80x128xf32, #tpu.memory_space<vmem>>) target(%dma_start3A_137 : memref<80x128xf32, #tpu.memory_space<hbm>>) target_semaphore(%arg17 : memref<!tpu.dma_semaphore, #tpu.memory_space<semaphore_mem>>)
    %add3A_138 = arith.constant 560 : i32
    %add3A_139 = arith.addi %mul3A_2, %add3A_138 : i32
    %dma_start3A_140 = tpu.memref_slice %arg4[%add3A_139] : memref<40960xi32, #tpu.memory_space<hbm>> -> memref<80xi32, #tpu.memory_space<hbm>>
    %dma_start3A_141 = tpu.memref_slice %arg4[%add3A_139] : memref<40960xi32, #tpu.memory_space<hbm>> -> memref<80xi32, #tpu.memory_space<hbm>>
    tpu.enqueue_dma source(%dma_start3A_141 : memref<80xi32, #tpu.memory_space<hbm>>) target(%arg9 : memref<80xi32, #tpu.memory_space<vmem>>) target_semaphore(%arg13 : memref<!tpu.dma_semaphore, #tpu.memory_space<semaphore_mem>>)
    %dma_wait3A_142 = arith.constant 0 : i32
    %dma_wait3A_143 = tpu.memref_slice %arg6[%add3A_133, %dma_wait3A_142] : memref<40960x128xf32, #tpu.memory_space<hbm>> -> memref<80x128xf32, #tpu.memory_space<hbm>>
    %dma_wait3A_144 = arith.constant 0 : i32
    %dma_wait3A_145 = tpu.memref_slice %arg6[%add3A_133, %dma_wait3A_144] : memref<40960x128xf32, #tpu.memory_space<hbm>> -> memref<80x128xf32, #tpu.memory_space<hbm>>
    tpu.wait_dma2 semaphore(%arg17 : memref<!tpu.dma_semaphore, #tpu.memory_space<semaphore_mem>>) src(%arg11 : memref<80x128xf32, #tpu.memory_space<vmem>>) dst(%dma_wait3A_145 : memref<80x128xf32, #tpu.memory_space<hbm>>)
    %dma_wait3A_146 = tpu.memref_slice %arg4[%add3A_139] : memref<40960xi32, #tpu.memory_space<hbm>> -> memref<80xi32, #tpu.memory_space<hbm>>
    %dma_wait3A_147 = tpu.memref_slice %arg4[%add3A_139] : memref<40960xi32, #tpu.memory_space<hbm>> -> memref<80xi32, #tpu.memory_space<hbm>>
    tpu.wait_dma2 semaphore(%arg13 : memref<!tpu.dma_semaphore, #tpu.memory_space<semaphore_mem>>) src(%dma_wait3A_147 : memref<80xi32, #tpu.memory_space<hbm>>) dst(%arg9 : memref<80xi32, #tpu.memory_space<vmem>>)
    %dma_start3A_148 = arith.constant 0 : i32
    %dma_start3A_149 = arith.constant 0 : i32
    %dma_start3A_150 = tpu.memref_slice %arg2[%dma_start3A_148, %dma_start3A_149] : memref<100000x128xf32, #tpu.memory_space<hbm>> -> memref<100000x128xf32, #tpu.memory_space<hbm>>
    tpu.enqueue_indirect_dma source(%dma_start3A_150 : memref<100000x128xf32, #tpu.memory_space<hbm>>) target(%arg11 : memref<80x128xf32, #tpu.memory_space<vmem>>) offsets(%arg9 : memref<80xi32, #tpu.memory_space<vmem>>) semaphore(%arg15 : memref<!tpu.dma_semaphore, #tpu.memory_space<semaphore_mem>>)
    %dma_wait3A_151 = arith.constant 0 : i32
    %dma_wait3A_152 = arith.constant 0 : i32
    %dma_wait3A_153 = tpu.memref_slice %arg2[%dma_wait3A_151, %dma_wait3A_152] : memref<100000x128xf32, #tpu.memory_space<hbm>> -> memref<100000x128xf32, #tpu.memory_space<hbm>>
    tpu.wait_indirect_dma semaphore(%arg14 : memref<!tpu.dma_semaphore, #tpu.memory_space<semaphore_mem>>) src(%dma_wait3A_153 : memref<100000x128xf32, #tpu.memory_space<hbm>>) dst(%arg10 : memref<80x128xf32, #tpu.memory_space<vmem>>)
    %add3A_154 = arith.constant 480 : i32
    %add3A_155 = arith.addi %mul3A_2, %add3A_154 : i32
    %dma_start3A_156 = arith.constant 0 : i32
    %dma_start3A_157 = tpu.memref_slice %arg6[%add3A_155, %dma_start3A_156] : memref<40960x128xf32, #tpu.memory_space<hbm>> -> memref<80x128xf32, #tpu.memory_space<hbm>>
    %dma_start3A_158 = arith.constant 0 : i32
    %dma_start3A_159 = tpu.memref_slice %arg6[%add3A_155, %dma_start3A_158] : memref<40960x128xf32, #tpu.memory_space<hbm>> -> memref<80x128xf32, #tpu.memory_space<hbm>>
    tpu.enqueue_dma source(%arg10 : memref<80x128xf32, #tpu.memory_space<vmem>>) target(%dma_start3A_159 : memref<80x128xf32, #tpu.memory_space<hbm>>) target_semaphore(%arg16 : memref<!tpu.dma_semaphore, #tpu.memory_space<semaphore_mem>>)
    %add3A_160 = arith.constant 640 : i32
    %add3A_161 = arith.addi %mul3A_2, %add3A_160 : i32
    %dma_start3A_162 = tpu.memref_slice %arg4[%add3A_161] : memref<40960xi32, #tpu.memory_space<hbm>> -> memref<80xi32, #tpu.memory_space<hbm>>
    %dma_start3A_163 = tpu.memref_slice %arg4[%add3A_161] : memref<40960xi32, #tpu.memory_space<hbm>> -> memref<80xi32, #tpu.memory_space<hbm>>
    tpu.enqueue_dma source(%dma_start3A_163 : memref<80xi32, #tpu.memory_space<hbm>>) target(%arg8 : memref<80xi32, #tpu.memory_space<vmem>>) target_semaphore(%arg12 : memref<!tpu.dma_semaphore, #tpu.memory_space<semaphore_mem>>)
    %dma_wait3A_164 = arith.constant 0 : i32
    %dma_wait3A_165 = tpu.memref_slice %arg6[%add3A_155, %dma_wait3A_164] : memref<40960x128xf32, #tpu.memory_space<hbm>> -> memref<80x128xf32, #tpu.memory_space<hbm>>
    %dma_wait3A_166 = arith.constant 0 : i32
    %dma_wait3A_167 = tpu.memref_slice %arg6[%add3A_155, %dma_wait3A_166] : memref<40960x128xf32, #tpu.memory_space<hbm>> -> memref<80x128xf32, #tpu.memory_space<hbm>>
    tpu.wait_dma2 semaphore(%arg16 : memref<!tpu.dma_semaphore, #tpu.memory_space<semaphore_mem>>) src(%arg10 : memref<80x128xf32, #tpu.memory_space<vmem>>) dst(%dma_wait3A_167 : memref<80x128xf32, #tpu.memory_space<hbm>>)
    %dma_wait3A_168 = tpu.memref_slice %arg4[%add3A_161] : memref<40960xi32, #tpu.memory_space<hbm>> -> memref<80xi32, #tpu.memory_space<hbm>>
    %dma_wait3A_169 = tpu.memref_slice %arg4[%add3A_161] : memref<40960xi32, #tpu.memory_space<hbm>> -> memref<80xi32, #tpu.memory_space<hbm>>
    tpu.wait_dma2 semaphore(%arg12 : memref<!tpu.dma_semaphore, #tpu.memory_space<semaphore_mem>>) src(%dma_wait3A_169 : memref<80xi32, #tpu.memory_space<hbm>>) dst(%arg8 : memref<80xi32, #tpu.memory_space<vmem>>)
    %dma_start3A_170 = arith.constant 0 : i32
    %dma_start3A_171 = arith.constant 0 : i32
    %dma_start3A_172 = tpu.memref_slice %arg2[%dma_start3A_170, %dma_start3A_171] : memref<100000x128xf32, #tpu.memory_space<hbm>> -> memref<100000x128xf32, #tpu.memory_space<hbm>>
    tpu.enqueue_indirect_dma source(%dma_start3A_172 : memref<100000x128xf32, #tpu.memory_space<hbm>>) target(%arg10 : memref<80x128xf32, #tpu.memory_space<vmem>>) offsets(%arg8 : memref<80xi32, #tpu.memory_space<vmem>>) semaphore(%arg14 : memref<!tpu.dma_semaphore, #tpu.memory_space<semaphore_mem>>)
    %dma_wait3A_173 = arith.constant 0 : i32
    %dma_wait3A_174 = arith.constant 0 : i32
    %dma_wait3A_175 = tpu.memref_slice %arg2[%dma_wait3A_173, %dma_wait3A_174] : memref<100000x128xf32, #tpu.memory_space<hbm>> -> memref<100000x128xf32, #tpu.memory_space<hbm>>
    tpu.wait_indirect_dma semaphore(%arg15 : memref<!tpu.dma_semaphore, #tpu.memory_space<semaphore_mem>>) src(%dma_wait3A_175 : memref<100000x128xf32, #tpu.memory_space<hbm>>) dst(%arg11 : memref<80x128xf32, #tpu.memory_space<vmem>>)
    %add3A_176 = arith.constant 560 : i32
    %add3A_177 = arith.addi %mul3A_2, %add3A_176 : i32
    %dma_start3A_178 = arith.constant 0 : i32
    %dma_start3A_179 = tpu.memref_slice %arg6[%add3A_177, %dma_start3A_178] : memref<40960x128xf32, #tpu.memory_space<hbm>> -> memref<80x128xf32, #tpu.memory_space<hbm>>
    %dma_start3A_180 = arith.constant 0 : i32
    %dma_start3A_181 = tpu.memref_slice %arg6[%add3A_177, %dma_start3A_180] : memref<40960x128xf32, #tpu.memory_space<hbm>> -> memref<80x128xf32, #tpu.memory_space<hbm>>
    tpu.enqueue_dma source(%arg11 : memref<80x128xf32, #tpu.memory_space<vmem>>) target(%dma_start3A_181 : memref<80x128xf32, #tpu.memory_space<hbm>>) target_semaphore(%arg17 : memref<!tpu.dma_semaphore, #tpu.memory_space<semaphore_mem>>)
    %add3A_182 = arith.constant 720 : i32
    %add3A_183 = arith.addi %mul3A_2, %add3A_182 : i32
    %dma_start3A_184 = tpu.memref_slice %arg4[%add3A_183] : memref<40960xi32, #tpu.memory_space<hbm>> -> memref<80xi32, #tpu.memory_space<hbm>>
    %dma_start3A_185 = tpu.memref_slice %arg4[%add3A_183] : memref<40960xi32, #tpu.memory_space<hbm>> -> memref<80xi32, #tpu.memory_space<hbm>>
    tpu.enqueue_dma source(%dma_start3A_185 : memref<80xi32, #tpu.memory_space<hbm>>) target(%arg9 : memref<80xi32, #tpu.memory_space<vmem>>) target_semaphore(%arg13 : memref<!tpu.dma_semaphore, #tpu.memory_space<semaphore_mem>>)
    %dma_wait3A_186 = arith.constant 0 : i32
    %dma_wait3A_187 = tpu.memref_slice %arg6[%add3A_177, %dma_wait3A_186] : memref<40960x128xf32, #tpu.memory_space<hbm>> -> memref<80x128xf32, #tpu.memory_space<hbm>>
    %dma_wait3A_188 = arith.constant 0 : i32
    %dma_wait3A_189 = tpu.memref_slice %arg6[%add3A_177, %dma_wait3A_188] : memref<40960x128xf32, #tpu.memory_space<hbm>> -> memref<80x128xf32, #tpu.memory_space<hbm>>
    tpu.wait_dma2 semaphore(%arg17 : memref<!tpu.dma_semaphore, #tpu.memory_space<semaphore_mem>>) src(%arg11 : memref<80x128xf32, #tpu.memory_space<vmem>>) dst(%dma_wait3A_189 : memref<80x128xf32, #tpu.memory_space<hbm>>)
    %dma_wait3A_190 = tpu.memref_slice %arg4[%add3A_183] : memref<40960xi32, #tpu.memory_space<hbm>> -> memref<80xi32, #tpu.memory_space<hbm>>
    %dma_wait3A_191 = tpu.memref_slice %arg4[%add3A_183] : memref<40960xi32, #tpu.memory_space<hbm>> -> memref<80xi32, #tpu.memory_space<hbm>>
    tpu.wait_dma2 semaphore(%arg13 : memref<!tpu.dma_semaphore, #tpu.memory_space<semaphore_mem>>) src(%dma_wait3A_191 : memref<80xi32, #tpu.memory_space<hbm>>) dst(%arg9 : memref<80xi32, #tpu.memory_space<vmem>>)
    %dma_start3A_192 = arith.constant 0 : i32
    %dma_start3A_193 = arith.constant 0 : i32
    %dma_start3A_194 = tpu.memref_slice %arg2[%dma_start3A_192, %dma_start3A_193] : memref<100000x128xf32, #tpu.memory_space<hbm>> -> memref<100000x128xf32, #tpu.memory_space<hbm>>
    tpu.enqueue_indirect_dma source(%dma_start3A_194 : memref<100000x128xf32, #tpu.memory_space<hbm>>) target(%arg11 : memref<80x128xf32, #tpu.memory_space<vmem>>) offsets(%arg9 : memref<80xi32, #tpu.memory_space<vmem>>) semaphore(%arg15 : memref<!tpu.dma_semaphore, #tpu.memory_space<semaphore_mem>>)
    %dma_wait3A_195 = arith.constant 0 : i32
    %dma_wait3A_196 = arith.constant 0 : i32
    %dma_wait3A_197 = tpu.memref_slice %arg2[%dma_wait3A_195, %dma_wait3A_196] : memref<100000x128xf32, #tpu.memory_space<hbm>> -> memref<100000x128xf32, #tpu.memory_space<hbm>>
    tpu.wait_indirect_dma semaphore(%arg14 : memref<!tpu.dma_semaphore, #tpu.memory_space<semaphore_mem>>) src(%dma_wait3A_197 : memref<100000x128xf32, #tpu.memory_space<hbm>>) dst(%arg10 : memref<80x128xf32, #tpu.memory_space<vmem>>)
    %add3A_198 = arith.constant 640 : i32
    %add3A_199 = arith.addi %mul3A_2, %add3A_198 : i32
    %dma_start3A_200 = arith.constant 0 : i32
    %dma_start3A_201 = tpu.memref_slice %arg6[%add3A_199, %dma_start3A_200] : memref<40960x128xf32, #tpu.memory_space<hbm>> -> memref<80x128xf32, #tpu.memory_space<hbm>>
    %dma_start3A_202 = arith.constant 0 : i32
    %dma_start3A_203 = tpu.memref_slice %arg6[%add3A_199, %dma_start3A_202] : memref<40960x128xf32, #tpu.memory_space<hbm>> -> memref<80x128xf32, #tpu.memory_space<hbm>>
    tpu.enqueue_dma source(%arg10 : memref<80x128xf32, #tpu.memory_space<vmem>>) target(%dma_start3A_203 : memref<80x128xf32, #tpu.memory_space<hbm>>) target_semaphore(%arg16 : memref<!tpu.dma_semaphore, #tpu.memory_space<semaphore_mem>>)
    %add3A_204 = arith.constant 800 : i32
    %add3A_205 = arith.addi %mul3A_2, %add3A_204 : i32
    %dma_start3A_206 = tpu.memref_slice %arg4[%add3A_205] : memref<40960xi32, #tpu.memory_space<hbm>> -> memref<80xi32, #tpu.memory_space<hbm>>
    %dma_start3A_207 = tpu.memref_slice %arg4[%add3A_205] : memref<40960xi32, #tpu.memory_space<hbm>> -> memref<80xi32, #tpu.memory_space<hbm>>
    tpu.enqueue_dma source(%dma_start3A_207 : memref<80xi32, #tpu.memory_space<hbm>>) target(%arg8 : memref<80xi32, #tpu.memory_space<vmem>>) target_semaphore(%arg12 : memref<!tpu.dma_semaphore, #tpu.memory_space<semaphore_mem>>)
    %dma_wait3A_208 = arith.constant 0 : i32
    %dma_wait3A_209 = tpu.memref_slice %arg6[%add3A_199, %dma_wait3A_208] : memref<40960x128xf32, #tpu.memory_space<hbm>> -> memref<80x128xf32, #tpu.memory_space<hbm>>
    %dma_wait3A_210 = arith.constant 0 : i32
    %dma_wait3A_211 = tpu.memref_slice %arg6[%add3A_199, %dma_wait3A_210] : memref<40960x128xf32, #tpu.memory_space<hbm>> -> memref<80x128xf32, #tpu.memory_space<hbm>>
    tpu.wait_dma2 semaphore(%arg16 : memref<!tpu.dma_semaphore, #tpu.memory_space<semaphore_mem>>) src(%arg10 : memref<80x128xf32, #tpu.memory_space<vmem>>) dst(%dma_wait3A_211 : memref<80x128xf32, #tpu.memory_space<hbm>>)
    %dma_wait3A_212 = tpu.memref_slice %arg4[%add3A_205] : memref<40960xi32, #tpu.memory_space<hbm>> -> memref<80xi32, #tpu.memory_space<hbm>>
    %dma_wait3A_213 = tpu.memref_slice %arg4[%add3A_205] : memref<40960xi32, #tpu.memory_space<hbm>> -> memref<80xi32, #tpu.memory_space<hbm>>
    tpu.wait_dma2 semaphore(%arg12 : memref<!tpu.dma_semaphore, #tpu.memory_space<semaphore_mem>>) src(%dma_wait3A_213 : memref<80xi32, #tpu.memory_space<hbm>>) dst(%arg8 : memref<80xi32, #tpu.memory_space<vmem>>)
    %dma_start3A_214 = arith.constant 0 : i32
    %dma_start3A_215 = arith.constant 0 : i32
    %dma_start3A_216 = tpu.memref_slice %arg2[%dma_start3A_214, %dma_start3A_215] : memref<100000x128xf32, #tpu.memory_space<hbm>> -> memref<100000x128xf32, #tpu.memory_space<hbm>>
    tpu.enqueue_indirect_dma source(%dma_start3A_216 : memref<100000x128xf32, #tpu.memory_space<hbm>>) target(%arg10 : memref<80x128xf32, #tpu.memory_space<vmem>>) offsets(%arg8 : memref<80xi32, #tpu.memory_space<vmem>>) semaphore(%arg14 : memref<!tpu.dma_semaphore, #tpu.memory_space<semaphore_mem>>)
    %dma_wait3A_217 = arith.constant 0 : i32
    %dma_wait3A_218 = arith.constant 0 : i32
    %dma_wait3A_219 = tpu.memref_slice %arg2[%dma_wait3A_217, %dma_wait3A_218] : memref<100000x128xf32, #tpu.memory_space<hbm>> -> memref<100000x128xf32, #tpu.memory_space<hbm>>
    tpu.wait_indirect_dma semaphore(%arg15 : memref<!tpu.dma_semaphore, #tpu.memory_space<semaphore_mem>>) src(%dma_wait3A_219 : memref<100000x128xf32, #tpu.memory_space<hbm>>) dst(%arg11 : memref<80x128xf32, #tpu.memory_space<vmem>>)
    %add3A_220 = arith.constant 720 : i32
    %add3A_221 = arith.addi %mul3A_2, %add3A_220 : i32
    %dma_start3A_222 = arith.constant 0 : i32
    %dma_start3A_223 = tpu.memref_slice %arg6[%add3A_221, %dma_start3A_222] : memref<40960x128xf32, #tpu.memory_space<hbm>> -> memref<80x128xf32, #tpu.memory_space<hbm>>
    %dma_start3A_224 = arith.constant 0 : i32
    %dma_start3A_225 = tpu.memref_slice %arg6[%add3A_221, %dma_start3A_224] : memref<40960x128xf32, #tpu.memory_space<hbm>> -> memref<80x128xf32, #tpu.memory_space<hbm>>
    tpu.enqueue_dma source(%arg11 : memref<80x128xf32, #tpu.memory_space<vmem>>) target(%dma_start3A_225 : memref<80x128xf32, #tpu.memory_space<hbm>>) target_semaphore(%arg17 : memref<!tpu.dma_semaphore, #tpu.memory_space<semaphore_mem>>)
    %add3A_226 = arith.constant 880 : i32
    %add3A_227 = arith.addi %mul3A_2, %add3A_226 : i32
    %dma_start3A_228 = tpu.memref_slice %arg4[%add3A_227] : memref<40960xi32, #tpu.memory_space<hbm>> -> memref<80xi32, #tpu.memory_space<hbm>>
    %dma_start3A_229 = tpu.memref_slice %arg4[%add3A_227] : memref<40960xi32, #tpu.memory_space<hbm>> -> memref<80xi32, #tpu.memory_space<hbm>>
    tpu.enqueue_dma source(%dma_start3A_229 : memref<80xi32, #tpu.memory_space<hbm>>) target(%arg9 : memref<80xi32, #tpu.memory_space<vmem>>) target_semaphore(%arg13 : memref<!tpu.dma_semaphore, #tpu.memory_space<semaphore_mem>>)
    %dma_wait3A_230 = arith.constant 0 : i32
    %dma_wait3A_231 = tpu.memref_slice %arg6[%add3A_221, %dma_wait3A_230] : memref<40960x128xf32, #tpu.memory_space<hbm>> -> memref<80x128xf32, #tpu.memory_space<hbm>>
    %dma_wait3A_232 = arith.constant 0 : i32
    %dma_wait3A_233 = tpu.memref_slice %arg6[%add3A_221, %dma_wait3A_232] : memref<40960x128xf32, #tpu.memory_space<hbm>> -> memref<80x128xf32, #tpu.memory_space<hbm>>
    tpu.wait_dma2 semaphore(%arg17 : memref<!tpu.dma_semaphore, #tpu.memory_space<semaphore_mem>>) src(%arg11 : memref<80x128xf32, #tpu.memory_space<vmem>>) dst(%dma_wait3A_233 : memref<80x128xf32, #tpu.memory_space<hbm>>)
    %dma_wait3A_234 = tpu.memref_slice %arg4[%add3A_227] : memref<40960xi32, #tpu.memory_space<hbm>> -> memref<80xi32, #tpu.memory_space<hbm>>
    %dma_wait3A_235 = tpu.memref_slice %arg4[%add3A_227] : memref<40960xi32, #tpu.memory_space<hbm>> -> memref<80xi32, #tpu.memory_space<hbm>>
    tpu.wait_dma2 semaphore(%arg13 : memref<!tpu.dma_semaphore, #tpu.memory_space<semaphore_mem>>) src(%dma_wait3A_235 : memref<80xi32, #tpu.memory_space<hbm>>) dst(%arg9 : memref<80xi32, #tpu.memory_space<vmem>>)
    %dma_start3A_236 = arith.constant 0 : i32
    %dma_start3A_237 = arith.constant 0 : i32
    %dma_start3A_238 = tpu.memref_slice %arg2[%dma_start3A_236, %dma_start3A_237] : memref<100000x128xf32, #tpu.memory_space<hbm>> -> memref<100000x128xf32, #tpu.memory_space<hbm>>
    tpu.enqueue_indirect_dma source(%dma_start3A_238 : memref<100000x128xf32, #tpu.memory_space<hbm>>) target(%arg11 : memref<80x128xf32, #tpu.memory_space<vmem>>) offsets(%arg9 : memref<80xi32, #tpu.memory_space<vmem>>) semaphore(%arg15 : memref<!tpu.dma_semaphore, #tpu.memory_space<semaphore_mem>>)
    %dma_wait3A_239 = arith.constant 0 : i32
    %dma_wait3A_240 = arith.constant 0 : i32
    %dma_wait3A_241 = tpu.memref_slice %arg2[%dma_wait3A_239, %dma_wait3A_240] : memref<100000x128xf32, #tpu.memory_space<hbm>> -> memref<100000x128xf32, #tpu.memory_space<hbm>>
    tpu.wait_indirect_dma semaphore(%arg14 : memref<!tpu.dma_semaphore, #tpu.memory_space<semaphore_mem>>) src(%dma_wait3A_241 : memref<100000x128xf32, #tpu.memory_space<hbm>>) dst(%arg10 : memref<80x128xf32, #tpu.memory_space<vmem>>)
    %add3A_242 = arith.constant 800 : i32
    %add3A_243 = arith.addi %mul3A_2, %add3A_242 : i32
    %dma_start3A_244 = arith.constant 0 : i32
    %dma_start3A_245 = tpu.memref_slice %arg6[%add3A_243, %dma_start3A_244] : memref<40960x128xf32, #tpu.memory_space<hbm>> -> memref<80x128xf32, #tpu.memory_space<hbm>>
    %dma_start3A_246 = arith.constant 0 : i32
    %dma_start3A_247 = tpu.memref_slice %arg6[%add3A_243, %dma_start3A_246] : memref<40960x128xf32, #tpu.memory_space<hbm>> -> memref<80x128xf32, #tpu.memory_space<hbm>>
    tpu.enqueue_dma source(%arg10 : memref<80x128xf32, #tpu.memory_space<vmem>>) target(%dma_start3A_247 : memref<80x128xf32, #tpu.memory_space<hbm>>) target_semaphore(%arg16 : memref<!tpu.dma_semaphore, #tpu.memory_space<semaphore_mem>>)
    %add3A_248 = arith.constant 960 : i32
    %add3A_249 = arith.addi %mul3A_2, %add3A_248 : i32
    %dma_start3A_250 = tpu.memref_slice %arg4[%add3A_249] : memref<40960xi32, #tpu.memory_space<hbm>> -> memref<80xi32, #tpu.memory_space<hbm>>
    %dma_start3A_251 = tpu.memref_slice %arg4[%add3A_249] : memref<40960xi32, #tpu.memory_space<hbm>> -> memref<80xi32, #tpu.memory_space<hbm>>
    tpu.enqueue_dma source(%dma_start3A_251 : memref<80xi32, #tpu.memory_space<hbm>>) target(%arg8 : memref<80xi32, #tpu.memory_space<vmem>>) target_semaphore(%arg12 : memref<!tpu.dma_semaphore, #tpu.memory_space<semaphore_mem>>)
    %dma_wait3A_252 = arith.constant 0 : i32
    %dma_wait3A_253 = tpu.memref_slice %arg6[%add3A_243, %dma_wait3A_252] : memref<40960x128xf32, #tpu.memory_space<hbm>> -> memref<80x128xf32, #tpu.memory_space<hbm>>
    %dma_wait3A_254 = arith.constant 0 : i32
    %dma_wait3A_255 = tpu.memref_slice %arg6[%add3A_243, %dma_wait3A_254] : memref<40960x128xf32, #tpu.memory_space<hbm>> -> memref<80x128xf32, #tpu.memory_space<hbm>>
    tpu.wait_dma2 semaphore(%arg16 : memref<!tpu.dma_semaphore, #tpu.memory_space<semaphore_mem>>) src(%arg10 : memref<80x128xf32, #tpu.memory_space<vmem>>) dst(%dma_wait3A_255 : memref<80x128xf32, #tpu.memory_space<hbm>>)
    %dma_wait3A_256 = tpu.memref_slice %arg4[%add3A_249] : memref<40960xi32, #tpu.memory_space<hbm>> -> memref<80xi32, #tpu.memory_space<hbm>>
    %dma_wait3A_257 = tpu.memref_slice %arg4[%add3A_249] : memref<40960xi32, #tpu.memory_space<hbm>> -> memref<80xi32, #tpu.memory_space<hbm>>
    tpu.wait_dma2 semaphore(%arg12 : memref<!tpu.dma_semaphore, #tpu.memory_space<semaphore_mem>>) src(%dma_wait3A_257 : memref<80xi32, #tpu.memory_space<hbm>>) dst(%arg8 : memref<80xi32, #tpu.memory_space<vmem>>)
    %dma_start3A_258 = arith.constant 0 : i32
    %dma_start3A_259 = arith.constant 0 : i32
    %dma_start3A_260 = tpu.memref_slice %arg2[%dma_start3A_258, %dma_start3A_259] : memref<100000x128xf32, #tpu.memory_space<hbm>> -> memref<100000x128xf32, #tpu.memory_space<hbm>>
    tpu.enqueue_indirect_dma source(%dma_start3A_260 : memref<100000x128xf32, #tpu.memory_space<hbm>>) target(%arg10 : memref<80x128xf32, #tpu.memory_space<vmem>>) offsets(%arg8 : memref<80xi32, #tpu.memory_space<vmem>>) semaphore(%arg14 : memref<!tpu.dma_semaphore, #tpu.memory_space<semaphore_mem>>)
    %dma_wait3A_261 = arith.constant 0 : i32
    %dma_wait3A_262 = arith.constant 0 : i32
    %dma_wait3A_263 = tpu.memref_slice %arg2[%dma_wait3A_261, %dma_wait3A_262] : memref<100000x128xf32, #tpu.memory_space<hbm>> -> memref<100000x128xf32, #tpu.memory_space<hbm>>
    tpu.wait_indirect_dma semaphore(%arg15 : memref<!tpu.dma_semaphore, #tpu.memory_space<semaphore_mem>>) src(%dma_wait3A_263 : memref<100000x128xf32, #tpu.memory_space<hbm>>) dst(%arg11 : memref<80x128xf32, #tpu.memory_space<vmem>>)
    %add3A_264 = arith.constant 880 : i32
    %add3A_265 = arith.addi %mul3A_2, %add3A_264 : i32
    %dma_start3A_266 = arith.constant 0 : i32
    %dma_start3A_267 = tpu.memref_slice %arg6[%add3A_265, %dma_start3A_266] : memref<40960x128xf32, #tpu.memory_space<hbm>> -> memref<80x128xf32, #tpu.memory_space<hbm>>
    %dma_start3A_268 = arith.constant 0 : i32
    %dma_start3A_269 = tpu.memref_slice %arg6[%add3A_265, %dma_start3A_268] : memref<40960x128xf32, #tpu.memory_space<hbm>> -> memref<80x128xf32, #tpu.memory_space<hbm>>
    tpu.enqueue_dma source(%arg11 : memref<80x128xf32, #tpu.memory_space<vmem>>) target(%dma_start3A_269 : memref<80x128xf32, #tpu.memory_space<hbm>>) target_semaphore(%arg17 : memref<!tpu.dma_semaphore, #tpu.memory_space<semaphore_mem>>)
    %add3A_270 = arith.constant 1040 : i32
    %add3A_271 = arith.addi %mul3A_2, %add3A_270 : i32
    %dma_start3A_272 = tpu.memref_slice %arg4[%add3A_271] : memref<40960xi32, #tpu.memory_space<hbm>> -> memref<80xi32, #tpu.memory_space<hbm>>
    %dma_start3A_273 = tpu.memref_slice %arg4[%add3A_271] : memref<40960xi32, #tpu.memory_space<hbm>> -> memref<80xi32, #tpu.memory_space<hbm>>
    tpu.enqueue_dma source(%dma_start3A_273 : memref<80xi32, #tpu.memory_space<hbm>>) target(%arg9 : memref<80xi32, #tpu.memory_space<vmem>>) target_semaphore(%arg13 : memref<!tpu.dma_semaphore, #tpu.memory_space<semaphore_mem>>)
    %dma_wait3A_274 = arith.constant 0 : i32
    %dma_wait3A_275 = tpu.memref_slice %arg6[%add3A_265, %dma_wait3A_274] : memref<40960x128xf32, #tpu.memory_space<hbm>> -> memref<80x128xf32, #tpu.memory_space<hbm>>
    %dma_wait3A_276 = arith.constant 0 : i32
    %dma_wait3A_277 = tpu.memref_slice %arg6[%add3A_265, %dma_wait3A_276] : memref<40960x128xf32, #tpu.memory_space<hbm>> -> memref<80x128xf32, #tpu.memory_space<hbm>>
    tpu.wait_dma2 semaphore(%arg17 : memref<!tpu.dma_semaphore, #tpu.memory_space<semaphore_mem>>) src(%arg11 : memref<80x128xf32, #tpu.memory_space<vmem>>) dst(%dma_wait3A_277 : memref<80x128xf32, #tpu.memory_space<hbm>>)
    %dma_wait3A_278 = tpu.memref_slice %arg4[%add3A_271] : memref<40960xi32, #tpu.memory_space<hbm>> -> memref<80xi32, #tpu.memory_space<hbm>>
    %dma_wait3A_279 = tpu.memref_slice %arg4[%add3A_271] : memref<40960xi32, #tpu.memory_space<hbm>> -> memref<80xi32, #tpu.memory_space<hbm>>
    tpu.wait_dma2 semaphore(%arg13 : memref<!tpu.dma_semaphore, #tpu.memory_space<semaphore_mem>>) src(%dma_wait3A_279 : memref<80xi32, #tpu.memory_space<hbm>>) dst(%arg9 : memref<80xi32, #tpu.memory_space<vmem>>)
    %dma_start3A_280 = arith.constant 0 : i32
    %dma_start3A_281 = arith.constant 0 : i32
    %dma_start3A_282 = tpu.memref_slice %arg2[%dma_start3A_280, %dma_start3A_281] : memref<100000x128xf32, #tpu.memory_space<hbm>> -> memref<100000x128xf32, #tpu.memory_space<hbm>>
    tpu.enqueue_indirect_dma source(%dma_start3A_282 : memref<100000x128xf32, #tpu.memory_space<hbm>>) target(%arg11 : memref<80x128xf32, #tpu.memory_space<vmem>>) offsets(%arg9 : memref<80xi32, #tpu.memory_space<vmem>>) semaphore(%arg15 : memref<!tpu.dma_semaphore, #tpu.memory_space<semaphore_mem>>)
    %dma_wait3A_283 = arith.constant 0 : i32
    %dma_wait3A_284 = arith.constant 0 : i32
    %dma_wait3A_285 = tpu.memref_slice %arg2[%dma_wait3A_283, %dma_wait3A_284] : memref<100000x128xf32, #tpu.memory_space<hbm>> -> memref<100000x128xf32, #tpu.memory_space<hbm>>
    tpu.wait_indirect_dma semaphore(%arg14 : memref<!tpu.dma_semaphore, #tpu.memory_space<semaphore_mem>>) src(%dma_wait3A_285 : memref<100000x128xf32, #tpu.memory_space<hbm>>) dst(%arg10 : memref<80x128xf32, #tpu.memory_space<vmem>>)
    %add3A_286 = arith.constant 960 : i32
    %add3A_287 = arith.addi %mul3A_2, %add3A_286 : i32
    %dma_start3A_288 = arith.constant 0 : i32
    %dma_start3A_289 = tpu.memref_slice %arg6[%add3A_287, %dma_start3A_288] : memref<40960x128xf32, #tpu.memory_space<hbm>> -> memref<80x128xf32, #tpu.memory_space<hbm>>
    %dma_start3A_290 = arith.constant 0 : i32
    %dma_start3A_291 = tpu.memref_slice %arg6[%add3A_287, %dma_start3A_290] : memref<40960x128xf32, #tpu.memory_space<hbm>> -> memref<80x128xf32, #tpu.memory_space<hbm>>
    tpu.enqueue_dma source(%arg10 : memref<80x128xf32, #tpu.memory_space<vmem>>) target(%dma_start3A_291 : memref<80x128xf32, #tpu.memory_space<hbm>>) target_semaphore(%arg16 : memref<!tpu.dma_semaphore, #tpu.memory_space<semaphore_mem>>)
    %add3A_292 = arith.constant 1120 : i32
    %add3A_293 = arith.addi %mul3A_2, %add3A_292 : i32
    %dma_start3A_294 = tpu.memref_slice %arg4[%add3A_293] : memref<40960xi32, #tpu.memory_space<hbm>> -> memref<80xi32, #tpu.memory_space<hbm>>
    %dma_start3A_295 = tpu.memref_slice %arg4[%add3A_293] : memref<40960xi32, #tpu.memory_space<hbm>> -> memref<80xi32, #tpu.memory_space<hbm>>
    tpu.enqueue_dma source(%dma_start3A_295 : memref<80xi32, #tpu.memory_space<hbm>>) target(%arg8 : memref<80xi32, #tpu.memory_space<vmem>>) target_semaphore(%arg12 : memref<!tpu.dma_semaphore, #tpu.memory_space<semaphore_mem>>)
    %dma_wait3A_296 = arith.constant 0 : i32
    %dma_wait3A_297 = tpu.memref_slice %arg6[%add3A_287, %dma_wait3A_296] : memref<40960x128xf32, #tpu.memory_space<hbm>> -> memref<80x128xf32, #tpu.memory_space<hbm>>
    %dma_wait3A_298 = arith.constant 0 : i32
    %dma_wait3A_299 = tpu.memref_slice %arg6[%add3A_287, %dma_wait3A_298] : memref<40960x128xf32, #tpu.memory_space<hbm>> -> memref<80x128xf32, #tpu.memory_space<hbm>>
    tpu.wait_dma2 semaphore(%arg16 : memref<!tpu.dma_semaphore, #tpu.memory_space<semaphore_mem>>) src(%arg10 : memref<80x128xf32, #tpu.memory_space<vmem>>) dst(%dma_wait3A_299 : memref<80x128xf32, #tpu.memory_space<hbm>>)
    %dma_wait3A_300 = tpu.memref_slice %arg4[%add3A_293] : memref<40960xi32, #tpu.memory_space<hbm>> -> memref<80xi32, #tpu.memory_space<hbm>>
    %dma_wait3A_301 = tpu.memref_slice %arg4[%add3A_293] : memref<40960xi32, #tpu.memory_space<hbm>> -> memref<80xi32, #tpu.memory_space<hbm>>
    tpu.wait_dma2 semaphore(%arg12 : memref<!tpu.dma_semaphore, #tpu.memory_space<semaphore_mem>>) src(%dma_wait3A_301 : memref<80xi32, #tpu.memory_space<hbm>>) dst(%arg8 : memref<80xi32, #tpu.memory_space<vmem>>)
    %dma_start3A_302 = arith.constant 0 : i32
    %dma_start3A_303 = arith.constant 0 : i32
    %dma_start3A_304 = tpu.memref_slice %arg2[%dma_start3A_302, %dma_start3A_303] : memref<100000x128xf32, #tpu.memory_space<hbm>> -> memref<100000x128xf32, #tpu.memory_space<hbm>>
    tpu.enqueue_indirect_dma source(%dma_start3A_304 : memref<100000x128xf32, #tpu.memory_space<hbm>>) target(%arg10 : memref<80x128xf32, #tpu.memory_space<vmem>>) offsets(%arg8 : memref<80xi32, #tpu.memory_space<vmem>>) semaphore(%arg14 : memref<!tpu.dma_semaphore, #tpu.memory_space<semaphore_mem>>)
    %dma_wait3A_305 = arith.constant 0 : i32
    %dma_wait3A_306 = arith.constant 0 : i32
    %dma_wait3A_307 = tpu.memref_slice %arg2[%dma_wait3A_305, %dma_wait3A_306] : memref<100000x128xf32, #tpu.memory_space<hbm>> -> memref<100000x128xf32, #tpu.memory_space<hbm>>
    tpu.wait_indirect_dma semaphore(%arg15 : memref<!tpu.dma_semaphore, #tpu.memory_space<semaphore_mem>>) src(%dma_wait3A_307 : memref<100000x128xf32, #tpu.memory_space<hbm>>) dst(%arg11 : memref<80x128xf32, #tpu.memory_space<vmem>>)
    %add3A_308 = arith.constant 1040 : i32
    %add3A_309 = arith.addi %mul3A_2, %add3A_308 : i32
    %dma_start3A_310 = arith.constant 0 : i32
    %dma_start3A_311 = tpu.memref_slice %arg6[%add3A_309, %dma_start3A_310] : memref<40960x128xf32, #tpu.memory_space<hbm>> -> memref<80x128xf32, #tpu.memory_space<hbm>>
    %dma_start3A_312 = arith.constant 0 : i32
    %dma_start3A_313 = tpu.memref_slice %arg6[%add3A_309, %dma_start3A_312] : memref<40960x128xf32, #tpu.memory_space<hbm>> -> memref<80x128xf32, #tpu.memory_space<hbm>>
    tpu.enqueue_dma source(%arg11 : memref<80x128xf32, #tpu.memory_space<vmem>>) target(%dma_start3A_313 : memref<80x128xf32, #tpu.memory_space<hbm>>) target_semaphore(%arg17 : memref<!tpu.dma_semaphore, #tpu.memory_space<semaphore_mem>>)
    %add3A_314 = arith.constant 1200 : i32
    %add3A_315 = arith.addi %mul3A_2, %add3A_314 : i32
    %dma_start3A_316 = tpu.memref_slice %arg4[%add3A_315] : memref<40960xi32, #tpu.memory_space<hbm>> -> memref<80xi32, #tpu.memory_space<hbm>>
    %dma_start3A_317 = tpu.memref_slice %arg4[%add3A_315] : memref<40960xi32, #tpu.memory_space<hbm>> -> memref<80xi32, #tpu.memory_space<hbm>>
    tpu.enqueue_dma source(%dma_start3A_317 : memref<80xi32, #tpu.memory_space<hbm>>) target(%arg9 : memref<80xi32, #tpu.memory_space<vmem>>) target_semaphore(%arg13 : memref<!tpu.dma_semaphore, #tpu.memory_space<semaphore_mem>>)
    %dma_wait3A_318 = arith.constant 0 : i32
    %dma_wait3A_319 = tpu.memref_slice %arg6[%add3A_309, %dma_wait3A_318] : memref<40960x128xf32, #tpu.memory_space<hbm>> -> memref<80x128xf32, #tpu.memory_space<hbm>>
    %dma_wait3A_320 = arith.constant 0 : i32
    %dma_wait3A_321 = tpu.memref_slice %arg6[%add3A_309, %dma_wait3A_320] : memref<40960x128xf32, #tpu.memory_space<hbm>> -> memref<80x128xf32, #tpu.memory_space<hbm>>
    tpu.wait_dma2 semaphore(%arg17 : memref<!tpu.dma_semaphore, #tpu.memory_space<semaphore_mem>>) src(%arg11 : memref<80x128xf32, #tpu.memory_space<vmem>>) dst(%dma_wait3A_321 : memref<80x128xf32, #tpu.memory_space<hbm>>)
    %dma_wait3A_322 = tpu.memref_slice %arg4[%add3A_315] : memref<40960xi32, #tpu.memory_space<hbm>> -> memref<80xi32, #tpu.memory_space<hbm>>
    %dma_wait3A_323 = tpu.memref_slice %arg4[%add3A_315] : memref<40960xi32, #tpu.memory_space<hbm>> -> memref<80xi32, #tpu.memory_space<hbm>>
    tpu.wait_dma2 semaphore(%arg13 : memref<!tpu.dma_semaphore, #tpu.memory_space<semaphore_mem>>) src(%dma_wait3A_323 : memref<80xi32, #tpu.memory_space<hbm>>) dst(%arg9 : memref<80xi32, #tpu.memory_space<vmem>>)
    %dma_start3A_324 = arith.constant 0 : i32
    %dma_start3A_325 = arith.constant 0 : i32
    %dma_start3A_326 = tpu.memref_slice %arg2[%dma_start3A_324, %dma_start3A_325] : memref<100000x128xf32, #tpu.memory_space<hbm>> -> memref<100000x128xf32, #tpu.memory_space<hbm>>
    tpu.enqueue_indirect_dma source(%dma_start3A_326 : memref<100000x128xf32, #tpu.memory_space<hbm>>) target(%arg11 : memref<80x128xf32, #tpu.memory_space<vmem>>) offsets(%arg9 : memref<80xi32, #tpu.memory_space<vmem>>) semaphore(%arg15 : memref<!tpu.dma_semaphore, #tpu.memory_space<semaphore_mem>>)
    %dma_wait3A_327 = arith.constant 0 : i32
    %dma_wait3A_328 = arith.constant 0 : i32
    %dma_wait3A_329 = tpu.memref_slice %arg2[%dma_wait3A_327, %dma_wait3A_328] : memref<100000x128xf32, #tpu.memory_space<hbm>> -> memref<100000x128xf32, #tpu.memory_space<hbm>>
    tpu.wait_indirect_dma semaphore(%arg14 : memref<!tpu.dma_semaphore, #tpu.memory_space<semaphore_mem>>) src(%dma_wait3A_329 : memref<100000x128xf32, #tpu.memory_space<hbm>>) dst(%arg10 : memref<80x128xf32, #tpu.memory_space<vmem>>)
    %add3A_330 = arith.constant 1120 : i32
    %add3A_331 = arith.addi %mul3A_2, %add3A_330 : i32
    %dma_start3A_332 = arith.constant 0 : i32
    %dma_start3A_333 = tpu.memref_slice %arg6[%add3A_331, %dma_start3A_332] : memref<40960x128xf32, #tpu.memory_space<hbm>> -> memref<80x128xf32, #tpu.memory_space<hbm>>
    %dma_start3A_334 = arith.constant 0 : i32
    %dma_start3A_335 = tpu.memref_slice %arg6[%add3A_331, %dma_start3A_334] : memref<40960x128xf32, #tpu.memory_space<hbm>> -> memref<80x128xf32, #tpu.memory_space<hbm>>
    tpu.enqueue_dma source(%arg10 : memref<80x128xf32, #tpu.memory_space<vmem>>) target(%dma_start3A_335 : memref<80x128xf32, #tpu.memory_space<hbm>>) target_semaphore(%arg16 : memref<!tpu.dma_semaphore, #tpu.memory_space<semaphore_mem>>)
    %dma_wait3A_336 = arith.constant 0 : i32
    %dma_wait3A_337 = arith.constant 0 : i32
    %dma_wait3A_338 = tpu.memref_slice %arg2[%dma_wait3A_336, %dma_wait3A_337] : memref<100000x128xf32, #tpu.memory_space<hbm>> -> memref<100000x128xf32, #tpu.memory_space<hbm>>
    tpu.wait_indirect_dma semaphore(%arg15 : memref<!tpu.dma_semaphore, #tpu.memory_space<semaphore_mem>>) src(%dma_wait3A_338 : memref<100000x128xf32, #tpu.memory_space<hbm>>) dst(%arg11 : memref<80x128xf32, #tpu.memory_space<vmem>>)
    %add3A_339 = arith.constant 1200 : i32
    %add3A_340 = arith.addi %mul3A_2, %add3A_339 : i32
    %dma_start3A_341 = arith.constant 0 : i32
    %dma_start3A_342 = tpu.memref_slice %arg6[%add3A_340, %dma_start3A_341] : memref<40960x128xf32, #tpu.memory_space<hbm>> -> memref<80x128xf32, #tpu.memory_space<hbm>>
    %dma_start3A_343 = arith.constant 0 : i32
    %dma_start3A_344 = tpu.memref_slice %arg6[%add3A_340, %dma_start3A_343] : memref<40960x128xf32, #tpu.memory_space<hbm>> -> memref<80x128xf32, #tpu.memory_space<hbm>>
    tpu.enqueue_dma source(%arg11 : memref<80x128xf32, #tpu.memory_space<vmem>>) target(%dma_start3A_344 : memref<80x128xf32, #tpu.memory_space<hbm>>) target_semaphore(%arg17 : memref<!tpu.dma_semaphore, #tpu.memory_space<semaphore_mem>>)
    %dma_wait3A_345 = arith.constant 0 : i32
    %dma_wait3A_346 = tpu.memref_slice %arg6[%add3A_331, %dma_wait3A_345] : memref<40960x128xf32, #tpu.memory_space<hbm>> -> memref<80x128xf32, #tpu.memory_space<hbm>>
    %dma_wait3A_347 = arith.constant 0 : i32
    %dma_wait3A_348 = tpu.memref_slice %arg6[%add3A_331, %dma_wait3A_347] : memref<40960x128xf32, #tpu.memory_space<hbm>> -> memref<80x128xf32, #tpu.memory_space<hbm>>
    tpu.wait_dma2 semaphore(%arg16 : memref<!tpu.dma_semaphore, #tpu.memory_space<semaphore_mem>>) src(%arg10 : memref<80x128xf32, #tpu.memory_space<vmem>>) dst(%dma_wait3A_348 : memref<80x128xf32, #tpu.memory_space<hbm>>)
    %dma_wait3A_349 = arith.constant 0 : i32
    %dma_wait3A_350 = tpu.memref_slice %arg6[%add3A_340, %dma_wait3A_349] : memref<40960x128xf32, #tpu.memory_space<hbm>> -> memref<80x128xf32, #tpu.memory_space<hbm>>
    %dma_wait3A_351 = arith.constant 0 : i32
    %dma_wait3A_352 = tpu.memref_slice %arg6[%add3A_340, %dma_wait3A_351] : memref<40960x128xf32, #tpu.memory_space<hbm>> -> memref<80x128xf32, #tpu.memory_space<hbm>>
    tpu.wait_dma2 semaphore(%arg17 : memref<!tpu.dma_semaphore, #tpu.memory_space<semaphore_mem>>) src(%arg11 : memref<80x128xf32, #tpu.memory_space<vmem>>) dst(%dma_wait3A_352 : memref<80x128xf32, #tpu.memory_space<hbm>>)
    %add3A_353 = arith.constant 0 : i32
    %add3A_354 = arith.addi %mul3A_2, %add3A_353 : i32
    %dma_start3A_355 = tpu.memref_slice %arg5[%add3A_354] : memref<40960xi32, #tpu.memory_space<hbm>> -> memref<80xi32, #tpu.memory_space<hbm>>
    %dma_start3A_356 = tpu.memref_slice %arg5[%add3A_354] : memref<40960xi32, #tpu.memory_space<hbm>> -> memref<80xi32, #tpu.memory_space<hbm>>
    tpu.enqueue_dma source(%dma_start3A_356 : memref<80xi32, #tpu.memory_space<hbm>>) target(%arg8 : memref<80xi32, #tpu.memory_space<vmem>>) target_semaphore(%arg12 : memref<!tpu.dma_semaphore, #tpu.memory_space<semaphore_mem>>)
    %add3A_357 = arith.constant 80 : i32
    %add3A_358 = arith.addi %mul3A_2, %add3A_357 : i32
    %dma_start3A_359 = tpu.memref_slice %arg5[%add3A_358] : memref<40960xi32, #tpu.memory_space<hbm>> -> memref<80xi32, #tpu.memory_space<hbm>>
    %dma_start3A_360 = tpu.memref_slice %arg5[%add3A_358] : memref<40960xi32, #tpu.memory_space<hbm>> -> memref<80xi32, #tpu.memory_space<hbm>>
    tpu.enqueue_dma source(%dma_start3A_360 : memref<80xi32, #tpu.memory_space<hbm>>) target(%arg9 : memref<80xi32, #tpu.memory_space<vmem>>) target_semaphore(%arg13 : memref<!tpu.dma_semaphore, #tpu.memory_space<semaphore_mem>>)
    %dma_wait3A_361 = tpu.memref_slice %arg5[%add3A_354] : memref<40960xi32, #tpu.memory_space<hbm>> -> memref<80xi32, #tpu.memory_space<hbm>>
    %dma_wait3A_362 = tpu.memref_slice %arg5[%add3A_354] : memref<40960xi32, #tpu.memory_space<hbm>> -> memref<80xi32, #tpu.memory_space<hbm>>
    tpu.wait_dma2 semaphore(%arg12 : memref<!tpu.dma_semaphore, #tpu.memory_space<semaphore_mem>>) src(%dma_wait3A_362 : memref<80xi32, #tpu.memory_space<hbm>>) dst(%arg8 : memref<80xi32, #tpu.memory_space<vmem>>)
    %dma_start3A_363 = arith.constant 0 : i32
    %dma_start3A_364 = arith.constant 0 : i32
    %dma_start3A_365 = tpu.memref_slice %arg3[%dma_start3A_363, %dma_start3A_364] : memref<100000x128xf32, #tpu.memory_space<hbm>> -> memref<100000x128xf32, #tpu.memory_space<hbm>>
    tpu.enqueue_indirect_dma source(%dma_start3A_365 : memref<100000x128xf32, #tpu.memory_space<hbm>>) target(%arg10 : memref<80x128xf32, #tpu.memory_space<vmem>>) offsets(%arg8 : memref<80xi32, #tpu.memory_space<vmem>>) semaphore(%arg14 : memref<!tpu.dma_semaphore, #tpu.memory_space<semaphore_mem>>)
    %dma_wait3A_366 = tpu.memref_slice %arg5[%add3A_358] : memref<40960xi32, #tpu.memory_space<hbm>> -> memref<80xi32, #tpu.memory_space<hbm>>
    %dma_wait3A_367 = tpu.memref_slice %arg5[%add3A_358] : memref<40960xi32, #tpu.memory_space<hbm>> -> memref<80xi32, #tpu.memory_space<hbm>>
    tpu.wait_dma2 semaphore(%arg13 : memref<!tpu.dma_semaphore, #tpu.memory_space<semaphore_mem>>) src(%dma_wait3A_367 : memref<80xi32, #tpu.memory_space<hbm>>) dst(%arg9 : memref<80xi32, #tpu.memory_space<vmem>>)
    %dma_start3A_368 = arith.constant 0 : i32
    %dma_start3A_369 = arith.constant 0 : i32
    %dma_start3A_370 = tpu.memref_slice %arg3[%dma_start3A_368, %dma_start3A_369] : memref<100000x128xf32, #tpu.memory_space<hbm>> -> memref<100000x128xf32, #tpu.memory_space<hbm>>
    tpu.enqueue_indirect_dma source(%dma_start3A_370 : memref<100000x128xf32, #tpu.memory_space<hbm>>) target(%arg11 : memref<80x128xf32, #tpu.memory_space<vmem>>) offsets(%arg9 : memref<80xi32, #tpu.memory_space<vmem>>) semaphore(%arg15 : memref<!tpu.dma_semaphore, #tpu.memory_space<semaphore_mem>>)
    %dma_wait3A_371 = arith.constant 0 : i32
    %dma_wait3A_372 = arith.constant 0 : i32
    %dma_wait3A_373 = tpu.memref_slice %arg3[%dma_wait3A_371, %dma_wait3A_372] : memref<100000x128xf32, #tpu.memory_space<hbm>> -> memref<100000x128xf32, #tpu.memory_space<hbm>>
    tpu.wait_indirect_dma semaphore(%arg14 : memref<!tpu.dma_semaphore, #tpu.memory_space<semaphore_mem>>) src(%dma_wait3A_373 : memref<100000x128xf32, #tpu.memory_space<hbm>>) dst(%arg10 : memref<80x128xf32, #tpu.memory_space<vmem>>)
    %add3A_374 = arith.constant 0 : i32
    %add3A_375 = arith.addi %mul3A_2, %add3A_374 : i32
    %dma_start3A_376 = arith.constant 0 : i32
    %dma_start3A_377 = tpu.memref_slice %arg7[%add3A_375, %dma_start3A_376] : memref<40960x128xf32, #tpu.memory_space<hbm>> -> memref<80x128xf32, #tpu.memory_space<hbm>>
    %dma_start3A_378 = arith.constant 0 : i32
    %dma_start3A_379 = tpu.memref_slice %arg7[%add3A_375, %dma_start3A_378] : memref<40960x128xf32, #tpu.memory_space<hbm>> -> memref<80x128xf32, #tpu.memory_space<hbm>>
    tpu.enqueue_dma source(%arg10 : memref<80x128xf32, #tpu.memory_space<vmem>>) target(%dma_start3A_379 : memref<80x128xf32, #tpu.memory_space<hbm>>) target_semaphore(%arg16 : memref<!tpu.dma_semaphore, #tpu.memory_space<semaphore_mem>>)
    %add3A_380 = arith.constant 160 : i32
    %add3A_381 = arith.addi %mul3A_2, %add3A_380 : i32
    %dma_start3A_382 = tpu.memref_slice %arg5[%add3A_381] : memref<40960xi32, #tpu.memory_space<hbm>> -> memref<80xi32, #tpu.memory_space<hbm>>
    %dma_start3A_383 = tpu.memref_slice %arg5[%add3A_381] : memref<40960xi32, #tpu.memory_space<hbm>> -> memref<80xi32, #tpu.memory_space<hbm>>
    tpu.enqueue_dma source(%dma_start3A_383 : memref<80xi32, #tpu.memory_space<hbm>>) target(%arg8 : memref<80xi32, #tpu.memory_space<vmem>>) target_semaphore(%arg12 : memref<!tpu.dma_semaphore, #tpu.memory_space<semaphore_mem>>)
    %dma_wait3A_384 = arith.constant 0 : i32
    %dma_wait3A_385 = tpu.memref_slice %arg7[%add3A_375, %dma_wait3A_384] : memref<40960x128xf32, #tpu.memory_space<hbm>> -> memref<80x128xf32, #tpu.memory_space<hbm>>
    %dma_wait3A_386 = arith.constant 0 : i32
    %dma_wait3A_387 = tpu.memref_slice %arg7[%add3A_375, %dma_wait3A_386] : memref<40960x128xf32, #tpu.memory_space<hbm>> -> memref<80x128xf32, #tpu.memory_space<hbm>>
    tpu.wait_dma2 semaphore(%arg16 : memref<!tpu.dma_semaphore, #tpu.memory_space<semaphore_mem>>) src(%arg10 : memref<80x128xf32, #tpu.memory_space<vmem>>) dst(%dma_wait3A_387 : memref<80x128xf32, #tpu.memory_space<hbm>>)
    %dma_wait3A_388 = tpu.memref_slice %arg5[%add3A_381] : memref<40960xi32, #tpu.memory_space<hbm>> -> memref<80xi32, #tpu.memory_space<hbm>>
    %dma_wait3A_389 = tpu.memref_slice %arg5[%add3A_381] : memref<40960xi32, #tpu.memory_space<hbm>> -> memref<80xi32, #tpu.memory_space<hbm>>
    tpu.wait_dma2 semaphore(%arg12 : memref<!tpu.dma_semaphore, #tpu.memory_space<semaphore_mem>>) src(%dma_wait3A_389 : memref<80xi32, #tpu.memory_space<hbm>>) dst(%arg8 : memref<80xi32, #tpu.memory_space<vmem>>)
    %dma_start3A_390 = arith.constant 0 : i32
    %dma_start3A_391 = arith.constant 0 : i32
    %dma_start3A_392 = tpu.memref_slice %arg3[%dma_start3A_390, %dma_start3A_391] : memref<100000x128xf32, #tpu.memory_space<hbm>> -> memref<100000x128xf32, #tpu.memory_space<hbm>>
    tpu.enqueue_indirect_dma source(%dma_start3A_392 : memref<100000x128xf32, #tpu.memory_space<hbm>>) target(%arg10 : memref<80x128xf32, #tpu.memory_space<vmem>>) offsets(%arg8 : memref<80xi32, #tpu.memory_space<vmem>>) semaphore(%arg14 : memref<!tpu.dma_semaphore, #tpu.memory_space<semaphore_mem>>)
    %dma_wait3A_393 = arith.constant 0 : i32
    %dma_wait3A_394 = arith.constant 0 : i32
    %dma_wait3A_395 = tpu.memref_slice %arg3[%dma_wait3A_393, %dma_wait3A_394] : memref<100000x128xf32, #tpu.memory_space<hbm>> -> memref<100000x128xf32, #tpu.memory_space<hbm>>
    tpu.wait_indirect_dma semaphore(%arg15 : memref<!tpu.dma_semaphore, #tpu.memory_space<semaphore_mem>>) src(%dma_wait3A_395 : memref<100000x128xf32, #tpu.memory_space<hbm>>) dst(%arg11 : memref<80x128xf32, #tpu.memory_space<vmem>>)
    %add3A_396 = arith.constant 80 : i32
    %add3A_397 = arith.addi %mul3A_2, %add3A_396 : i32
    %dma_start3A_398 = arith.constant 0 : i32
    %dma_start3A_399 = tpu.memref_slice %arg7[%add3A_397, %dma_start3A_398] : memref<40960x128xf32, #tpu.memory_space<hbm>> -> memref<80x128xf32, #tpu.memory_space<hbm>>
    %dma_start3A_400 = arith.constant 0 : i32
    %dma_start3A_401 = tpu.memref_slice %arg7[%add3A_397, %dma_start3A_400] : memref<40960x128xf32, #tpu.memory_space<hbm>> -> memref<80x128xf32, #tpu.memory_space<hbm>>
    tpu.enqueue_dma source(%arg11 : memref<80x128xf32, #tpu.memory_space<vmem>>) target(%dma_start3A_401 : memref<80x128xf32, #tpu.memory_space<hbm>>) target_semaphore(%arg17 : memref<!tpu.dma_semaphore, #tpu.memory_space<semaphore_mem>>)
    %add3A_402 = arith.constant 240 : i32
    %add3A_403 = arith.addi %mul3A_2, %add3A_402 : i32
    %dma_start3A_404 = tpu.memref_slice %arg5[%add3A_403] : memref<40960xi32, #tpu.memory_space<hbm>> -> memref<80xi32, #tpu.memory_space<hbm>>
    %dma_start3A_405 = tpu.memref_slice %arg5[%add3A_403] : memref<40960xi32, #tpu.memory_space<hbm>> -> memref<80xi32, #tpu.memory_space<hbm>>
    tpu.enqueue_dma source(%dma_start3A_405 : memref<80xi32, #tpu.memory_space<hbm>>) target(%arg9 : memref<80xi32, #tpu.memory_space<vmem>>) target_semaphore(%arg13 : memref<!tpu.dma_semaphore, #tpu.memory_space<semaphore_mem>>)
    %dma_wait3A_406 = arith.constant 0 : i32
    %dma_wait3A_407 = tpu.memref_slice %arg7[%add3A_397, %dma_wait3A_406] : memref<40960x128xf32, #tpu.memory_space<hbm>> -> memref<80x128xf32, #tpu.memory_space<hbm>>
    %dma_wait3A_408 = arith.constant 0 : i32
    %dma_wait3A_409 = tpu.memref_slice %arg7[%add3A_397, %dma_wait3A_408] : memref<40960x128xf32, #tpu.memory_space<hbm>> -> memref<80x128xf32, #tpu.memory_space<hbm>>
    tpu.wait_dma2 semaphore(%arg17 : memref<!tpu.dma_semaphore, #tpu.memory_space<semaphore_mem>>) src(%arg11 : memref<80x128xf32, #tpu.memory_space<vmem>>) dst(%dma_wait3A_409 : memref<80x128xf32, #tpu.memory_space<hbm>>)
    %dma_wait3A_410 = tpu.memref_slice %arg5[%add3A_403] : memref<40960xi32, #tpu.memory_space<hbm>> -> memref<80xi32, #tpu.memory_space<hbm>>
    %dma_wait3A_411 = tpu.memref_slice %arg5[%add3A_403] : memref<40960xi32, #tpu.memory_space<hbm>> -> memref<80xi32, #tpu.memory_space<hbm>>
    tpu.wait_dma2 semaphore(%arg13 : memref<!tpu.dma_semaphore, #tpu.memory_space<semaphore_mem>>) src(%dma_wait3A_411 : memref<80xi32, #tpu.memory_space<hbm>>) dst(%arg9 : memref<80xi32, #tpu.memory_space<vmem>>)
    %dma_start3A_412 = arith.constant 0 : i32
    %dma_start3A_413 = arith.constant 0 : i32
    %dma_start3A_414 = tpu.memref_slice %arg3[%dma_start3A_412, %dma_start3A_413] : memref<100000x128xf32, #tpu.memory_space<hbm>> -> memref<100000x128xf32, #tpu.memory_space<hbm>>
    tpu.enqueue_indirect_dma source(%dma_start3A_414 : memref<100000x128xf32, #tpu.memory_space<hbm>>) target(%arg11 : memref<80x128xf32, #tpu.memory_space<vmem>>) offsets(%arg9 : memref<80xi32, #tpu.memory_space<vmem>>) semaphore(%arg15 : memref<!tpu.dma_semaphore, #tpu.memory_space<semaphore_mem>>)
    %dma_wait3A_415 = arith.constant 0 : i32
    %dma_wait3A_416 = arith.constant 0 : i32
    %dma_wait3A_417 = tpu.memref_slice %arg3[%dma_wait3A_415, %dma_wait3A_416] : memref<100000x128xf32, #tpu.memory_space<hbm>> -> memref<100000x128xf32, #tpu.memory_space<hbm>>
    tpu.wait_indirect_dma semaphore(%arg14 : memref<!tpu.dma_semaphore, #tpu.memory_space<semaphore_mem>>) src(%dma_wait3A_417 : memref<100000x128xf32, #tpu.memory_space<hbm>>) dst(%arg10 : memref<80x128xf32, #tpu.memory_space<vmem>>)
    %add3A_418 = arith.constant 160 : i32
    %add3A_419 = arith.addi %mul3A_2, %add3A_418 : i32
    %dma_start3A_420 = arith.constant 0 : i32
    %dma_start3A_421 = tpu.memref_slice %arg7[%add3A_419, %dma_start3A_420] : memref<40960x128xf32, #tpu.memory_space<hbm>> -> memref<80x128xf32, #tpu.memory_space<hbm>>
    %dma_start3A_422 = arith.constant 0 : i32
    %dma_start3A_423 = tpu.memref_slice %arg7[%add3A_419, %dma_start3A_422] : memref<40960x128xf32, #tpu.memory_space<hbm>> -> memref<80x128xf32, #tpu.memory_space<hbm>>
    tpu.enqueue_dma source(%arg10 : memref<80x128xf32, #tpu.memory_space<vmem>>) target(%dma_start3A_423 : memref<80x128xf32, #tpu.memory_space<hbm>>) target_semaphore(%arg16 : memref<!tpu.dma_semaphore, #tpu.memory_space<semaphore_mem>>)
    %add3A_424 = arith.constant 320 : i32
    %add3A_425 = arith.addi %mul3A_2, %add3A_424 : i32
    %dma_start3A_426 = tpu.memref_slice %arg5[%add3A_425] : memref<40960xi32, #tpu.memory_space<hbm>> -> memref<80xi32, #tpu.memory_space<hbm>>
    %dma_start3A_427 = tpu.memref_slice %arg5[%add3A_425] : memref<40960xi32, #tpu.memory_space<hbm>> -> memref<80xi32, #tpu.memory_space<hbm>>
    tpu.enqueue_dma source(%dma_start3A_427 : memref<80xi32, #tpu.memory_space<hbm>>) target(%arg8 : memref<80xi32, #tpu.memory_space<vmem>>) target_semaphore(%arg12 : memref<!tpu.dma_semaphore, #tpu.memory_space<semaphore_mem>>)
    %dma_wait3A_428 = arith.constant 0 : i32
    %dma_wait3A_429 = tpu.memref_slice %arg7[%add3A_419, %dma_wait3A_428] : memref<40960x128xf32, #tpu.memory_space<hbm>> -> memref<80x128xf32, #tpu.memory_space<hbm>>
    %dma_wait3A_430 = arith.constant 0 : i32
    %dma_wait3A_431 = tpu.memref_slice %arg7[%add3A_419, %dma_wait3A_430] : memref<40960x128xf32, #tpu.memory_space<hbm>> -> memref<80x128xf32, #tpu.memory_space<hbm>>
    tpu.wait_dma2 semaphore(%arg16 : memref<!tpu.dma_semaphore, #tpu.memory_space<semaphore_mem>>) src(%arg10 : memref<80x128xf32, #tpu.memory_space<vmem>>) dst(%dma_wait3A_431 : memref<80x128xf32, #tpu.memory_space<hbm>>)
    %dma_wait3A_432 = tpu.memref_slice %arg5[%add3A_425] : memref<40960xi32, #tpu.memory_space<hbm>> -> memref<80xi32, #tpu.memory_space<hbm>>
    %dma_wait3A_433 = tpu.memref_slice %arg5[%add3A_425] : memref<40960xi32, #tpu.memory_space<hbm>> -> memref<80xi32, #tpu.memory_space<hbm>>
    tpu.wait_dma2 semaphore(%arg12 : memref<!tpu.dma_semaphore, #tpu.memory_space<semaphore_mem>>) src(%dma_wait3A_433 : memref<80xi32, #tpu.memory_space<hbm>>) dst(%arg8 : memref<80xi32, #tpu.memory_space<vmem>>)
    %dma_start3A_434 = arith.constant 0 : i32
    %dma_start3A_435 = arith.constant 0 : i32
    %dma_start3A_436 = tpu.memref_slice %arg3[%dma_start3A_434, %dma_start3A_435] : memref<100000x128xf32, #tpu.memory_space<hbm>> -> memref<100000x128xf32, #tpu.memory_space<hbm>>
    tpu.enqueue_indirect_dma source(%dma_start3A_436 : memref<100000x128xf32, #tpu.memory_space<hbm>>) target(%arg10 : memref<80x128xf32, #tpu.memory_space<vmem>>) offsets(%arg8 : memref<80xi32, #tpu.memory_space<vmem>>) semaphore(%arg14 : memref<!tpu.dma_semaphore, #tpu.memory_space<semaphore_mem>>)
    %dma_wait3A_437 = arith.constant 0 : i32
    %dma_wait3A_438 = arith.constant 0 : i32
    %dma_wait3A_439 = tpu.memref_slice %arg3[%dma_wait3A_437, %dma_wait3A_438] : memref<100000x128xf32, #tpu.memory_space<hbm>> -> memref<100000x128xf32, #tpu.memory_space<hbm>>
    tpu.wait_indirect_dma semaphore(%arg15 : memref<!tpu.dma_semaphore, #tpu.memory_space<semaphore_mem>>) src(%dma_wait3A_439 : memref<100000x128xf32, #tpu.memory_space<hbm>>) dst(%arg11 : memref<80x128xf32, #tpu.memory_space<vmem>>)
    %add3A_440 = arith.constant 240 : i32
    %add3A_441 = arith.addi %mul3A_2, %add3A_440 : i32
    %dma_start3A_442 = arith.constant 0 : i32
    %dma_start3A_443 = tpu.memref_slice %arg7[%add3A_441, %dma_start3A_442] : memref<40960x128xf32, #tpu.memory_space<hbm>> -> memref<80x128xf32, #tpu.memory_space<hbm>>
    %dma_start3A_444 = arith.constant 0 : i32
    %dma_start3A_445 = tpu.memref_slice %arg7[%add3A_441, %dma_start3A_444] : memref<40960x128xf32, #tpu.memory_space<hbm>> -> memref<80x128xf32, #tpu.memory_space<hbm>>
    tpu.enqueue_dma source(%arg11 : memref<80x128xf32, #tpu.memory_space<vmem>>) target(%dma_start3A_445 : memref<80x128xf32, #tpu.memory_space<hbm>>) target_semaphore(%arg17 : memref<!tpu.dma_semaphore, #tpu.memory_space<semaphore_mem>>)
    %add3A_446 = arith.constant 400 : i32
    %add3A_447 = arith.addi %mul3A_2, %add3A_446 : i32
    %dma_start3A_448 = tpu.memref_slice %arg5[%add3A_447] : memref<40960xi32, #tpu.memory_space<hbm>> -> memref<80xi32, #tpu.memory_space<hbm>>
    %dma_start3A_449 = tpu.memref_slice %arg5[%add3A_447] : memref<40960xi32, #tpu.memory_space<hbm>> -> memref<80xi32, #tpu.memory_space<hbm>>
    tpu.enqueue_dma source(%dma_start3A_449 : memref<80xi32, #tpu.memory_space<hbm>>) target(%arg9 : memref<80xi32, #tpu.memory_space<vmem>>) target_semaphore(%arg13 : memref<!tpu.dma_semaphore, #tpu.memory_space<semaphore_mem>>)
    %dma_wait3A_450 = arith.constant 0 : i32
    %dma_wait3A_451 = tpu.memref_slice %arg7[%add3A_441, %dma_wait3A_450] : memref<40960x128xf32, #tpu.memory_space<hbm>> -> memref<80x128xf32, #tpu.memory_space<hbm>>
    %dma_wait3A_452 = arith.constant 0 : i32
    %dma_wait3A_453 = tpu.memref_slice %arg7[%add3A_441, %dma_wait3A_452] : memref<40960x128xf32, #tpu.memory_space<hbm>> -> memref<80x128xf32, #tpu.memory_space<hbm>>
    tpu.wait_dma2 semaphore(%arg17 : memref<!tpu.dma_semaphore, #tpu.memory_space<semaphore_mem>>) src(%arg11 : memref<80x128xf32, #tpu.memory_space<vmem>>) dst(%dma_wait3A_453 : memref<80x128xf32, #tpu.memory_space<hbm>>)
    %dma_wait3A_454 = tpu.memref_slice %arg5[%add3A_447] : memref<40960xi32, #tpu.memory_space<hbm>> -> memref<80xi32, #tpu.memory_space<hbm>>
    %dma_wait3A_455 = tpu.memref_slice %arg5[%add3A_447] : memref<40960xi32, #tpu.memory_space<hbm>> -> memref<80xi32, #tpu.memory_space<hbm>>
    tpu.wait_dma2 semaphore(%arg13 : memref<!tpu.dma_semaphore, #tpu.memory_space<semaphore_mem>>) src(%dma_wait3A_455 : memref<80xi32, #tpu.memory_space<hbm>>) dst(%arg9 : memref<80xi32, #tpu.memory_space<vmem>>)
    %dma_start3A_456 = arith.constant 0 : i32
    %dma_start3A_457 = arith.constant 0 : i32
    %dma_start3A_458 = tpu.memref_slice %arg3[%dma_start3A_456, %dma_start3A_457] : memref<100000x128xf32, #tpu.memory_space<hbm>> -> memref<100000x128xf32, #tpu.memory_space<hbm>>
    tpu.enqueue_indirect_dma source(%dma_start3A_458 : memref<100000x128xf32, #tpu.memory_space<hbm>>) target(%arg11 : memref<80x128xf32, #tpu.memory_space<vmem>>) offsets(%arg9 : memref<80xi32, #tpu.memory_space<vmem>>) semaphore(%arg15 : memref<!tpu.dma_semaphore, #tpu.memory_space<semaphore_mem>>)
    %dma_wait3A_459 = arith.constant 0 : i32
    %dma_wait3A_460 = arith.constant 0 : i32
    %dma_wait3A_461 = tpu.memref_slice %arg3[%dma_wait3A_459, %dma_wait3A_460] : memref<100000x128xf32, #tpu.memory_space<hbm>> -> memref<100000x128xf32, #tpu.memory_space<hbm>>
    tpu.wait_indirect_dma semaphore(%arg14 : memref<!tpu.dma_semaphore, #tpu.memory_space<semaphore_mem>>) src(%dma_wait3A_461 : memref<100000x128xf32, #tpu.memory_space<hbm>>) dst(%arg10 : memref<80x128xf32, #tpu.memory_space<vmem>>)
    %add3A_462 = arith.constant 320 : i32
    %add3A_463 = arith.addi %mul3A_2, %add3A_462 : i32
    %dma_start3A_464 = arith.constant 0 : i32
    %dma_start3A_465 = tpu.memref_slice %arg7[%add3A_463, %dma_start3A_464] : memref<40960x128xf32, #tpu.memory_space<hbm>> -> memref<80x128xf32, #tpu.memory_space<hbm>>
    %dma_start3A_466 = arith.constant 0 : i32
    %dma_start3A_467 = tpu.memref_slice %arg7[%add3A_463, %dma_start3A_466] : memref<40960x128xf32, #tpu.memory_space<hbm>> -> memref<80x128xf32, #tpu.memory_space<hbm>>
    tpu.enqueue_dma source(%arg10 : memref<80x128xf32, #tpu.memory_space<vmem>>) target(%dma_start3A_467 : memref<80x128xf32, #tpu.memory_space<hbm>>) target_semaphore(%arg16 : memref<!tpu.dma_semaphore, #tpu.memory_space<semaphore_mem>>)
    %add3A_468 = arith.constant 480 : i32
    %add3A_469 = arith.addi %mul3A_2, %add3A_468 : i32
    %dma_start3A_470 = tpu.memref_slice %arg5[%add3A_469] : memref<40960xi32, #tpu.memory_space<hbm>> -> memref<80xi32, #tpu.memory_space<hbm>>
    %dma_start3A_471 = tpu.memref_slice %arg5[%add3A_469] : memref<40960xi32, #tpu.memory_space<hbm>> -> memref<80xi32, #tpu.memory_space<hbm>>
    tpu.enqueue_dma source(%dma_start3A_471 : memref<80xi32, #tpu.memory_space<hbm>>) target(%arg8 : memref<80xi32, #tpu.memory_space<vmem>>) target_semaphore(%arg12 : memref<!tpu.dma_semaphore, #tpu.memory_space<semaphore_mem>>)
    %dma_wait3A_472 = arith.constant 0 : i32
    %dma_wait3A_473 = tpu.memref_slice %arg7[%add3A_463, %dma_wait3A_472] : memref<40960x128xf32, #tpu.memory_space<hbm>> -> memref<80x128xf32, #tpu.memory_space<hbm>>
    %dma_wait3A_474 = arith.constant 0 : i32
    %dma_wait3A_475 = tpu.memref_slice %arg7[%add3A_463, %dma_wait3A_474] : memref<40960x128xf32, #tpu.memory_space<hbm>> -> memref<80x128xf32, #tpu.memory_space<hbm>>
    tpu.wait_dma2 semaphore(%arg16 : memref<!tpu.dma_semaphore, #tpu.memory_space<semaphore_mem>>) src(%arg10 : memref<80x128xf32, #tpu.memory_space<vmem>>) dst(%dma_wait3A_475 : memref<80x128xf32, #tpu.memory_space<hbm>>)
    %dma_wait3A_476 = tpu.memref_slice %arg5[%add3A_469] : memref<40960xi32, #tpu.memory_space<hbm>> -> memref<80xi32, #tpu.memory_space<hbm>>
    %dma_wait3A_477 = tpu.memref_slice %arg5[%add3A_469] : memref<40960xi32, #tpu.memory_space<hbm>> -> memref<80xi32, #tpu.memory_space<hbm>>
    tpu.wait_dma2 semaphore(%arg12 : memref<!tpu.dma_semaphore, #tpu.memory_space<semaphore_mem>>) src(%dma_wait3A_477 : memref<80xi32, #tpu.memory_space<hbm>>) dst(%arg8 : memref<80xi32, #tpu.memory_space<vmem>>)
    %dma_start3A_478 = arith.constant 0 : i32
    %dma_start3A_479 = arith.constant 0 : i32
    %dma_start3A_480 = tpu.memref_slice %arg3[%dma_start3A_478, %dma_start3A_479] : memref<100000x128xf32, #tpu.memory_space<hbm>> -> memref<100000x128xf32, #tpu.memory_space<hbm>>
    tpu.enqueue_indirect_dma source(%dma_start3A_480 : memref<100000x128xf32, #tpu.memory_space<hbm>>) target(%arg10 : memref<80x128xf32, #tpu.memory_space<vmem>>) offsets(%arg8 : memref<80xi32, #tpu.memory_space<vmem>>) semaphore(%arg14 : memref<!tpu.dma_semaphore, #tpu.memory_space<semaphore_mem>>)
    %dma_wait3A_481 = arith.constant 0 : i32
    %dma_wait3A_482 = arith.constant 0 : i32
    %dma_wait3A_483 = tpu.memref_slice %arg3[%dma_wait3A_481, %dma_wait3A_482] : memref<100000x128xf32, #tpu.memory_space<hbm>> -> memref<100000x128xf32, #tpu.memory_space<hbm>>
    tpu.wait_indirect_dma semaphore(%arg15 : memref<!tpu.dma_semaphore, #tpu.memory_space<semaphore_mem>>) src(%dma_wait3A_483 : memref<100000x128xf32, #tpu.memory_space<hbm>>) dst(%arg11 : memref<80x128xf32, #tpu.memory_space<vmem>>)
    %add3A_484 = arith.constant 400 : i32
    %add3A_485 = arith.addi %mul3A_2, %add3A_484 : i32
    %dma_start3A_486 = arith.constant 0 : i32
    %dma_start3A_487 = tpu.memref_slice %arg7[%add3A_485, %dma_start3A_486] : memref<40960x128xf32, #tpu.memory_space<hbm>> -> memref<80x128xf32, #tpu.memory_space<hbm>>
    %dma_start3A_488 = arith.constant 0 : i32
    %dma_start3A_489 = tpu.memref_slice %arg7[%add3A_485, %dma_start3A_488] : memref<40960x128xf32, #tpu.memory_space<hbm>> -> memref<80x128xf32, #tpu.memory_space<hbm>>
    tpu.enqueue_dma source(%arg11 : memref<80x128xf32, #tpu.memory_space<vmem>>) target(%dma_start3A_489 : memref<80x128xf32, #tpu.memory_space<hbm>>) target_semaphore(%arg17 : memref<!tpu.dma_semaphore, #tpu.memory_space<semaphore_mem>>)
    %add3A_490 = arith.constant 560 : i32
    %add3A_491 = arith.addi %mul3A_2, %add3A_490 : i32
    %dma_start3A_492 = tpu.memref_slice %arg5[%add3A_491] : memref<40960xi32, #tpu.memory_space<hbm>> -> memref<80xi32, #tpu.memory_space<hbm>>
    %dma_start3A_493 = tpu.memref_slice %arg5[%add3A_491] : memref<40960xi32, #tpu.memory_space<hbm>> -> memref<80xi32, #tpu.memory_space<hbm>>
    tpu.enqueue_dma source(%dma_start3A_493 : memref<80xi32, #tpu.memory_space<hbm>>) target(%arg9 : memref<80xi32, #tpu.memory_space<vmem>>) target_semaphore(%arg13 : memref<!tpu.dma_semaphore, #tpu.memory_space<semaphore_mem>>)
    %dma_wait3A_494 = arith.constant 0 : i32
    %dma_wait3A_495 = tpu.memref_slice %arg7[%add3A_485, %dma_wait3A_494] : memref<40960x128xf32, #tpu.memory_space<hbm>> -> memref<80x128xf32, #tpu.memory_space<hbm>>
    %dma_wait3A_496 = arith.constant 0 : i32
    %dma_wait3A_497 = tpu.memref_slice %arg7[%add3A_485, %dma_wait3A_496] : memref<40960x128xf32, #tpu.memory_space<hbm>> -> memref<80x128xf32, #tpu.memory_space<hbm>>
    tpu.wait_dma2 semaphore(%arg17 : memref<!tpu.dma_semaphore, #tpu.memory_space<semaphore_mem>>) src(%arg11 : memref<80x128xf32, #tpu.memory_space<vmem>>) dst(%dma_wait3A_497 : memref<80x128xf32, #tpu.memory_space<hbm>>)
    %dma_wait3A_498 = tpu.memref_slice %arg5[%add3A_491] : memref<40960xi32, #tpu.memory_space<hbm>> -> memref<80xi32, #tpu.memory_space<hbm>>
    %dma_wait3A_499 = tpu.memref_slice %arg5[%add3A_491] : memref<40960xi32, #tpu.memory_space<hbm>> -> memref<80xi32, #tpu.memory_space<hbm>>
    tpu.wait_dma2 semaphore(%arg13 : memref<!tpu.dma_semaphore, #tpu.memory_space<semaphore_mem>>) src(%dma_wait3A_499 : memref<80xi32, #tpu.memory_space<hbm>>) dst(%arg9 : memref<80xi32, #tpu.memory_space<vmem>>)
    %dma_start3A_500 = arith.constant 0 : i32
    %dma_start3A_501 = arith.constant 0 : i32
    %dma_start3A_502 = tpu.memref_slice %arg3[%dma_start3A_500, %dma_start3A_501] : memref<100000x128xf32, #tpu.memory_space<hbm>> -> memref<100000x128xf32, #tpu.memory_space<hbm>>
    tpu.enqueue_indirect_dma source(%dma_start3A_502 : memref<100000x128xf32, #tpu.memory_space<hbm>>) target(%arg11 : memref<80x128xf32, #tpu.memory_space<vmem>>) offsets(%arg9 : memref<80xi32, #tpu.memory_space<vmem>>) semaphore(%arg15 : memref<!tpu.dma_semaphore, #tpu.memory_space<semaphore_mem>>)
    %dma_wait3A_503 = arith.constant 0 : i32
    %dma_wait3A_504 = arith.constant 0 : i32
    %dma_wait3A_505 = tpu.memref_slice %arg3[%dma_wait3A_503, %dma_wait3A_504] : memref<100000x128xf32, #tpu.memory_space<hbm>> -> memref<100000x128xf32, #tpu.memory_space<hbm>>
    tpu.wait_indirect_dma semaphore(%arg14 : memref<!tpu.dma_semaphore, #tpu.memory_space<semaphore_mem>>) src(%dma_wait3A_505 : memref<100000x128xf32, #tpu.memory_space<hbm>>) dst(%arg10 : memref<80x128xf32, #tpu.memory_space<vmem>>)
    %add3A_506 = arith.constant 480 : i32
    %add3A_507 = arith.addi %mul3A_2, %add3A_506 : i32
    %dma_start3A_508 = arith.constant 0 : i32
    %dma_start3A_509 = tpu.memref_slice %arg7[%add3A_507, %dma_start3A_508] : memref<40960x128xf32, #tpu.memory_space<hbm>> -> memref<80x128xf32, #tpu.memory_space<hbm>>
    %dma_start3A_510 = arith.constant 0 : i32
    %dma_start3A_511 = tpu.memref_slice %arg7[%add3A_507, %dma_start3A_510] : memref<40960x128xf32, #tpu.memory_space<hbm>> -> memref<80x128xf32, #tpu.memory_space<hbm>>
    tpu.enqueue_dma source(%arg10 : memref<80x128xf32, #tpu.memory_space<vmem>>) target(%dma_start3A_511 : memref<80x128xf32, #tpu.memory_space<hbm>>) target_semaphore(%arg16 : memref<!tpu.dma_semaphore, #tpu.memory_space<semaphore_mem>>)
    %add3A_512 = arith.constant 640 : i32
    %add3A_513 = arith.addi %mul3A_2, %add3A_512 : i32
    %dma_start3A_514 = tpu.memref_slice %arg5[%add3A_513] : memref<40960xi32, #tpu.memory_space<hbm>> -> memref<80xi32, #tpu.memory_space<hbm>>
    %dma_start3A_515 = tpu.memref_slice %arg5[%add3A_513] : memref<40960xi32, #tpu.memory_space<hbm>> -> memref<80xi32, #tpu.memory_space<hbm>>
    tpu.enqueue_dma source(%dma_start3A_515 : memref<80xi32, #tpu.memory_space<hbm>>) target(%arg8 : memref<80xi32, #tpu.memory_space<vmem>>) target_semaphore(%arg12 : memref<!tpu.dma_semaphore, #tpu.memory_space<semaphore_mem>>)
    %dma_wait3A_516 = arith.constant 0 : i32
    %dma_wait3A_517 = tpu.memref_slice %arg7[%add3A_507, %dma_wait3A_516] : memref<40960x128xf32, #tpu.memory_space<hbm>> -> memref<80x128xf32, #tpu.memory_space<hbm>>
    %dma_wait3A_518 = arith.constant 0 : i32
    %dma_wait3A_519 = tpu.memref_slice %arg7[%add3A_507, %dma_wait3A_518] : memref<40960x128xf32, #tpu.memory_space<hbm>> -> memref<80x128xf32, #tpu.memory_space<hbm>>
    tpu.wait_dma2 semaphore(%arg16 : memref<!tpu.dma_semaphore, #tpu.memory_space<semaphore_mem>>) src(%arg10 : memref<80x128xf32, #tpu.memory_space<vmem>>) dst(%dma_wait3A_519 : memref<80x128xf32, #tpu.memory_space<hbm>>)
    %dma_wait3A_520 = tpu.memref_slice %arg5[%add3A_513] : memref<40960xi32, #tpu.memory_space<hbm>> -> memref<80xi32, #tpu.memory_space<hbm>>
    %dma_wait3A_521 = tpu.memref_slice %arg5[%add3A_513] : memref<40960xi32, #tpu.memory_space<hbm>> -> memref<80xi32, #tpu.memory_space<hbm>>
    tpu.wait_dma2 semaphore(%arg12 : memref<!tpu.dma_semaphore, #tpu.memory_space<semaphore_mem>>) src(%dma_wait3A_521 : memref<80xi32, #tpu.memory_space<hbm>>) dst(%arg8 : memref<80xi32, #tpu.memory_space<vmem>>)
    %dma_start3A_522 = arith.constant 0 : i32
    %dma_start3A_523 = arith.constant 0 : i32
    %dma_start3A_524 = tpu.memref_slice %arg3[%dma_start3A_522, %dma_start3A_523] : memref<100000x128xf32, #tpu.memory_space<hbm>> -> memref<100000x128xf32, #tpu.memory_space<hbm>>
    tpu.enqueue_indirect_dma source(%dma_start3A_524 : memref<100000x128xf32, #tpu.memory_space<hbm>>) target(%arg10 : memref<80x128xf32, #tpu.memory_space<vmem>>) offsets(%arg8 : memref<80xi32, #tpu.memory_space<vmem>>) semaphore(%arg14 : memref<!tpu.dma_semaphore, #tpu.memory_space<semaphore_mem>>)
    %dma_wait3A_525 = arith.constant 0 : i32
    %dma_wait3A_526 = arith.constant 0 : i32
    %dma_wait3A_527 = tpu.memref_slice %arg3[%dma_wait3A_525, %dma_wait3A_526] : memref<100000x128xf32, #tpu.memory_space<hbm>> -> memref<100000x128xf32, #tpu.memory_space<hbm>>
    tpu.wait_indirect_dma semaphore(%arg15 : memref<!tpu.dma_semaphore, #tpu.memory_space<semaphore_mem>>) src(%dma_wait3A_527 : memref<100000x128xf32, #tpu.memory_space<hbm>>) dst(%arg11 : memref<80x128xf32, #tpu.memory_space<vmem>>)
    %add3A_528 = arith.constant 560 : i32
    %add3A_529 = arith.addi %mul3A_2, %add3A_528 : i32
    %dma_start3A_530 = arith.constant 0 : i32
    %dma_start3A_531 = tpu.memref_slice %arg7[%add3A_529, %dma_start3A_530] : memref<40960x128xf32, #tpu.memory_space<hbm>> -> memref<80x128xf32, #tpu.memory_space<hbm>>
    %dma_start3A_532 = arith.constant 0 : i32
    %dma_start3A_533 = tpu.memref_slice %arg7[%add3A_529, %dma_start3A_532] : memref<40960x128xf32, #tpu.memory_space<hbm>> -> memref<80x128xf32, #tpu.memory_space<hbm>>
    tpu.enqueue_dma source(%arg11 : memref<80x128xf32, #tpu.memory_space<vmem>>) target(%dma_start3A_533 : memref<80x128xf32, #tpu.memory_space<hbm>>) target_semaphore(%arg17 : memref<!tpu.dma_semaphore, #tpu.memory_space<semaphore_mem>>)
    %add3A_534 = arith.constant 720 : i32
    %add3A_535 = arith.addi %mul3A_2, %add3A_534 : i32
    %dma_start3A_536 = tpu.memref_slice %arg5[%add3A_535] : memref<40960xi32, #tpu.memory_space<hbm>> -> memref<80xi32, #tpu.memory_space<hbm>>
    %dma_start3A_537 = tpu.memref_slice %arg5[%add3A_535] : memref<40960xi32, #tpu.memory_space<hbm>> -> memref<80xi32, #tpu.memory_space<hbm>>
    tpu.enqueue_dma source(%dma_start3A_537 : memref<80xi32, #tpu.memory_space<hbm>>) target(%arg9 : memref<80xi32, #tpu.memory_space<vmem>>) target_semaphore(%arg13 : memref<!tpu.dma_semaphore, #tpu.memory_space<semaphore_mem>>)
    %dma_wait3A_538 = arith.constant 0 : i32
    %dma_wait3A_539 = tpu.memref_slice %arg7[%add3A_529, %dma_wait3A_538] : memref<40960x128xf32, #tpu.memory_space<hbm>> -> memref<80x128xf32, #tpu.memory_space<hbm>>
    %dma_wait3A_540 = arith.constant 0 : i32
    %dma_wait3A_541 = tpu.memref_slice %arg7[%add3A_529, %dma_wait3A_540] : memref<40960x128xf32, #tpu.memory_space<hbm>> -> memref<80x128xf32, #tpu.memory_space<hbm>>
    tpu.wait_dma2 semaphore(%arg17 : memref<!tpu.dma_semaphore, #tpu.memory_space<semaphore_mem>>) src(%arg11 : memref<80x128xf32, #tpu.memory_space<vmem>>) dst(%dma_wait3A_541 : memref<80x128xf32, #tpu.memory_space<hbm>>)
    %dma_wait3A_542 = tpu.memref_slice %arg5[%add3A_535] : memref<40960xi32, #tpu.memory_space<hbm>> -> memref<80xi32, #tpu.memory_space<hbm>>
    %dma_wait3A_543 = tpu.memref_slice %arg5[%add3A_535] : memref<40960xi32, #tpu.memory_space<hbm>> -> memref<80xi32, #tpu.memory_space<hbm>>
    tpu.wait_dma2 semaphore(%arg13 : memref<!tpu.dma_semaphore, #tpu.memory_space<semaphore_mem>>) src(%dma_wait3A_543 : memref<80xi32, #tpu.memory_space<hbm>>) dst(%arg9 : memref<80xi32, #tpu.memory_space<vmem>>)
    %dma_start3A_544 = arith.constant 0 : i32
    %dma_start3A_545 = arith.constant 0 : i32
    %dma_start3A_546 = tpu.memref_slice %arg3[%dma_start3A_544, %dma_start3A_545] : memref<100000x128xf32, #tpu.memory_space<hbm>> -> memref<100000x128xf32, #tpu.memory_space<hbm>>
    tpu.enqueue_indirect_dma source(%dma_start3A_546 : memref<100000x128xf32, #tpu.memory_space<hbm>>) target(%arg11 : memref<80x128xf32, #tpu.memory_space<vmem>>) offsets(%arg9 : memref<80xi32, #tpu.memory_space<vmem>>) semaphore(%arg15 : memref<!tpu.dma_semaphore, #tpu.memory_space<semaphore_mem>>)
    %dma_wait3A_547 = arith.constant 0 : i32
    %dma_wait3A_548 = arith.constant 0 : i32
    %dma_wait3A_549 = tpu.memref_slice %arg3[%dma_wait3A_547, %dma_wait3A_548] : memref<100000x128xf32, #tpu.memory_space<hbm>> -> memref<100000x128xf32, #tpu.memory_space<hbm>>
    tpu.wait_indirect_dma semaphore(%arg14 : memref<!tpu.dma_semaphore, #tpu.memory_space<semaphore_mem>>) src(%dma_wait3A_549 : memref<100000x128xf32, #tpu.memory_space<hbm>>) dst(%arg10 : memref<80x128xf32, #tpu.memory_space<vmem>>)
    %add3A_550 = arith.constant 640 : i32
    %add3A_551 = arith.addi %mul3A_2, %add3A_550 : i32
    %dma_start3A_552 = arith.constant 0 : i32
    %dma_start3A_553 = tpu.memref_slice %arg7[%add3A_551, %dma_start3A_552] : memref<40960x128xf32, #tpu.memory_space<hbm>> -> memref<80x128xf32, #tpu.memory_space<hbm>>
    %dma_start3A_554 = arith.constant 0 : i32
    %dma_start3A_555 = tpu.memref_slice %arg7[%add3A_551, %dma_start3A_554] : memref<40960x128xf32, #tpu.memory_space<hbm>> -> memref<80x128xf32, #tpu.memory_space<hbm>>
    tpu.enqueue_dma source(%arg10 : memref<80x128xf32, #tpu.memory_space<vmem>>) target(%dma_start3A_555 : memref<80x128xf32, #tpu.memory_space<hbm>>) target_semaphore(%arg16 : memref<!tpu.dma_semaphore, #tpu.memory_space<semaphore_mem>>)
    %add3A_556 = arith.constant 800 : i32
    %add3A_557 = arith.addi %mul3A_2, %add3A_556 : i32
    %dma_start3A_558 = tpu.memref_slice %arg5[%add3A_557] : memref<40960xi32, #tpu.memory_space<hbm>> -> memref<80xi32, #tpu.memory_space<hbm>>
    %dma_start3A_559 = tpu.memref_slice %arg5[%add3A_557] : memref<40960xi32, #tpu.memory_space<hbm>> -> memref<80xi32, #tpu.memory_space<hbm>>
    tpu.enqueue_dma source(%dma_start3A_559 : memref<80xi32, #tpu.memory_space<hbm>>) target(%arg8 : memref<80xi32, #tpu.memory_space<vmem>>) target_semaphore(%arg12 : memref<!tpu.dma_semaphore, #tpu.memory_space<semaphore_mem>>)
    %dma_wait3A_560 = arith.constant 0 : i32
    %dma_wait3A_561 = tpu.memref_slice %arg7[%add3A_551, %dma_wait3A_560] : memref<40960x128xf32, #tpu.memory_space<hbm>> -> memref<80x128xf32, #tpu.memory_space<hbm>>
    %dma_wait3A_562 = arith.constant 0 : i32
    %dma_wait3A_563 = tpu.memref_slice %arg7[%add3A_551, %dma_wait3A_562] : memref<40960x128xf32, #tpu.memory_space<hbm>> -> memref<80x128xf32, #tpu.memory_space<hbm>>
    tpu.wait_dma2 semaphore(%arg16 : memref<!tpu.dma_semaphore, #tpu.memory_space<semaphore_mem>>) src(%arg10 : memref<80x128xf32, #tpu.memory_space<vmem>>) dst(%dma_wait3A_563 : memref<80x128xf32, #tpu.memory_space<hbm>>)
    %dma_wait3A_564 = tpu.memref_slice %arg5[%add3A_557] : memref<40960xi32, #tpu.memory_space<hbm>> -> memref<80xi32, #tpu.memory_space<hbm>>
    %dma_wait3A_565 = tpu.memref_slice %arg5[%add3A_557] : memref<40960xi32, #tpu.memory_space<hbm>> -> memref<80xi32, #tpu.memory_space<hbm>>
    tpu.wait_dma2 semaphore(%arg12 : memref<!tpu.dma_semaphore, #tpu.memory_space<semaphore_mem>>) src(%dma_wait3A_565 : memref<80xi32, #tpu.memory_space<hbm>>) dst(%arg8 : memref<80xi32, #tpu.memory_space<vmem>>)
    %dma_start3A_566 = arith.constant 0 : i32
    %dma_start3A_567 = arith.constant 0 : i32
    %dma_start3A_568 = tpu.memref_slice %arg3[%dma_start3A_566, %dma_start3A_567] : memref<100000x128xf32, #tpu.memory_space<hbm>> -> memref<100000x128xf32, #tpu.memory_space<hbm>>
    tpu.enqueue_indirect_dma source(%dma_start3A_568 : memref<100000x128xf32, #tpu.memory_space<hbm>>) target(%arg10 : memref<80x128xf32, #tpu.memory_space<vmem>>) offsets(%arg8 : memref<80xi32, #tpu.memory_space<vmem>>) semaphore(%arg14 : memref<!tpu.dma_semaphore, #tpu.memory_space<semaphore_mem>>)
    %dma_wait3A_569 = arith.constant 0 : i32
    %dma_wait3A_570 = arith.constant 0 : i32
    %dma_wait3A_571 = tpu.memref_slice %arg3[%dma_wait3A_569, %dma_wait3A_570] : memref<100000x128xf32, #tpu.memory_space<hbm>> -> memref<100000x128xf32, #tpu.memory_space<hbm>>
    tpu.wait_indirect_dma semaphore(%arg15 : memref<!tpu.dma_semaphore, #tpu.memory_space<semaphore_mem>>) src(%dma_wait3A_571 : memref<100000x128xf32, #tpu.memory_space<hbm>>) dst(%arg11 : memref<80x128xf32, #tpu.memory_space<vmem>>)
    %add3A_572 = arith.constant 720 : i32
    %add3A_573 = arith.addi %mul3A_2, %add3A_572 : i32
    %dma_start3A_574 = arith.constant 0 : i32
    %dma_start3A_575 = tpu.memref_slice %arg7[%add3A_573, %dma_start3A_574] : memref<40960x128xf32, #tpu.memory_space<hbm>> -> memref<80x128xf32, #tpu.memory_space<hbm>>
    %dma_start3A_576 = arith.constant 0 : i32
    %dma_start3A_577 = tpu.memref_slice %arg7[%add3A_573, %dma_start3A_576] : memref<40960x128xf32, #tpu.memory_space<hbm>> -> memref<80x128xf32, #tpu.memory_space<hbm>>
    tpu.enqueue_dma source(%arg11 : memref<80x128xf32, #tpu.memory_space<vmem>>) target(%dma_start3A_577 : memref<80x128xf32, #tpu.memory_space<hbm>>) target_semaphore(%arg17 : memref<!tpu.dma_semaphore, #tpu.memory_space<semaphore_mem>>)
    %add3A_578 = arith.constant 880 : i32
    %add3A_579 = arith.addi %mul3A_2, %add3A_578 : i32
    %dma_start3A_580 = tpu.memref_slice %arg5[%add3A_579] : memref<40960xi32, #tpu.memory_space<hbm>> -> memref<80xi32, #tpu.memory_space<hbm>>
    %dma_start3A_581 = tpu.memref_slice %arg5[%add3A_579] : memref<40960xi32, #tpu.memory_space<hbm>> -> memref<80xi32, #tpu.memory_space<hbm>>
    tpu.enqueue_dma source(%dma_start3A_581 : memref<80xi32, #tpu.memory_space<hbm>>) target(%arg9 : memref<80xi32, #tpu.memory_space<vmem>>) target_semaphore(%arg13 : memref<!tpu.dma_semaphore, #tpu.memory_space<semaphore_mem>>)
    %dma_wait3A_582 = arith.constant 0 : i32
    %dma_wait3A_583 = tpu.memref_slice %arg7[%add3A_573, %dma_wait3A_582] : memref<40960x128xf32, #tpu.memory_space<hbm>> -> memref<80x128xf32, #tpu.memory_space<hbm>>
    %dma_wait3A_584 = arith.constant 0 : i32
    %dma_wait3A_585 = tpu.memref_slice %arg7[%add3A_573, %dma_wait3A_584] : memref<40960x128xf32, #tpu.memory_space<hbm>> -> memref<80x128xf32, #tpu.memory_space<hbm>>
    tpu.wait_dma2 semaphore(%arg17 : memref<!tpu.dma_semaphore, #tpu.memory_space<semaphore_mem>>) src(%arg11 : memref<80x128xf32, #tpu.memory_space<vmem>>) dst(%dma_wait3A_585 : memref<80x128xf32, #tpu.memory_space<hbm>>)
    %dma_wait3A_586 = tpu.memref_slice %arg5[%add3A_579] : memref<40960xi32, #tpu.memory_space<hbm>> -> memref<80xi32, #tpu.memory_space<hbm>>
    %dma_wait3A_587 = tpu.memref_slice %arg5[%add3A_579] : memref<40960xi32, #tpu.memory_space<hbm>> -> memref<80xi32, #tpu.memory_space<hbm>>
    tpu.wait_dma2 semaphore(%arg13 : memref<!tpu.dma_semaphore, #tpu.memory_space<semaphore_mem>>) src(%dma_wait3A_587 : memref<80xi32, #tpu.memory_space<hbm>>) dst(%arg9 : memref<80xi32, #tpu.memory_space<vmem>>)
    %dma_start3A_588 = arith.constant 0 : i32
    %dma_start3A_589 = arith.constant 0 : i32
    %dma_start3A_590 = tpu.memref_slice %arg3[%dma_start3A_588, %dma_start3A_589] : memref<100000x128xf32, #tpu.memory_space<hbm>> -> memref<100000x128xf32, #tpu.memory_space<hbm>>
    tpu.enqueue_indirect_dma source(%dma_start3A_590 : memref<100000x128xf32, #tpu.memory_space<hbm>>) target(%arg11 : memref<80x128xf32, #tpu.memory_space<vmem>>) offsets(%arg9 : memref<80xi32, #tpu.memory_space<vmem>>) semaphore(%arg15 : memref<!tpu.dma_semaphore, #tpu.memory_space<semaphore_mem>>)
    %dma_wait3A_591 = arith.constant 0 : i32
    %dma_wait3A_592 = arith.constant 0 : i32
    %dma_wait3A_593 = tpu.memref_slice %arg3[%dma_wait3A_591, %dma_wait3A_592] : memref<100000x128xf32, #tpu.memory_space<hbm>> -> memref<100000x128xf32, #tpu.memory_space<hbm>>
    tpu.wait_indirect_dma semaphore(%arg14 : memref<!tpu.dma_semaphore, #tpu.memory_space<semaphore_mem>>) src(%dma_wait3A_593 : memref<100000x128xf32, #tpu.memory_space<hbm>>) dst(%arg10 : memref<80x128xf32, #tpu.memory_space<vmem>>)
    %add3A_594 = arith.constant 800 : i32
    %add3A_595 = arith.addi %mul3A_2, %add3A_594 : i32
    %dma_start3A_596 = arith.constant 0 : i32
    %dma_start3A_597 = tpu.memref_slice %arg7[%add3A_595, %dma_start3A_596] : memref<40960x128xf32, #tpu.memory_space<hbm>> -> memref<80x128xf32, #tpu.memory_space<hbm>>
    %dma_start3A_598 = arith.constant 0 : i32
    %dma_start3A_599 = tpu.memref_slice %arg7[%add3A_595, %dma_start3A_598] : memref<40960x128xf32, #tpu.memory_space<hbm>> -> memref<80x128xf32, #tpu.memory_space<hbm>>
    tpu.enqueue_dma source(%arg10 : memref<80x128xf32, #tpu.memory_space<vmem>>) target(%dma_start3A_599 : memref<80x128xf32, #tpu.memory_space<hbm>>) target_semaphore(%arg16 : memref<!tpu.dma_semaphore, #tpu.memory_space<semaphore_mem>>)
    %add3A_600 = arith.constant 960 : i32
    %add3A_601 = arith.addi %mul3A_2, %add3A_600 : i32
    %dma_start3A_602 = tpu.memref_slice %arg5[%add3A_601] : memref<40960xi32, #tpu.memory_space<hbm>> -> memref<80xi32, #tpu.memory_space<hbm>>
    %dma_start3A_603 = tpu.memref_slice %arg5[%add3A_601] : memref<40960xi32, #tpu.memory_space<hbm>> -> memref<80xi32, #tpu.memory_space<hbm>>
    tpu.enqueue_dma source(%dma_start3A_603 : memref<80xi32, #tpu.memory_space<hbm>>) target(%arg8 : memref<80xi32, #tpu.memory_space<vmem>>) target_semaphore(%arg12 : memref<!tpu.dma_semaphore, #tpu.memory_space<semaphore_mem>>)
    %dma_wait3A_604 = arith.constant 0 : i32
    %dma_wait3A_605 = tpu.memref_slice %arg7[%add3A_595, %dma_wait3A_604] : memref<40960x128xf32, #tpu.memory_space<hbm>> -> memref<80x128xf32, #tpu.memory_space<hbm>>
    %dma_wait3A_606 = arith.constant 0 : i32
    %dma_wait3A_607 = tpu.memref_slice %arg7[%add3A_595, %dma_wait3A_606] : memref<40960x128xf32, #tpu.memory_space<hbm>> -> memref<80x128xf32, #tpu.memory_space<hbm>>
    tpu.wait_dma2 semaphore(%arg16 : memref<!tpu.dma_semaphore, #tpu.memory_space<semaphore_mem>>) src(%arg10 : memref<80x128xf32, #tpu.memory_space<vmem>>) dst(%dma_wait3A_607 : memref<80x128xf32, #tpu.memory_space<hbm>>)
    %dma_wait3A_608 = tpu.memref_slice %arg5[%add3A_601] : memref<40960xi32, #tpu.memory_space<hbm>> -> memref<80xi32, #tpu.memory_space<hbm>>
    %dma_wait3A_609 = tpu.memref_slice %arg5[%add3A_601] : memref<40960xi32, #tpu.memory_space<hbm>> -> memref<80xi32, #tpu.memory_space<hbm>>
    tpu.wait_dma2 semaphore(%arg12 : memref<!tpu.dma_semaphore, #tpu.memory_space<semaphore_mem>>) src(%dma_wait3A_609 : memref<80xi32, #tpu.memory_space<hbm>>) dst(%arg8 : memref<80xi32, #tpu.memory_space<vmem>>)
    %dma_start3A_610 = arith.constant 0 : i32
    %dma_start3A_611 = arith.constant 0 : i32
    %dma_start3A_612 = tpu.memref_slice %arg3[%dma_start3A_610, %dma_start3A_611] : memref<100000x128xf32, #tpu.memory_space<hbm>> -> memref<100000x128xf32, #tpu.memory_space<hbm>>
    tpu.enqueue_indirect_dma source(%dma_start3A_612 : memref<100000x128xf32, #tpu.memory_space<hbm>>) target(%arg10 : memref<80x128xf32, #tpu.memory_space<vmem>>) offsets(%arg8 : memref<80xi32, #tpu.memory_space<vmem>>) semaphore(%arg14 : memref<!tpu.dma_semaphore, #tpu.memory_space<semaphore_mem>>)
    %dma_wait3A_613 = arith.constant 0 : i32
    %dma_wait3A_614 = arith.constant 0 : i32
    %dma_wait3A_615 = tpu.memref_slice %arg3[%dma_wait3A_613, %dma_wait3A_614] : memref<100000x128xf32, #tpu.memory_space<hbm>> -> memref<100000x128xf32, #tpu.memory_space<hbm>>
    tpu.wait_indirect_dma semaphore(%arg15 : memref<!tpu.dma_semaphore, #tpu.memory_space<semaphore_mem>>) src(%dma_wait3A_615 : memref<100000x128xf32, #tpu.memory_space<hbm>>) dst(%arg11 : memref<80x128xf32, #tpu.memory_space<vmem>>)
    %add3A_616 = arith.constant 880 : i32
    %add3A_617 = arith.addi %mul3A_2, %add3A_616 : i32
    %dma_start3A_618 = arith.constant 0 : i32
    %dma_start3A_619 = tpu.memref_slice %arg7[%add3A_617, %dma_start3A_618] : memref<40960x128xf32, #tpu.memory_space<hbm>> -> memref<80x128xf32, #tpu.memory_space<hbm>>
    %dma_start3A_620 = arith.constant 0 : i32
    %dma_start3A_621 = tpu.memref_slice %arg7[%add3A_617, %dma_start3A_620] : memref<40960x128xf32, #tpu.memory_space<hbm>> -> memref<80x128xf32, #tpu.memory_space<hbm>>
    tpu.enqueue_dma source(%arg11 : memref<80x128xf32, #tpu.memory_space<vmem>>) target(%dma_start3A_621 : memref<80x128xf32, #tpu.memory_space<hbm>>) target_semaphore(%arg17 : memref<!tpu.dma_semaphore, #tpu.memory_space<semaphore_mem>>)
    %add3A_622 = arith.constant 1040 : i32
    %add3A_623 = arith.addi %mul3A_2, %add3A_622 : i32
    %dma_start3A_624 = tpu.memref_slice %arg5[%add3A_623] : memref<40960xi32, #tpu.memory_space<hbm>> -> memref<80xi32, #tpu.memory_space<hbm>>
    %dma_start3A_625 = tpu.memref_slice %arg5[%add3A_623] : memref<40960xi32, #tpu.memory_space<hbm>> -> memref<80xi32, #tpu.memory_space<hbm>>
    tpu.enqueue_dma source(%dma_start3A_625 : memref<80xi32, #tpu.memory_space<hbm>>) target(%arg9 : memref<80xi32, #tpu.memory_space<vmem>>) target_semaphore(%arg13 : memref<!tpu.dma_semaphore, #tpu.memory_space<semaphore_mem>>)
    %dma_wait3A_626 = arith.constant 0 : i32
    %dma_wait3A_627 = tpu.memref_slice %arg7[%add3A_617, %dma_wait3A_626] : memref<40960x128xf32, #tpu.memory_space<hbm>> -> memref<80x128xf32, #tpu.memory_space<hbm>>
    %dma_wait3A_628 = arith.constant 0 : i32
    %dma_wait3A_629 = tpu.memref_slice %arg7[%add3A_617, %dma_wait3A_628] : memref<40960x128xf32, #tpu.memory_space<hbm>> -> memref<80x128xf32, #tpu.memory_space<hbm>>
    tpu.wait_dma2 semaphore(%arg17 : memref<!tpu.dma_semaphore, #tpu.memory_space<semaphore_mem>>) src(%arg11 : memref<80x128xf32, #tpu.memory_space<vmem>>) dst(%dma_wait3A_629 : memref<80x128xf32, #tpu.memory_space<hbm>>)
    %dma_wait3A_630 = tpu.memref_slice %arg5[%add3A_623] : memref<40960xi32, #tpu.memory_space<hbm>> -> memref<80xi32, #tpu.memory_space<hbm>>
    %dma_wait3A_631 = tpu.memref_slice %arg5[%add3A_623] : memref<40960xi32, #tpu.memory_space<hbm>> -> memref<80xi32, #tpu.memory_space<hbm>>
    tpu.wait_dma2 semaphore(%arg13 : memref<!tpu.dma_semaphore, #tpu.memory_space<semaphore_mem>>) src(%dma_wait3A_631 : memref<80xi32, #tpu.memory_space<hbm>>) dst(%arg9 : memref<80xi32, #tpu.memory_space<vmem>>)
    %dma_start3A_632 = arith.constant 0 : i32
    %dma_start3A_633 = arith.constant 0 : i32
    %dma_start3A_634 = tpu.memref_slice %arg3[%dma_start3A_632, %dma_start3A_633] : memref<100000x128xf32, #tpu.memory_space<hbm>> -> memref<100000x128xf32, #tpu.memory_space<hbm>>
    tpu.enqueue_indirect_dma source(%dma_start3A_634 : memref<100000x128xf32, #tpu.memory_space<hbm>>) target(%arg11 : memref<80x128xf32, #tpu.memory_space<vmem>>) offsets(%arg9 : memref<80xi32, #tpu.memory_space<vmem>>) semaphore(%arg15 : memref<!tpu.dma_semaphore, #tpu.memory_space<semaphore_mem>>)
    %dma_wait3A_635 = arith.constant 0 : i32
    %dma_wait3A_636 = arith.constant 0 : i32
    %dma_wait3A_637 = tpu.memref_slice %arg3[%dma_wait3A_635, %dma_wait3A_636] : memref<100000x128xf32, #tpu.memory_space<hbm>> -> memref<100000x128xf32, #tpu.memory_space<hbm>>
    tpu.wait_indirect_dma semaphore(%arg14 : memref<!tpu.dma_semaphore, #tpu.memory_space<semaphore_mem>>) src(%dma_wait3A_637 : memref<100000x128xf32, #tpu.memory_space<hbm>>) dst(%arg10 : memref<80x128xf32, #tpu.memory_space<vmem>>)
    %add3A_638 = arith.constant 960 : i32
    %add3A_639 = arith.addi %mul3A_2, %add3A_638 : i32
    %dma_start3A_640 = arith.constant 0 : i32
    %dma_start3A_641 = tpu.memref_slice %arg7[%add3A_639, %dma_start3A_640] : memref<40960x128xf32, #tpu.memory_space<hbm>> -> memref<80x128xf32, #tpu.memory_space<hbm>>
    %dma_start3A_642 = arith.constant 0 : i32
    %dma_start3A_643 = tpu.memref_slice %arg7[%add3A_639, %dma_start3A_642] : memref<40960x128xf32, #tpu.memory_space<hbm>> -> memref<80x128xf32, #tpu.memory_space<hbm>>
    tpu.enqueue_dma source(%arg10 : memref<80x128xf32, #tpu.memory_space<vmem>>) target(%dma_start3A_643 : memref<80x128xf32, #tpu.memory_space<hbm>>) target_semaphore(%arg16 : memref<!tpu.dma_semaphore, #tpu.memory_space<semaphore_mem>>)
    %add3A_644 = arith.constant 1120 : i32
    %add3A_645 = arith.addi %mul3A_2, %add3A_644 : i32
    %dma_start3A_646 = tpu.memref_slice %arg5[%add3A_645] : memref<40960xi32, #tpu.memory_space<hbm>> -> memref<80xi32, #tpu.memory_space<hbm>>
    %dma_start3A_647 = tpu.memref_slice %arg5[%add3A_645] : memref<40960xi32, #tpu.memory_space<hbm>> -> memref<80xi32, #tpu.memory_space<hbm>>
    tpu.enqueue_dma source(%dma_start3A_647 : memref<80xi32, #tpu.memory_space<hbm>>) target(%arg8 : memref<80xi32, #tpu.memory_space<vmem>>) target_semaphore(%arg12 : memref<!tpu.dma_semaphore, #tpu.memory_space<semaphore_mem>>)
    %dma_wait3A_648 = arith.constant 0 : i32
    %dma_wait3A_649 = tpu.memref_slice %arg7[%add3A_639, %dma_wait3A_648] : memref<40960x128xf32, #tpu.memory_space<hbm>> -> memref<80x128xf32, #tpu.memory_space<hbm>>
    %dma_wait3A_650 = arith.constant 0 : i32
    %dma_wait3A_651 = tpu.memref_slice %arg7[%add3A_639, %dma_wait3A_650] : memref<40960x128xf32, #tpu.memory_space<hbm>> -> memref<80x128xf32, #tpu.memory_space<hbm>>
    tpu.wait_dma2 semaphore(%arg16 : memref<!tpu.dma_semaphore, #tpu.memory_space<semaphore_mem>>) src(%arg10 : memref<80x128xf32, #tpu.memory_space<vmem>>) dst(%dma_wait3A_651 : memref<80x128xf32, #tpu.memory_space<hbm>>)
    %dma_wait3A_652 = tpu.memref_slice %arg5[%add3A_645] : memref<40960xi32, #tpu.memory_space<hbm>> -> memref<80xi32, #tpu.memory_space<hbm>>
    %dma_wait3A_653 = tpu.memref_slice %arg5[%add3A_645] : memref<40960xi32, #tpu.memory_space<hbm>> -> memref<80xi32, #tpu.memory_space<hbm>>
    tpu.wait_dma2 semaphore(%arg12 : memref<!tpu.dma_semaphore, #tpu.memory_space<semaphore_mem>>) src(%dma_wait3A_653 : memref<80xi32, #tpu.memory_space<hbm>>) dst(%arg8 : memref<80xi32, #tpu.memory_space<vmem>>)
    %dma_start3A_654 = arith.constant 0 : i32
    %dma_start3A_655 = arith.constant 0 : i32
    %dma_start3A_656 = tpu.memref_slice %arg3[%dma_start3A_654, %dma_start3A_655] : memref<100000x128xf32, #tpu.memory_space<hbm>> -> memref<100000x128xf32, #tpu.memory_space<hbm>>
    tpu.enqueue_indirect_dma source(%dma_start3A_656 : memref<100000x128xf32, #tpu.memory_space<hbm>>) target(%arg10 : memref<80x128xf32, #tpu.memory_space<vmem>>) offsets(%arg8 : memref<80xi32, #tpu.memory_space<vmem>>) semaphore(%arg14 : memref<!tpu.dma_semaphore, #tpu.memory_space<semaphore_mem>>)
    %dma_wait3A_657 = arith.constant 0 : i32
    %dma_wait3A_658 = arith.constant 0 : i32
    %dma_wait3A_659 = tpu.memref_slice %arg3[%dma_wait3A_657, %dma_wait3A_658] : memref<100000x128xf32, #tpu.memory_space<hbm>> -> memref<100000x128xf32, #tpu.memory_space<hbm>>
    tpu.wait_indirect_dma semaphore(%arg15 : memref<!tpu.dma_semaphore, #tpu.memory_space<semaphore_mem>>) src(%dma_wait3A_659 : memref<100000x128xf32, #tpu.memory_space<hbm>>) dst(%arg11 : memref<80x128xf32, #tpu.memory_space<vmem>>)
    %add3A_660 = arith.constant 1040 : i32
    %add3A_661 = arith.addi %mul3A_2, %add3A_660 : i32
    %dma_start3A_662 = arith.constant 0 : i32
    %dma_start3A_663 = tpu.memref_slice %arg7[%add3A_661, %dma_start3A_662] : memref<40960x128xf32, #tpu.memory_space<hbm>> -> memref<80x128xf32, #tpu.memory_space<hbm>>
    %dma_start3A_664 = arith.constant 0 : i32
    %dma_start3A_665 = tpu.memref_slice %arg7[%add3A_661, %dma_start3A_664] : memref<40960x128xf32, #tpu.memory_space<hbm>> -> memref<80x128xf32, #tpu.memory_space<hbm>>
    tpu.enqueue_dma source(%arg11 : memref<80x128xf32, #tpu.memory_space<vmem>>) target(%dma_start3A_665 : memref<80x128xf32, #tpu.memory_space<hbm>>) target_semaphore(%arg17 : memref<!tpu.dma_semaphore, #tpu.memory_space<semaphore_mem>>)
    %add3A_666 = arith.constant 1200 : i32
    %add3A_667 = arith.addi %mul3A_2, %add3A_666 : i32
    %dma_start3A_668 = tpu.memref_slice %arg5[%add3A_667] : memref<40960xi32, #tpu.memory_space<hbm>> -> memref<80xi32, #tpu.memory_space<hbm>>
    %dma_start3A_669 = tpu.memref_slice %arg5[%add3A_667] : memref<40960xi32, #tpu.memory_space<hbm>> -> memref<80xi32, #tpu.memory_space<hbm>>
    tpu.enqueue_dma source(%dma_start3A_669 : memref<80xi32, #tpu.memory_space<hbm>>) target(%arg9 : memref<80xi32, #tpu.memory_space<vmem>>) target_semaphore(%arg13 : memref<!tpu.dma_semaphore, #tpu.memory_space<semaphore_mem>>)
    %dma_wait3A_670 = arith.constant 0 : i32
    %dma_wait3A_671 = tpu.memref_slice %arg7[%add3A_661, %dma_wait3A_670] : memref<40960x128xf32, #tpu.memory_space<hbm>> -> memref<80x128xf32, #tpu.memory_space<hbm>>
    %dma_wait3A_672 = arith.constant 0 : i32
    %dma_wait3A_673 = tpu.memref_slice %arg7[%add3A_661, %dma_wait3A_672] : memref<40960x128xf32, #tpu.memory_space<hbm>> -> memref<80x128xf32, #tpu.memory_space<hbm>>
    tpu.wait_dma2 semaphore(%arg17 : memref<!tpu.dma_semaphore, #tpu.memory_space<semaphore_mem>>) src(%arg11 : memref<80x128xf32, #tpu.memory_space<vmem>>) dst(%dma_wait3A_673 : memref<80x128xf32, #tpu.memory_space<hbm>>)
    %dma_wait3A_674 = tpu.memref_slice %arg5[%add3A_667] : memref<40960xi32, #tpu.memory_space<hbm>> -> memref<80xi32, #tpu.memory_space<hbm>>
    %dma_wait3A_675 = tpu.memref_slice %arg5[%add3A_667] : memref<40960xi32, #tpu.memory_space<hbm>> -> memref<80xi32, #tpu.memory_space<hbm>>
    tpu.wait_dma2 semaphore(%arg13 : memref<!tpu.dma_semaphore, #tpu.memory_space<semaphore_mem>>) src(%dma_wait3A_675 : memref<80xi32, #tpu.memory_space<hbm>>) dst(%arg9 : memref<80xi32, #tpu.memory_space<vmem>>)
    %dma_start3A_676 = arith.constant 0 : i32
    %dma_start3A_677 = arith.constant 0 : i32
    %dma_start3A_678 = tpu.memref_slice %arg3[%dma_start3A_676, %dma_start3A_677] : memref<100000x128xf32, #tpu.memory_space<hbm>> -> memref<100000x128xf32, #tpu.memory_space<hbm>>
    tpu.enqueue_indirect_dma source(%dma_start3A_678 : memref<100000x128xf32, #tpu.memory_space<hbm>>) target(%arg11 : memref<80x128xf32, #tpu.memory_space<vmem>>) offsets(%arg9 : memref<80xi32, #tpu.memory_space<vmem>>) semaphore(%arg15 : memref<!tpu.dma_semaphore, #tpu.memory_space<semaphore_mem>>)
    %dma_wait3A_679 = arith.constant 0 : i32
    %dma_wait3A_680 = arith.constant 0 : i32
    %dma_wait3A_681 = tpu.memref_slice %arg3[%dma_wait3A_679, %dma_wait3A_680] : memref<100000x128xf32, #tpu.memory_space<hbm>> -> memref<100000x128xf32, #tpu.memory_space<hbm>>
    tpu.wait_indirect_dma semaphore(%arg14 : memref<!tpu.dma_semaphore, #tpu.memory_space<semaphore_mem>>) src(%dma_wait3A_681 : memref<100000x128xf32, #tpu.memory_space<hbm>>) dst(%arg10 : memref<80x128xf32, #tpu.memory_space<vmem>>)
    %add3A_682 = arith.constant 1120 : i32
    %add3A_683 = arith.addi %mul3A_2, %add3A_682 : i32
    %dma_start3A_684 = arith.constant 0 : i32
    %dma_start3A_685 = tpu.memref_slice %arg7[%add3A_683, %dma_start3A_684] : memref<40960x128xf32, #tpu.memory_space<hbm>> -> memref<80x128xf32, #tpu.memory_space<hbm>>
    %dma_start3A_686 = arith.constant 0 : i32
    %dma_start3A_687 = tpu.memref_slice %arg7[%add3A_683, %dma_start3A_686] : memref<40960x128xf32, #tpu.memory_space<hbm>> -> memref<80x128xf32, #tpu.memory_space<hbm>>
    tpu.enqueue_dma source(%arg10 : memref<80x128xf32, #tpu.memory_space<vmem>>) target(%dma_start3A_687 : memref<80x128xf32, #tpu.memory_space<hbm>>) target_semaphore(%arg16 : memref<!tpu.dma_semaphore, #tpu.memory_space<semaphore_mem>>)
    %dma_wait3A_688 = arith.constant 0 : i32
    %dma_wait3A_689 = arith.constant 0 : i32
    %dma_wait3A_690 = tpu.memref_slice %arg3[%dma_wait3A_688, %dma_wait3A_689] : memref<100000x128xf32, #tpu.memory_space<hbm>> -> memref<100000x128xf32, #tpu.memory_space<hbm>>
    tpu.wait_indirect_dma semaphore(%arg15 : memref<!tpu.dma_semaphore, #tpu.memory_space<semaphore_mem>>) src(%dma_wait3A_690 : memref<100000x128xf32, #tpu.memory_space<hbm>>) dst(%arg11 : memref<80x128xf32, #tpu.memory_space<vmem>>)
    %add3A_691 = arith.constant 1200 : i32
    %add3A_692 = arith.addi %mul3A_2, %add3A_691 : i32
    %dma_start3A_693 = arith.constant 0 : i32
    %dma_start3A_694 = tpu.memref_slice %arg7[%add3A_692, %dma_start3A_693] : memref<40960x128xf32, #tpu.memory_space<hbm>> -> memref<80x128xf32, #tpu.memory_space<hbm>>
    %dma_start3A_695 = arith.constant 0 : i32
    %dma_start3A_696 = tpu.memref_slice %arg7[%add3A_692, %dma_start3A_695] : memref<40960x128xf32, #tpu.memory_space<hbm>> -> memref<80x128xf32, #tpu.memory_space<hbm>>
    tpu.enqueue_dma source(%arg11 : memref<80x128xf32, #tpu.memory_space<vmem>>) target(%dma_start3A_696 : memref<80x128xf32, #tpu.memory_space<hbm>>) target_semaphore(%arg17 : memref<!tpu.dma_semaphore, #tpu.memory_space<semaphore_mem>>)
    %dma_wait3A_697 = arith.constant 0 : i32
    %dma_wait3A_698 = tpu.memref_slice %arg7[%add3A_683, %dma_wait3A_697] : memref<40960x128xf32, #tpu.memory_space<hbm>> -> memref<80x128xf32, #tpu.memory_space<hbm>>
    %dma_wait3A_699 = arith.constant 0 : i32
    %dma_wait3A_700 = tpu.memref_slice %arg7[%add3A_683, %dma_wait3A_699] : memref<40960x128xf32, #tpu.memory_space<hbm>> -> memref<80x128xf32, #tpu.memory_space<hbm>>
    tpu.wait_dma2 semaphore(%arg16 : memref<!tpu.dma_semaphore, #tpu.memory_space<semaphore_mem>>) src(%arg10 : memref<80x128xf32, #tpu.memory_space<vmem>>) dst(%dma_wait3A_700 : memref<80x128xf32, #tpu.memory_space<hbm>>)
    %dma_wait3A_701 = arith.constant 0 : i32
    %dma_wait3A_702 = tpu.memref_slice %arg7[%add3A_692, %dma_wait3A_701] : memref<40960x128xf32, #tpu.memory_space<hbm>> -> memref<80x128xf32, #tpu.memory_space<hbm>>
    %dma_wait3A_703 = arith.constant 0 : i32
    %dma_wait3A_704 = tpu.memref_slice %arg7[%add3A_692, %dma_wait3A_703] : memref<40960x128xf32, #tpu.memory_space<hbm>> -> memref<80x128xf32, #tpu.memory_space<hbm>>
    tpu.wait_dma2 semaphore(%arg17 : memref<!tpu.dma_semaphore, #tpu.memory_space<semaphore_mem>>) src(%arg11 : memref<80x128xf32, #tpu.memory_space<vmem>>) dst(%dma_wait3A_704 : memref<80x128xf32, #tpu.memory_space<hbm>>)
    return
  }
}

module attributes {stable_mosaic.version = 14 : i64} {
  func.func @_gtopk_body(%arg0: i32, %arg1: memref<128x1024xf32, #tpu.memory_space<vmem>>, %arg2: memref<2000x128xf32, #tpu.memory_space<vmem>>, %arg3: memref<2000x128xf32, #tpu.memory_space<vmem>>, %arg4: memref<8x1024xi32, #tpu.memory_space<vmem>>, %arg5: memref<8x1024xi32, #tpu.memory_space<vmem>>, %arg6: memref<128x1024xf32, #tpu.memory_space<vmem>>, %arg7: memref<2048x1024xf32, #tpu.memory_space<vmem>>, %arg8: memref<8x1024xf32, #tpu.memory_space<vmem>>, %arg9: memref<8x1024xf32, #tpu.memory_space<vmem>>, %arg10: memref<8x1024xf32, #tpu.memory_space<vmem>>, %arg11: memref<8x1024xf32, #tpu.memory_space<vmem>>) attributes {dimension_semantics = [#tpu.dimension_semantics<arbitrary>], iteration_bounds = array<i64: 50>, scalar_prefetch = 0 : i64, scratch_operands = 6 : i64, tpu.core_type = #tpu.core_type<tc>, window_params = [{pipeline_mode = #tpu.pipeline_mode<synchronous>, transform_indices = @transform_0, window_bounds = array<i64: 128, 1024>}, {transform_indices = @transform_1, window_bounds = array<i64: 2000, 128>}, {transform_indices = @transform_2, window_bounds = array<i64: 2000, 128>}, {pipeline_mode = #tpu.pipeline_mode<synchronous>, transform_indices = @transform_3, window_bounds = array<i64: 8, 1024>}, {pipeline_mode = #tpu.pipeline_mode<synchronous>, transform_indices = @transform_4, window_bounds = array<i64: 8, 1024>}]} {
    %eq3A = arith.constant 0 : i32
    %eq3A_0 = arith.cmpi eq, %arg0, %eq3A : i32
    %convert_element_type3A = arith.extui %eq3A_0 : i1 to i32
    %cond3A = arith.constant 0 : i32
    %cond3A_1 = arith.cmpi ne, %convert_element_type3A, %cond3A : i32
    scf.if %cond3A_1 {
      %get3A_631 = arith.constant 0 : index
      %get3A_632 = arith.constant 0 : index
      %get3A_633 = vector.load %arg1[%get3A_631, %get3A_632] : memref<128x1024xf32, #tpu.memory_space<vmem>>, vector<128x1024xf32>
      %mul3A_634 = arith.mulf %get3A_633, %get3A_633 : vector<128x1024xf32>
      %reduce_sum3A_635 = arith.constant dense<0.000000e+00> : vector<1024xf32>
      %reduce_sum3A_636 = vector.multi_reduction <add>, %mul3A_634, %reduce_sum3A_635 [0] : vector<128x1024xf32> to vector<1024xf32>
      %broadcast_in_dim3A_637 = vector.shape_cast %reduce_sum3A_636 : vector<1024xf32> to vector<1x1024xf32>
      %sqrt3A_638 = math.sqrt %broadcast_in_dim3A_637 : vector<1x1024xf32>
      %add3A_639 = arith.constant 9.99999993E-9 : f32
      %add3A_640 = vector.broadcast %add3A_639 : f32 to vector<1x1024xf32>
      %add3A_641 = arith.addf %sqrt3A_638, %add3A_640 : vector<1x1024xf32>
      %div3A_642 = vector.broadcast %add3A_641 : vector<1x1024xf32> to vector<128x1024xf32>
      %div3A_643 = arith.divf %get3A_633, %div3A_642 : vector<128x1024xf32>
      %swap3A_644 = arith.constant 0 : index
      %swap3A_645 = arith.constant 0 : index
      %swap3A_646 = vector.load %arg6[%swap3A_644, %swap3A_645] : memref<128x1024xf32, #tpu.memory_space<vmem>>, vector<128x1024xf32>
      tpu.vector_store %arg6[%swap3A_644, %swap3A_645], %div3A_643 {strides = array<i32>} : memref<128x1024xf32, #tpu.memory_space<vmem>>, vector<128x1024xf32>,
      %broadcast_in_dim3A_647 = arith.constant 0xFF800000 : f32
      %broadcast_in_dim3A_648 = vector.broadcast %broadcast_in_dim3A_647 : f32 to vector<48x1024xf32>
      %swap3A_649 = arith.constant 2000 : index
      %swap3A_650 = arith.constant 0 : index
      %swap3A_651 = vector.load %arg7[%swap3A_649, %swap3A_650] : memref<2048x1024xf32, #tpu.memory_space<vmem>>, vector<48x1024xf32>
      tpu.vector_store %arg7[%swap3A_649, %swap3A_650], %broadcast_in_dim3A_648 {strides = array<i32>} : memref<2048x1024xf32, #tpu.memory_space<vmem>>, vector<48x1024xf32>,
      %broadcast_in_dim3A_652 = arith.constant 0xFF800000 : f32
      %broadcast_in_dim3A_653 = vector.broadcast %broadcast_in_dim3A_652 : f32 to vector<8x1024xf32>
      %broadcast_in_dim3A_654 = arith.constant 0.000000e+00 : f32
      %broadcast_in_dim3A_655 = vector.broadcast %broadcast_in_dim3A_654 : f32 to vector<8x1024xf32>
      %swap3A_656 = arith.constant 0 : index
      %swap3A_657 = arith.constant 0 : index
      %swap3A_658 = vector.load %arg8[%swap3A_656, %swap3A_657] : memref<8x1024xf32, #tpu.memory_space<vmem>>, vector<8x1024xf32>
      tpu.vector_store %arg8[%swap3A_656, %swap3A_657], %broadcast_in_dim3A_653 {strides = array<i32>} : memref<8x1024xf32, #tpu.memory_space<vmem>>, vector<8x1024xf32>,
      %swap3A_659 = arith.constant 0 : index
      %swap3A_660 = arith.constant 0 : index
      %swap3A_661 = vector.load %arg10[%swap3A_659, %swap3A_660] : memref<8x1024xf32, #tpu.memory_space<vmem>>, vector<8x1024xf32>
      tpu.vector_store %arg10[%swap3A_659, %swap3A_660], %broadcast_in_dim3A_653 {strides = array<i32>} : memref<8x1024xf32, #tpu.memory_space<vmem>>, vector<8x1024xf32>,
      %swap3A_662 = arith.constant 0 : index
      %swap3A_663 = arith.constant 0 : index
      %swap3A_664 = vector.load %arg9[%swap3A_662, %swap3A_663] : memref<8x1024xf32, #tpu.memory_space<vmem>>, vector<8x1024xf32>
      tpu.vector_store %arg9[%swap3A_662, %swap3A_663], %broadcast_in_dim3A_655 {strides = array<i32>} : memref<8x1024xf32, #tpu.memory_space<vmem>>, vector<8x1024xf32>,
      %swap3A_665 = arith.constant 0 : index
      %swap3A_666 = arith.constant 0 : index
      %swap3A_667 = vector.load %arg11[%swap3A_665, %swap3A_666] : memref<8x1024xf32, #tpu.memory_space<vmem>>, vector<8x1024xf32>
      tpu.vector_store %arg11[%swap3A_665, %swap3A_666], %broadcast_in_dim3A_655 {strides = array<i32>} : memref<8x1024xf32, #tpu.memory_space<vmem>>, vector<8x1024xf32>,
    } else {
    }
    %get3A = arith.constant 0 : index
    %get3A_2 = arith.constant 0 : index
    %get3A_3 = vector.load %arg6[%get3A, %get3A_2] : memref<128x1024xf32, #tpu.memory_space<vmem>>, vector<128x1024xf32>
    %mul3A = arith.constant 2048 : i32
    %mul3A_4 = arith.muli %arg0, %mul3A : i32
    %iota3A = tpu.iota {dimensions = array<i32: 0>} : vector<256x1024xi32>
    %convert_element_type3A_5 = arith.sitofp %iota3A : vector<256x1024xi32> to vector<256x1024xf32>
    %get3A_6 = arith.constant 0 : index
    %get3A_7 = arith.constant 0 : index
    %get3A_8 = vector.load %arg2[%get3A_6, %get3A_7] : memref<2000x128xf32, #tpu.memory_space<vmem>>, vector<2000x128xf32>
    %mul3A_9 = arith.mulf %get3A_8, %get3A_8 : vector<2000x128xf32>
    %reduce_sum3A = arith.constant dense<0.000000e+00> : vector<2000xf32>
    %reduce_sum3A_10 = vector.multi_reduction <add>, %mul3A_9, %reduce_sum3A [1] : vector<2000x128xf32> to vector<2000xf32>
    %broadcast_in_dim3A = vector.shape_cast %reduce_sum3A_10 : vector<2000xf32> to vector<2000x1xf32>
    %sqrt3A = math.sqrt %broadcast_in_dim3A : vector<2000x1xf32>
    %add3A = arith.constant 9.99999993E-9 : f32
    %add3A_11 = vector.broadcast %add3A : f32 to vector<2000x1xf32>
    %add3A_12 = arith.addf %sqrt3A, %add3A_11 : vector<2000x1xf32>
    %div3A = vector.broadcast %add3A_12 : vector<2000x1xf32> to vector<2000x128xf32>
    %div3A_13 = arith.divf %get3A_8, %div3A : vector<2000x128xf32>
    %dot_general3A = arith.constant dense<0.000000e+00> : vector<2000x1024xf32>
    %dot_general3A_14 = tpu.matmul %div3A_13, %get3A_3, %dot_general3A {dimension_numbers = #tpu.dot_dimension_numbers<[1], [0], [0], [1], [0, 0, 1, 1], [], []>, transpose_lhs_hint = false} : vector<2000x128xf32>, vector<128x1024xf32>, vector<2000x1024xf32> -> vector<2000x1024xf32>
    %swap3A = arith.constant 0 : index
    %swap3A_15 = arith.constant 0 : index
    %swap3A_16 = vector.load %arg7[%swap3A, %swap3A_15] : memref<2048x1024xf32, #tpu.memory_space<vmem>>, vector<2000x1024xf32>
    tpu.vector_store %arg7[%swap3A, %swap3A_15], %dot_general3A_14 {strides = array<i32>} : memref<2048x1024xf32, #tpu.memory_space<vmem>>, vector<2000x1024xf32>,
    %get3A_17 = arith.constant 0 : index
    %get3A_18 = arith.constant 0 : index
    %get3A_19 = vector.load %arg7[%get3A_17, %get3A_18] : memref<2048x1024xf32, #tpu.memory_space<vmem>>, vector<1024x1024xf32>
    %get3A_20 = arith.constant 1024 : index
    %get3A_21 = arith.constant 0 : index
    %get3A_22 = vector.load %arg7[%get3A_20, %get3A_21] : memref<2048x1024xf32, #tpu.memory_space<vmem>>, vector<1024x1024xf32>
    %max3A = arith.maximumf %get3A_19, %get3A_22 : vector<1024x1024xf32>
    %slice3A = vector.extract_strided_slice %max3A {offsets = [0, 0], sizes = [512, 1024], strides = [1, 1]} : vector<1024x1024xf32> to vector<512x1024xf32>
    %slice3A_23 = vector.extract_strided_slice %max3A {offsets = [512, 0], sizes = [512, 1024], strides = [1, 1]} : vector<1024x1024xf32> to vector<512x1024xf32>
    %max3A_24 = arith.maximumf %slice3A, %slice3A_23 : vector<512x1024xf32>
    %slice3A_25 = vector.extract_strided_slice %max3A_24 {offsets = [0, 0], sizes = [256, 1024], strides = [1, 1]} : vector<512x1024xf32> to vector<256x1024xf32>
    %slice3A_26 = vector.extract_strided_slice %max3A_24 {offsets = [256, 0], sizes = [256, 1024], strides = [1, 1]} : vector<512x1024xf32> to vector<256x1024xf32>
    %max3A_27 = arith.maximumf %slice3A_25, %slice3A_26 : vector<256x1024xf32>
    %broadcast_in_dim3A_28 = arith.constant 1.000000e+09 : f32
    %broadcast_in_dim3A_29 = vector.broadcast %broadcast_in_dim3A_28 : f32 to vector<256x1024xf32>
    %add3A_30 = arith.constant 0 : i32
    %add3A_31 = arith.addi %mul3A_4, %add3A_30 : i32
    %convert_element_type3A_32 = arith.sitofp %add3A_31 : i32 to f32
    %add3A_33 = vector.broadcast %convert_element_type3A_32 : f32 to vector<256x1024xf32>
    %add3A_34 = arith.addf %convert_element_type3A_5, %add3A_33 : vector<256x1024xf32>
    %get3A_35 = arith.constant 0 : index
    %get3A_36 = arith.constant 0 : index
    %get3A_37 = vector.load %arg7[%get3A_35, %get3A_36] : memref<2048x1024xf32, #tpu.memory_space<vmem>>, vector<256x1024xf32>
    %eq3A_38 = arith.cmpf oeq, %get3A_37, %max3A_27 : vector<256x1024xf32>
    %jit3A = arith.constant 1.000000e+09 : f32
    %broadcast_in_dim3A_39 = vector.broadcast %jit3A : f32 to vector<256x1024xf32>
    %select_n3A = arith.select %eq3A_38, %add3A_34, %broadcast_in_dim3A_39 : vector<256x1024xi1>, vector<256x1024xf32>
    %min3A = arith.minimumf %broadcast_in_dim3A_29, %select_n3A : vector<256x1024xf32>
    %add3A_40 = arith.constant 256 : i32
    %add3A_41 = arith.addi %mul3A_4, %add3A_40 : i32
    %convert_element_type3A_42 = arith.sitofp %add3A_41 : i32 to f32
    %add3A_43 = vector.broadcast %convert_element_type3A_42 : f32 to vector<256x1024xf32>
    %add3A_44 = arith.addf %convert_element_type3A_5, %add3A_43 : vector<256x1024xf32>
    %get3A_45 = arith.constant 256 : index
    %get3A_46 = arith.constant 0 : index
    %get3A_47 = vector.load %arg7[%get3A_45, %get3A_46] : memref<2048x1024xf32, #tpu.memory_space<vmem>>, vector<256x1024xf32>
    %eq3A_48 = arith.cmpf oeq, %get3A_47, %max3A_27 : vector<256x1024xf32>
    %jit3A_49 = arith.constant 1.000000e+09 : f32
    %broadcast_in_dim3A_50 = vector.broadcast %jit3A_49 : f32 to vector<256x1024xf32>
    %select_n3A_51 = arith.select %eq3A_48, %add3A_44, %broadcast_in_dim3A_50 : vector<256x1024xi1>, vector<256x1024xf32>
    %min3A_52 = arith.minimumf %min3A, %select_n3A_51 : vector<256x1024xf32>
    %add3A_53 = arith.constant 512 : i32
    %add3A_54 = arith.addi %mul3A_4, %add3A_53 : i32
    %convert_element_type3A_55 = arith.sitofp %add3A_54 : i32 to f32
    %add3A_56 = vector.broadcast %convert_element_type3A_55 : f32 to vector<256x1024xf32>
    %add3A_57 = arith.addf %convert_element_type3A_5, %add3A_56 : vector<256x1024xf32>
    %get3A_58 = arith.constant 512 : index
    %get3A_59 = arith.constant 0 : index
    %get3A_60 = vector.load %arg7[%get3A_58, %get3A_59] : memref<2048x1024xf32, #tpu.memory_space<vmem>>, vector<256x1024xf32>
    %eq3A_61 = arith.cmpf oeq, %get3A_60, %max3A_27 : vector<256x1024xf32>
    %jit3A_62 = arith.constant 1.000000e+09 : f32
    %broadcast_in_dim3A_63 = vector.broadcast %jit3A_62 : f32 to vector<256x1024xf32>
    %select_n3A_64 = arith.select %eq3A_61, %add3A_57, %broadcast_in_dim3A_63 : vector<256x1024xi1>, vector<256x1024xf32>
    %min3A_65 = arith.minimumf %min3A_52, %select_n3A_64 : vector<256x1024xf32>
    %add3A_66 = arith.constant 768 : i32
    %add3A_67 = arith.addi %mul3A_4, %add3A_66 : i32
    %convert_element_type3A_68 = arith.sitofp %add3A_67 : i32 to f32
    %add3A_69 = vector.broadcast %convert_element_type3A_68 : f32 to vector<256x1024xf32>
    %add3A_70 = arith.addf %convert_element_type3A_5, %add3A_69 : vector<256x1024xf32>
    %get3A_71 = arith.constant 768 : index
    %get3A_72 = arith.constant 0 : index
    %get3A_73 = vector.load %arg7[%get3A_71, %get3A_72] : memref<2048x1024xf32, #tpu.memory_space<vmem>>, vector<256x1024xf32>
    %eq3A_74 = arith.cmpf oeq, %get3A_73, %max3A_27 : vector<256x1024xf32>
    %jit3A_75 = arith.constant 1.000000e+09 : f32
    %broadcast_in_dim3A_76 = vector.broadcast %jit3A_75 : f32 to vector<256x1024xf32>
    %select_n3A_77 = arith.select %eq3A_74, %add3A_70, %broadcast_in_dim3A_76 : vector<256x1024xi1>, vector<256x1024xf32>
    %min3A_78 = arith.minimumf %min3A_65, %select_n3A_77 : vector<256x1024xf32>
    %add3A_79 = arith.constant 1024 : i32
    %add3A_80 = arith.addi %mul3A_4, %add3A_79 : i32
    %convert_element_type3A_81 = arith.sitofp %add3A_80 : i32 to f32
    %add3A_82 = vector.broadcast %convert_element_type3A_81 : f32 to vector<256x1024xf32>
    %add3A_83 = arith.addf %convert_element_type3A_5, %add3A_82 : vector<256x1024xf32>
    %get3A_84 = arith.constant 1024 : index
    %get3A_85 = arith.constant 0 : index
    %get3A_86 = vector.load %arg7[%get3A_84, %get3A_85] : memref<2048x1024xf32, #tpu.memory_space<vmem>>, vector<256x1024xf32>
    %eq3A_87 = arith.cmpf oeq, %get3A_86, %max3A_27 : vector<256x1024xf32>
    %jit3A_88 = arith.constant 1.000000e+09 : f32
    %broadcast_in_dim3A_89 = vector.broadcast %jit3A_88 : f32 to vector<256x1024xf32>
    %select_n3A_90 = arith.select %eq3A_87, %add3A_83, %broadcast_in_dim3A_89 : vector<256x1024xi1>, vector<256x1024xf32>
    %min3A_91 = arith.minimumf %min3A_78, %select_n3A_90 : vector<256x1024xf32>
    %add3A_92 = arith.constant 1280 : i32
    %add3A_93 = arith.addi %mul3A_4, %add3A_92 : i32
    %convert_element_type3A_94 = arith.sitofp %add3A_93 : i32 to f32
    %add3A_95 = vector.broadcast %convert_element_type3A_94 : f32 to vector<256x1024xf32>
    %add3A_96 = arith.addf %convert_element_type3A_5, %add3A_95 : vector<256x1024xf32>
    %get3A_97 = arith.constant 1280 : index
    %get3A_98 = arith.constant 0 : index
    %get3A_99 = vector.load %arg7[%get3A_97, %get3A_98] : memref<2048x1024xf32, #tpu.memory_space<vmem>>, vector<256x1024xf32>
    %eq3A_100 = arith.cmpf oeq, %get3A_99, %max3A_27 : vector<256x1024xf32>
    %jit3A_101 = arith.constant 1.000000e+09 : f32
    %broadcast_in_dim3A_102 = vector.broadcast %jit3A_101 : f32 to vector<256x1024xf32>
    %select_n3A_103 = arith.select %eq3A_100, %add3A_96, %broadcast_in_dim3A_102 : vector<256x1024xi1>, vector<256x1024xf32>
    %min3A_104 = arith.minimumf %min3A_91, %select_n3A_103 : vector<256x1024xf32>
    %add3A_105 = arith.constant 1536 : i32
    %add3A_106 = arith.addi %mul3A_4, %add3A_105 : i32
    %convert_element_type3A_107 = arith.sitofp %add3A_106 : i32 to f32
    %add3A_108 = vector.broadcast %convert_element_type3A_107 : f32 to vector<256x1024xf32>
    %add3A_109 = arith.addf %convert_element_type3A_5, %add3A_108 : vector<256x1024xf32>
    %get3A_110 = arith.constant 1536 : index
    %get3A_111 = arith.constant 0 : index
    %get3A_112 = vector.load %arg7[%get3A_110, %get3A_111] : memref<2048x1024xf32, #tpu.memory_space<vmem>>, vector<256x1024xf32>
    %eq3A_113 = arith.cmpf oeq, %get3A_112, %max3A_27 : vector<256x1024xf32>
    %jit3A_114 = arith.constant 1.000000e+09 : f32
    %broadcast_in_dim3A_115 = vector.broadcast %jit3A_114 : f32 to vector<256x1024xf32>
    %select_n3A_116 = arith.select %eq3A_113, %add3A_109, %broadcast_in_dim3A_115 : vector<256x1024xi1>, vector<256x1024xf32>
    %min3A_117 = arith.minimumf %min3A_104, %select_n3A_116 : vector<256x1024xf32>
    %add3A_118 = arith.constant 1792 : i32
    %add3A_119 = arith.addi %mul3A_4, %add3A_118 : i32
    %convert_element_type3A_120 = arith.sitofp %add3A_119 : i32 to f32
    %add3A_121 = vector.broadcast %convert_element_type3A_120 : f32 to vector<256x1024xf32>
    %add3A_122 = arith.addf %convert_element_type3A_5, %add3A_121 : vector<256x1024xf32>
    %get3A_123 = arith.constant 1792 : index
    %get3A_124 = arith.constant 0 : index
    %get3A_125 = vector.load %arg7[%get3A_123, %get3A_124] : memref<2048x1024xf32, #tpu.memory_space<vmem>>, vector<256x1024xf32>
    %eq3A_126 = arith.cmpf oeq, %get3A_125, %max3A_27 : vector<256x1024xf32>
    %jit3A_127 = arith.constant 1.000000e+09 : f32
    %broadcast_in_dim3A_128 = vector.broadcast %jit3A_127 : f32 to vector<256x1024xf32>
    %select_n3A_129 = arith.select %eq3A_126, %add3A_122, %broadcast_in_dim3A_128 : vector<256x1024xi1>, vector<256x1024xf32>
    %min3A_130 = arith.minimumf %min3A_117, %select_n3A_129 : vector<256x1024xf32>
    %get3A_131 = arith.constant 0 : index
    %get3A_132 = arith.constant 0 : index
    %get3A_133 = vector.load %arg8[%get3A_131, %get3A_132] : memref<8x1024xf32, #tpu.memory_space<vmem>>, vector<8x1024xf32>
    %get3A_134 = arith.constant 0 : index
    %get3A_135 = arith.constant 0 : index
    %get3A_136 = vector.load %arg9[%get3A_134, %get3A_135] : memref<8x1024xf32, #tpu.memory_space<vmem>>, vector<8x1024xf32>
    %reduce_max3A = arith.constant dense<0xFF800000> : vector<1024xf32>
    %reduce_max3A_137 = vector.multi_reduction <maximumf>, %max3A_27, %reduce_max3A [0] : vector<256x1024xf32> to vector<1024xf32>
    %broadcast_in_dim3A_138 = vector.shape_cast %reduce_max3A_137 : vector<1024xf32> to vector<1x1024xf32>
    %reduce_max3A_139 = arith.constant dense<0xFF800000> : vector<1024xf32>
    %reduce_max3A_140 = vector.multi_reduction <maximumf>, %get3A_133, %reduce_max3A_139 [0] : vector<8x1024xf32> to vector<1024xf32>
    %broadcast_in_dim3A_141 = vector.shape_cast %reduce_max3A_140 : vector<1024xf32> to vector<1x1024xf32>
    %max3A_142 = arith.maximumf %broadcast_in_dim3A_138, %broadcast_in_dim3A_141 : vector<1x1024xf32>
    %eq3A_143 = vector.broadcast %max3A_142 : vector<1x1024xf32> to vector<256x1024xf32>
    %eq3A_144 = arith.cmpf oeq, %max3A_27, %eq3A_143 : vector<256x1024xf32>
    %jit3A_145 = arith.constant 1.000000e+09 : f32
    %broadcast_in_dim3A_146 = vector.broadcast %jit3A_145 : f32 to vector<256x1024xf32>
    %select_n3A_147 = arith.select %eq3A_144, %min3A_130, %broadcast_in_dim3A_146 : vector<256x1024xi1>, vector<256x1024xf32>
    %reduce_min3A = arith.constant dense<0x7F800000> : vector<1024xf32>
    %reduce_min3A_148 = vector.multi_reduction <minimumf>, %select_n3A_147, %reduce_min3A [0] : vector<256x1024xf32> to vector<1024xf32>
    %broadcast_in_dim3A_149 = vector.shape_cast %reduce_min3A_148 : vector<1024xf32> to vector<1x1024xf32>
    %eq3A_150 = vector.broadcast %max3A_142 : vector<1x1024xf32> to vector<8x1024xf32>
    %eq3A_151 = arith.cmpf oeq, %get3A_133, %eq3A_150 : vector<8x1024xf32>
    %jit3A_152 = arith.constant 1.000000e+09 : f32
    %broadcast_in_dim3A_153 = vector.broadcast %jit3A_152 : f32 to vector<8x1024xf32>
    %select_n3A_154 = arith.select %eq3A_151, %get3A_136, %broadcast_in_dim3A_153 : vector<8x1024xi1>, vector<8x1024xf32>
    %reduce_min3A_155 = arith.constant dense<0x7F800000> : vector<1024xf32>
    %reduce_min3A_156 = vector.multi_reduction <minimumf>, %select_n3A_154, %reduce_min3A_155 [0] : vector<8x1024xf32> to vector<1024xf32>
    %broadcast_in_dim3A_157 = vector.shape_cast %reduce_min3A_156 : vector<1024xf32> to vector<1x1024xf32>
    %min3A_158 = arith.minimumf %broadcast_in_dim3A_149, %broadcast_in_dim3A_157 : vector<1x1024xf32>
    %eq3A_159 = vector.broadcast %min3A_158 : vector<1x1024xf32> to vector<256x1024xf32>
    %eq3A_160 = arith.cmpf oeq, %min3A_130, %eq3A_159 : vector<256x1024xf32>
    %jit3A_161 = arith.constant 0xFF800000 : f32
    %broadcast_in_dim3A_162 = vector.broadcast %jit3A_161 : f32 to vector<256x1024xf32>
    %select_n3A_163 = arith.select %eq3A_160, %broadcast_in_dim3A_162, %max3A_27 : vector<256x1024xi1>, vector<256x1024xf32>
    %eq3A_164 = vector.broadcast %min3A_158 : vector<1x1024xf32> to vector<8x1024xf32>
    %eq3A_165 = arith.cmpf oeq, %get3A_136, %eq3A_164 : vector<8x1024xf32>
    %jit3A_166 = arith.constant 0xFF800000 : f32
    %broadcast_in_dim3A_167 = vector.broadcast %jit3A_166 : f32 to vector<8x1024xf32>
    %select_n3A_168 = arith.select %eq3A_165, %broadcast_in_dim3A_167, %get3A_133 : vector<8x1024xi1>, vector<8x1024xf32>
    %reduce_max3A_169 = arith.constant dense<0xFF800000> : vector<1024xf32>
    %reduce_max3A_170 = vector.multi_reduction <maximumf>, %select_n3A_163, %reduce_max3A_169 [0] : vector<256x1024xf32> to vector<1024xf32>
    %broadcast_in_dim3A_171 = vector.shape_cast %reduce_max3A_170 : vector<1024xf32> to vector<1x1024xf32>
    %reduce_max3A_172 = arith.constant dense<0xFF800000> : vector<1024xf32>
    %reduce_max3A_173 = vector.multi_reduction <maximumf>, %select_n3A_168, %reduce_max3A_172 [0] : vector<8x1024xf32> to vector<1024xf32>
    %broadcast_in_dim3A_174 = vector.shape_cast %reduce_max3A_173 : vector<1024xf32> to vector<1x1024xf32>
    %max3A_175 = arith.maximumf %broadcast_in_dim3A_171, %broadcast_in_dim3A_174 : vector<1x1024xf32>
    %eq3A_176 = vector.broadcast %max3A_175 : vector<1x1024xf32> to vector<256x1024xf32>
    %eq3A_177 = arith.cmpf oeq, %select_n3A_163, %eq3A_176 : vector<256x1024xf32>
    %jit3A_178 = arith.constant 1.000000e+09 : f32
    %broadcast_in_dim3A_179 = vector.broadcast %jit3A_178 : f32 to vector<256x1024xf32>
    %select_n3A_180 = arith.select %eq3A_177, %min3A_130, %broadcast_in_dim3A_179 : vector<256x1024xi1>, vector<256x1024xf32>
    %reduce_min3A_181 = arith.constant dense<0x7F800000> : vector<1024xf32>
    %reduce_min3A_182 = vector.multi_reduction <minimumf>, %select_n3A_180, %reduce_min3A_181 [0] : vector<256x1024xf32> to vector<1024xf32>
    %broadcast_in_dim3A_183 = vector.shape_cast %reduce_min3A_182 : vector<1024xf32> to vector<1x1024xf32>
    %eq3A_184 = vector.broadcast %max3A_175 : vector<1x1024xf32> to vector<8x1024xf32>
    %eq3A_185 = arith.cmpf oeq, %select_n3A_168, %eq3A_184 : vector<8x1024xf32>
    %jit3A_186 = arith.constant 1.000000e+09 : f32
    %broadcast_in_dim3A_187 = vector.broadcast %jit3A_186 : f32 to vector<8x1024xf32>
    %select_n3A_188 = arith.select %eq3A_185, %get3A_136, %broadcast_in_dim3A_187 : vector<8x1024xi1>, vector<8x1024xf32>
    %reduce_min3A_189 = arith.constant dense<0x7F800000> : vector<1024xf32>
    %reduce_min3A_190 = vector.multi_reduction <minimumf>, %select_n3A_188, %reduce_min3A_189 [0] : vector<8x1024xf32> to vector<1024xf32>
    %broadcast_in_dim3A_191 = vector.shape_cast %reduce_min3A_190 : vector<1024xf32> to vector<1x1024xf32>
    %min3A_192 = arith.minimumf %broadcast_in_dim3A_183, %broadcast_in_dim3A_191 : vector<1x1024xf32>
    %eq3A_193 = vector.broadcast %min3A_192 : vector<1x1024xf32> to vector<256x1024xf32>
    %eq3A_194 = arith.cmpf oeq, %min3A_130, %eq3A_193 : vector<256x1024xf32>
    %jit3A_195 = arith.constant 0xFF800000 : f32
    %broadcast_in_dim3A_196 = vector.broadcast %jit3A_195 : f32 to vector<256x1024xf32>
    %select_n3A_197 = arith.select %eq3A_194, %broadcast_in_dim3A_196, %select_n3A_163 : vector<256x1024xi1>, vector<256x1024xf32>
    %eq3A_198 = vector.broadcast %min3A_192 : vector<1x1024xf32> to vector<8x1024xf32>
    %eq3A_199 = arith.cmpf oeq, %get3A_136, %eq3A_198 : vector<8x1024xf32>
    %jit3A_200 = arith.constant 0xFF800000 : f32
    %broadcast_in_dim3A_201 = vector.broadcast %jit3A_200 : f32 to vector<8x1024xf32>
    %select_n3A_202 = arith.select %eq3A_199, %broadcast_in_dim3A_201, %select_n3A_168 : vector<8x1024xi1>, vector<8x1024xf32>
    %reduce_max3A_203 = arith.constant dense<0xFF800000> : vector<1024xf32>
    %reduce_max3A_204 = vector.multi_reduction <maximumf>, %select_n3A_197, %reduce_max3A_203 [0] : vector<256x1024xf32> to vector<1024xf32>
    %broadcast_in_dim3A_205 = vector.shape_cast %reduce_max3A_204 : vector<1024xf32> to vector<1x1024xf32>
    %reduce_max3A_206 = arith.constant dense<0xFF800000> : vector<1024xf32>
    %reduce_max3A_207 = vector.multi_reduction <maximumf>, %select_n3A_202, %reduce_max3A_206 [0] : vector<8x1024xf32> to vector<1024xf32>
    %broadcast_in_dim3A_208 = vector.shape_cast %reduce_max3A_207 : vector<1024xf32> to vector<1x1024xf32>
    %max3A_209 = arith.maximumf %broadcast_in_dim3A_205, %broadcast_in_dim3A_208 : vector<1x1024xf32>
    %eq3A_210 = vector.broadcast %max3A_209 : vector<1x1024xf32> to vector<256x1024xf32>
    %eq3A_211 = arith.cmpf oeq, %select_n3A_197, %eq3A_210 : vector<256x1024xf32>
    %jit3A_212 = arith.constant 1.000000e+09 : f32
    %broadcast_in_dim3A_213 = vector.broadcast %jit3A_212 : f32 to vector<256x1024xf32>
    %select_n3A_214 = arith.select %eq3A_211, %min3A_130, %broadcast_in_dim3A_213 : vector<256x1024xi1>, vector<256x1024xf32>
    %reduce_min3A_215 = arith.constant dense<0x7F800000> : vector<1024xf32>
    %reduce_min3A_216 = vector.multi_reduction <minimumf>, %select_n3A_214, %reduce_min3A_215 [0] : vector<256x1024xf32> to vector<1024xf32>
    %broadcast_in_dim3A_217 = vector.shape_cast %reduce_min3A_216 : vector<1024xf32> to vector<1x1024xf32>
    %eq3A_218 = vector.broadcast %max3A_209 : vector<1x1024xf32> to vector<8x1024xf32>
    %eq3A_219 = arith.cmpf oeq, %select_n3A_202, %eq3A_218 : vector<8x1024xf32>
    %jit3A_220 = arith.constant 1.000000e+09 : f32
    %broadcast_in_dim3A_221 = vector.broadcast %jit3A_220 : f32 to vector<8x1024xf32>
    %select_n3A_222 = arith.select %eq3A_219, %get3A_136, %broadcast_in_dim3A_221 : vector<8x1024xi1>, vector<8x1024xf32>
    %reduce_min3A_223 = arith.constant dense<0x7F800000> : vector<1024xf32>
    %reduce_min3A_224 = vector.multi_reduction <minimumf>, %select_n3A_222, %reduce_min3A_223 [0] : vector<8x1024xf32> to vector<1024xf32>
    %broadcast_in_dim3A_225 = vector.shape_cast %reduce_min3A_224 : vector<1024xf32> to vector<1x1024xf32>
    %min3A_226 = arith.minimumf %broadcast_in_dim3A_217, %broadcast_in_dim3A_225 : vector<1x1024xf32>
    %eq3A_227 = vector.broadcast %min3A_226 : vector<1x1024xf32> to vector<256x1024xf32>
    %eq3A_228 = arith.cmpf oeq, %min3A_130, %eq3A_227 : vector<256x1024xf32>
    %jit3A_229 = arith.constant 0xFF800000 : f32
    %broadcast_in_dim3A_230 = vector.broadcast %jit3A_229 : f32 to vector<256x1024xf32>
    %select_n3A_231 = arith.select %eq3A_228, %broadcast_in_dim3A_230, %select_n3A_197 : vector<256x1024xi1>, vector<256x1024xf32>
    %eq3A_232 = vector.broadcast %min3A_226 : vector<1x1024xf32> to vector<8x1024xf32>
    %eq3A_233 = arith.cmpf oeq, %get3A_136, %eq3A_232 : vector<8x1024xf32>
    %jit3A_234 = arith.constant 0xFF800000 : f32
    %broadcast_in_dim3A_235 = vector.broadcast %jit3A_234 : f32 to vector<8x1024xf32>
    %select_n3A_236 = arith.select %eq3A_233, %broadcast_in_dim3A_235, %select_n3A_202 : vector<8x1024xi1>, vector<8x1024xf32>
    %reduce_max3A_237 = arith.constant dense<0xFF800000> : vector<1024xf32>
    %reduce_max3A_238 = vector.multi_reduction <maximumf>, %select_n3A_231, %reduce_max3A_237 [0] : vector<256x1024xf32> to vector<1024xf32>
    %broadcast_in_dim3A_239 = vector.shape_cast %reduce_max3A_238 : vector<1024xf32> to vector<1x1024xf32>
    %reduce_max3A_240 = arith.constant dense<0xFF800000> : vector<1024xf32>
    %reduce_max3A_241 = vector.multi_reduction <maximumf>, %select_n3A_236, %reduce_max3A_240 [0] : vector<8x1024xf32> to vector<1024xf32>
    %broadcast_in_dim3A_242 = vector.shape_cast %reduce_max3A_241 : vector<1024xf32> to vector<1x1024xf32>
    %max3A_243 = arith.maximumf %broadcast_in_dim3A_239, %broadcast_in_dim3A_242 : vector<1x1024xf32>
    %eq3A_244 = vector.broadcast %max3A_243 : vector<1x1024xf32> to vector<256x1024xf32>
    %eq3A_245 = arith.cmpf oeq, %select_n3A_231, %eq3A_244 : vector<256x1024xf32>
    %jit3A_246 = arith.constant 1.000000e+09 : f32
    %broadcast_in_dim3A_247 = vector.broadcast %jit3A_246 : f32 to vector<256x1024xf32>
    %select_n3A_248 = arith.select %eq3A_245, %min3A_130, %broadcast_in_dim3A_247 : vector<256x1024xi1>, vector<256x1024xf32>
    %reduce_min3A_249 = arith.constant dense<0x7F800000> : vector<1024xf32>
    %reduce_min3A_250 = vector.multi_reduction <minimumf>, %select_n3A_248, %reduce_min3A_249 [0] : vector<256x1024xf32> to vector<1024xf32>
    %broadcast_in_dim3A_251 = vector.shape_cast %reduce_min3A_250 : vector<1024xf32> to vector<1x1024xf32>
    %eq3A_252 = vector.broadcast %max3A_243 : vector<1x1024xf32> to vector<8x1024xf32>
    %eq3A_253 = arith.cmpf oeq, %select_n3A_236, %eq3A_252 : vector<8x1024xf32>
    %jit3A_254 = arith.constant 1.000000e+09 : f32
    %broadcast_in_dim3A_255 = vector.broadcast %jit3A_254 : f32 to vector<8x1024xf32>
    %select_n3A_256 = arith.select %eq3A_253, %get3A_136, %broadcast_in_dim3A_255 : vector<8x1024xi1>, vector<8x1024xf32>
    %reduce_min3A_257 = arith.constant dense<0x7F800000> : vector<1024xf32>
    %reduce_min3A_258 = vector.multi_reduction <minimumf>, %select_n3A_256, %reduce_min3A_257 [0] : vector<8x1024xf32> to vector<1024xf32>
    %broadcast_in_dim3A_259 = vector.shape_cast %reduce_min3A_258 : vector<1024xf32> to vector<1x1024xf32>
    %min3A_260 = arith.minimumf %broadcast_in_dim3A_251, %broadcast_in_dim3A_259 : vector<1x1024xf32>
    %eq3A_261 = vector.broadcast %min3A_260 : vector<1x1024xf32> to vector<256x1024xf32>
    %eq3A_262 = arith.cmpf oeq, %min3A_130, %eq3A_261 : vector<256x1024xf32>
    %jit3A_263 = arith.constant 0xFF800000 : f32
    %broadcast_in_dim3A_264 = vector.broadcast %jit3A_263 : f32 to vector<256x1024xf32>
    %select_n3A_265 = arith.select %eq3A_262, %broadcast_in_dim3A_264, %select_n3A_231 : vector<256x1024xi1>, vector<256x1024xf32>
    %eq3A_266 = vector.broadcast %min3A_260 : vector<1x1024xf32> to vector<8x1024xf32>
    %eq3A_267 = arith.cmpf oeq, %get3A_136, %eq3A_266 : vector<8x1024xf32>
    %jit3A_268 = arith.constant 0xFF800000 : f32
    %broadcast_in_dim3A_269 = vector.broadcast %jit3A_268 : f32 to vector<8x1024xf32>
    %select_n3A_270 = arith.select %eq3A_267, %broadcast_in_dim3A_269, %select_n3A_236 : vector<8x1024xi1>, vector<8x1024xf32>
    %reduce_max3A_271 = arith.constant dense<0xFF800000> : vector<1024xf32>
    %reduce_max3A_272 = vector.multi_reduction <maximumf>, %select_n3A_265, %reduce_max3A_271 [0] : vector<256x1024xf32> to vector<1024xf32>
    %broadcast_in_dim3A_273 = vector.shape_cast %reduce_max3A_272 : vector<1024xf32> to vector<1x1024xf32>
    %reduce_max3A_274 = arith.constant dense<0xFF800000> : vector<1024xf32>
    %reduce_max3A_275 = vector.multi_reduction <maximumf>, %select_n3A_270, %reduce_max3A_274 [0] : vector<8x1024xf32> to vector<1024xf32>
    %broadcast_in_dim3A_276 = vector.shape_cast %reduce_max3A_275 : vector<1024xf32> to vector<1x1024xf32>
    %max3A_277 = arith.maximumf %broadcast_in_dim3A_273, %broadcast_in_dim3A_276 : vector<1x1024xf32>
    %eq3A_278 = vector.broadcast %max3A_277 : vector<1x1024xf32> to vector<256x1024xf32>
    %eq3A_279 = arith.cmpf oeq, %select_n3A_265, %eq3A_278 : vector<256x1024xf32>
    %jit3A_280 = arith.constant 1.000000e+09 : f32
    %broadcast_in_dim3A_281 = vector.broadcast %jit3A_280 : f32 to vector<256x1024xf32>
    %select_n3A_282 = arith.select %eq3A_279, %min3A_130, %broadcast_in_dim3A_281 : vector<256x1024xi1>, vector<256x1024xf32>
    %reduce_min3A_283 = arith.constant dense<0x7F800000> : vector<1024xf32>
    %reduce_min3A_284 = vector.multi_reduction <minimumf>, %select_n3A_282, %reduce_min3A_283 [0] : vector<256x1024xf32> to vector<1024xf32>
    %broadcast_in_dim3A_285 = vector.shape_cast %reduce_min3A_284 : vector<1024xf32> to vector<1x1024xf32>
    %eq3A_286 = vector.broadcast %max3A_277 : vector<1x1024xf32> to vector<8x1024xf32>
    %eq3A_287 = arith.cmpf oeq, %select_n3A_270, %eq3A_286 : vector<8x1024xf32>
    %jit3A_288 = arith.constant 1.000000e+09 : f32
    %broadcast_in_dim3A_289 = vector.broadcast %jit3A_288 : f32 to vector<8x1024xf32>
    %select_n3A_290 = arith.select %eq3A_287, %get3A_136, %broadcast_in_dim3A_289 : vector<8x1024xi1>, vector<8x1024xf32>
    %reduce_min3A_291 = arith.constant dense<0x7F800000> : vector<1024xf32>
    %reduce_min3A_292 = vector.multi_reduction <minimumf>, %select_n3A_290, %reduce_min3A_291 [0] : vector<8x1024xf32> to vector<1024xf32>
    %broadcast_in_dim3A_293 = vector.shape_cast %reduce_min3A_292 : vector<1024xf32> to vector<1x1024xf32>
    %min3A_294 = arith.minimumf %broadcast_in_dim3A_285, %broadcast_in_dim3A_293 : vector<1x1024xf32>
    %broadcast_in_dim3A_295 = arith.constant 0xFF800000 : f32
    %broadcast_in_dim3A_296 = vector.broadcast %broadcast_in_dim3A_295 : f32 to vector<3x1024xf32>
    %concatenate3A = tpu.concatenate %max3A_142, %max3A_175, %max3A_209, %max3A_243, %max3A_277, %broadcast_in_dim3A_296 in 0 : vector<1x1024xf32>, vector<1x1024xf32>, vector<1x1024xf32>, vector<1x1024xf32>, vector<1x1024xf32>, vector<3x1024xf32> -> vector<8x1024xf32>
    %broadcast_in_dim3A_297 = arith.constant 0.000000e+00 : f32
    %broadcast_in_dim3A_298 = vector.broadcast %broadcast_in_dim3A_297 : f32 to vector<3x1024xf32>
    %concatenate3A_299 = tpu.concatenate %min3A_158, %min3A_192, %min3A_226, %min3A_260, %min3A_294, %broadcast_in_dim3A_298 in 0 : vector<1x1024xf32>, vector<1x1024xf32>, vector<1x1024xf32>, vector<1x1024xf32>, vector<1x1024xf32>, vector<3x1024xf32> -> vector<8x1024xf32>
    %swap3A_300 = arith.constant 0 : index
    %swap3A_301 = arith.constant 0 : index
    %swap3A_302 = vector.load %arg8[%swap3A_300, %swap3A_301] : memref<8x1024xf32, #tpu.memory_space<vmem>>, vector<8x1024xf32>
    tpu.vector_store %arg8[%swap3A_300, %swap3A_301], %concatenate3A {strides = array<i32>} : memref<8x1024xf32, #tpu.memory_space<vmem>>, vector<8x1024xf32>,
    %swap3A_303 = arith.constant 0 : index
    %swap3A_304 = arith.constant 0 : index
    %swap3A_305 = vector.load %arg9[%swap3A_303, %swap3A_304] : memref<8x1024xf32, #tpu.memory_space<vmem>>, vector<8x1024xf32>
    tpu.vector_store %arg9[%swap3A_303, %swap3A_304], %concatenate3A_299 {strides = array<i32>} : memref<8x1024xf32, #tpu.memory_space<vmem>>, vector<8x1024xf32>,
    %eq3A_306 = arith.constant 49 : i32
    %eq3A_307 = arith.cmpi eq, %arg0, %eq3A_306 : i32
    %convert_element_type3A_308 = arith.extui %eq3A_307 : i1 to i32
    %cond3A_309 = arith.constant 0 : i32
    %cond3A_310 = arith.cmpi ne, %convert_element_type3A_308, %cond3A_309 : i32
    scf.if %cond3A_310 {
      %convert_element_type3A_631 = arith.fptosi %concatenate3A_299 : vector<8x1024xf32> to vector<8x1024xi32>
      %swap3A_632 = arith.constant 0 : index
      %swap3A_633 = arith.constant 0 : index
      %swap3A_634 = vector.load %arg4[%swap3A_632, %swap3A_633] : memref<8x1024xi32, #tpu.memory_space<vmem>>, vector<8x1024xi32>
      tpu.vector_store %arg4[%swap3A_632, %swap3A_633], %convert_element_type3A_631 {strides = array<i32>} : memref<8x1024xi32, #tpu.memory_space<vmem>>, vector<8x1024xi32>,
    } else {
    }
    %get3A_311 = arith.constant 0 : index
    %get3A_312 = arith.constant 0 : index
    %get3A_313 = vector.load %arg3[%get3A_311, %get3A_312] : memref<2000x128xf32, #tpu.memory_space<vmem>>, vector<2000x128xf32>
    %mul3A_314 = arith.mulf %get3A_313, %get3A_313 : vector<2000x128xf32>
    %reduce_sum3A_315 = arith.constant dense<0.000000e+00> : vector<2000xf32>
    %reduce_sum3A_316 = vector.multi_reduction <add>, %mul3A_314, %reduce_sum3A_315 [1] : vector<2000x128xf32> to vector<2000xf32>
    %broadcast_in_dim3A_317 = vector.shape_cast %reduce_sum3A_316 : vector<2000xf32> to vector<2000x1xf32>
    %sqrt3A_318 = math.sqrt %broadcast_in_dim3A_317 : vector<2000x1xf32>
    %add3A_319 = arith.constant 9.99999993E-9 : f32
    %add3A_320 = vector.broadcast %add3A_319 : f32 to vector<2000x1xf32>
    %add3A_321 = arith.addf %sqrt3A_318, %add3A_320 : vector<2000x1xf32>
    %div3A_322 = vector.broadcast %add3A_321 : vector<2000x1xf32> to vector<2000x128xf32>
    %div3A_323 = arith.divf %get3A_313, %div3A_322 : vector<2000x128xf32>
    %dot_general3A_324 = arith.constant dense<0.000000e+00> : vector<2000x1024xf32>
    %dot_general3A_325 = tpu.matmul %div3A_323, %get3A_3, %dot_general3A_324 {dimension_numbers = #tpu.dot_dimension_numbers<[1], [0], [0], [1], [0, 0, 1, 1], [], []>, transpose_lhs_hint = false} : vector<2000x128xf32>, vector<128x1024xf32>, vector<2000x1024xf32> -> vector<2000x1024xf32>
    %swap3A_326 = arith.constant 0 : index
    %swap3A_327 = arith.constant 0 : index
    %swap3A_328 = vector.load %arg7[%swap3A_326, %swap3A_327] : memref<2048x1024xf32, #tpu.memory_space<vmem>>, vector<2000x1024xf32>
    tpu.vector_store %arg7[%swap3A_326, %swap3A_327], %dot_general3A_325 {strides = array<i32>} : memref<2048x1024xf32, #tpu.memory_space<vmem>>, vector<2000x1024xf32>,
    %get3A_329 = arith.constant 0 : index
    %get3A_330 = arith.constant 0 : index
    %get3A_331 = vector.load %arg7[%get3A_329, %get3A_330] : memref<2048x1024xf32, #tpu.memory_space<vmem>>, vector<1024x1024xf32>
    %get3A_332 = arith.constant 1024 : index
    %get3A_333 = arith.constant 0 : index
    %get3A_334 = vector.load %arg7[%get3A_332, %get3A_333] : memref<2048x1024xf32, #tpu.memory_space<vmem>>, vector<1024x1024xf32>
    %max3A_335 = arith.maximumf %get3A_331, %get3A_334 : vector<1024x1024xf32>
    %slice3A_336 = vector.extract_strided_slice %max3A_335 {offsets = [0, 0], sizes = [512, 1024], strides = [1, 1]} : vector<1024x1024xf32> to vector<512x1024xf32>
    %slice3A_337 = vector.extract_strided_slice %max3A_335 {offsets = [512, 0], sizes = [512, 1024], strides = [1, 1]} : vector<1024x1024xf32> to vector<512x1024xf32>
    %max3A_338 = arith.maximumf %slice3A_336, %slice3A_337 : vector<512x1024xf32>
    %slice3A_339 = vector.extract_strided_slice %max3A_338 {offsets = [0, 0], sizes = [256, 1024], strides = [1, 1]} : vector<512x1024xf32> to vector<256x1024xf32>
    %slice3A_340 = vector.extract_strided_slice %max3A_338 {offsets = [256, 0], sizes = [256, 1024], strides = [1, 1]} : vector<512x1024xf32> to vector<256x1024xf32>
    %max3A_341 = arith.maximumf %slice3A_339, %slice3A_340 : vector<256x1024xf32>
    %broadcast_in_dim3A_342 = arith.constant 1.000000e+09 : f32
    %broadcast_in_dim3A_343 = vector.broadcast %broadcast_in_dim3A_342 : f32 to vector<256x1024xf32>
    %add3A_344 = arith.constant 0 : i32
    %add3A_345 = arith.addi %mul3A_4, %add3A_344 : i32
    %convert_element_type3A_346 = arith.sitofp %add3A_345 : i32 to f32
    %add3A_347 = vector.broadcast %convert_element_type3A_346 : f32 to vector<256x1024xf32>
    %add3A_348 = arith.addf %convert_element_type3A_5, %add3A_347 : vector<256x1024xf32>
    %get3A_349 = arith.constant 0 : index
    %get3A_350 = arith.constant 0 : index
    %get3A_351 = vector.load %arg7[%get3A_349, %get3A_350] : memref<2048x1024xf32, #tpu.memory_space<vmem>>, vector<256x1024xf32>
    %eq3A_352 = arith.cmpf oeq, %get3A_351, %max3A_341 : vector<256x1024xf32>
    %jit3A_353 = arith.constant 1.000000e+09 : f32
    %broadcast_in_dim3A_354 = vector.broadcast %jit3A_353 : f32 to vector<256x1024xf32>
    %select_n3A_355 = arith.select %eq3A_352, %add3A_348, %broadcast_in_dim3A_354 : vector<256x1024xi1>, vector<256x1024xf32>
    %min3A_356 = arith.minimumf %broadcast_in_dim3A_343, %select_n3A_355 : vector<256x1024xf32>
    %add3A_357 = arith.constant 256 : i32
    %add3A_358 = arith.addi %mul3A_4, %add3A_357 : i32
    %convert_element_type3A_359 = arith.sitofp %add3A_358 : i32 to f32
    %add3A_360 = vector.broadcast %convert_element_type3A_359 : f32 to vector<256x1024xf32>
    %add3A_361 = arith.addf %convert_element_type3A_5, %add3A_360 : vector<256x1024xf32>
    %get3A_362 = arith.constant 256 : index
    %get3A_363 = arith.constant 0 : index
    %get3A_364 = vector.load %arg7[%get3A_362, %get3A_363] : memref<2048x1024xf32, #tpu.memory_space<vmem>>, vector<256x1024xf32>
    %eq3A_365 = arith.cmpf oeq, %get3A_364, %max3A_341 : vector<256x1024xf32>
    %jit3A_366 = arith.constant 1.000000e+09 : f32
    %broadcast_in_dim3A_367 = vector.broadcast %jit3A_366 : f32 to vector<256x1024xf32>
    %select_n3A_368 = arith.select %eq3A_365, %add3A_361, %broadcast_in_dim3A_367 : vector<256x1024xi1>, vector<256x1024xf32>
    %min3A_369 = arith.minimumf %min3A_356, %select_n3A_368 : vector<256x1024xf32>
    %add3A_370 = arith.constant 512 : i32
    %add3A_371 = arith.addi %mul3A_4, %add3A_370 : i32
    %convert_element_type3A_372 = arith.sitofp %add3A_371 : i32 to f32
    %add3A_373 = vector.broadcast %convert_element_type3A_372 : f32 to vector<256x1024xf32>
    %add3A_374 = arith.addf %convert_element_type3A_5, %add3A_373 : vector<256x1024xf32>
    %get3A_375 = arith.constant 512 : index
    %get3A_376 = arith.constant 0 : index
    %get3A_377 = vector.load %arg7[%get3A_375, %get3A_376] : memref<2048x1024xf32, #tpu.memory_space<vmem>>, vector<256x1024xf32>
    %eq3A_378 = arith.cmpf oeq, %get3A_377, %max3A_341 : vector<256x1024xf32>
    %jit3A_379 = arith.constant 1.000000e+09 : f32
    %broadcast_in_dim3A_380 = vector.broadcast %jit3A_379 : f32 to vector<256x1024xf32>
    %select_n3A_381 = arith.select %eq3A_378, %add3A_374, %broadcast_in_dim3A_380 : vector<256x1024xi1>, vector<256x1024xf32>
    %min3A_382 = arith.minimumf %min3A_369, %select_n3A_381 : vector<256x1024xf32>
    %add3A_383 = arith.constant 768 : i32
    %add3A_384 = arith.addi %mul3A_4, %add3A_383 : i32
    %convert_element_type3A_385 = arith.sitofp %add3A_384 : i32 to f32
    %add3A_386 = vector.broadcast %convert_element_type3A_385 : f32 to vector<256x1024xf32>
    %add3A_387 = arith.addf %convert_element_type3A_5, %add3A_386 : vector<256x1024xf32>
    %get3A_388 = arith.constant 768 : index
    %get3A_389 = arith.constant 0 : index
    %get3A_390 = vector.load %arg7[%get3A_388, %get3A_389] : memref<2048x1024xf32, #tpu.memory_space<vmem>>, vector<256x1024xf32>
    %eq3A_391 = arith.cmpf oeq, %get3A_390, %max3A_341 : vector<256x1024xf32>
    %jit3A_392 = arith.constant 1.000000e+09 : f32
    %broadcast_in_dim3A_393 = vector.broadcast %jit3A_392 : f32 to vector<256x1024xf32>
    %select_n3A_394 = arith.select %eq3A_391, %add3A_387, %broadcast_in_dim3A_393 : vector<256x1024xi1>, vector<256x1024xf32>
    %min3A_395 = arith.minimumf %min3A_382, %select_n3A_394 : vector<256x1024xf32>
    %add3A_396 = arith.constant 1024 : i32
    %add3A_397 = arith.addi %mul3A_4, %add3A_396 : i32
    %convert_element_type3A_398 = arith.sitofp %add3A_397 : i32 to f32
    %add3A_399 = vector.broadcast %convert_element_type3A_398 : f32 to vector<256x1024xf32>
    %add3A_400 = arith.addf %convert_element_type3A_5, %add3A_399 : vector<256x1024xf32>
    %get3A_401 = arith.constant 1024 : index
    %get3A_402 = arith.constant 0 : index
    %get3A_403 = vector.load %arg7[%get3A_401, %get3A_402] : memref<2048x1024xf32, #tpu.memory_space<vmem>>, vector<256x1024xf32>
    %eq3A_404 = arith.cmpf oeq, %get3A_403, %max3A_341 : vector<256x1024xf32>
    %jit3A_405 = arith.constant 1.000000e+09 : f32
    %broadcast_in_dim3A_406 = vector.broadcast %jit3A_405 : f32 to vector<256x1024xf32>
    %select_n3A_407 = arith.select %eq3A_404, %add3A_400, %broadcast_in_dim3A_406 : vector<256x1024xi1>, vector<256x1024xf32>
    %min3A_408 = arith.minimumf %min3A_395, %select_n3A_407 : vector<256x1024xf32>
    %add3A_409 = arith.constant 1280 : i32
    %add3A_410 = arith.addi %mul3A_4, %add3A_409 : i32
    %convert_element_type3A_411 = arith.sitofp %add3A_410 : i32 to f32
    %add3A_412 = vector.broadcast %convert_element_type3A_411 : f32 to vector<256x1024xf32>
    %add3A_413 = arith.addf %convert_element_type3A_5, %add3A_412 : vector<256x1024xf32>
    %get3A_414 = arith.constant 1280 : index
    %get3A_415 = arith.constant 0 : index
    %get3A_416 = vector.load %arg7[%get3A_414, %get3A_415] : memref<2048x1024xf32, #tpu.memory_space<vmem>>, vector<256x1024xf32>
    %eq3A_417 = arith.cmpf oeq, %get3A_416, %max3A_341 : vector<256x1024xf32>
    %jit3A_418 = arith.constant 1.000000e+09 : f32
    %broadcast_in_dim3A_419 = vector.broadcast %jit3A_418 : f32 to vector<256x1024xf32>
    %select_n3A_420 = arith.select %eq3A_417, %add3A_413, %broadcast_in_dim3A_419 : vector<256x1024xi1>, vector<256x1024xf32>
    %min3A_421 = arith.minimumf %min3A_408, %select_n3A_420 : vector<256x1024xf32>
    %add3A_422 = arith.constant 1536 : i32
    %add3A_423 = arith.addi %mul3A_4, %add3A_422 : i32
    %convert_element_type3A_424 = arith.sitofp %add3A_423 : i32 to f32
    %add3A_425 = vector.broadcast %convert_element_type3A_424 : f32 to vector<256x1024xf32>
    %add3A_426 = arith.addf %convert_element_type3A_5, %add3A_425 : vector<256x1024xf32>
    %get3A_427 = arith.constant 1536 : index
    %get3A_428 = arith.constant 0 : index
    %get3A_429 = vector.load %arg7[%get3A_427, %get3A_428] : memref<2048x1024xf32, #tpu.memory_space<vmem>>, vector<256x1024xf32>
    %eq3A_430 = arith.cmpf oeq, %get3A_429, %max3A_341 : vector<256x1024xf32>
    %jit3A_431 = arith.constant 1.000000e+09 : f32
    %broadcast_in_dim3A_432 = vector.broadcast %jit3A_431 : f32 to vector<256x1024xf32>
    %select_n3A_433 = arith.select %eq3A_430, %add3A_426, %broadcast_in_dim3A_432 : vector<256x1024xi1>, vector<256x1024xf32>
    %min3A_434 = arith.minimumf %min3A_421, %select_n3A_433 : vector<256x1024xf32>
    %add3A_435 = arith.constant 1792 : i32
    %add3A_436 = arith.addi %mul3A_4, %add3A_435 : i32
    %convert_element_type3A_437 = arith.sitofp %add3A_436 : i32 to f32
    %add3A_438 = vector.broadcast %convert_element_type3A_437 : f32 to vector<256x1024xf32>
    %add3A_439 = arith.addf %convert_element_type3A_5, %add3A_438 : vector<256x1024xf32>
    %get3A_440 = arith.constant 1792 : index
    %get3A_441 = arith.constant 0 : index
    %get3A_442 = vector.load %arg7[%get3A_440, %get3A_441] : memref<2048x1024xf32, #tpu.memory_space<vmem>>, vector<256x1024xf32>
    %eq3A_443 = arith.cmpf oeq, %get3A_442, %max3A_341 : vector<256x1024xf32>
    %jit3A_444 = arith.constant 1.000000e+09 : f32
    %broadcast_in_dim3A_445 = vector.broadcast %jit3A_444 : f32 to vector<256x1024xf32>
    %select_n3A_446 = arith.select %eq3A_443, %add3A_439, %broadcast_in_dim3A_445 : vector<256x1024xi1>, vector<256x1024xf32>
    %min3A_447 = arith.minimumf %min3A_434, %select_n3A_446 : vector<256x1024xf32>
    %get3A_448 = arith.constant 0 : index
    %get3A_449 = arith.constant 0 : index
    %get3A_450 = vector.load %arg10[%get3A_448, %get3A_449] : memref<8x1024xf32, #tpu.memory_space<vmem>>, vector<8x1024xf32>
    %get3A_451 = arith.constant 0 : index
    %get3A_452 = arith.constant 0 : index
    %get3A_453 = vector.load %arg11[%get3A_451, %get3A_452] : memref<8x1024xf32, #tpu.memory_space<vmem>>, vector<8x1024xf32>
    %reduce_max3A_454 = arith.constant dense<0xFF800000> : vector<1024xf32>
    %reduce_max3A_455 = vector.multi_reduction <maximumf>, %max3A_341, %reduce_max3A_454 [0] : vector<256x1024xf32> to vector<1024xf32>
    %broadcast_in_dim3A_456 = vector.shape_cast %reduce_max3A_455 : vector<1024xf32> to vector<1x1024xf32>
    %reduce_max3A_457 = arith.constant dense<0xFF800000> : vector<1024xf32>
    %reduce_max3A_458 = vector.multi_reduction <maximumf>, %get3A_450, %reduce_max3A_457 [0] : vector<8x1024xf32> to vector<1024xf32>
    %broadcast_in_dim3A_459 = vector.shape_cast %reduce_max3A_458 : vector<1024xf32> to vector<1x1024xf32>
    %max3A_460 = arith.maximumf %broadcast_in_dim3A_456, %broadcast_in_dim3A_459 : vector<1x1024xf32>
    %eq3A_461 = vector.broadcast %max3A_460 : vector<1x1024xf32> to vector<256x1024xf32>
    %eq3A_462 = arith.cmpf oeq, %max3A_341, %eq3A_461 : vector<256x1024xf32>
    %jit3A_463 = arith.constant 1.000000e+09 : f32
    %broadcast_in_dim3A_464 = vector.broadcast %jit3A_463 : f32 to vector<256x1024xf32>
    %select_n3A_465 = arith.select %eq3A_462, %min3A_447, %broadcast_in_dim3A_464 : vector<256x1024xi1>, vector<256x1024xf32>
    %reduce_min3A_466 = arith.constant dense<0x7F800000> : vector<1024xf32>
    %reduce_min3A_467 = vector.multi_reduction <minimumf>, %select_n3A_465, %reduce_min3A_466 [0] : vector<256x1024xf32> to vector<1024xf32>
    %broadcast_in_dim3A_468 = vector.shape_cast %reduce_min3A_467 : vector<1024xf32> to vector<1x1024xf32>
    %eq3A_469 = vector.broadcast %max3A_460 : vector<1x1024xf32> to vector<8x1024xf32>
    %eq3A_470 = arith.cmpf oeq, %get3A_450, %eq3A_469 : vector<8x1024xf32>
    %jit3A_471 = arith.constant 1.000000e+09 : f32
    %broadcast_in_dim3A_472 = vector.broadcast %jit3A_471 : f32 to vector<8x1024xf32>
    %select_n3A_473 = arith.select %eq3A_470, %get3A_453, %broadcast_in_dim3A_472 : vector<8x1024xi1>, vector<8x1024xf32>
    %reduce_min3A_474 = arith.constant dense<0x7F800000> : vector<1024xf32>
    %reduce_min3A_475 = vector.multi_reduction <minimumf>, %select_n3A_473, %reduce_min3A_474 [0] : vector<8x1024xf32> to vector<1024xf32>
    %broadcast_in_dim3A_476 = vector.shape_cast %reduce_min3A_475 : vector<1024xf32> to vector<1x1024xf32>
    %min3A_477 = arith.minimumf %broadcast_in_dim3A_468, %broadcast_in_dim3A_476 : vector<1x1024xf32>
    %eq3A_478 = vector.broadcast %min3A_477 : vector<1x1024xf32> to vector<256x1024xf32>
    %eq3A_479 = arith.cmpf oeq, %min3A_447, %eq3A_478 : vector<256x1024xf32>
    %jit3A_480 = arith.constant 0xFF800000 : f32
    %broadcast_in_dim3A_481 = vector.broadcast %jit3A_480 : f32 to vector<256x1024xf32>
    %select_n3A_482 = arith.select %eq3A_479, %broadcast_in_dim3A_481, %max3A_341 : vector<256x1024xi1>, vector<256x1024xf32>
    %eq3A_483 = vector.broadcast %min3A_477 : vector<1x1024xf32> to vector<8x1024xf32>
    %eq3A_484 = arith.cmpf oeq, %get3A_453, %eq3A_483 : vector<8x1024xf32>
    %jit3A_485 = arith.constant 0xFF800000 : f32
    %broadcast_in_dim3A_486 = vector.broadcast %jit3A_485 : f32 to vector<8x1024xf32>
    %select_n3A_487 = arith.select %eq3A_484, %broadcast_in_dim3A_486, %get3A_450 : vector<8x1024xi1>, vector<8x1024xf32>
    %reduce_max3A_488 = arith.constant dense<0xFF800000> : vector<1024xf32>
    %reduce_max3A_489 = vector.multi_reduction <maximumf>, %select_n3A_482, %reduce_max3A_488 [0] : vector<256x1024xf32> to vector<1024xf32>
    %broadcast_in_dim3A_490 = vector.shape_cast %reduce_max3A_489 : vector<1024xf32> to vector<1x1024xf32>
    %reduce_max3A_491 = arith.constant dense<0xFF800000> : vector<1024xf32>
    %reduce_max3A_492 = vector.multi_reduction <maximumf>, %select_n3A_487, %reduce_max3A_491 [0] : vector<8x1024xf32> to vector<1024xf32>
    %broadcast_in_dim3A_493 = vector.shape_cast %reduce_max3A_492 : vector<1024xf32> to vector<1x1024xf32>
    %max3A_494 = arith.maximumf %broadcast_in_dim3A_490, %broadcast_in_dim3A_493 : vector<1x1024xf32>
    %eq3A_495 = vector.broadcast %max3A_494 : vector<1x1024xf32> to vector<256x1024xf32>
    %eq3A_496 = arith.cmpf oeq, %select_n3A_482, %eq3A_495 : vector<256x1024xf32>
    %jit3A_497 = arith.constant 1.000000e+09 : f32
    %broadcast_in_dim3A_498 = vector.broadcast %jit3A_497 : f32 to vector<256x1024xf32>
    %select_n3A_499 = arith.select %eq3A_496, %min3A_447, %broadcast_in_dim3A_498 : vector<256x1024xi1>, vector<256x1024xf32>
    %reduce_min3A_500 = arith.constant dense<0x7F800000> : vector<1024xf32>
    %reduce_min3A_501 = vector.multi_reduction <minimumf>, %select_n3A_499, %reduce_min3A_500 [0] : vector<256x1024xf32> to vector<1024xf32>
    %broadcast_in_dim3A_502 = vector.shape_cast %reduce_min3A_501 : vector<1024xf32> to vector<1x1024xf32>
    %eq3A_503 = vector.broadcast %max3A_494 : vector<1x1024xf32> to vector<8x1024xf32>
    %eq3A_504 = arith.cmpf oeq, %select_n3A_487, %eq3A_503 : vector<8x1024xf32>
    %jit3A_505 = arith.constant 1.000000e+09 : f32
    %broadcast_in_dim3A_506 = vector.broadcast %jit3A_505 : f32 to vector<8x1024xf32>
    %select_n3A_507 = arith.select %eq3A_504, %get3A_453, %broadcast_in_dim3A_506 : vector<8x1024xi1>, vector<8x1024xf32>
    %reduce_min3A_508 = arith.constant dense<0x7F800000> : vector<1024xf32>
    %reduce_min3A_509 = vector.multi_reduction <minimumf>, %select_n3A_507, %reduce_min3A_508 [0] : vector<8x1024xf32> to vector<1024xf32>
    %broadcast_in_dim3A_510 = vector.shape_cast %reduce_min3A_509 : vector<1024xf32> to vector<1x1024xf32>
    %min3A_511 = arith.minimumf %broadcast_in_dim3A_502, %broadcast_in_dim3A_510 : vector<1x1024xf32>
    %eq3A_512 = vector.broadcast %min3A_511 : vector<1x1024xf32> to vector<256x1024xf32>
    %eq3A_513 = arith.cmpf oeq, %min3A_447, %eq3A_512 : vector<256x1024xf32>
    %jit3A_514 = arith.constant 0xFF800000 : f32
    %broadcast_in_dim3A_515 = vector.broadcast %jit3A_514 : f32 to vector<256x1024xf32>
    %select_n3A_516 = arith.select %eq3A_513, %broadcast_in_dim3A_515, %select_n3A_482 : vector<256x1024xi1>, vector<256x1024xf32>
    %eq3A_517 = vector.broadcast %min3A_511 : vector<1x1024xf32> to vector<8x1024xf32>
    %eq3A_518 = arith.cmpf oeq, %get3A_453, %eq3A_517 : vector<8x1024xf32>
    %jit3A_519 = arith.constant 0xFF800000 : f32
    %broadcast_in_dim3A_520 = vector.broadcast %jit3A_519 : f32 to vector<8x1024xf32>
    %select_n3A_521 = arith.select %eq3A_518, %broadcast_in_dim3A_520, %select_n3A_487 : vector<8x1024xi1>, vector<8x1024xf32>
    %reduce_max3A_522 = arith.constant dense<0xFF800000> : vector<1024xf32>
    %reduce_max3A_523 = vector.multi_reduction <maximumf>, %select_n3A_516, %reduce_max3A_522 [0] : vector<256x1024xf32> to vector<1024xf32>
    %broadcast_in_dim3A_524 = vector.shape_cast %reduce_max3A_523 : vector<1024xf32> to vector<1x1024xf32>
    %reduce_max3A_525 = arith.constant dense<0xFF800000> : vector<1024xf32>
    %reduce_max3A_526 = vector.multi_reduction <maximumf>, %select_n3A_521, %reduce_max3A_525 [0] : vector<8x1024xf32> to vector<1024xf32>
    %broadcast_in_dim3A_527 = vector.shape_cast %reduce_max3A_526 : vector<1024xf32> to vector<1x1024xf32>
    %max3A_528 = arith.maximumf %broadcast_in_dim3A_524, %broadcast_in_dim3A_527 : vector<1x1024xf32>
    %eq3A_529 = vector.broadcast %max3A_528 : vector<1x1024xf32> to vector<256x1024xf32>
    %eq3A_530 = arith.cmpf oeq, %select_n3A_516, %eq3A_529 : vector<256x1024xf32>
    %jit3A_531 = arith.constant 1.000000e+09 : f32
    %broadcast_in_dim3A_532 = vector.broadcast %jit3A_531 : f32 to vector<256x1024xf32>
    %select_n3A_533 = arith.select %eq3A_530, %min3A_447, %broadcast_in_dim3A_532 : vector<256x1024xi1>, vector<256x1024xf32>
    %reduce_min3A_534 = arith.constant dense<0x7F800000> : vector<1024xf32>
    %reduce_min3A_535 = vector.multi_reduction <minimumf>, %select_n3A_533, %reduce_min3A_534 [0] : vector<256x1024xf32> to vector<1024xf32>
    %broadcast_in_dim3A_536 = vector.shape_cast %reduce_min3A_535 : vector<1024xf32> to vector<1x1024xf32>
    %eq3A_537 = vector.broadcast %max3A_528 : vector<1x1024xf32> to vector<8x1024xf32>
    %eq3A_538 = arith.cmpf oeq, %select_n3A_521, %eq3A_537 : vector<8x1024xf32>
    %jit3A_539 = arith.constant 1.000000e+09 : f32
    %broadcast_in_dim3A_540 = vector.broadcast %jit3A_539 : f32 to vector<8x1024xf32>
    %select_n3A_541 = arith.select %eq3A_538, %get3A_453, %broadcast_in_dim3A_540 : vector<8x1024xi1>, vector<8x1024xf32>
    %reduce_min3A_542 = arith.constant dense<0x7F800000> : vector<1024xf32>
    %reduce_min3A_543 = vector.multi_reduction <minimumf>, %select_n3A_541, %reduce_min3A_542 [0] : vector<8x1024xf32> to vector<1024xf32>
    %broadcast_in_dim3A_544 = vector.shape_cast %reduce_min3A_543 : vector<1024xf32> to vector<1x1024xf32>
    %min3A_545 = arith.minimumf %broadcast_in_dim3A_536, %broadcast_in_dim3A_544 : vector<1x1024xf32>
    %eq3A_546 = vector.broadcast %min3A_545 : vector<1x1024xf32> to vector<256x1024xf32>
    %eq3A_547 = arith.cmpf oeq, %min3A_447, %eq3A_546 : vector<256x1024xf32>
    %jit3A_548 = arith.constant 0xFF800000 : f32
    %broadcast_in_dim3A_549 = vector.broadcast %jit3A_548 : f32 to vector<256x1024xf32>
    %select_n3A_550 = arith.select %eq3A_547, %broadcast_in_dim3A_549, %select_n3A_516 : vector<256x1024xi1>, vector<256x1024xf32>
    %eq3A_551 = vector.broadcast %min3A_545 : vector<1x1024xf32> to vector<8x1024xf32>
    %eq3A_552 = arith.cmpf oeq, %get3A_453, %eq3A_551 : vector<8x1024xf32>
    %jit3A_553 = arith.constant 0xFF800000 : f32
    %broadcast_in_dim3A_554 = vector.broadcast %jit3A_553 : f32 to vector<8x1024xf32>
    %select_n3A_555 = arith.select %eq3A_552, %broadcast_in_dim3A_554, %select_n3A_521 : vector<8x1024xi1>, vector<8x1024xf32>
    %reduce_max3A_556 = arith.constant dense<0xFF800000> : vector<1024xf32>
    %reduce_max3A_557 = vector.multi_reduction <maximumf>, %select_n3A_550, %reduce_max3A_556 [0] : vector<256x1024xf32> to vector<1024xf32>
    %broadcast_in_dim3A_558 = vector.shape_cast %reduce_max3A_557 : vector<1024xf32> to vector<1x1024xf32>
    %reduce_max3A_559 = arith.constant dense<0xFF800000> : vector<1024xf32>
    %reduce_max3A_560 = vector.multi_reduction <maximumf>, %select_n3A_555, %reduce_max3A_559 [0] : vector<8x1024xf32> to vector<1024xf32>
    %broadcast_in_dim3A_561 = vector.shape_cast %reduce_max3A_560 : vector<1024xf32> to vector<1x1024xf32>
    %max3A_562 = arith.maximumf %broadcast_in_dim3A_558, %broadcast_in_dim3A_561 : vector<1x1024xf32>
    %eq3A_563 = vector.broadcast %max3A_562 : vector<1x1024xf32> to vector<256x1024xf32>
    %eq3A_564 = arith.cmpf oeq, %select_n3A_550, %eq3A_563 : vector<256x1024xf32>
    %jit3A_565 = arith.constant 1.000000e+09 : f32
    %broadcast_in_dim3A_566 = vector.broadcast %jit3A_565 : f32 to vector<256x1024xf32>
    %select_n3A_567 = arith.select %eq3A_564, %min3A_447, %broadcast_in_dim3A_566 : vector<256x1024xi1>, vector<256x1024xf32>
    %reduce_min3A_568 = arith.constant dense<0x7F800000> : vector<1024xf32>
    %reduce_min3A_569 = vector.multi_reduction <minimumf>, %select_n3A_567, %reduce_min3A_568 [0] : vector<256x1024xf32> to vector<1024xf32>
    %broadcast_in_dim3A_570 = vector.shape_cast %reduce_min3A_569 : vector<1024xf32> to vector<1x1024xf32>
    %eq3A_571 = vector.broadcast %max3A_562 : vector<1x1024xf32> to vector<8x1024xf32>
    %eq3A_572 = arith.cmpf oeq, %select_n3A_555, %eq3A_571 : vector<8x1024xf32>
    %jit3A_573 = arith.constant 1.000000e+09 : f32
    %broadcast_in_dim3A_574 = vector.broadcast %jit3A_573 : f32 to vector<8x1024xf32>
    %select_n3A_575 = arith.select %eq3A_572, %get3A_453, %broadcast_in_dim3A_574 : vector<8x1024xi1>, vector<8x1024xf32>
    %reduce_min3A_576 = arith.constant dense<0x7F800000> : vector<1024xf32>
    %reduce_min3A_577 = vector.multi_reduction <minimumf>, %select_n3A_575, %reduce_min3A_576 [0] : vector<8x1024xf32> to vector<1024xf32>
    %broadcast_in_dim3A_578 = vector.shape_cast %reduce_min3A_577 : vector<1024xf32> to vector<1x1024xf32>
    %min3A_579 = arith.minimumf %broadcast_in_dim3A_570, %broadcast_in_dim3A_578 : vector<1x1024xf32>
    %eq3A_580 = vector.broadcast %min3A_579 : vector<1x1024xf32> to vector<256x1024xf32>
    %eq3A_581 = arith.cmpf oeq, %min3A_447, %eq3A_580 : vector<256x1024xf32>
    %jit3A_582 = arith.constant 0xFF800000 : f32
    %broadcast_in_dim3A_583 = vector.broadcast %jit3A_582 : f32 to vector<256x1024xf32>
    %select_n3A_584 = arith.select %eq3A_581, %broadcast_in_dim3A_583, %select_n3A_550 : vector<256x1024xi1>, vector<256x1024xf32>
    %eq3A_585 = vector.broadcast %min3A_579 : vector<1x1024xf32> to vector<8x1024xf32>
    %eq3A_586 = arith.cmpf oeq, %get3A_453, %eq3A_585 : vector<8x1024xf32>
    %jit3A_587 = arith.constant 0xFF800000 : f32
    %broadcast_in_dim3A_588 = vector.broadcast %jit3A_587 : f32 to vector<8x1024xf32>
    %select_n3A_589 = arith.select %eq3A_586, %broadcast_in_dim3A_588, %select_n3A_555 : vector<8x1024xi1>, vector<8x1024xf32>
    %reduce_max3A_590 = arith.constant dense<0xFF800000> : vector<1024xf32>
    %reduce_max3A_591 = vector.multi_reduction <maximumf>, %select_n3A_584, %reduce_max3A_590 [0] : vector<256x1024xf32> to vector<1024xf32>
    %broadcast_in_dim3A_592 = vector.shape_cast %reduce_max3A_591 : vector<1024xf32> to vector<1x1024xf32>
    %reduce_max3A_593 = arith.constant dense<0xFF800000> : vector<1024xf32>
    %reduce_max3A_594 = vector.multi_reduction <maximumf>, %select_n3A_589, %reduce_max3A_593 [0] : vector<8x1024xf32> to vector<1024xf32>
    %broadcast_in_dim3A_595 = vector.shape_cast %reduce_max3A_594 : vector<1024xf32> to vector<1x1024xf32>
    %max3A_596 = arith.maximumf %broadcast_in_dim3A_592, %broadcast_in_dim3A_595 : vector<1x1024xf32>
    %eq3A_597 = vector.broadcast %max3A_596 : vector<1x1024xf32> to vector<256x1024xf32>
    %eq3A_598 = arith.cmpf oeq, %select_n3A_584, %eq3A_597 : vector<256x1024xf32>
    %jit3A_599 = arith.constant 1.000000e+09 : f32
    %broadcast_in_dim3A_600 = vector.broadcast %jit3A_599 : f32 to vector<256x1024xf32>
    %select_n3A_601 = arith.select %eq3A_598, %min3A_447, %broadcast_in_dim3A_600 : vector<256x1024xi1>, vector<256x1024xf32>
    %reduce_min3A_602 = arith.constant dense<0x7F800000> : vector<1024xf32>
    %reduce_min3A_603 = vector.multi_reduction <minimumf>, %select_n3A_601, %reduce_min3A_602 [0] : vector<256x1024xf32> to vector<1024xf32>
    %broadcast_in_dim3A_604 = vector.shape_cast %reduce_min3A_603 : vector<1024xf32> to vector<1x1024xf32>
    %eq3A_605 = vector.broadcast %max3A_596 : vector<1x1024xf32> to vector<8x1024xf32>
    %eq3A_606 = arith.cmpf oeq, %select_n3A_589, %eq3A_605 : vector<8x1024xf32>
    %jit3A_607 = arith.constant 1.000000e+09 : f32
    %broadcast_in_dim3A_608 = vector.broadcast %jit3A_607 : f32 to vector<8x1024xf32>
    %select_n3A_609 = arith.select %eq3A_606, %get3A_453, %broadcast_in_dim3A_608 : vector<8x1024xi1>, vector<8x1024xf32>
    %reduce_min3A_610 = arith.constant dense<0x7F800000> : vector<1024xf32>
    %reduce_min3A_611 = vector.multi_reduction <minimumf>, %select_n3A_609, %reduce_min3A_610 [0] : vector<8x1024xf32> to vector<1024xf32>
    %broadcast_in_dim3A_612 = vector.shape_cast %reduce_min3A_611 : vector<1024xf32> to vector<1x1024xf32>
    %min3A_613 = arith.minimumf %broadcast_in_dim3A_604, %broadcast_in_dim3A_612 : vector<1x1024xf32>
    %broadcast_in_dim3A_614 = arith.constant 0xFF800000 : f32
    %broadcast_in_dim3A_615 = vector.broadcast %broadcast_in_dim3A_614 : f32 to vector<3x1024xf32>
    %concatenate3A_616 = tpu.concatenate %max3A_460, %max3A_494, %max3A_528, %max3A_562, %max3A_596, %broadcast_in_dim3A_615 in 0 : vector<1x1024xf32>, vector<1x1024xf32>, vector<1x1024xf32>, vector<1x1024xf32>, vector<1x1024xf32>, vector<3x1024xf32> -> vector<8x1024xf32>
    %broadcast_in_dim3A_617 = arith.constant 0.000000e+00 : f32
    %broadcast_in_dim3A_618 = vector.broadcast %broadcast_in_dim3A_617 : f32 to vector<3x1024xf32>
    %concatenate3A_619 = tpu.concatenate %min3A_477, %min3A_511, %min3A_545, %min3A_579, %min3A_613, %broadcast_in_dim3A_618 in 0 : vector<1x1024xf32>, vector<1x1024xf32>, vector<1x1024xf32>, vector<1x1024xf32>, vector<1x1024xf32>, vector<3x1024xf32> -> vector<8x1024xf32>
    %swap3A_620 = arith.constant 0 : index
    %swap3A_621 = arith.constant 0 : index
    %swap3A_622 = vector.load %arg10[%swap3A_620, %swap3A_621] : memref<8x1024xf32, #tpu.memory_space<vmem>>, vector<8x1024xf32>
    tpu.vector_store %arg10[%swap3A_620, %swap3A_621], %concatenate3A_616 {strides = array<i32>} : memref<8x1024xf32, #tpu.memory_space<vmem>>, vector<8x1024xf32>,
    %swap3A_623 = arith.constant 0 : index
    %swap3A_624 = arith.constant 0 : index
    %swap3A_625 = vector.load %arg11[%swap3A_623, %swap3A_624] : memref<8x1024xf32, #tpu.memory_space<vmem>>, vector<8x1024xf32>
    tpu.vector_store %arg11[%swap3A_623, %swap3A_624], %concatenate3A_619 {strides = array<i32>} : memref<8x1024xf32, #tpu.memory_space<vmem>>, vector<8x1024xf32>,
    %eq3A_626 = arith.constant 49 : i32
    %eq3A_627 = arith.cmpi eq, %arg0, %eq3A_626 : i32
    %convert_element_type3A_628 = arith.extui %eq3A_627 : i1 to i32
    %cond3A_629 = arith.constant 0 : i32
    %cond3A_630 = arith.cmpi ne, %convert_element_type3A_628, %cond3A_629 : i32
    scf.if %cond3A_630 {
      %convert_element_type3A_631 = arith.fptosi %concatenate3A_619 : vector<8x1024xf32> to vector<8x1024xi32>
      %swap3A_632 = arith.constant 0 : index
      %swap3A_633 = arith.constant 0 : index
      %swap3A_634 = vector.load %arg5[%swap3A_632, %swap3A_633] : memref<8x1024xi32, #tpu.memory_space<vmem>>, vector<8x1024xi32>
      tpu.vector_store %arg5[%swap3A_632, %swap3A_633], %convert_element_type3A_631 {strides = array<i32>} : memref<8x1024xi32, #tpu.memory_space<vmem>>, vector<8x1024xi32>,
    } else {
    }
    return
  }
  func.func @transform_0(%arg0: i32) -> (i32, i32) {
    %c0_i32 = arith.constant 0 : i32
    %c0_i32_0 = arith.constant 0 : i32
    %c0_i32_1 = arith.constant 0 : i32
    return %c0_i32, %c0_i32_0 : i32, i32
  }
  func.func @transform_1(%arg0: i32) -> (i32, i32) {
    %c0_i32 = arith.constant 0 : i32
    %c0_i32_0 = arith.constant 0 : i32
    return %arg0, %c0_i32 : i32, i32
  }
  func.func @transform_2(%arg0: i32) -> (i32, i32) {
    %c0_i32 = arith.constant 0 : i32
    %c0_i32_0 = arith.constant 0 : i32
    return %arg0, %c0_i32 : i32, i32
  }
  func.func @transform_3(%arg0: i32) -> (i32, i32) {
    %c0_i32 = arith.constant 0 : i32
    %c0_i32_0 = arith.constant 0 : i32
    %c0_i32_1 = arith.constant 0 : i32
    return %c0_i32, %c0_i32_0 : i32, i32
  }
  func.func @transform_4(%arg0: i32) -> (i32, i32) {
    %c0_i32 = arith.constant 0 : i32
    %c0_i32_0 = arith.constant 0 : i32
    %c0_i32_1 = arith.constant 0 : i32
    return %c0_i32, %c0_i32_0 : i32, i32
  }
}

module attributes {stable_mosaic.version = 14 : i64} {
  func.func @_rescore_body(%arg0: i32, %arg1: memref<4096x128xf32, #tpu.memory_space<vmem>>, %arg2: memref<4096x128xf32, #tpu.memory_space<vmem>>, %arg3: memref<1024x128xf32, #tpu.memory_space<vmem>>, %arg4: memref<1024x128xi32, #tpu.memory_space<vmem>>, %arg5: memref<1024x128xi32, #tpu.memory_space<vmem>>, %arg6: memref<384x128xf32, #tpu.memory_space<vmem>>, %arg7: memref<1x128xf32, #tpu.memory_space<vmem>>, %arg8: memref<128x128xf32, #tpu.memory_space<vmem>>, %arg9: memref<1x128xf32, #tpu.memory_space<vmem>>, %arg10: memref<128x128xf32, #tpu.memory_space<vmem>>, %arg11: memref<1x128xf32, #tpu.memory_space<vmem>>, %arg12: memref<1024x128xf32, #tpu.memory_space<vmem>>, %arg13: memref<1024x128xf32, #tpu.memory_space<vmem>>, %arg14: memref<1024x128xf32, #tpu.memory_space<vmem>>, %arg15: memref<1024x128xf32, #tpu.memory_space<vmem>>, %arg16: memref<1024x128xf32, #tpu.memory_space<vmem>>, %arg17: memref<1024x128xf32, #tpu.memory_space<vmem>>, %arg18: memref<1024x128xf32, #tpu.memory_space<vmem>>, %arg19: memref<1024x128xf32, #tpu.memory_space<vmem>>) attributes {dimension_semantics = [#tpu.dimension_semantics<arbitrary>], iteration_bounds = array<i64: 20>, scalar_prefetch = 0 : i64, scratch_operands = 7 : i64, tpu.core_type = #tpu.core_type<tc>, window_params = [{transform_indices = @transform_0, window_bounds = array<i64: 4096, 128>}, {transform_indices = @transform_1, window_bounds = array<i64: 4096, 128>}, {pipeline_mode = #tpu.pipeline_mode<synchronous>, transform_indices = @transform_2, window_bounds = array<i64: 1024, 128>}, {pipeline_mode = #tpu.pipeline_mode<synchronous>, transform_indices = @transform_3, window_bounds = array<i64: 1024, 128>}, {pipeline_mode = #tpu.pipeline_mode<synchronous>, transform_indices = @transform_4, window_bounds = array<i64: 1024, 128>}, {pipeline_mode = #tpu.pipeline_mode<synchronous>, transform_indices = @transform_5, window_bounds = array<i64: 384, 128>}, {pipeline_mode = #tpu.pipeline_mode<synchronous>, transform_indices = @transform_6, window_bounds = array<i64: 1, 128>}, {pipeline_mode = #tpu.pipeline_mode<synchronous>, transform_indices = @transform_7, window_bounds = array<i64: 128, 128>}, {pipeline_mode = #tpu.pipeline_mode<synchronous>, transform_indices = @transform_8, window_bounds = array<i64: 1, 128>}, {pipeline_mode = #tpu.pipeline_mode<synchronous>, transform_indices = @transform_9, window_bounds = array<i64: 128, 128>}, {pipeline_mode = #tpu.pipeline_mode<synchronous>, transform_indices = @transform_10, window_bounds = array<i64: 1, 128>}, {pipeline_mode = #tpu.pipeline_mode<synchronous>, transform_indices = @transform_11, window_bounds = array<i64: 1024, 128>}]} {
    %iota3A = tpu.iota {dimensions = array<i32: 1>} : vector<1x128xi32>
    %eq3A = arith.constant 0 : i32
    %eq3A_0 = arith.cmpi eq, %arg0, %eq3A : i32
    %convert_element_type3A = arith.extui %eq3A_0 : i1 to i32
    %cond3A = arith.constant 0 : i32
    %cond3A_1 = arith.cmpi ne, %convert_element_type3A, %cond3A : i32
    scf.if %cond3A_1 {
      %get3A = arith.constant 0 : index
      %get3A_20 = arith.constant 0 : index
      %get3A_21 = vector.load %arg3[%get3A, %get3A_20] : memref<1024x128xf32, #tpu.memory_space<vmem>>, vector<1024x128xf32>
      %mul3A = arith.mulf %get3A_21, %get3A_21 : vector<1024x128xf32>
      %reduce_sum3A = arith.constant dense<0.000000e+00> : vector<1024xf32>
      %reduce_sum3A_22 = vector.multi_reduction <add>, %mul3A, %reduce_sum3A [1] : vector<1024x128xf32> to vector<1024xf32>
      %broadcast_in_dim3A = vector.shape_cast %reduce_sum3A_22 : vector<1024xf32> to vector<1024x1xf32>
      %sqrt3A = math.sqrt %broadcast_in_dim3A : vector<1024x1xf32>
      %add3A = arith.constant 9.99999993E-9 : f32
      %add3A_23 = vector.broadcast %add3A : f32 to vector<1024x1xf32>
      %add3A_24 = arith.addf %sqrt3A, %add3A_23 : vector<1024x1xf32>
      %div3A = vector.broadcast %add3A_24 : vector<1024x1xf32> to vector<1024x128xf32>
      %div3A_25 = arith.divf %get3A_21, %div3A : vector<1024x128xf32>
      %swap3A = arith.constant 0 : index
      %swap3A_26 = arith.constant 0 : index
      %swap3A_27 = vector.load %arg13[%swap3A, %swap3A_26] : memref<1024x128xf32, #tpu.memory_space<vmem>>, vector<1024x128xf32>
      tpu.vector_store %arg13[%swap3A, %swap3A_26], %div3A_25 {strides = array<i32>} : memref<1024x128xf32, #tpu.memory_space<vmem>>, vector<1024x128xf32>,
      %broadcast_in_dim3A_28 = arith.constant 0.000000e+00 : f32
      %broadcast_in_dim3A_29 = vector.broadcast %broadcast_in_dim3A_28 : f32 to vector<1024x128xf32>
      %swap3A_30 = arith.constant 0 : index
      %swap3A_31 = arith.constant 0 : index
      %swap3A_32 = vector.load %arg14[%swap3A_30, %swap3A_31] : memref<1024x128xf32, #tpu.memory_space<vmem>>, vector<1024x128xf32>
      tpu.vector_store %arg14[%swap3A_30, %swap3A_31], %broadcast_in_dim3A_29 {strides = array<i32>} : memref<1024x128xf32, #tpu.memory_space<vmem>>, vector<1024x128xf32>,
      %swap3A_33 = arith.constant 0 : index
      %swap3A_34 = arith.constant 0 : index
      %swap3A_35 = vector.load %arg15[%swap3A_33, %swap3A_34] : memref<1024x128xf32, #tpu.memory_space<vmem>>, vector<1024x128xf32>
      tpu.vector_store %arg15[%swap3A_33, %swap3A_34], %broadcast_in_dim3A_29 {strides = array<i32>} : memref<1024x128xf32, #tpu.memory_space<vmem>>, vector<1024x128xf32>,
      %swap3A_36 = arith.constant 0 : index
      %swap3A_37 = arith.constant 0 : index
      %swap3A_38 = vector.load %arg18[%swap3A_36, %swap3A_37] : memref<1024x128xf32, #tpu.memory_space<vmem>>, vector<1024x128xf32>
      tpu.vector_store %arg18[%swap3A_36, %swap3A_37], %broadcast_in_dim3A_29 {strides = array<i32>} : memref<1024x128xf32, #tpu.memory_space<vmem>>, vector<1024x128xf32>,
      %swap3A_39 = arith.constant 0 : index
      %swap3A_40 = arith.constant 0 : index
      %swap3A_41 = vector.load %arg19[%swap3A_39, %swap3A_40] : memref<1024x128xf32, #tpu.memory_space<vmem>>, vector<1024x128xf32>
      tpu.vector_store %arg19[%swap3A_39, %swap3A_40], %broadcast_in_dim3A_29 {strides = array<i32>} : memref<1024x128xf32, #tpu.memory_space<vmem>>, vector<1024x128xf32>,
    } else {
    }
    %lt3A = arith.constant 10 : i32
    %lt3A_2 = arith.cmpi slt, %arg0, %lt3A : i32
    %convert_element_type3A_3 = arith.extui %lt3A_2 : i1 to i32
    %cond3A_4 = arith.constant 0 : i32
    %cond3A_5 = arith.cmpi ne, %convert_element_type3A_3, %cond3A_4 : i32
    scf.if %cond3A_5 {
      %get3A = arith.constant 0 : index
      %get3A_20 = arith.constant 0 : index
      %get3A_21 = vector.load %arg13[%get3A, %get3A_20] : memref<1024x128xf32, #tpu.memory_space<vmem>>, vector<1024x128xf32>
      %broadcast_in_dim3A = arith.constant 1.000000e+00 : f32
      %broadcast_in_dim3A_22 = vector.broadcast %broadcast_in_dim3A : f32 to vector<128x1xf32>
      %broadcast_in_dim3A_23 = arith.constant 0.000000e+00 : f32
      %broadcast_in_dim3A_24 = vector.broadcast %broadcast_in_dim3A_23 : f32 to vector<1024x128xf32>
      %mul3A = arith.constant 4 : i32
      %mul3A_25 = arith.muli %arg0, %mul3A : i32
      %add3A = arith.constant 0 : i32
      %add3A_26 = arith.addi %mul3A_25, %add3A : i32
      %eq3A_27 = vector.broadcast %add3A_26 : i32 to vector<1x128xi32>
      %eq3A_28 = arith.cmpi eq, %iota3A, %eq3A_27 : vector<1x128xi32>
      %convert_element_type3A_29 = arith.extui %eq3A_28 : vector<1x128xi1> to vector<1x128xi32>
      %convert_element_type3A_30 = arith.sitofp %convert_element_type3A_29 : vector<1x128xi32> to vector<1x128xf32>
      %get3A_31 = arith.constant 0 : index
      %get3A_32 = arith.constant 0 : index
      %get3A_33 = vector.load %arg1[%get3A_31, %get3A_32] : memref<4096x128xf32, #tpu.memory_space<vmem>>, vector<1024x128xf32>
      %mul3A_34 = arith.mulf %get3A_33, %get3A_33 : vector<1024x128xf32>
      %dot_general3A = arith.constant dense<0.000000e+00> : vector<1024x1xf32>
      %dot_general3A_35 = tpu.matmul %mul3A_34, %broadcast_in_dim3A_22, %dot_general3A {dimension_numbers = #tpu.dot_dimension_numbers<[1], [0], [0], [1], [0, 0, 1, 1], [], []>, transpose_lhs_hint = false} : vector<1024x128xf32>, vector<128x1xf32>, vector<1024x1xf32> -> vector<1024x1xf32>
      %sqrt3A = math.sqrt %dot_general3A_35 : vector<1024x1xf32>
      %add3A_36 = arith.constant 9.99999993E-9 : f32
      %add3A_37 = vector.broadcast %add3A_36 : f32 to vector<1024x1xf32>
      %add3A_38 = arith.addf %sqrt3A, %add3A_37 : vector<1024x1xf32>
      %mul3A_39 = arith.mulf %get3A_33, %get3A_21 : vector<1024x128xf32>
      %dot_general3A_40 = arith.constant dense<0.000000e+00> : vector<1024x1xf32>
      %dot_general3A_41 = tpu.matmul %mul3A_39, %broadcast_in_dim3A_22, %dot_general3A_40 {dimension_numbers = #tpu.dot_dimension_numbers<[1], [0], [0], [1], [0, 0, 1, 1], [], []>, transpose_lhs_hint = false} : vector<1024x128xf32>, vector<128x1xf32>, vector<1024x1xf32> -> vector<1024x1xf32>
      %div3A = arith.divf %dot_general3A_41, %add3A_38 : vector<1024x1xf32>
      %mul3A_42 = vector.broadcast %div3A : vector<1024x1xf32> to vector<1024x128xf32>
      %mul3A_43 = vector.broadcast %convert_element_type3A_30 : vector<1x128xf32> to vector<1024x128xf32>
      %mul3A_44 = arith.mulf %mul3A_42, %mul3A_43 : vector<1024x128xf32>
      %add3A_45 = arith.addf %broadcast_in_dim3A_24, %mul3A_44 : vector<1024x128xf32>
      %mul3A_46 = arith.constant 4 : i32
      %mul3A_47 = arith.muli %arg0, %mul3A_46 : i32
      %add3A_48 = arith.constant 1 : i32
      %add3A_49 = arith.addi %mul3A_47, %add3A_48 : i32
      %eq3A_50 = vector.broadcast %add3A_49 : i32 to vector<1x128xi32>
      %eq3A_51 = arith.cmpi eq, %iota3A, %eq3A_50 : vector<1x128xi32>
      %convert_element_type3A_52 = arith.extui %eq3A_51 : vector<1x128xi1> to vector<1x128xi32>
      %convert_element_type3A_53 = arith.sitofp %convert_element_type3A_52 : vector<1x128xi32> to vector<1x128xf32>
      %get3A_54 = arith.constant 1024 : index
      %get3A_55 = arith.constant 0 : index
      %get3A_56 = vector.load %arg1[%get3A_54, %get3A_55] : memref<4096x128xf32, #tpu.memory_space<vmem>>, vector<1024x128xf32>
      %mul3A_57 = arith.mulf %get3A_56, %get3A_56 : vector<1024x128xf32>
      %dot_general3A_58 = arith.constant dense<0.000000e+00> : vector<1024x1xf32>
      %dot_general3A_59 = tpu.matmul %mul3A_57, %broadcast_in_dim3A_22, %dot_general3A_58 {dimension_numbers = #tpu.dot_dimension_numbers<[1], [0], [0], [1], [0, 0, 1, 1], [], []>, transpose_lhs_hint = false} : vector<1024x128xf32>, vector<128x1xf32>, vector<1024x1xf32> -> vector<1024x1xf32>
      %sqrt3A_60 = math.sqrt %dot_general3A_59 : vector<1024x1xf32>
      %add3A_61 = arith.constant 9.99999993E-9 : f32
      %add3A_62 = vector.broadcast %add3A_61 : f32 to vector<1024x1xf32>
      %add3A_63 = arith.addf %sqrt3A_60, %add3A_62 : vector<1024x1xf32>
      %mul3A_64 = arith.mulf %get3A_56, %get3A_21 : vector<1024x128xf32>
      %dot_general3A_65 = arith.constant dense<0.000000e+00> : vector<1024x1xf32>
      %dot_general3A_66 = tpu.matmul %mul3A_64, %broadcast_in_dim3A_22, %dot_general3A_65 {dimension_numbers = #tpu.dot_dimension_numbers<[1], [0], [0], [1], [0, 0, 1, 1], [], []>, transpose_lhs_hint = false} : vector<1024x128xf32>, vector<128x1xf32>, vector<1024x1xf32> -> vector<1024x1xf32>
      %div3A_67 = arith.divf %dot_general3A_66, %add3A_63 : vector<1024x1xf32>
      %mul3A_68 = vector.broadcast %div3A_67 : vector<1024x1xf32> to vector<1024x128xf32>
      %mul3A_69 = vector.broadcast %convert_element_type3A_53 : vector<1x128xf32> to vector<1024x128xf32>
      %mul3A_70 = arith.mulf %mul3A_68, %mul3A_69 : vector<1024x128xf32>
      %add3A_71 = arith.addf %add3A_45, %mul3A_70 : vector<1024x128xf32>
      %mul3A_72 = arith.constant 4 : i32
      %mul3A_73 = arith.muli %arg0, %mul3A_72 : i32
      %add3A_74 = arith.constant 2 : i32
      %add3A_75 = arith.addi %mul3A_73, %add3A_74 : i32
      %eq3A_76 = vector.broadcast %add3A_75 : i32 to vector<1x128xi32>
      %eq3A_77 = arith.cmpi eq, %iota3A, %eq3A_76 : vector<1x128xi32>
      %convert_element_type3A_78 = arith.extui %eq3A_77 : vector<1x128xi1> to vector<1x128xi32>
      %convert_element_type3A_79 = arith.sitofp %convert_element_type3A_78 : vector<1x128xi32> to vector<1x128xf32>
      %get3A_80 = arith.constant 2048 : index
      %get3A_81 = arith.constant 0 : index
      %get3A_82 = vector.load %arg1[%get3A_80, %get3A_81] : memref<4096x128xf32, #tpu.memory_space<vmem>>, vector<1024x128xf32>
      %mul3A_83 = arith.mulf %get3A_82, %get3A_82 : vector<1024x128xf32>
      %dot_general3A_84 = arith.constant dense<0.000000e+00> : vector<1024x1xf32>
      %dot_general3A_85 = tpu.matmul %mul3A_83, %broadcast_in_dim3A_22, %dot_general3A_84 {dimension_numbers = #tpu.dot_dimension_numbers<[1], [0], [0], [1], [0, 0, 1, 1], [], []>, transpose_lhs_hint = false} : vector<1024x128xf32>, vector<128x1xf32>, vector<1024x1xf32> -> vector<1024x1xf32>
      %sqrt3A_86 = math.sqrt %dot_general3A_85 : vector<1024x1xf32>
      %add3A_87 = arith.constant 9.99999993E-9 : f32
      %add3A_88 = vector.broadcast %add3A_87 : f32 to vector<1024x1xf32>
      %add3A_89 = arith.addf %sqrt3A_86, %add3A_88 : vector<1024x1xf32>
      %mul3A_90 = arith.mulf %get3A_82, %get3A_21 : vector<1024x128xf32>
      %dot_general3A_91 = arith.constant dense<0.000000e+00> : vector<1024x1xf32>
      %dot_general3A_92 = tpu.matmul %mul3A_90, %broadcast_in_dim3A_22, %dot_general3A_91 {dimension_numbers = #tpu.dot_dimension_numbers<[1], [0], [0], [1], [0, 0, 1, 1], [], []>, transpose_lhs_hint = false} : vector<1024x128xf32>, vector<128x1xf32>, vector<1024x1xf32> -> vector<1024x1xf32>
      %div3A_93 = arith.divf %dot_general3A_92, %add3A_89 : vector<1024x1xf32>
      %mul3A_94 = vector.broadcast %div3A_93 : vector<1024x1xf32> to vector<1024x128xf32>
      %mul3A_95 = vector.broadcast %convert_element_type3A_79 : vector<1x128xf32> to vector<1024x128xf32>
      %mul3A_96 = arith.mulf %mul3A_94, %mul3A_95 : vector<1024x128xf32>
      %add3A_97 = arith.addf %add3A_71, %mul3A_96 : vector<1024x128xf32>
      %mul3A_98 = arith.constant 4 : i32
      %mul3A_99 = arith.muli %arg0, %mul3A_98 : i32
      %add3A_100 = arith.constant 3 : i32
      %add3A_101 = arith.addi %mul3A_99, %add3A_100 : i32
      %eq3A_102 = vector.broadcast %add3A_101 : i32 to vector<1x128xi32>
      %eq3A_103 = arith.cmpi eq, %iota3A, %eq3A_102 : vector<1x128xi32>
      %convert_element_type3A_104 = arith.extui %eq3A_103 : vector<1x128xi1> to vector<1x128xi32>
      %convert_element_type3A_105 = arith.sitofp %convert_element_type3A_104 : vector<1x128xi32> to vector<1x128xf32>
      %get3A_106 = arith.constant 3072 : index
      %get3A_107 = arith.constant 0 : index
      %get3A_108 = vector.load %arg1[%get3A_106, %get3A_107] : memref<4096x128xf32, #tpu.memory_space<vmem>>, vector<1024x128xf32>
      %mul3A_109 = arith.mulf %get3A_108, %get3A_108 : vector<1024x128xf32>
      %dot_general3A_110 = arith.constant dense<0.000000e+00> : vector<1024x1xf32>
      %dot_general3A_111 = tpu.matmul %mul3A_109, %broadcast_in_dim3A_22, %dot_general3A_110 {dimension_numbers = #tpu.dot_dimension_numbers<[1], [0], [0], [1], [0, 0, 1, 1], [], []>, transpose_lhs_hint = false} : vector<1024x128xf32>, vector<128x1xf32>, vector<1024x1xf32> -> vector<1024x1xf32>
      %sqrt3A_112 = math.sqrt %dot_general3A_111 : vector<1024x1xf32>
      %add3A_113 = arith.constant 9.99999993E-9 : f32
      %add3A_114 = vector.broadcast %add3A_113 : f32 to vector<1024x1xf32>
      %add3A_115 = arith.addf %sqrt3A_112, %add3A_114 : vector<1024x1xf32>
      %mul3A_116 = arith.mulf %get3A_108, %get3A_21 : vector<1024x128xf32>
      %dot_general3A_117 = arith.constant dense<0.000000e+00> : vector<1024x1xf32>
      %dot_general3A_118 = tpu.matmul %mul3A_116, %broadcast_in_dim3A_22, %dot_general3A_117 {dimension_numbers = #tpu.dot_dimension_numbers<[1], [0], [0], [1], [0, 0, 1, 1], [], []>, transpose_lhs_hint = false} : vector<1024x128xf32>, vector<128x1xf32>, vector<1024x1xf32> -> vector<1024x1xf32>
      %div3A_119 = arith.divf %dot_general3A_118, %add3A_115 : vector<1024x1xf32>
      %mul3A_120 = vector.broadcast %div3A_119 : vector<1024x1xf32> to vector<1024x128xf32>
      %mul3A_121 = vector.broadcast %convert_element_type3A_105 : vector<1x128xf32> to vector<1024x128xf32>
      %mul3A_122 = arith.mulf %mul3A_120, %mul3A_121 : vector<1024x128xf32>
      %add3A_123 = arith.addf %add3A_97, %mul3A_122 : vector<1024x128xf32>
      %get3A_124 = arith.constant 0 : index
      %get3A_125 = arith.constant 0 : index
      %get3A_126 = vector.load %arg14[%get3A_124, %get3A_125] : memref<1024x128xf32, #tpu.memory_space<vmem>>, vector<1024x128xf32>
      %add3A_127 = arith.addf %get3A_126, %add3A_123 : vector<1024x128xf32>
      %swap3A = arith.constant 0 : index
      %swap3A_128 = arith.constant 0 : index
      %swap3A_129 = vector.load %arg14[%swap3A, %swap3A_128] : memref<1024x128xf32, #tpu.memory_space<vmem>>, vector<1024x128xf32>
      tpu.vector_store %arg14[%swap3A, %swap3A_128], %add3A_127 {strides = array<i32>} : memref<1024x128xf32, #tpu.memory_space<vmem>>, vector<1024x128xf32>,
      %broadcast_in_dim3A_130 = arith.constant 0.000000e+00 : f32
      %broadcast_in_dim3A_131 = vector.broadcast %broadcast_in_dim3A_130 : f32 to vector<1024x128xf32>
      %mul3A_132 = arith.constant 4 : i32
      %mul3A_133 = arith.muli %arg0, %mul3A_132 : i32
      %add3A_134 = arith.constant 0 : i32
      %add3A_135 = arith.addi %mul3A_133, %add3A_134 : i32
      %eq3A_136 = vector.broadcast %add3A_135 : i32 to vector<1x128xi32>
      %eq3A_137 = arith.cmpi eq, %iota3A, %eq3A_136 : vector<1x128xi32>
      %convert_element_type3A_138 = arith.extui %eq3A_137 : vector<1x128xi1> to vector<1x128xi32>
      %convert_element_type3A_139 = arith.sitofp %convert_element_type3A_138 : vector<1x128xi32> to vector<1x128xf32>
      %get3A_140 = arith.constant 0 : index
      %get3A_141 = arith.constant 0 : index
      %get3A_142 = vector.load %arg2[%get3A_140, %get3A_141] : memref<4096x128xf32, #tpu.memory_space<vmem>>, vector<1024x128xf32>
      %mul3A_143 = arith.mulf %get3A_142, %get3A_142 : vector<1024x128xf32>
      %dot_general3A_144 = arith.constant dense<0.000000e+00> : vector<1024x1xf32>
      %dot_general3A_145 = tpu.matmul %mul3A_143, %broadcast_in_dim3A_22, %dot_general3A_144 {dimension_numbers = #tpu.dot_dimension_numbers<[1], [0], [0], [1], [0, 0, 1, 1], [], []>, transpose_lhs_hint = false} : vector<1024x128xf32>, vector<128x1xf32>, vector<1024x1xf32> -> vector<1024x1xf32>
      %sqrt3A_146 = math.sqrt %dot_general3A_145 : vector<1024x1xf32>
      %add3A_147 = arith.constant 9.99999993E-9 : f32
      %add3A_148 = vector.broadcast %add3A_147 : f32 to vector<1024x1xf32>
      %add3A_149 = arith.addf %sqrt3A_146, %add3A_148 : vector<1024x1xf32>
      %mul3A_150 = arith.mulf %get3A_142, %get3A_21 : vector<1024x128xf32>
      %dot_general3A_151 = arith.constant dense<0.000000e+00> : vector<1024x1xf32>
      %dot_general3A_152 = tpu.matmul %mul3A_150, %broadcast_in_dim3A_22, %dot_general3A_151 {dimension_numbers = #tpu.dot_dimension_numbers<[1], [0], [0], [1], [0, 0, 1, 1], [], []>, transpose_lhs_hint = false} : vector<1024x128xf32>, vector<128x1xf32>, vector<1024x1xf32> -> vector<1024x1xf32>
      %div3A_153 = arith.divf %dot_general3A_152, %add3A_149 : vector<1024x1xf32>
      %mul3A_154 = vector.broadcast %div3A_153 : vector<1024x1xf32> to vector<1024x128xf32>
      %mul3A_155 = vector.broadcast %convert_element_type3A_139 : vector<1x128xf32> to vector<1024x128xf32>
      %mul3A_156 = arith.mulf %mul3A_154, %mul3A_155 : vector<1024x128xf32>
      %add3A_157 = arith.addf %broadcast_in_dim3A_131, %mul3A_156 : vector<1024x128xf32>
      %mul3A_158 = arith.constant 4 : i32
      %mul3A_159 = arith.muli %arg0, %mul3A_158 : i32
      %add3A_160 = arith.constant 1 : i32
      %add3A_161 = arith.addi %mul3A_159, %add3A_160 : i32
      %eq3A_162 = vector.broadcast %add3A_161 : i32 to vector<1x128xi32>
      %eq3A_163 = arith.cmpi eq, %iota3A, %eq3A_162 : vector<1x128xi32>
      %convert_element_type3A_164 = arith.extui %eq3A_163 : vector<1x128xi1> to vector<1x128xi32>
      %convert_element_type3A_165 = arith.sitofp %convert_element_type3A_164 : vector<1x128xi32> to vector<1x128xf32>
      %get3A_166 = arith.constant 1024 : index
      %get3A_167 = arith.constant 0 : index
      %get3A_168 = vector.load %arg2[%get3A_166, %get3A_167] : memref<4096x128xf32, #tpu.memory_space<vmem>>, vector<1024x128xf32>
      %mul3A_169 = arith.mulf %get3A_168, %get3A_168 : vector<1024x128xf32>
      %dot_general3A_170 = arith.constant dense<0.000000e+00> : vector<1024x1xf32>
      %dot_general3A_171 = tpu.matmul %mul3A_169, %broadcast_in_dim3A_22, %dot_general3A_170 {dimension_numbers = #tpu.dot_dimension_numbers<[1], [0], [0], [1], [0, 0, 1, 1], [], []>, transpose_lhs_hint = false} : vector<1024x128xf32>, vector<128x1xf32>, vector<1024x1xf32> -> vector<1024x1xf32>
      %sqrt3A_172 = math.sqrt %dot_general3A_171 : vector<1024x1xf32>
      %add3A_173 = arith.constant 9.99999993E-9 : f32
      %add3A_174 = vector.broadcast %add3A_173 : f32 to vector<1024x1xf32>
      %add3A_175 = arith.addf %sqrt3A_172, %add3A_174 : vector<1024x1xf32>
      %mul3A_176 = arith.mulf %get3A_168, %get3A_21 : vector<1024x128xf32>
      %dot_general3A_177 = arith.constant dense<0.000000e+00> : vector<1024x1xf32>
      %dot_general3A_178 = tpu.matmul %mul3A_176, %broadcast_in_dim3A_22, %dot_general3A_177 {dimension_numbers = #tpu.dot_dimension_numbers<[1], [0], [0], [1], [0, 0, 1, 1], [], []>, transpose_lhs_hint = false} : vector<1024x128xf32>, vector<128x1xf32>, vector<1024x1xf32> -> vector<1024x1xf32>
      %div3A_179 = arith.divf %dot_general3A_178, %add3A_175 : vector<1024x1xf32>
      %mul3A_180 = vector.broadcast %div3A_179 : vector<1024x1xf32> to vector<1024x128xf32>
      %mul3A_181 = vector.broadcast %convert_element_type3A_165 : vector<1x128xf32> to vector<1024x128xf32>
      %mul3A_182 = arith.mulf %mul3A_180, %mul3A_181 : vector<1024x128xf32>
      %add3A_183 = arith.addf %add3A_157, %mul3A_182 : vector<1024x128xf32>
      %mul3A_184 = arith.constant 4 : i32
      %mul3A_185 = arith.muli %arg0, %mul3A_184 : i32
      %add3A_186 = arith.constant 2 : i32
      %add3A_187 = arith.addi %mul3A_185, %add3A_186 : i32
      %eq3A_188 = vector.broadcast %add3A_187 : i32 to vector<1x128xi32>
      %eq3A_189 = arith.cmpi eq, %iota3A, %eq3A_188 : vector<1x128xi32>
      %convert_element_type3A_190 = arith.extui %eq3A_189 : vector<1x128xi1> to vector<1x128xi32>
      %convert_element_type3A_191 = arith.sitofp %convert_element_type3A_190 : vector<1x128xi32> to vector<1x128xf32>
      %get3A_192 = arith.constant 2048 : index
      %get3A_193 = arith.constant 0 : index
      %get3A_194 = vector.load %arg2[%get3A_192, %get3A_193] : memref<4096x128xf32, #tpu.memory_space<vmem>>, vector<1024x128xf32>
      %mul3A_195 = arith.mulf %get3A_194, %get3A_194 : vector<1024x128xf32>
      %dot_general3A_196 = arith.constant dense<0.000000e+00> : vector<1024x1xf32>
      %dot_general3A_197 = tpu.matmul %mul3A_195, %broadcast_in_dim3A_22, %dot_general3A_196 {dimension_numbers = #tpu.dot_dimension_numbers<[1], [0], [0], [1], [0, 0, 1, 1], [], []>, transpose_lhs_hint = false} : vector<1024x128xf32>, vector<128x1xf32>, vector<1024x1xf32> -> vector<1024x1xf32>
      %sqrt3A_198 = math.sqrt %dot_general3A_197 : vector<1024x1xf32>
      %add3A_199 = arith.constant 9.99999993E-9 : f32
      %add3A_200 = vector.broadcast %add3A_199 : f32 to vector<1024x1xf32>
      %add3A_201 = arith.addf %sqrt3A_198, %add3A_200 : vector<1024x1xf32>
      %mul3A_202 = arith.mulf %get3A_194, %get3A_21 : vector<1024x128xf32>
      %dot_general3A_203 = arith.constant dense<0.000000e+00> : vector<1024x1xf32>
      %dot_general3A_204 = tpu.matmul %mul3A_202, %broadcast_in_dim3A_22, %dot_general3A_203 {dimension_numbers = #tpu.dot_dimension_numbers<[1], [0], [0], [1], [0, 0, 1, 1], [], []>, transpose_lhs_hint = false} : vector<1024x128xf32>, vector<128x1xf32>, vector<1024x1xf32> -> vector<1024x1xf32>
      %div3A_205 = arith.divf %dot_general3A_204, %add3A_201 : vector<1024x1xf32>
      %mul3A_206 = vector.broadcast %div3A_205 : vector<1024x1xf32> to vector<1024x128xf32>
      %mul3A_207 = vector.broadcast %convert_element_type3A_191 : vector<1x128xf32> to vector<1024x128xf32>
      %mul3A_208 = arith.mulf %mul3A_206, %mul3A_207 : vector<1024x128xf32>
      %add3A_209 = arith.addf %add3A_183, %mul3A_208 : vector<1024x128xf32>
      %mul3A_210 = arith.constant 4 : i32
      %mul3A_211 = arith.muli %arg0, %mul3A_210 : i32
      %add3A_212 = arith.constant 3 : i32
      %add3A_213 = arith.addi %mul3A_211, %add3A_212 : i32
      %eq3A_214 = vector.broadcast %add3A_213 : i32 to vector<1x128xi32>
      %eq3A_215 = arith.cmpi eq, %iota3A, %eq3A_214 : vector<1x128xi32>
      %convert_element_type3A_216 = arith.extui %eq3A_215 : vector<1x128xi1> to vector<1x128xi32>
      %convert_element_type3A_217 = arith.sitofp %convert_element_type3A_216 : vector<1x128xi32> to vector<1x128xf32>
      %get3A_218 = arith.constant 3072 : index
      %get3A_219 = arith.constant 0 : index
      %get3A_220 = vector.load %arg2[%get3A_218, %get3A_219] : memref<4096x128xf32, #tpu.memory_space<vmem>>, vector<1024x128xf32>
      %mul3A_221 = arith.mulf %get3A_220, %get3A_220 : vector<1024x128xf32>
      %dot_general3A_222 = arith.constant dense<0.000000e+00> : vector<1024x1xf32>
      %dot_general3A_223 = tpu.matmul %mul3A_221, %broadcast_in_dim3A_22, %dot_general3A_222 {dimension_numbers = #tpu.dot_dimension_numbers<[1], [0], [0], [1], [0, 0, 1, 1], [], []>, transpose_lhs_hint = false} : vector<1024x128xf32>, vector<128x1xf32>, vector<1024x1xf32> -> vector<1024x1xf32>
      %sqrt3A_224 = math.sqrt %dot_general3A_223 : vector<1024x1xf32>
      %add3A_225 = arith.constant 9.99999993E-9 : f32
      %add3A_226 = vector.broadcast %add3A_225 : f32 to vector<1024x1xf32>
      %add3A_227 = arith.addf %sqrt3A_224, %add3A_226 : vector<1024x1xf32>
      %mul3A_228 = arith.mulf %get3A_220, %get3A_21 : vector<1024x128xf32>
      %dot_general3A_229 = arith.constant dense<0.000000e+00> : vector<1024x1xf32>
      %dot_general3A_230 = tpu.matmul %mul3A_228, %broadcast_in_dim3A_22, %dot_general3A_229 {dimension_numbers = #tpu.dot_dimension_numbers<[1], [0], [0], [1], [0, 0, 1, 1], [], []>, transpose_lhs_hint = false} : vector<1024x128xf32>, vector<128x1xf32>, vector<1024x1xf32> -> vector<1024x1xf32>
      %div3A_231 = arith.divf %dot_general3A_230, %add3A_227 : vector<1024x1xf32>
      %mul3A_232 = vector.broadcast %div3A_231 : vector<1024x1xf32> to vector<1024x128xf32>
      %mul3A_233 = vector.broadcast %convert_element_type3A_217 : vector<1x128xf32> to vector<1024x128xf32>
      %mul3A_234 = arith.mulf %mul3A_232, %mul3A_233 : vector<1024x128xf32>
      %add3A_235 = arith.addf %add3A_209, %mul3A_234 : vector<1024x128xf32>
      %get3A_236 = arith.constant 0 : index
      %get3A_237 = arith.constant 0 : index
      %get3A_238 = vector.load %arg15[%get3A_236, %get3A_237] : memref<1024x128xf32, #tpu.memory_space<vmem>>, vector<1024x128xf32>
      %add3A_239 = arith.addf %get3A_238, %add3A_235 : vector<1024x128xf32>
      %swap3A_240 = arith.constant 0 : index
      %swap3A_241 = arith.constant 0 : index
      %swap3A_242 = vector.load %arg15[%swap3A_240, %swap3A_241] : memref<1024x128xf32, #tpu.memory_space<vmem>>, vector<1024x128xf32>
      tpu.vector_store %arg15[%swap3A_240, %swap3A_241], %add3A_239 {strides = array<i32>} : memref<1024x128xf32, #tpu.memory_space<vmem>>, vector<1024x128xf32>,
    } else {
    }
    %eq3A_6 = arith.constant 10 : i32
    %eq3A_7 = arith.cmpi eq, %arg0, %eq3A_6 : i32
    %convert_element_type3A_8 = arith.extui %eq3A_7 : i1 to i32
    %cond3A_9 = arith.constant 0 : i32
    %cond3A_10 = arith.cmpi ne, %convert_element_type3A_8, %cond3A_9 : i32
    scf.if %cond3A_10 {
      %get3A = arith.constant 0 : index
      %get3A_20 = arith.constant 0 : index
      %get3A_21 = vector.load %arg4[%get3A, %get3A_20] : memref<1024x128xi32, #tpu.memory_space<vmem>>, vector<1024x128xi32>
      %lt3A_22 = arith.constant 1073741824 : i32
      %lt3A_23 = vector.broadcast %lt3A_22 : i32 to vector<1024x128xi32>
      %lt3A_24 = arith.cmpi slt, %get3A_21, %lt3A_23 : vector<1024x128xi32>
      %get3A_25 = arith.constant 0 : index
      %get3A_26 = arith.constant 0 : index
      %get3A_27 = vector.load %arg14[%get3A_25, %get3A_26] : memref<1024x128xf32, #tpu.memory_space<vmem>>, vector<1024x128xf32>
      %jit3A = arith.constant 0xFF800000 : f32
      %broadcast_in_dim3A = vector.broadcast %jit3A : f32 to vector<1024x128xf32>
      %select_n3A = arith.select %lt3A_24, %get3A_27, %broadcast_in_dim3A : vector<1024x128xi1>, vector<1024x128xf32>
      %broadcast_in_dim3A_28 = arith.constant 0.000000e+00 : f32
      %broadcast_in_dim3A_29 = vector.broadcast %broadcast_in_dim3A_28 : f32 to vector<1024x128xf32>
      %reduce_max3A = arith.constant dense<0xFF800000> : vector<1024xf32>
      %reduce_max3A_30 = vector.multi_reduction <maximumf>, %select_n3A, %reduce_max3A [1] : vector<1024x128xf32> to vector<1024xf32>
      %broadcast_in_dim3A_31 = vector.shape_cast %reduce_max3A_30 : vector<1024xf32> to vector<1024x1xf32>
      %eq3A_32 = vector.broadcast %broadcast_in_dim3A_31 : vector<1024x1xf32> to vector<1024x128xf32>
      %eq3A_33 = arith.cmpf oeq, %select_n3A, %eq3A_32 : vector<1024x128xf32>
      %jit3A_34 = arith.constant 1073741824 : i32
      %broadcast_in_dim3A_35 = vector.broadcast %jit3A_34 : i32 to vector<1024x128xi32>
      %select_n3A_36 = arith.select %eq3A_33, %get3A_21, %broadcast_in_dim3A_35 : vector<1024x128xi1>, vector<1024x128xi32>
      %reduce_min3A = arith.constant dense<2147483647> : vector<1024xi32>
      %reduce_min3A_37 = vector.multi_reduction <minsi>, %select_n3A_36, %reduce_min3A [1] : vector<1024x128xi32> to vector<1024xi32>
      %broadcast_in_dim3A_38 = vector.shape_cast %reduce_min3A_37 : vector<1024xi32> to vector<1024x1xi32>
      %eq3A_39 = vector.broadcast %broadcast_in_dim3A_38 : vector<1024x1xi32> to vector<1024x128xi32>
      %eq3A_40 = arith.cmpi eq, %get3A_21, %eq3A_39 : vector<1024x128xi32>
      %convert_element_type3A_41 = arith.extui %eq3A_40 : vector<1024x128xi1> to vector<1024x128xi32>
      %convert_element_type3A_42 = arith.sitofp %convert_element_type3A_41 : vector<1024x128xi32> to vector<1024x128xf32>
      %add3A = arith.addf %broadcast_in_dim3A_29, %convert_element_type3A_42 : vector<1024x128xf32>
      %jit3A_43 = arith.constant 0xFF800000 : f32
      %broadcast_in_dim3A_44 = vector.broadcast %jit3A_43 : f32 to vector<1024x128xf32>
      %select_n3A_45 = arith.select %eq3A_40, %broadcast_in_dim3A_44, %select_n3A : vector<1024x128xi1>, vector<1024x128xf32>
      %reduce_max3A_46 = arith.constant dense<0xFF800000> : vector<1024xf32>
      %reduce_max3A_47 = vector.multi_reduction <maximumf>, %select_n3A_45, %reduce_max3A_46 [1] : vector<1024x128xf32> to vector<1024xf32>
      %broadcast_in_dim3A_48 = vector.shape_cast %reduce_max3A_47 : vector<1024xf32> to vector<1024x1xf32>
      %eq3A_49 = vector.broadcast %broadcast_in_dim3A_48 : vector<1024x1xf32> to vector<1024x128xf32>
      %eq3A_50 = arith.cmpf oeq, %select_n3A_45, %eq3A_49 : vector<1024x128xf32>
      %jit3A_51 = arith.constant 1073741824 : i32
      %broadcast_in_dim3A_52 = vector.broadcast %jit3A_51 : i32 to vector<1024x128xi32>
      %select_n3A_53 = arith.select %eq3A_50, %get3A_21, %broadcast_in_dim3A_52 : vector<1024x128xi1>, vector<1024x128xi32>
      %reduce_min3A_54 = arith.constant dense<2147483647> : vector<1024xi32>
      %reduce_min3A_55 = vector.multi_reduction <minsi>, %select_n3A_53, %reduce_min3A_54 [1] : vector<1024x128xi32> to vector<1024xi32>
      %broadcast_in_dim3A_56 = vector.shape_cast %reduce_min3A_55 : vector<1024xi32> to vector<1024x1xi32>
      %eq3A_57 = vector.broadcast %broadcast_in_dim3A_56 : vector<1024x1xi32> to vector<1024x128xi32>
      %eq3A_58 = arith.cmpi eq, %get3A_21, %eq3A_57 : vector<1024x128xi32>
      %convert_element_type3A_59 = arith.extui %eq3A_58 : vector<1024x128xi1> to vector<1024x128xi32>
      %convert_element_type3A_60 = arith.sitofp %convert_element_type3A_59 : vector<1024x128xi32> to vector<1024x128xf32>
      %add3A_61 = arith.addf %add3A, %convert_element_type3A_60 : vector<1024x128xf32>
      %jit3A_62 = arith.constant 0xFF800000 : f32
      %broadcast_in_dim3A_63 = vector.broadcast %jit3A_62 : f32 to vector<1024x128xf32>
      %select_n3A_64 = arith.select %eq3A_58, %broadcast_in_dim3A_63, %select_n3A_45 : vector<1024x128xi1>, vector<1024x128xf32>
      %reduce_max3A_65 = arith.constant dense<0xFF800000> : vector<1024xf32>
      %reduce_max3A_66 = vector.multi_reduction <maximumf>, %select_n3A_64, %reduce_max3A_65 [1] : vector<1024x128xf32> to vector<1024xf32>
      %broadcast_in_dim3A_67 = vector.shape_cast %reduce_max3A_66 : vector<1024xf32> to vector<1024x1xf32>
      %eq3A_68 = vector.broadcast %broadcast_in_dim3A_67 : vector<1024x1xf32> to vector<1024x128xf32>
      %eq3A_69 = arith.cmpf oeq, %select_n3A_64, %eq3A_68 : vector<1024x128xf32>
      %jit3A_70 = arith.constant 1073741824 : i32
      %broadcast_in_dim3A_71 = vector.broadcast %jit3A_70 : i32 to vector<1024x128xi32>
      %select_n3A_72 = arith.select %eq3A_69, %get3A_21, %broadcast_in_dim3A_71 : vector<1024x128xi1>, vector<1024x128xi32>
      %reduce_min3A_73 = arith.constant dense<2147483647> : vector<1024xi32>
      %reduce_min3A_74 = vector.multi_reduction <minsi>, %select_n3A_72, %reduce_min3A_73 [1] : vector<1024x128xi32> to vector<1024xi32>
      %broadcast_in_dim3A_75 = vector.shape_cast %reduce_min3A_74 : vector<1024xi32> to vector<1024x1xi32>
      %eq3A_76 = vector.broadcast %broadcast_in_dim3A_75 : vector<1024x1xi32> to vector<1024x128xi32>
      %eq3A_77 = arith.cmpi eq, %get3A_21, %eq3A_76 : vector<1024x128xi32>
      %convert_element_type3A_78 = arith.extui %eq3A_77 : vector<1024x128xi1> to vector<1024x128xi32>
      %convert_element_type3A_79 = arith.sitofp %convert_element_type3A_78 : vector<1024x128xi32> to vector<1024x128xf32>
      %add3A_80 = arith.addf %add3A_61, %convert_element_type3A_79 : vector<1024x128xf32>
      %jit3A_81 = arith.constant 0xFF800000 : f32
      %broadcast_in_dim3A_82 = vector.broadcast %jit3A_81 : f32 to vector<1024x128xf32>
      %select_n3A_83 = arith.select %eq3A_77, %broadcast_in_dim3A_82, %select_n3A_64 : vector<1024x128xi1>, vector<1024x128xf32>
      %reduce_max3A_84 = arith.constant dense<0xFF800000> : vector<1024xf32>
      %reduce_max3A_85 = vector.multi_reduction <maximumf>, %select_n3A_83, %reduce_max3A_84 [1] : vector<1024x128xf32> to vector<1024xf32>
      %broadcast_in_dim3A_86 = vector.shape_cast %reduce_max3A_85 : vector<1024xf32> to vector<1024x1xf32>
      %eq3A_87 = vector.broadcast %broadcast_in_dim3A_86 : vector<1024x1xf32> to vector<1024x128xf32>
      %eq3A_88 = arith.cmpf oeq, %select_n3A_83, %eq3A_87 : vector<1024x128xf32>
      %jit3A_89 = arith.constant 1073741824 : i32
      %broadcast_in_dim3A_90 = vector.broadcast %jit3A_89 : i32 to vector<1024x128xi32>
      %select_n3A_91 = arith.select %eq3A_88, %get3A_21, %broadcast_in_dim3A_90 : vector<1024x128xi1>, vector<1024x128xi32>
      %reduce_min3A_92 = arith.constant dense<2147483647> : vector<1024xi32>
      %reduce_min3A_93 = vector.multi_reduction <minsi>, %select_n3A_91, %reduce_min3A_92 [1] : vector<1024x128xi32> to vector<1024xi32>
      %broadcast_in_dim3A_94 = vector.shape_cast %reduce_min3A_93 : vector<1024xi32> to vector<1024x1xi32>
      %eq3A_95 = vector.broadcast %broadcast_in_dim3A_94 : vector<1024x1xi32> to vector<1024x128xi32>
      %eq3A_96 = arith.cmpi eq, %get3A_21, %eq3A_95 : vector<1024x128xi32>
      %convert_element_type3A_97 = arith.extui %eq3A_96 : vector<1024x128xi1> to vector<1024x128xi32>
      %convert_element_type3A_98 = arith.sitofp %convert_element_type3A_97 : vector<1024x128xi32> to vector<1024x128xf32>
      %add3A_99 = arith.addf %add3A_80, %convert_element_type3A_98 : vector<1024x128xf32>
      %jit3A_100 = arith.constant 0xFF800000 : f32
      %broadcast_in_dim3A_101 = vector.broadcast %jit3A_100 : f32 to vector<1024x128xf32>
      %select_n3A_102 = arith.select %eq3A_96, %broadcast_in_dim3A_101, %select_n3A_83 : vector<1024x128xi1>, vector<1024x128xf32>
      %reduce_max3A_103 = arith.constant dense<0xFF800000> : vector<1024xf32>
      %reduce_max3A_104 = vector.multi_reduction <maximumf>, %select_n3A_102, %reduce_max3A_103 [1] : vector<1024x128xf32> to vector<1024xf32>
      %broadcast_in_dim3A_105 = vector.shape_cast %reduce_max3A_104 : vector<1024xf32> to vector<1024x1xf32>
      %eq3A_106 = vector.broadcast %broadcast_in_dim3A_105 : vector<1024x1xf32> to vector<1024x128xf32>
      %eq3A_107 = arith.cmpf oeq, %select_n3A_102, %eq3A_106 : vector<1024x128xf32>
      %jit3A_108 = arith.constant 1073741824 : i32
      %broadcast_in_dim3A_109 = vector.broadcast %jit3A_108 : i32 to vector<1024x128xi32>
      %select_n3A_110 = arith.select %eq3A_107, %get3A_21, %broadcast_in_dim3A_109 : vector<1024x128xi1>, vector<1024x128xi32>
      %reduce_min3A_111 = arith.constant dense<2147483647> : vector<1024xi32>
      %reduce_min3A_112 = vector.multi_reduction <minsi>, %select_n3A_110, %reduce_min3A_111 [1] : vector<1024x128xi32> to vector<1024xi32>
      %broadcast_in_dim3A_113 = vector.shape_cast %reduce_min3A_112 : vector<1024xi32> to vector<1024x1xi32>
      %eq3A_114 = vector.broadcast %broadcast_in_dim3A_113 : vector<1024x1xi32> to vector<1024x128xi32>
      %eq3A_115 = arith.cmpi eq, %get3A_21, %eq3A_114 : vector<1024x128xi32>
      %convert_element_type3A_116 = arith.extui %eq3A_115 : vector<1024x128xi1> to vector<1024x128xi32>
      %convert_element_type3A_117 = arith.sitofp %convert_element_type3A_116 : vector<1024x128xi32> to vector<1024x128xf32>
      %add3A_118 = arith.addf %add3A_99, %convert_element_type3A_117 : vector<1024x128xf32>
      %swap3A = arith.constant 0 : index
      %swap3A_119 = arith.constant 0 : index
      %swap3A_120 = vector.load %arg16[%swap3A, %swap3A_119] : memref<1024x128xf32, #tpu.memory_space<vmem>>, vector<1024x128xf32>
      tpu.vector_store %arg16[%swap3A, %swap3A_119], %add3A_118 {strides = array<i32>} : memref<1024x128xf32, #tpu.memory_space<vmem>>, vector<1024x128xf32>,
      %get3A_121 = arith.constant 0 : index
      %get3A_122 = arith.constant 0 : index
      %get3A_123 = vector.load %arg5[%get3A_121, %get3A_122] : memref<1024x128xi32, #tpu.memory_space<vmem>>, vector<1024x128xi32>
      %lt3A_124 = arith.constant 1073741824 : i32
      %lt3A_125 = vector.broadcast %lt3A_124 : i32 to vector<1024x128xi32>
      %lt3A_126 = arith.cmpi slt, %get3A_123, %lt3A_125 : vector<1024x128xi32>
      %get3A_127 = arith.constant 0 : index
      %get3A_128 = arith.constant 0 : index
      %get3A_129 = vector.load %arg15[%get3A_127, %get3A_128] : memref<1024x128xf32, #tpu.memory_space<vmem>>, vector<1024x128xf32>
      %jit3A_130 = arith.constant 0xFF800000 : f32
      %broadcast_in_dim3A_131 = vector.broadcast %jit3A_130 : f32 to vector<1024x128xf32>
      %select_n3A_132 = arith.select %lt3A_126, %get3A_129, %broadcast_in_dim3A_131 : vector<1024x128xi1>, vector<1024x128xf32>
      %broadcast_in_dim3A_133 = arith.constant 0.000000e+00 : f32
      %broadcast_in_dim3A_134 = vector.broadcast %broadcast_in_dim3A_133 : f32 to vector<1024x128xf32>
      %reduce_max3A_135 = arith.constant dense<0xFF800000> : vector<1024xf32>
      %reduce_max3A_136 = vector.multi_reduction <maximumf>, %select_n3A_132, %reduce_max3A_135 [1] : vector<1024x128xf32> to vector<1024xf32>
      %broadcast_in_dim3A_137 = vector.shape_cast %reduce_max3A_136 : vector<1024xf32> to vector<1024x1xf32>
      %eq3A_138 = vector.broadcast %broadcast_in_dim3A_137 : vector<1024x1xf32> to vector<1024x128xf32>
      %eq3A_139 = arith.cmpf oeq, %select_n3A_132, %eq3A_138 : vector<1024x128xf32>
      %jit3A_140 = arith.constant 1073741824 : i32
      %broadcast_in_dim3A_141 = vector.broadcast %jit3A_140 : i32 to vector<1024x128xi32>
      %select_n3A_142 = arith.select %eq3A_139, %get3A_123, %broadcast_in_dim3A_141 : vector<1024x128xi1>, vector<1024x128xi32>
      %reduce_min3A_143 = arith.constant dense<2147483647> : vector<1024xi32>
      %reduce_min3A_144 = vector.multi_reduction <minsi>, %select_n3A_142, %reduce_min3A_143 [1] : vector<1024x128xi32> to vector<1024xi32>
      %broadcast_in_dim3A_145 = vector.shape_cast %reduce_min3A_144 : vector<1024xi32> to vector<1024x1xi32>
      %eq3A_146 = vector.broadcast %broadcast_in_dim3A_145 : vector<1024x1xi32> to vector<1024x128xi32>
      %eq3A_147 = arith.cmpi eq, %get3A_123, %eq3A_146 : vector<1024x128xi32>
      %convert_element_type3A_148 = arith.extui %eq3A_147 : vector<1024x128xi1> to vector<1024x128xi32>
      %convert_element_type3A_149 = arith.sitofp %convert_element_type3A_148 : vector<1024x128xi32> to vector<1024x128xf32>
      %add3A_150 = arith.addf %broadcast_in_dim3A_134, %convert_element_type3A_149 : vector<1024x128xf32>
      %jit3A_151 = arith.constant 0xFF800000 : f32
      %broadcast_in_dim3A_152 = vector.broadcast %jit3A_151 : f32 to vector<1024x128xf32>
      %select_n3A_153 = arith.select %eq3A_147, %broadcast_in_dim3A_152, %select_n3A_132 : vector<1024x128xi1>, vector<1024x128xf32>
      %reduce_max3A_154 = arith.constant dense<0xFF800000> : vector<1024xf32>
      %reduce_max3A_155 = vector.multi_reduction <maximumf>, %select_n3A_153, %reduce_max3A_154 [1] : vector<1024x128xf32> to vector<1024xf32>
      %broadcast_in_dim3A_156 = vector.shape_cast %reduce_max3A_155 : vector<1024xf32> to vector<1024x1xf32>
      %eq3A_157 = vector.broadcast %broadcast_in_dim3A_156 : vector<1024x1xf32> to vector<1024x128xf32>
      %eq3A_158 = arith.cmpf oeq, %select_n3A_153, %eq3A_157 : vector<1024x128xf32>
      %jit3A_159 = arith.constant 1073741824 : i32
      %broadcast_in_dim3A_160 = vector.broadcast %jit3A_159 : i32 to vector<1024x128xi32>
      %select_n3A_161 = arith.select %eq3A_158, %get3A_123, %broadcast_in_dim3A_160 : vector<1024x128xi1>, vector<1024x128xi32>
      %reduce_min3A_162 = arith.constant dense<2147483647> : vector<1024xi32>
      %reduce_min3A_163 = vector.multi_reduction <minsi>, %select_n3A_161, %reduce_min3A_162 [1] : vector<1024x128xi32> to vector<1024xi32>
      %broadcast_in_dim3A_164 = vector.shape_cast %reduce_min3A_163 : vector<1024xi32> to vector<1024x1xi32>
      %eq3A_165 = vector.broadcast %broadcast_in_dim3A_164 : vector<1024x1xi32> to vector<1024x128xi32>
      %eq3A_166 = arith.cmpi eq, %get3A_123, %eq3A_165 : vector<1024x128xi32>
      %convert_element_type3A_167 = arith.extui %eq3A_166 : vector<1024x128xi1> to vector<1024x128xi32>
      %convert_element_type3A_168 = arith.sitofp %convert_element_type3A_167 : vector<1024x128xi32> to vector<1024x128xf32>
      %add3A_169 = arith.addf %add3A_150, %convert_element_type3A_168 : vector<1024x128xf32>
      %jit3A_170 = arith.constant 0xFF800000 : f32
      %broadcast_in_dim3A_171 = vector.broadcast %jit3A_170 : f32 to vector<1024x128xf32>
      %select_n3A_172 = arith.select %eq3A_166, %broadcast_in_dim3A_171, %select_n3A_153 : vector<1024x128xi1>, vector<1024x128xf32>
      %reduce_max3A_173 = arith.constant dense<0xFF800000> : vector<1024xf32>
      %reduce_max3A_174 = vector.multi_reduction <maximumf>, %select_n3A_172, %reduce_max3A_173 [1] : vector<1024x128xf32> to vector<1024xf32>
      %broadcast_in_dim3A_175 = vector.shape_cast %reduce_max3A_174 : vector<1024xf32> to vector<1024x1xf32>
      %eq3A_176 = vector.broadcast %broadcast_in_dim3A_175 : vector<1024x1xf32> to vector<1024x128xf32>
      %eq3A_177 = arith.cmpf oeq, %select_n3A_172, %eq3A_176 : vector<1024x128xf32>
      %jit3A_178 = arith.constant 1073741824 : i32
      %broadcast_in_dim3A_179 = vector.broadcast %jit3A_178 : i32 to vector<1024x128xi32>
      %select_n3A_180 = arith.select %eq3A_177, %get3A_123, %broadcast_in_dim3A_179 : vector<1024x128xi1>, vector<1024x128xi32>
      %reduce_min3A_181 = arith.constant dense<2147483647> : vector<1024xi32>
      %reduce_min3A_182 = vector.multi_reduction <minsi>, %select_n3A_180, %reduce_min3A_181 [1] : vector<1024x128xi32> to vector<1024xi32>
      %broadcast_in_dim3A_183 = vector.shape_cast %reduce_min3A_182 : vector<1024xi32> to vector<1024x1xi32>
      %eq3A_184 = vector.broadcast %broadcast_in_dim3A_183 : vector<1024x1xi32> to vector<1024x128xi32>
      %eq3A_185 = arith.cmpi eq, %get3A_123, %eq3A_184 : vector<1024x128xi32>
      %convert_element_type3A_186 = arith.extui %eq3A_185 : vector<1024x128xi1> to vector<1024x128xi32>
      %convert_element_type3A_187 = arith.sitofp %convert_element_type3A_186 : vector<1024x128xi32> to vector<1024x128xf32>
      %add3A_188 = arith.addf %add3A_169, %convert_element_type3A_187 : vector<1024x128xf32>
      %jit3A_189 = arith.constant 0xFF800000 : f32
      %broadcast_in_dim3A_190 = vector.broadcast %jit3A_189 : f32 to vector<1024x128xf32>
      %select_n3A_191 = arith.select %eq3A_185, %broadcast_in_dim3A_190, %select_n3A_172 : vector<1024x128xi1>, vector<1024x128xf32>
      %reduce_max3A_192 = arith.constant dense<0xFF800000> : vector<1024xf32>
      %reduce_max3A_193 = vector.multi_reduction <maximumf>, %select_n3A_191, %reduce_max3A_192 [1] : vector<1024x128xf32> to vector<1024xf32>
      %broadcast_in_dim3A_194 = vector.shape_cast %reduce_max3A_193 : vector<1024xf32> to vector<1024x1xf32>
      %eq3A_195 = vector.broadcast %broadcast_in_dim3A_194 : vector<1024x1xf32> to vector<1024x128xf32>
      %eq3A_196 = arith.cmpf oeq, %select_n3A_191, %eq3A_195 : vector<1024x128xf32>
      %jit3A_197 = arith.constant 1073741824 : i32
      %broadcast_in_dim3A_198 = vector.broadcast %jit3A_197 : i32 to vector<1024x128xi32>
      %select_n3A_199 = arith.select %eq3A_196, %get3A_123, %broadcast_in_dim3A_198 : vector<1024x128xi1>, vector<1024x128xi32>
      %reduce_min3A_200 = arith.constant dense<2147483647> : vector<1024xi32>
      %reduce_min3A_201 = vector.multi_reduction <minsi>, %select_n3A_199, %reduce_min3A_200 [1] : vector<1024x128xi32> to vector<1024xi32>
      %broadcast_in_dim3A_202 = vector.shape_cast %reduce_min3A_201 : vector<1024xi32> to vector<1024x1xi32>
      %eq3A_203 = vector.broadcast %broadcast_in_dim3A_202 : vector<1024x1xi32> to vector<1024x128xi32>
      %eq3A_204 = arith.cmpi eq, %get3A_123, %eq3A_203 : vector<1024x128xi32>
      %convert_element_type3A_205 = arith.extui %eq3A_204 : vector<1024x128xi1> to vector<1024x128xi32>
      %convert_element_type3A_206 = arith.sitofp %convert_element_type3A_205 : vector<1024x128xi32> to vector<1024x128xf32>
      %add3A_207 = arith.addf %add3A_188, %convert_element_type3A_206 : vector<1024x128xf32>
      %jit3A_208 = arith.constant 0xFF800000 : f32
      %broadcast_in_dim3A_209 = vector.broadcast %jit3A_208 : f32 to vector<1024x128xf32>
      %select_n3A_210 = arith.select %eq3A_204, %broadcast_in_dim3A_209, %select_n3A_191 : vector<1024x128xi1>, vector<1024x128xf32>
      %reduce_max3A_211 = arith.constant dense<0xFF800000> : vector<1024xf32>
      %reduce_max3A_212 = vector.multi_reduction <maximumf>, %select_n3A_210, %reduce_max3A_211 [1] : vector<1024x128xf32> to vector<1024xf32>
      %broadcast_in_dim3A_213 = vector.shape_cast %reduce_max3A_212 : vector<1024xf32> to vector<1024x1xf32>
      %eq3A_214 = vector.broadcast %broadcast_in_dim3A_213 : vector<1024x1xf32> to vector<1024x128xf32>
      %eq3A_215 = arith.cmpf oeq, %select_n3A_210, %eq3A_214 : vector<1024x128xf32>
      %jit3A_216 = arith.constant 1073741824 : i32
      %broadcast_in_dim3A_217 = vector.broadcast %jit3A_216 : i32 to vector<1024x128xi32>
      %select_n3A_218 = arith.select %eq3A_215, %get3A_123, %broadcast_in_dim3A_217 : vector<1024x128xi1>, vector<1024x128xi32>
      %reduce_min3A_219 = arith.constant dense<2147483647> : vector<1024xi32>
      %reduce_min3A_220 = vector.multi_reduction <minsi>, %select_n3A_218, %reduce_min3A_219 [1] : vector<1024x128xi32> to vector<1024xi32>
      %broadcast_in_dim3A_221 = vector.shape_cast %reduce_min3A_220 : vector<1024xi32> to vector<1024x1xi32>
      %eq3A_222 = vector.broadcast %broadcast_in_dim3A_221 : vector<1024x1xi32> to vector<1024x128xi32>
      %eq3A_223 = arith.cmpi eq, %get3A_123, %eq3A_222 : vector<1024x128xi32>
      %convert_element_type3A_224 = arith.extui %eq3A_223 : vector<1024x128xi1> to vector<1024x128xi32>
      %convert_element_type3A_225 = arith.sitofp %convert_element_type3A_224 : vector<1024x128xi32> to vector<1024x128xf32>
      %add3A_226 = arith.addf %add3A_207, %convert_element_type3A_225 : vector<1024x128xf32>
      %swap3A_227 = arith.constant 0 : index
      %swap3A_228 = arith.constant 0 : index
      %swap3A_229 = vector.load %arg17[%swap3A_227, %swap3A_228] : memref<1024x128xf32, #tpu.memory_space<vmem>>, vector<1024x128xf32>
      tpu.vector_store %arg17[%swap3A_227, %swap3A_228], %add3A_226 {strides = array<i32>} : memref<1024x128xf32, #tpu.memory_space<vmem>>, vector<1024x128xf32>,
    } else {
    }
    %ge3A = arith.constant 10 : i32
    %ge3A_11 = arith.cmpi sge, %arg0, %ge3A : i32
    %convert_element_type3A_12 = arith.extui %ge3A_11 : i1 to i32
    %cond3A_13 = arith.constant 0 : i32
    %cond3A_14 = arith.cmpi ne, %convert_element_type3A_12, %cond3A_13 : i32
    scf.if %cond3A_14 {
      %get3A = arith.constant 0 : index
      %get3A_20 = arith.constant 0 : index
      %get3A_21 = vector.load %arg16[%get3A, %get3A_20] : memref<1024x128xf32, #tpu.memory_space<vmem>>, vector<1024x128xf32>
      %broadcast_in_dim3A = arith.constant 0.000000e+00 : f32
      %broadcast_in_dim3A_22 = vector.broadcast %broadcast_in_dim3A : f32 to vector<1024x128xf32>
      %slice3A = vector.extract_strided_slice %get3A_21 {offsets = [0, 0], sizes = [1024, 1], strides = [1, 1]} : vector<1024x128xf32> to vector<1024x1xf32>
      %get3A_23 = arith.constant 0 : index
      %get3A_24 = arith.constant 0 : index
      %get3A_25 = vector.load %arg1[%get3A_23, %get3A_24] : memref<4096x128xf32, #tpu.memory_space<vmem>>, vector<1024x128xf32>
      %mul3A = vector.broadcast %slice3A : vector<1024x1xf32> to vector<1024x128xf32>
      %mul3A_26 = arith.mulf %get3A_25, %mul3A : vector<1024x128xf32>
      %add3A = arith.addf %broadcast_in_dim3A_22, %mul3A_26 : vector<1024x128xf32>
      %roll3A = arith.constant 127 : i32
      %roll3A_27 = tpu.dynamic_rotate %get3A_21 by %roll3A dim 1 : vector<1024x128xf32>, i32 -> vector<1024x128xf32>
      %slice3A_28 = vector.extract_strided_slice %roll3A_27 {offsets = [0, 0], sizes = [1024, 1], strides = [1, 1]} : vector<1024x128xf32> to vector<1024x1xf32>
      %get3A_29 = arith.constant 1024 : index
      %get3A_30 = arith.constant 0 : index
      %get3A_31 = vector.load %arg1[%get3A_29, %get3A_30] : memref<4096x128xf32, #tpu.memory_space<vmem>>, vector<1024x128xf32>
      %mul3A_32 = vector.broadcast %slice3A_28 : vector<1024x1xf32> to vector<1024x128xf32>
      %mul3A_33 = arith.mulf %get3A_31, %mul3A_32 : vector<1024x128xf32>
      %add3A_34 = arith.addf %add3A, %mul3A_33 : vector<1024x128xf32>
      %roll3A_35 = arith.constant 127 : i32
      %roll3A_36 = tpu.dynamic_rotate %roll3A_27 by %roll3A_35 dim 1 : vector<1024x128xf32>, i32 -> vector<1024x128xf32>
      %slice3A_37 = vector.extract_strided_slice %roll3A_36 {offsets = [0, 0], sizes = [1024, 1], strides = [1, 1]} : vector<1024x128xf32> to vector<1024x1xf32>
      %get3A_38 = arith.constant 2048 : index
      %get3A_39 = arith.constant 0 : index
      %get3A_40 = vector.load %arg1[%get3A_38, %get3A_39] : memref<4096x128xf32, #tpu.memory_space<vmem>>, vector<1024x128xf32>
      %mul3A_41 = vector.broadcast %slice3A_37 : vector<1024x1xf32> to vector<1024x128xf32>
      %mul3A_42 = arith.mulf %get3A_40, %mul3A_41 : vector<1024x128xf32>
      %add3A_43 = arith.addf %add3A_34, %mul3A_42 : vector<1024x128xf32>
      %roll3A_44 = arith.constant 127 : i32
      %roll3A_45 = tpu.dynamic_rotate %roll3A_36 by %roll3A_44 dim 1 : vector<1024x128xf32>, i32 -> vector<1024x128xf32>
      %slice3A_46 = vector.extract_strided_slice %roll3A_45 {offsets = [0, 0], sizes = [1024, 1], strides = [1, 1]} : vector<1024x128xf32> to vector<1024x1xf32>
      %get3A_47 = arith.constant 3072 : index
      %get3A_48 = arith.constant 0 : index
      %get3A_49 = vector.load %arg1[%get3A_47, %get3A_48] : memref<4096x128xf32, #tpu.memory_space<vmem>>, vector<1024x128xf32>
      %mul3A_50 = vector.broadcast %slice3A_46 : vector<1024x1xf32> to vector<1024x128xf32>
      %mul3A_51 = arith.mulf %get3A_49, %mul3A_50 : vector<1024x128xf32>
      %add3A_52 = arith.addf %add3A_43, %mul3A_51 : vector<1024x128xf32>
      %roll3A_53 = arith.constant 127 : i32
      %roll3A_54 = tpu.dynamic_rotate %roll3A_45 by %roll3A_53 dim 1 : vector<1024x128xf32>, i32 -> vector<1024x128xf32>
      %get3A_55 = arith.constant 0 : index
      %get3A_56 = arith.constant 0 : index
      %get3A_57 = vector.load %arg18[%get3A_55, %get3A_56] : memref<1024x128xf32, #tpu.memory_space<vmem>>, vector<1024x128xf32>
      %add3A_58 = arith.addf %get3A_57, %add3A_52 : vector<1024x128xf32>
      %swap3A = arith.constant 0 : index
      %swap3A_59 = arith.constant 0 : index
      %swap3A_60 = vector.load %arg18[%swap3A, %swap3A_59] : memref<1024x128xf32, #tpu.memory_space<vmem>>, vector<1024x128xf32>
      tpu.vector_store %arg18[%swap3A, %swap3A_59], %add3A_58 {strides = array<i32>} : memref<1024x128xf32, #tpu.memory_space<vmem>>, vector<1024x128xf32>,
      %swap3A_61 = arith.constant 0 : index
      %swap3A_62 = arith.constant 0 : index
      %swap3A_63 = vector.load %arg16[%swap3A_61, %swap3A_62] : memref<1024x128xf32, #tpu.memory_space<vmem>>, vector<1024x128xf32>
      tpu.vector_store %arg16[%swap3A_61, %swap3A_62], %roll3A_54 {strides = array<i32>} : memref<1024x128xf32, #tpu.memory_space<vmem>>, vector<1024x128xf32>,
      %get3A_64 = arith.constant 0 : index
      %get3A_65 = arith.constant 0 : index
      %get3A_66 = vector.load %arg17[%get3A_64, %get3A_65] : memref<1024x128xf32, #tpu.memory_space<vmem>>, vector<1024x128xf32>
      %broadcast_in_dim3A_67 = arith.constant 0.000000e+00 : f32
      %broadcast_in_dim3A_68 = vector.broadcast %broadcast_in_dim3A_67 : f32 to vector<1024x128xf32>
      %slice3A_69 = vector.extract_strided_slice %get3A_66 {offsets = [0, 0], sizes = [1024, 1], strides = [1, 1]} : vector<1024x128xf32> to vector<1024x1xf32>
      %get3A_70 = arith.constant 0 : index
      %get3A_71 = arith.constant 0 : index
      %get3A_72 = vector.load %arg2[%get3A_70, %get3A_71] : memref<4096x128xf32, #tpu.memory_space<vmem>>, vector<1024x128xf32>
      %mul3A_73 = vector.broadcast %slice3A_69 : vector<1024x1xf32> to vector<1024x128xf32>
      %mul3A_74 = arith.mulf %get3A_72, %mul3A_73 : vector<1024x128xf32>
      %add3A_75 = arith.addf %broadcast_in_dim3A_68, %mul3A_74 : vector<1024x128xf32>
      %roll3A_76 = arith.constant 127 : i32
      %roll3A_77 = tpu.dynamic_rotate %get3A_66 by %roll3A_76 dim 1 : vector<1024x128xf32>, i32 -> vector<1024x128xf32>
      %slice3A_78 = vector.extract_strided_slice %roll3A_77 {offsets = [0, 0], sizes = [1024, 1], strides = [1, 1]} : vector<1024x128xf32> to vector<1024x1xf32>
      %get3A_79 = arith.constant 1024 : index
      %get3A_80 = arith.constant 0 : index
      %get3A_81 = vector.load %arg2[%get3A_79, %get3A_80] : memref<4096x128xf32, #tpu.memory_space<vmem>>, vector<1024x128xf32>
      %mul3A_82 = vector.broadcast %slice3A_78 : vector<1024x1xf32> to vector<1024x128xf32>
      %mul3A_83 = arith.mulf %get3A_81, %mul3A_82 : vector<1024x128xf32>
      %add3A_84 = arith.addf %add3A_75, %mul3A_83 : vector<1024x128xf32>
      %roll3A_85 = arith.constant 127 : i32
      %roll3A_86 = tpu.dynamic_rotate %roll3A_77 by %roll3A_85 dim 1 : vector<1024x128xf32>, i32 -> vector<1024x128xf32>
      %slice3A_87 = vector.extract_strided_slice %roll3A_86 {offsets = [0, 0], sizes = [1024, 1], strides = [1, 1]} : vector<1024x128xf32> to vector<1024x1xf32>
      %get3A_88 = arith.constant 2048 : index
      %get3A_89 = arith.constant 0 : index
      %get3A_90 = vector.load %arg2[%get3A_88, %get3A_89] : memref<4096x128xf32, #tpu.memory_space<vmem>>, vector<1024x128xf32>
      %mul3A_91 = vector.broadcast %slice3A_87 : vector<1024x1xf32> to vector<1024x128xf32>
      %mul3A_92 = arith.mulf %get3A_90, %mul3A_91 : vector<1024x128xf32>
      %add3A_93 = arith.addf %add3A_84, %mul3A_92 : vector<1024x128xf32>
      %roll3A_94 = arith.constant 127 : i32
      %roll3A_95 = tpu.dynamic_rotate %roll3A_86 by %roll3A_94 dim 1 : vector<1024x128xf32>, i32 -> vector<1024x128xf32>
      %slice3A_96 = vector.extract_strided_slice %roll3A_95 {offsets = [0, 0], sizes = [1024, 1], strides = [1, 1]} : vector<1024x128xf32> to vector<1024x1xf32>
      %get3A_97 = arith.constant 3072 : index
      %get3A_98 = arith.constant 0 : index
      %get3A_99 = vector.load %arg2[%get3A_97, %get3A_98] : memref<4096x128xf32, #tpu.memory_space<vmem>>, vector<1024x128xf32>
      %mul3A_100 = vector.broadcast %slice3A_96 : vector<1024x1xf32> to vector<1024x128xf32>
      %mul3A_101 = arith.mulf %get3A_99, %mul3A_100 : vector<1024x128xf32>
      %add3A_102 = arith.addf %add3A_93, %mul3A_101 : vector<1024x128xf32>
      %roll3A_103 = arith.constant 127 : i32
      %roll3A_104 = tpu.dynamic_rotate %roll3A_95 by %roll3A_103 dim 1 : vector<1024x128xf32>, i32 -> vector<1024x128xf32>
      %get3A_105 = arith.constant 0 : index
      %get3A_106 = arith.constant 0 : index
      %get3A_107 = vector.load %arg19[%get3A_105, %get3A_106] : memref<1024x128xf32, #tpu.memory_space<vmem>>, vector<1024x128xf32>
      %add3A_108 = arith.addf %get3A_107, %add3A_102 : vector<1024x128xf32>
      %swap3A_109 = arith.constant 0 : index
      %swap3A_110 = arith.constant 0 : index
      %swap3A_111 = vector.load %arg19[%swap3A_109, %swap3A_110] : memref<1024x128xf32, #tpu.memory_space<vmem>>, vector<1024x128xf32>
      tpu.vector_store %arg19[%swap3A_109, %swap3A_110], %add3A_108 {strides = array<i32>} : memref<1024x128xf32, #tpu.memory_space<vmem>>, vector<1024x128xf32>,
      %swap3A_112 = arith.constant 0 : index
      %swap3A_113 = arith.constant 0 : index
      %swap3A_114 = vector.load %arg17[%swap3A_112, %swap3A_113] : memref<1024x128xf32, #tpu.memory_space<vmem>>, vector<1024x128xf32>
      tpu.vector_store %arg17[%swap3A_112, %swap3A_113], %roll3A_104 {strides = array<i32>} : memref<1024x128xf32, #tpu.memory_space<vmem>>, vector<1024x128xf32>,
    } else {
    }
    %eq3A_15 = arith.constant 19 : i32
    %eq3A_16 = arith.cmpi eq, %arg0, %eq3A_15 : i32
    %convert_element_type3A_17 = arith.extui %eq3A_16 : i1 to i32
    %cond3A_18 = arith.constant 0 : i32
    %cond3A_19 = arith.cmpi ne, %convert_element_type3A_17, %cond3A_18 : i32
    scf.if %cond3A_19 {
      %get3A = arith.constant 0 : index
      %get3A_20 = arith.constant 0 : index
      %get3A_21 = vector.load %arg3[%get3A, %get3A_20] : memref<1024x128xf32, #tpu.memory_space<vmem>>, vector<1024x128xf32>
      %get3A_22 = arith.constant 0 : index
      %get3A_23 = arith.constant 0 : index
      %get3A_24 = vector.load %arg18[%get3A_22, %get3A_23] : memref<1024x128xf32, #tpu.memory_space<vmem>>, vector<1024x128xf32>
      %div3A = arith.constant 5.000000e+00 : f32
      %div3A_25 = vector.broadcast %div3A : f32 to vector<1024x128xf32>
      %div3A_26 = arith.divf %get3A_24, %div3A_25 : vector<1024x128xf32>
      %get3A_27 = arith.constant 0 : index
      %get3A_28 = arith.constant 0 : index
      %get3A_29 = vector.load %arg19[%get3A_27, %get3A_28] : memref<1024x128xf32, #tpu.memory_space<vmem>>, vector<1024x128xf32>
      %div3A_30 = arith.constant 5.000000e+00 : f32
      %div3A_31 = vector.broadcast %div3A_30 : f32 to vector<1024x128xf32>
      %div3A_32 = arith.divf %get3A_29, %div3A_31 : vector<1024x128xf32>
      %get3A_33 = arith.constant 0 : index
      %get3A_34 = arith.constant 0 : index
      %get3A_35 = vector.load %arg6[%get3A_33, %get3A_34] : memref<384x128xf32, #tpu.memory_space<vmem>>, vector<384x128xf32>
      %slice3A = vector.extract_strided_slice %get3A_35 {offsets = [0, 0], sizes = [128, 128], strides = [1, 1]} : vector<384x128xf32> to vector<128x128xf32>
      %dot_general3A = arith.constant dense<0.000000e+00> : vector<1024x128xf32>
      %dot_general3A_36 = tpu.matmul %get3A_21, %slice3A, %dot_general3A {dimension_numbers = #tpu.dot_dimension_numbers<[1], [0], [0], [1], [0, 0, 1, 1], [], []>, transpose_lhs_hint = false} : vector<1024x128xf32>, vector<128x128xf32>, vector<1024x128xf32> -> vector<1024x128xf32>
      %slice3A_37 = vector.extract_strided_slice %get3A_35 {offsets = [128, 0], sizes = [128, 128], strides = [1, 1]} : vector<384x128xf32> to vector<128x128xf32>
      %dot_general3A_38 = arith.constant dense<0.000000e+00> : vector<1024x128xf32>
      %dot_general3A_39 = tpu.matmul %div3A_26, %slice3A_37, %dot_general3A_38 {dimension_numbers = #tpu.dot_dimension_numbers<[1], [0], [0], [1], [0, 0, 1, 1], [], []>, transpose_lhs_hint = false} : vector<1024x128xf32>, vector<128x128xf32>, vector<1024x128xf32> -> vector<1024x128xf32>
      %add3A = arith.addf %dot_general3A_36, %dot_general3A_39 : vector<1024x128xf32>
      %slice3A_40 = vector.extract_strided_slice %get3A_35 {offsets = [256, 0], sizes = [128, 128], strides = [1, 1]} : vector<384x128xf32> to vector<128x128xf32>
      %dot_general3A_41 = arith.constant dense<0.000000e+00> : vector<1024x128xf32>
      %dot_general3A_42 = tpu.matmul %div3A_32, %slice3A_40, %dot_general3A_41 {dimension_numbers = #tpu.dot_dimension_numbers<[1], [0], [0], [1], [0, 0, 1, 1], [], []>, transpose_lhs_hint = false} : vector<1024x128xf32>, vector<128x128xf32>, vector<1024x128xf32> -> vector<1024x128xf32>
      %add3A_43 = arith.addf %add3A, %dot_general3A_42 : vector<1024x128xf32>
      %get3A_44 = arith.constant 0 : index
      %get3A_45 = arith.constant 0 : index
      %get3A_46 = vector.load %arg7[%get3A_44, %get3A_45] : memref<1x128xf32, #tpu.memory_space<vmem>>, vector<1x128xf32>
      %add3A_47 = vector.broadcast %get3A_46 : vector<1x128xf32> to vector<1024x128xf32>
      %add3A_48 = arith.addf %add3A_43, %add3A_47 : vector<1024x128xf32>
      %tanh3A = math.tanh %add3A_48 : vector<1024x128xf32>
      %add3A_49 = arith.addf %get3A_21, %tanh3A : vector<1024x128xf32>
      %get3A_50 = arith.constant 0 : index
      %get3A_51 = arith.constant 0 : index
      %get3A_52 = vector.load %arg8[%get3A_50, %get3A_51] : memref<128x128xf32, #tpu.memory_space<vmem>>, vector<128x128xf32>
      %dot_general3A_53 = arith.constant dense<0.000000e+00> : vector<1024x128xf32>
      %dot_general3A_54 = tpu.matmul %add3A_49, %get3A_52, %dot_general3A_53 {dimension_numbers = #tpu.dot_dimension_numbers<[1], [0], [0], [1], [0, 0, 1, 1], [], []>, transpose_lhs_hint = false} : vector<1024x128xf32>, vector<128x128xf32>, vector<1024x128xf32> -> vector<1024x128xf32>
      %get3A_55 = arith.constant 0 : index
      %get3A_56 = arith.constant 0 : index
      %get3A_57 = vector.load %arg9[%get3A_55, %get3A_56] : memref<1x128xf32, #tpu.memory_space<vmem>>, vector<1x128xf32>
      %add3A_58 = vector.broadcast %get3A_57 : vector<1x128xf32> to vector<1024x128xf32>
      %add3A_59 = arith.addf %dot_general3A_54, %add3A_58 : vector<1024x128xf32>
      %max3A = arith.constant 0.000000e+00 : f32
      %max3A_60 = vector.broadcast %max3A : f32 to vector<1024x128xf32>
      %max3A_61 = arith.maximumf %add3A_59, %max3A_60 : vector<1024x128xf32>
      %get3A_62 = arith.constant 0 : index
      %get3A_63 = arith.constant 0 : index
      %get3A_64 = vector.load %arg10[%get3A_62, %get3A_63] : memref<128x128xf32, #tpu.memory_space<vmem>>, vector<128x128xf32>
      %dot_general3A_65 = arith.constant dense<0.000000e+00> : vector<1024x128xf32>
      %dot_general3A_66 = tpu.matmul %max3A_61, %get3A_64, %dot_general3A_65 {dimension_numbers = #tpu.dot_dimension_numbers<[1], [0], [0], [1], [0, 0, 1, 1], [], []>, transpose_lhs_hint = false} : vector<1024x128xf32>, vector<128x128xf32>, vector<1024x128xf32> -> vector<1024x128xf32>
      %get3A_67 = arith.constant 0 : index
      %get3A_68 = arith.constant 0 : index
      %get3A_69 = vector.load %arg11[%get3A_67, %get3A_68] : memref<1x128xf32, #tpu.memory_space<vmem>>, vector<1x128xf32>
      %add3A_70 = vector.broadcast %get3A_69 : vector<1x128xf32> to vector<1024x128xf32>
      %add3A_71 = arith.addf %dot_general3A_66, %add3A_70 : vector<1024x128xf32>
      %swap3A = arith.constant 0 : index
      %swap3A_72 = arith.constant 0 : index
      %swap3A_73 = vector.load %arg12[%swap3A, %swap3A_72] : memref<1024x128xf32, #tpu.memory_space<vmem>>, vector<1024x128xf32>
      tpu.vector_store %arg12[%swap3A, %swap3A_72], %add3A_71 {strides = array<i32>} : memref<1024x128xf32, #tpu.memory_space<vmem>>, vector<1024x128xf32>,
    } else {
    }
    return
  }
  func.func @transform_0(%arg0: i32) -> (i32, i32) {
    %jit3A = arith.constant 10 : i32
    %eq3A = arith.constant 0 : i32
    %eq3A_0 = arith.cmpi eq, %jit3A, %eq3A : i32
    %jit3A_1 = arith.constant 1 : i32
    %select_n3A = arith.select %eq3A_0, %jit3A_1, %jit3A : i32
    %rem3A = arith.remsi %arg0, %select_n3A : i32
    %ne3A = arith.constant 0 : i32
    %ne3A_2 = arith.cmpi ne, %rem3A, %ne3A : i32
    %lt3A = arith.constant 0 : i32
    %lt3A_3 = arith.cmpi slt, %rem3A, %lt3A : i32
    %lt3A_4 = arith.constant 0 : i32
    %lt3A_5 = arith.cmpi slt, %select_n3A, %lt3A_4 : i32
    %ne3A_6 = arith.xori %lt3A_3, %lt3A_5 : i1
    %and3A = arith.andi %ne3A_6, %ne3A_2 : i1
    %add3A = arith.addi %rem3A, %select_n3A : i32
    %select_n3A_7 = arith.select %and3A, %add3A, %rem3A : i32
    %c0_i32 = arith.constant 0 : i32
    %c0_i32_8 = arith.constant 0 : i32
    return %select_n3A_7, %c0_i32 : i32, i32
  }
  func.func @transform_1(%arg0: i32) -> (i32, i32) {
    %jit3A = arith.constant 10 : i32
    %eq3A = arith.constant 0 : i32
    %eq3A_0 = arith.cmpi eq, %jit3A, %eq3A : i32
    %jit3A_1 = arith.constant 1 : i32
    %select_n3A = arith.select %eq3A_0, %jit3A_1, %jit3A : i32
    %rem3A = arith.remsi %arg0, %select_n3A : i32
    %ne3A = arith.constant 0 : i32
    %ne3A_2 = arith.cmpi ne, %rem3A, %ne3A : i32
    %lt3A = arith.constant 0 : i32
    %lt3A_3 = arith.cmpi slt, %rem3A, %lt3A : i32
    %lt3A_4 = arith.constant 0 : i32
    %lt3A_5 = arith.cmpi slt, %select_n3A, %lt3A_4 : i32
    %ne3A_6 = arith.xori %lt3A_3, %lt3A_5 : i1
    %and3A = arith.andi %ne3A_6, %ne3A_2 : i1
    %add3A = arith.addi %rem3A, %select_n3A : i32
    %select_n3A_7 = arith.select %and3A, %add3A, %rem3A : i32
    %c0_i32 = arith.constant 0 : i32
    %c0_i32_8 = arith.constant 0 : i32
    return %select_n3A_7, %c0_i32 : i32, i32
  }
  func.func @transform_2(%arg0: i32) -> (i32, i32) {
    %c0_i32 = arith.constant 0 : i32
    %c0_i32_0 = arith.constant 0 : i32
    %c0_i32_1 = arith.constant 0 : i32
    return %c0_i32, %c0_i32_0 : i32, i32
  }
  func.func @transform_3(%arg0: i32) -> (i32, i32) {
    %c0_i32 = arith.constant 0 : i32
    %c0_i32_0 = arith.constant 0 : i32
    %c0_i32_1 = arith.constant 0 : i32
    return %c0_i32, %c0_i32_0 : i32, i32
  }
  func.func @transform_4(%arg0: i32) -> (i32, i32) {
    %c0_i32 = arith.constant 0 : i32
    %c0_i32_0 = arith.constant 0 : i32
    %c0_i32_1 = arith.constant 0 : i32
    return %c0_i32, %c0_i32_0 : i32, i32
  }
  func.func @transform_5(%arg0: i32) -> (i32, i32) {
    %c0_i32 = arith.constant 0 : i32
    %c0_i32_0 = arith.constant 0 : i32
    %c0_i32_1 = arith.constant 0 : i32
    return %c0_i32, %c0_i32_0 : i32, i32
  }
  func.func @transform_6(%arg0: i32) -> (i32, i32) {
    %c0_i32 = arith.constant 0 : i32
    %c0_i32_0 = arith.constant 0 : i32
    %c0_i32_1 = arith.constant 0 : i32
    return %c0_i32, %c0_i32_0 : i32, i32
  }
  func.func @transform_7(%arg0: i32) -> (i32, i32) {
    %c0_i32 = arith.constant 0 : i32
    %c0_i32_0 = arith.constant 0 : i32
    %c0_i32_1 = arith.constant 0 : i32
    return %c0_i32, %c0_i32_0 : i32, i32
  }
  func.func @transform_8(%arg0: i32) -> (i32, i32) {
    %c0_i32 = arith.constant 0 : i32
    %c0_i32_0 = arith.constant 0 : i32
    %c0_i32_1 = arith.constant 0 : i32
    return %c0_i32, %c0_i32_0 : i32, i32
  }
  func.func @transform_9(%arg0: i32) -> (i32, i32) {
    %c0_i32 = arith.constant 0 : i32
    %c0_i32_0 = arith.constant 0 : i32
    %c0_i32_1 = arith.constant 0 : i32
    return %c0_i32, %c0_i32_0 : i32, i32
  }
  func.func @transform_10(%arg0: i32) -> (i32, i32) {
    %c0_i32 = arith.constant 0 : i32
    %c0_i32_0 = arith.constant 0 : i32
    %c0_i32_1 = arith.constant 0 : i32
    return %c0_i32, %c0_i32_0 : i32, i32
  }
  func.func @transform_11(%arg0: i32) -> (i32, i32) {
    %c0_i32 = arith.constant 0 : i32
    %c0_i32_0 = arith.constant 0 : i32
    %c0_i32_1 = arith.constant 0 : i32
    return %c0_i32, %c0_i32_0 : i32, i32
  }
}

</mosaic_0001>

<sc_bundles>
// kernel: kernel.5.cloned.1.call-start
scs
__scs_entry_jumppad:
0x0: {  	(pc) =	sbr.rel $0x88, $3  }
0x1: {  	(tag) =	ssettag $0x0;
	lr =	simm.s32 $0x1  }
0x2: {  	[smem:$0x3F98] =	sst lr;
	_ =	strace $0xD0000000  }
0x3: {  	_ = 	snop  }
0x4: {  	_ = 	snop  }
0x5: {  	_ = 	snop  }
0x6: {  	_ = 	snop  }
0x7: {  	_ = 	snop  }
__scs_overlays_trampoline_lowered:
0x8: {  	[smem:$0x3FA7] =	sst s0  }
0x9: {  	[smem:$0x3FA8] =	sst s1  }
0xa: {  	[smem:$0x3FA9] =	sst s2  }
0xb: {  	[smem:$0x3FAA] =	sst s3  }
0xc: {  	[smem:$0x3FAB] =	sst s4  }
0xd: {  	[smem:$0x3FAC] =	sst s5  }
0xe: {  	[smem:$0x3FAD] =	sst s6  }
0xf: {  	[smem:$0x3FAE] =	sst s7  }
0x10: {  	[smem:$0x3FAF] =	sst s8  }
0x11: {  	[smem:$0x3FB0] =	sst s9;
	s0 =	simm.s32 @!p0 $0x0  }
0x12: {  	s1 =	sld [smem:$0x3F96];
	s0 =	simm.s32 @p0 $0x1  }
0x13: {  	[smem:$0x3FB1] =	sst s0;
	s0 =	simm.s32 @!p1 $0x0  }
0x14: {  	s2 =	sld [smem:$0x3F95];
	s0 =	simm.s32 @p1 $0x1  }
0x15: {  	[smem:$0x3FB2] =	sst s0;
	s0 =	simm.s32 @!p2 $0x0  }
0x16: {  	s3 =	sld [smem:$0x3FDB];
	s0 =	simm.s32 @p2 $0x1  }
0x17: {  	s4 =	simm.s32 $0x1BF5;
	[smem:$0x3FB4] =	sst s0  }
0x18: {  	s0 =	sld [smem:$0x3F97];
	_ =	swait.ge [sflag:s4], $0x0  }
0x19: {  	s7 =	sld [smem:$0x3F98]  }
0x1a: {  	s8 =	sadd.s32 $0xFFFFE003, lr  }
0x1b: {  	s9 =	sadd.s32 $0xFFFFFEF7, lr;
	s5 =	simm.s32 $0xFFFFFFFF;
	p2 =	slt.u32 s8, $0xFFFFF086  }
0x1c: {  	p1 =	slt.u32 s9, $0xF7A;
	s5 =	simm.s32 @!p2 $0x0  }
0x1d: {  	s5 =	simm.s32 @p1 $0x1;
	p0 =	seq.s32 s7, s2  }
0x1e: {  	s7 =	smul.u32 @!p0 $0xF7A, s2;
	p2 =	seq.s32 @!p0 s5, $0x0  }
0x1f: {  	s9 =	smul.u32 $0xF7A, s1;
	s8 =	simm.s32 @!p0 $0x1BF5;
	p2 =	por !p2, p0  }
0x20: {  	[sflag:s8] =	ssyncset.s32 @!p0 $0xFFFFF086;
	s6 =	sadd.s32 @!p0 s3, s7;
	s7 =	simm.s32 @!p0 $0x108  }
0x21: {  	s3 =	sadd.s32 s3, s9;
	s6 =	sadd.s32 @!p0 $0x88, s6;
	s7 =	simm.s32 @p2 $0x1082  }
0x22: {  	[simem:s7], [sflag:s8] =	dma.local @!p0 [hbm:s6], $0xF7A  }
0x23: {  	s9 =	sor.u32 $0xD0000000, s2;
	s6 =	simm.s32 $0x108;
	_ =	swait.ge @!p0 [sflag:s8], $0x0  }
0x24: {  	s3 =	sadd.s32 $0x88, s3;
	s6 =	simm.s32 @!p1 $0x1082;
	[sflag:s4] =	ssyncset.s32 $0xFFFFF086  }
0x25: {  	[simem:s6], [sflag:s4] =	dma.local [hbm:s3], $0xF7A  }
0x26: {  	[smem:$0x3F98] =	sst s1;
	(tag) =	ssettag s2;
	_ =	strace s9  }
0x27: {  	s1 =	sld [smem:$0x3FA8]  }
0x28: {  	s2 =	sld [smem:$0x3FA9]  }
0x29: {  	s4 =	sld [smem:$0x3FAB]  }
0x2a: {  	p0 =	seq.s32 s5, $0x0;
	s5 =	sld [smem:$0x3FAC]  }
0x2b: {  	s6 =	sld [smem:$0x3FAD]  }
0x2c: {  	s7 =	sld [smem:$0x3FAE]  }
0x2d: {  	s3 =	simm.s32 $0x108;
	s8 =	sld [smem:$0x3FAF]  }
0x2e: {  	s3 =	simm.s32 @!p0 $0x1082;
	s9 =	sld [smem:$0x3FB0]  }
0x2f: {  	lr =	sadd.s32 s0, s3;
	s0 =	sld [smem:$0x3FA7]  }
0x30: {  	s3 =	sld [smem:$0x3FAA]  }
0x31: {  	[smem:$0x3FB3] =	sst s10  }
0x32: {  	s10 =	sld [smem:$0x3FB1];
	_ =	sdelay $0x3  }
0x33: {  	p0 =	seq.s32 s10, $0x1;
	s10 =	sld [smem:$0x3FB3];
	_ =	sdelay $0x3  }
0x34: {  	[smem:$0x3FB3] =	sst s10  }
0x35: {  	s10 =	sld [smem:$0x3FB2];
	_ =	sdelay $0x3  }
0x36: {  	p1 =	seq.s32 s10, $0x1;
	s10 =	sld [smem:$0x3FB3];
	_ =	sdelay $0x3  }
0x37: {  	[smem:$0x3FB3] =	sst s10  }
0x38: {  	s10 =	sld [smem:$0x3FB4]  }
0x39: {  	_ = 	snop;
	(pc) =	sbr.ind lr, $3  }
0x3a: {  	_ = 	snop  }
0x3b: {  	_ = 	snop  }
0x3c: {  	p2 =	seq.s32 s10, $0x1;
	s10 =	sld [smem:$0x3FB3]  }
0x3d: {  	_ =	shalt  }
0x3e: {  	_ =	shalt  }
0x3f: {  	_ =	shalt  }
0x40: {  	_ =	shalt  }
0x41: {  	_ =	shalt  }
0x42: {  	_ =	shalt  }
0x43: {  	_ =	shalt  }
0x44: {  	_ =	shalt  }
0x45: {  	_ =	shalt  }
0x46: {  	_ =	shalt  }
0x47: {  	_ =	shalt  }
0x48: {  	_ =	shalt  }
0x49: {  	_ =	shalt  }
0x4a: {  	_ =	shalt  }
0x4b: {  	_ =	shalt  }
0x4c: {  	_ =	shalt  }
0x4d: {  	_ =	shalt  }
0x4e: {  	_ =	shalt  }
0x4f: {  	_ =	shalt  }
0x50: {  	_ =	shalt  }
0x51: {  	_ =	shalt  }
0x52: {  	_ =	shalt  }
0x53: {  	_ =	shalt  }
0x54: {  	_ =	shalt  }
0x55: {  	_ =	shalt  }
0x56: {  	_ =	shalt  }
0x57: {  	_ =	shalt  }
0x58: {  	_ =	shalt  }
0x59: {  	_ =	shalt  }
0x5a: {  	_ =	shalt  }
0x5b: {  	_ =	shalt  }
0x5c: {  	_ =	shalt  }
0x5d: {  	_ =	shalt  }
0x5e: {  	_ =	shalt  }
0x5f: {  	_ =	shalt  }
0x60: {  	_ =	shalt  }
0x61: {  	_ =	shalt  }
0x62: {  	_ =	shalt  }
0x63: {  	_ =	shalt  }
0x64: {  	_ =	shalt  }
0x65: {  	_ =	shalt  }
0x66: {  	_ =	shalt  }
0x67: {  	_ =	shalt  }
0x68: {  	_ =	shalt  }
0x69: {  	_ =	shalt  }
0x6a: {  	_ =	shalt  }
0x6b: {  	_ =	shalt  }
0x6c: {  	_ =	shalt  }
0x6d: {  	_ =	shalt  }
0x6e: {  	_ =	shalt  }
0x6f: {  	_ =	shalt  }
0x70: {  	_ =	shalt  }
0x71: {  	_ =	shalt  }
0x72: {  	_ =	shalt  }
0x73: {  	_ =	shalt  }
0x74: {  	_ =	shalt  }
0x75: {  	_ =	shalt  }
0x76: {  	_ =	shalt  }
0x77: {  	_ =	shalt  }
0x78: {  	_ =	shalt  }
0x79: {  	_ =	shalt  }
0x7a: {  	_ =	shalt  }
0x7b: {  	_ =	shalt  }
0x7c: {  	_ =	shalt  }
0x7d: {  	_ =	shalt  }
0x7e: {  	_ =	shalt  }
0x7f: {  	_ =	shalt  }
0x80: {  	_ =	shalt  }
0x81: {  	_ =	shalt  }
0x82: {  	_ =	shalt  }
0x83: {  	_ =	shalt  }
0x84: {  	_ =	shalt  }
0x85: {  	_ =	shalt  }
0x86: {  	_ =	shalt  }
0x87: {  	_ =	shalt  }
.Lfunc_end0:
.L_simem_size_0:
called_computation_lowered:
.L_overlay_start_0:
0x88: {  	s2 =	sld [smem:$0x3FD9]  }
0x89: {  	s3 =	sld [smem:$0x3FFE];
	_ =	sdelay $0x1  }
0x8a: {  	s1 =	srdreg.scid  }
0x8b: {  	s0 =	sand.u32 $0x1, s1  }
0x8c: {  	s17 =	sshll.u32 s0, $0xA;
	s2 =	sadd.s32 s3, s2  }
0x8d: {  	s2 =	sadd.s32 s2, s17  }
0x8e: {  	[smem:$0x3FBF] =	sst s2  }
0x8f: {  	_ = 	snop  }
0x90: {  	s2 =	sld [smem:$0x3FC8]  }
0x91: {  	s18 =	sld [smem:$0x3FC7];
	(tm) =	ssettm $0x1  }
0x92: {  	s4 =	sld [smem:$0x3FFB];
	_ =	sdelay $0x3  }
0x93: {  	_ =	strace s4  }
0x94: {  	s4 =	sld [smem:$0x3FFC];
	_ =	sdelay $0x3  }
0x95: {  	_ =	strace s4  }
0x96: {  	s4 =	sld [smem:$0x3FFD];
	_ =	sdelay $0x3  }
0x97: {  	_ =	strace s4  }
0x98: {  	_ =	strace $0x8FFFFFFF  }
0x99: {  	s19 =	sld [smem:$0x3FDB];
	_ =	sdelay $0x1  }
0x9a: {  	s5 =	simm.s32 $_scs_section_size  }
0x9b: {  	s6 =	simm.s32 $_size__tile_overlayer_lowered;
	s7 =	simm.s32 $_tile_overlayer_lowered  }
0x9c: {  	s22 =	simm.s32 $0x1BFF;
	s21 =	sshll.u32 s7, $0x1;
	s4 =	sadd.s32 s5, s19  }
0x9d: {  	s8 =	simm.s32 $0x0;
	s20 =	sshll.u32 s6, $0x1;
	s6 =	sadd.s32 s21, s4  }
0x9e: {  	[timem:s8], [sflag:s22] =	dma.local [hbm:s6], s20  }
0x9f: {  	_ =	swait.ge [sflag:s22], s20  }
0xa0: {  	s5 =	ssub.s32 $0x0, s20;
	[sflag:s22] =	ssyncset.done $0x0  }
0xa1: {  	[sflag:s22] =	ssyncadd.s32 s5;
	_ =	sdelay $0x1  }
0xa2: {  	s23 =	simm.s32 $0x1B8B  }
0xa3: {  	_ =	swait.ge [sflag:s23], $0x1  }
0xa4: {  	[sflag:s23] =	ssyncset.done $0x0  }
0xa5: {  	s25 =	simm.s32 $0x1B8E;
	s24 =	sld [smem:$0x3FFE];
	[sflag:s23] =	ssyncadd.s32 $0xFFFFFFFF  }
0xa6: {  	s26 =	simm.s32 $execute0_lowered;
	[smem:$0x3FD2] =	sst s25  }
0xa7: {  	s6 =	sshll.u32 s26, $0x1;
	_ =	strace $0x80000046;
	[dreg:$0x1] =	wrdreg $0xFFFFFFFF  }
0xa8: {  	s28 =	simm.s32 $_size_execute0_lowered;
	s4 =	sadd.s32 s4, s6;
	[dreg:$0x0] =	wrdreg $0x0  }
0xa9: {  	s6 =	sshll.u32 s28, $0x1;
	[dreg:$0x2] =	wrdreg s4  }
0xaa: {  	[dreg:$0x3] =	wrdreg s6  }
0xab: {  	[dreg:$0x4] =	wrdreg $0xC0  }
0xac: {  	_ =	task [dreg:s8], $0x5FFFF  }
0xad: {  	[dreg:$0x1] =	wrdreg $0xFFFFFFFF  }
0xae: {  	[dreg:$0x0] =	wrdreg $0x60  }
0xaf: {  	[dreg:$0x2] =	wrdreg s2  }
0xb0: {  	[dreg:$0x3] =	wrdreg s18  }
0xb1: {  	[dreg:$0x4] =	wrdreg s24  }
0xb2: {  	[dreg:$0x5] =	wrdreg $0x9  }
0xb3: {  	_ =	task.clear_ibuf [dreg:s8], $0x6FFFF;
	_ =	strace $0x90000046  }
0xb4: {  	s29 =	simm.s32 $0x9;
	_ =	strace $0x80000048  }
0xb5: {  	_ =	swait.ge [sflag:s29], $0x1  }
0xb6: {  	[sflag:s29] =	ssyncadd.s32 $0xFFFFFFFF  }
0xb7: {  	_ =	strace $0x90000048  }
0xb8: {  	_ =	sfence  }
0xb9: {  	s30 =	sld [smem:$0x0];
	_ =	sdelay $0x2  }
0xba: {  	s31 =	sshll.u32 s1, $0xD;
	s1 =	sshrl.u32 s1, $0x2  }
0xbb: {  	s3 =	sand.u32 $0x4000, s31;
	s1 =	sadd.s32 s1, s30  }
0xbc: {  	s0 =	sor.u32 s3, s0;
	s1 =	sshll.u32 s1, $0x11  }
0xbd: {  	s0 =	sor.u32 s1, s0  }
0xbe: {  	s0 =	sadd.s32 $0x8F2B, s0  }
0xbf: {  	[sflag:s0] =	ssyncadd.remote.s32 $0x1  }
0xc0: {  	_ =	sfence.sel $0xFFFF  }
0xc1: {  	[dreg:$0x0] =	wrdreg $0xFFFFFFFF;
	(pc) =	sbr.abs _section_cstart, $3  }
0xc2: {  	[dreg:$0x1] =	wrdreg $0xFFFFFFFF  }
0xc3: {  	_ =	task.clear_ibuf [dreg:s8], $0x2FFFF;
	_ =	strace $0x9FFFFFFF  }
0xc4: {  	(tm) =	ssettm $0x7FFFFFFF  }
0xc5: {  	_ =	shalt  }
tec
execute0_lowered:
.L_overlay_start_1:
0x0: {  	(tag) =	ssettag $0x1  }
0x1: {  	s0 =	srdreg.scid;
	s1 =	stileid.u32  }
0x2: {  	s22 =	rddreg [dreg:$0x0];
	s4 =	sand.u32 $0x1, s0;
	s24 =	sshll.u32 s1, $0x1  }
0x3: {  	s3 =	rddreg [dreg:$0x1];
	s0 =	sor.u32 s4, s24  }
0x4: {  	s5 =	rddreg [dreg:$0x2];
	s2 =	simm.s32 $0x0;
	s16 =	smul.u32 $0x500, s0  }
0x5: {  	[smem:$0x7FF] =	sst s2;
	s6 =	smul.u32 $0x5000, s0  }
0x6: {  	s12 =	sadd.s32 $0x4A00, s5;
	[smem:$0x7FB] =	sst s4  }
0x7: {  	_ =	strace $0x80000047;
	s25 =	sshrl.u32 s16, $0x3;
	[smem:$0x7E9] =	sst s6  }
0x8: {  	s26 =	sor.u32 $0x50, s16;
	s6 =	sadd.s32 s12, s6;
	[smem:$0x7E5] =	sst s25  }
0x9: {  	s11 =	sadd.s32 $0x3600, s5;
	s7 =	sshrl.u32 s26, $0x3;
	[dreg:$0x6] =	wrdreg s6  }
0xa: {  	s4 =	sadd.s32 s11, s25;
	[smem:$0x7E7] =	sst s7  }
0xb: {  	s10 =	sor.u32 $0xF0, s16;
	s9 =	sshll.u32 s26, $0x4;
	[dreg:$0x4] =	wrdreg s4  }
0xc: {  	s18 =	sadd.s32 $0x140, s16;
	s14 =	sshrl.u32 s10, $0x3;
	[smem:$0x7ED] =	sst s9  }
0xd: {  	s21 =	sadd.s32 $0x190, s16;
	s20 =	sshll.u32 s10, $0x4;
	[smem:$0x7EF] =	sst s14  }
0xe: {  	s1 =	sadd.s32 $0x410, s16;
	s5 =	sadd.s32 s11, s7;
	[smem:$0x7F4] =	sst s20  }
0xf: {  	s30 =	sshrl.u32 s18, $0x3;
	s13 =	sadd.s32 s12, s9;
	[dreg:$0x5] =	wrdreg s5  }
0x10: {  	s18 =	sshll.u32 s18, $0x4;
	s15 =	sadd.s32 s11, s14;
	[dreg:$0x8] =	wrdreg s13  }
0x11: {  	s26 =	sadd.s32 $0x1E0, s16;
	s19 =	sadd.s32 s11, s30;
	[dreg:$0x9] =	wrdreg s15  }
0x12: {  	s6 =	sadd.s32 $0x230, s16;
	s23 =	sadd.s32 s12, s20;
	[dreg:$0xb] =	wrdreg s19  }
0x13: {  	s7 =	sor.u32 $0xA0, s16;
	s25 =	sadd.s32 s12, s18;
	[dreg:$0xc] =	wrdreg s23  }
0x14: {  	s10 =	sadd.s32 $0x280, s16;
	s8 =	sshrl.u32 s7, $0x3;
	[dreg:$0xe] =	wrdreg s25  }
0x15: {  	s20 =	sshll.u32 s21, $0x4;
	s4 =	sshll.u32 s7, $0x4;
	[smem:$0x7EB] =	sst s8  }
0x16: {  	s14 =	sadd.s32 $0x2D0, s16;
	s7 =	sadd.s32 s12, s20;
	[smem:$0x7F1] =	sst s4  }
0x17: {  	s19 =	sshrl.u32 s26, $0x3;
	s0 =	sadd.s32 s11, s8;
	[dreg:$0x10] =	wrdreg s7  }
0x18: {  	s23 =	sshrl.u32 s6, $0x3;
	s17 =	sadd.s32 s12, s4;
	[dreg:$0x7] =	wrdreg s0  }
0x19: {  	s25 =	sshrl.u32 s10, $0x3;
	s5 =	sadd.s32 s11, s19;
	[dreg:$0xa] =	wrdreg s17  }
0x1a: {  	s8 =	sadd.s32 s11, s23;
	s13 =	sadd.s32 s11, s25;
	[dreg:$0xf] =	wrdreg s5  }
0x1b: {  	s7 =	sadd.s32 $0x320, s16;
	s17 =	sshrl.u32 s21, $0x3;
	[dreg:$0x11] =	wrdreg s8  }
0x1c: {  	s21 =	sshll.u32 s26, $0x4;
	[dreg:$0x13] =	wrdreg s13;
	s24 =	sadd.s32 s11, s17  }
0x1d: {  	s26 =	sshrl.u32 s14, $0x3;
	s9 =	sadd.s32 s12, s21;
	[dreg:$0xd] =	wrdreg s24  }
0x1e: {  	s29 =	sshrl.u32 s7, $0x3;
	s5 =	sadd.s32 s11, s26;
	[dreg:$0x12] =	wrdreg s9  }
0x1f: {  	s28 =	sshll.u32 s10, $0x4;
	s8 =	sadd.s32 s11, s29;
	[dreg:$0x15] =	wrdreg s5  }
0x20: {  	s24 =	sshll.u32 s6, $0x4;
	s6 =	sadd.s32 s12, s28;
	[dreg:$0x17] =	wrdreg s8  }
0x21: {  	s0 =	sadd.s32 $0x460, s16;
	s15 =	sadd.s32 s12, s24;
	[dreg:$0x16] =	wrdreg s6  }
0x22: {  	s9 =	sadd.s32 $0x370, s16;
	[dreg:$0x14] =	wrdreg s15;
	s15 =	sshll.u32 s14, $0x4  }
0x23: {  	s14 =	sshrl.u32 s9, $0x3;
	s9 =	sshll.u32 s9, $0x4;
	s13 =	sadd.s32 s12, s15  }
0x24: {  	s5 =	sadd.s32 s11, s14;
	[dreg:$0x18] =	wrdreg s13;
	s13 =	sshll.u32 s7, $0x4  }
0x25: {  	[dreg:$0x19] =	wrdreg s5;
	s7 =	sadd.s32 $0x3C0, s16;
	s5 =	sadd.s32 s12, s9  }
0x26: {  	s6 =	sadd.s32 s12, s13;
	s10 =	sshrl.u32 s7, $0x3;
	[dreg:$0x1c] =	wrdreg s5  }
0x27: {  	s7 =	sshll.u32 s7, $0x4;
	[dreg:$0x1a] =	wrdreg s6;
	s8 =	sadd.s32 s11, s10  }
0x28: {  	s16 =	sadd.s32 $0x4B0, s16;
	s4 =	sadd.s32 s12, s7;
	[dreg:$0x1b] =	wrdreg s8  }
0x29: {  	s5 =	sshll.u32 s1, $0x4;
	s8 =	sshrl.u32 s1, $0x3;
	[dreg:$0x1e] =	wrdreg s4  }
0x2a: {  	s4 =	sshrl.u32 s16, $0x3;
	s1 =	sshll.u32 s0, $0x4;
	s6 =	sadd.s32 s11, s8  }
0x2b: {  	[dreg:$0x1d] =	wrdreg s6;
	s6 =	sshrl.u32 s0, $0x3;
	s0 =	sadd.s32 s12, s1  }
0x2c: {  	s31 =	sadd.s32 s11, s6;
	s11 =	sadd.s32 s11, s4;
	[smem:$0x7E3] =	sst s0  }
0x2d: {  	[smem:$0x7E2] =	sst s11;
	s11 =	sshll.u32 s16, $0x4  }
0x2e: {  	[dreg:$0x1f] =	wrdreg s31;
	s31 =	sadd.s32 s12, s5;
	s12 =	sadd.s32 s12, s11  }
0x2f: {  	[smem:$0x7E4] =	sst s12  }
0x30: {  	s12 =	sld [smem:$0x7E5]  }
0x31: {  	s0 =	rddreg [dreg:$0x2]  }
0x32: {  	s16 =	sadd.s32 $0x2200, s0  }
0x33: {  	s12 =	sadd.s32 s16, s12  }
0x34: {  	[smem:$0x7E6] =	sst s12  }
0x35: {  	s12 =	sld [smem:$0x7E7];
	_ =	sdelay $0x2  }
0x36: {  	s12 =	sadd.s32 s16, s12  }
0x37: {  	[smem:$0x7E8] =	sst s12  }
0x38: {  	s12 =	sld [smem:$0x7E9];
	_ =	sdelay $0x1  }
0x39: {  	s0 =	sadd.s32 $0xA4A00, s0  }
0x3a: {  	s12 =	sadd.s32 s0, s12  }
0x3b: {  	[smem:$0x7EA] =	sst s12  }
0x3c: {  	s12 =	sld [smem:$0x7EB];
	_ =	sdelay $0x2  }
0x3d: {  	s12 =	sadd.s32 s16, s12  }
0x3e: {  	[smem:$0x7EC] =	sst s12  }
0x3f: {  	s12 =	sld [smem:$0x7ED];
	_ =	sdelay $0x2  }
0x40: {  	s12 =	sadd.s32 s0, s12  }
0x41: {  	[smem:$0x7EE] =	sst s12  }
0x42: {  	s12 =	sld [smem:$0x7EF];
	_ =	sdelay $0x2  }
0x43: {  	[smem:$0x7E1] =	sst s31;
	s12 =	sadd.s32 s16, s12  }
0x44: {  	[smem:$0x7F0] =	sst s12  }
0x45: {  	s17 =	sadd.s32 s16, s17;
	s12 =	sld [smem:$0x7F1]  }
0x46: {  	s18 =	sadd.s32 s0, s18;
	[smem:$0x7F6] =	sst s17  }
0x47: {  	p0 =	por $0x0, $0x0;
	s21 =	sadd.s32 s0, s21;
	[smem:$0x7F7] =	sst s18  }
0x48: {  	s18 =	sadd.s32 s0, s20;
	s20 =	sld [smem:$0x7FB];
	s12 =	sadd.s32 s0, s12  }
0x49: {  	s25 =	sadd.s32 s16, s25;
	[smem:$0x7F2] =	sst s12;
	s12 =	sadd.s32 s16, s30  }
0x4a: {  	s31 =	sadd.s32 s16, s26;
	s28 =	sadd.s32 s0, s28;
	[smem:$0x7F3] =	sst s12  }
0x4b: {  	s29 =	sadd.s32 s16, s29;
	s26 =	sadd.s32 s16, s14;
	s12 =	sld [smem:$0x7F4]  }
0x4c: {  	s14 =	simm.s32 $0x4;
	s17 =	sadd.s32 s16, s19;
	[smem:$0x7FC] =	sst s21  }
0x4d: {  	s19 =	sadd.s32 s16, s23;
	[smem:$0x7FD] =	sst s25;
	s25 =	sadd.s32 s0, s15  }
0x4e: {  	s21 =	sadd.s32 s16, s8;
	[smem:$0x7F9] =	sst s18;
	s12 =	sadd.s32 s0, s12  }
0x4f: {  	s15 =	simm.s32 $0x3;
	[smem:$0x7F5] =	sst s12;
	s12 =	ssub.s32 $0x2, s20  }
0x50: {  	[smem:$0x7FA] =	sst s19;
	s18 =	sadd.s32 s16, s6;
	s23 =	sshrl.u32 s12, $0x1  }
0x51: {  	s30 =	sadd.s32 s0, s24;
	s24 =	sadd.s32 s16, s10;
	s19 =	ssub.s32 s12, s23  }
0x52: {  	s23 =	sadd.s32 s0, s13;
	s13 =	sadd.s32 s16, s4;
	s16 =	smax.u32 s19, $0x1  }
0x53: {  	s8 =	simm.s32 $0x5;
	[smem:$0x7F8] =	sst s17;
	p1 =	sne.s32 s16, $0x1  }
.Ltmp0:
0x54: {  	s17 =	sadd.s32 s0, s7;
	s7 =	simm.s32 $0x100;
	(pc) =	sbr.rel @!p1 .LBB2_3-.Ltmp0, $4  }
0x55: {  	s6 =	simm.s32 $0x6;
	s10 =	simm.s32 $0x2900;
	s20 =	sadd.s32 s0, s9  }
0x56: {  	s9 =	simm.s32 $0x80;
	s12 =	sadd.s32 s0, s5;
	s5 =	sadd.s32 s0, s1  }
0x57: {  	s4 =	sadd.s32 s0, s11;
	s11 =	simm.s32 $0x50;
	s0 =	rddreg [dreg:$0x4]  }
0x58: {  	s19 =	simm.s32 $0x1;
	s1 =	sadd.s32 $0xFFFFFFFF, s16;
	s16 =	simm.s32 $0x2  }
0x59: {  	[smem:$0x7DF] =	sst s1  }
0x5a: {  	[tilespmem:s2], [sflag:$0x1] =	stream.linear.gather [hbm4b:s0+s2], $0x50, $0x38;
	[tilespmem:$0x5100] =	vst v63  }
0x5b: {  	s1 =	rddreg [dreg:$0x5]  }
0x5c: {  	[tilespmem:s9], [sflag:$0x2] =	stream.linear.gather [hbm4b:s1+s2], $0x50, $0x38;
	[tilespmem:$0x5100] =	vst v63  }
0x5d: {  	_ =	swait.ge [sflag:s19], $0x50  }
0x5e: {  	[sflag:s19] =	ssyncset.done $0x0  }
0x5f: {  	[sflag:s19] =	ssyncadd.s32 $0xFFFFFFB0  }
0x60: {  	[tilespmem:s7], [sflag:$0x3] =	stream.indirect.gather [hbm4b:s22+s11], $0x80, s2, s11, $0xb8;
	[tilespmem:$0x5100] =	vst v63  }
0x61: {  	_ =	swait.ge [sflag:s16], $0x50  }
0x62: {  	[sflag:s16] =	ssyncset.done $0x0  }
0x63: {  	[sflag:s16] =	ssyncadd.s32 $0xFFFFFFB0  }
0x64: {  	[tilespmem:s10], [sflag:$0x4] =	stream.indirect.gather [hbm4b:s22+s11], $0x80, s9, s11, $0xb8;
	[tilespmem:$0x5100] =	vst v63  }
0x65: {  	_ =	swait.ge [sflag:s15], $0x2800  }
0x66: {  	[sflag:s15] =	ssyncset.done $0x0  }
0x67: {  	s0 =	rddreg [dreg:$0x6];
	[sflag:s15] =	ssyncadd.s32 $0xFFFFD800  }
0x68: {  	[hbm4b:s0+s2] =	stream.linear.scatter [tilespmem:s7], [sflag:$0x5], $0x2800, $0x38;
	[tilespmem:$0x5100] =	vst v63  }
0x69: {  	s1 =	rddreg [dreg:$0x7]  }
0x6a: {  	[tilespmem:s2], [sflag:$0x1] =	stream.linear.gather [hbm4b:s1+s2], $0x50, $0x38;
	[tilespmem:$0x5100] =	vst v63  }
0x6b: {  	_ =	swait.ge [sflag:s8], $0x2800  }
0x6c: {  	[sflag:s8] =	ssyncset.done $0x0  }
0x6d: {  	[sflag:s8] =	ssyncadd.s32 $0xFFFFD800  }
0x6e: {  	_ =	swait.ge [sflag:s19], $0x50  }
0x6f: {  	[sflag:s19] =	ssyncset.done $0x0  }
0x70: {  	[sflag:s19] =	ssyncadd.s32 $0xFFFFFFB0  }
0x71: {  	[tilespmem:s7], [sflag:$0x3] =	stream.indirect.gather [hbm4b:s22+s11], $0x80, s2, s11, $0xb8;
	[tilespmem:$0x5100] =	vst v63  }
0x72: {  	_ =	swait.ge [sflag:s14], $0x2800  }
0x73: {  	[sflag:s14] =	ssyncset.done $0x0  }
0x74: {  	s0 =	rddreg [dreg:$0x8];
	[sflag:s14] =	ssyncadd.s32 $0xFFFFD800  }
0x75: {  	[hbm4b:s0+s2] =	stream.linear.scatter [tilespmem:s10], [sflag:$0x6], $0x2800, $0x38;
	[tilespmem:$0x5100] =	vst v63  }
0x76: {  	s1 =	rddreg [dreg:$0x9]  }
0x77: {  	[tilespmem:s9], [sflag:$0x2] =	stream.linear.gather [hbm4b:s1+s2], $0x50, $0x38;
	[tilespmem:$0x5100] =	vst v63  }
0x78: {  	_ =	swait.ge [sflag:s6], $0x2800  }
0x79: {  	[sflag:s6] =	ssyncset.done $0x0  }
0x7a: {  	[sflag:s6] =	ssyncadd.s32 $0xFFFFD800  }
0x7b: {  	_ =	swait.ge [sflag:s16], $0x50  }
0x7c: {  	[sflag:s16] =	ssyncset.done $0x0  }
0x7d: {  	[sflag:s16] =	ssyncadd.s32 $0xFFFFFFB0  }
0x7e: {  	[tilespmem:s10], [sflag:$0x4] =	stream.indirect.gather [hbm4b:s22+s11], $0x80, s9, s11, $0xb8;
	[tilespmem:$0x5100] =	vst v63  }
0x7f: {  	_ =	swait.ge [sflag:s15], $0x2800  }
0x80: {  	[sflag:s15] =	ssyncset.done $0x0  }
0x81: {  	s0 =	rddreg [dreg:$0xa];
	[sflag:s15] =	ssyncadd.s32 $0xFFFFD800  }
0x82: {  	[hbm4b:s0+s2] =	stream.linear.scatter [tilespmem:s7], [sflag:$0x5], $0x2800, $0x38;
	[tilespmem:$0x5100] =	vst v63  }
0x83: {  	s1 =	rddreg [dreg:$0xb]  }
0x84: {  	[tilespmem:s2], [sflag:$0x1] =	stream.linear.gather [hbm4b:s1+s2], $0x50, $0x38;
	[tilespmem:$0x5100] =	vst v63  }
0x85: {  	_ =	swait.ge [sflag:s8], $0x2800  }
0x86: {  	[sflag:s8] =	ssyncset.done $0x0  }
0x87: {  	[sflag:s8] =	ssyncadd.s32 $0xFFFFD800  }
0x88: {  	_ =	swait.ge [sflag:s19], $0x50  }
0x89: {  	[sflag:s19] =	ssyncset.done $0x0  }
0x8a: {  	[sflag:s19] =	ssyncadd.s32 $0xFFFFFFB0  }
0x8b: {  	[tilespmem:s7], [sflag:$0x3] =	stream.indirect.gather [hbm4b:s22+s11], $0x80, s2, s11, $0xb8;
	[tilespmem:$0x5100] =	vst v63  }
0x8c: {  	_ =	swait.ge [sflag:s14], $0x2800  }
0x8d: {  	[sflag:s14] =	ssyncset.done $0x0  }
0x8e: {  	s0 =	rddreg [dreg:$0xc];
	[sflag:s14] =	ssyncadd.s32 $0xFFFFD800  }
0x8f: {  	[hbm4b:s0+s2] =	stream.linear.scatter [tilespmem:s10], [sflag:$0x6], $0x2800, $0x38;
	[tilespmem:$0x5100] =	vst v63  }
0x90: {  	s1 =	rddreg [dreg:$0xd]  }
0x91: {  	[tilespmem:s9], [sflag:$0x2] =	stream.linear.gather [hbm4b:s1+s2], $0x50, $0x38;
	[tilespmem:$0x5100] =	vst v63  }
0x92: {  	_ =	swait.ge [sflag:s6], $0x2800  }
0x93: {  	[sflag:s6] =	ssyncset.done $0x0  }
0x94: {  	[sflag:s6] =	ssyncadd.s32 $0xFFFFD800  }
0x95: {  	_ =	swait.ge [sflag:s16], $0x50  }
0x96: {  	[sflag:s16] =	ssyncset.done $0x0  }
0x97: {  	[sflag:s16] =	ssyncadd.s32 $0xFFFFFFB0  }
0x98: {  	[tilespmem:s10], [sflag:$0x4] =	stream.indirect.gather [hbm4b:s22+s11], $0x80, s9, s11, $0xb8;
	[tilespmem:$0x5100] =	vst v63  }
0x99: {  	_ =	swait.ge [sflag:s15], $0x2800  }
0x9a: {  	[sflag:s15] =	ssyncset.done $0x0  }
0x9b: {  	s0 =	rddreg [dreg:$0xe];
	[sflag:s15] =	ssyncadd.s32 $0xFFFFD800  }
0x9c: {  	[hbm4b:s0+s2] =	stream.linear.scatter [tilespmem:s7], [sflag:$0x5], $0x2800, $0x38;
	[tilespmem:$0x5100] =	vst v63  }
0x9d: {  	s1 =	rddreg [dreg:$0xf]  }
0x9e: {  	[tilespmem:s2], [sflag:$0x1] =	stream.linear.gather [hbm4b:s1+s2], $0x50, $0x38;
	[tilespmem:$0x5100] =	vst v63  }
0x9f: {  	_ =	swait.ge [sflag:s8], $0x2800  }
0xa0: {  	[sflag:s8] =	ssyncset.done $0x0  }
0xa1: {  	[sflag:s8] =	ssyncadd.s32 $0xFFFFD800  }
0xa2: {  	_ =	swait.ge [sflag:s19], $0x50  }
0xa3: {  	[sflag:s19] =	ssyncset.done $0x0  }
0xa4: {  	[sflag:s19] =	ssyncadd.s32 $0xFFFFFFB0  }
0xa5: {  	[tilespmem:s7], [sflag:$0x3] =	stream.indirect.gather [hbm4b:s22+s11], $0x80, s2, s11, $0xb8;
	[tilespmem:$0x5100] =	vst v63  }
0xa6: {  	_ =	swait.ge [sflag:s14], $0x2800  }
0xa7: {  	[sflag:s14] =	ssyncset.done $0x0  }
0xa8: {  	s0 =	rddreg [dreg:$0x10];
	[sflag:s14] =	ssyncadd.s32 $0xFFFFD800  }
0xa9: {  	[hbm4b:s0+s2] =	stream.linear.scatter [tilespmem:s10], [sflag:$0x6], $0x2800, $0x38;
	[tilespmem:$0x5100] =	vst v63  }
0xaa: {  	s1 =	rddreg [dreg:$0x11]  }
0xab: {  	[tilespmem:s9], [sflag:$0x2] =	stream.linear.gather [hbm4b:s1+s2], $0x50, $0x38;
	[tilespmem:$0x5100] =	vst v63  }
0xac: {  	_ =	swait.ge [sflag:s6], $0x2800  }
0xad: {  	[sflag:s6] =	ssyncset.done $0x0  }
0xae: {  	[sflag:s6] =	ssyncadd.s32 $0xFFFFD800  }
0xaf: {  	_ =	swait.ge [sflag:s16], $0x50  }
0xb0: {  	[sflag:s16] =	ssyncset.done $0x0  }
0xb1: {  	[sflag:s16] =	ssyncadd.s32 $0xFFFFFFB0  }
0xb2: {  	[tilespmem:s10], [sflag:$0x4] =	stream.indirect.gather [hbm4b:s22+s11], $0x80, s9, s11, $0xb8;
	[tilespmem:$0x5100] =	vst v63  }
0xb3: {  	_ =	swait.ge [sflag:s15], $0x2800  }
0xb4: {  	[sflag:s15] =	ssyncset.done $0x0  }
0xb5: {  	s0 =	rddreg [dreg:$0x12];
	[sflag:s15] =	ssyncadd.s32 $0xFFFFD800  }
0xb6: {  	[hbm4b:s0+s2] =	stream.linear.scatter [tilespmem:s7], [sflag:$0x5], $0x2800, $0x38;
	[tilespmem:$0x5100] =	vst v63  }
0xb7: {  	s1 =	rddreg [dreg:$0x13]  }
0xb8: {  	[tilespmem:s2], [sflag:$0x1] =	stream.linear.gather [hbm4b:s1+s2], $0x50, $0x38;
	[tilespmem:$0x5100] =	vst v63  }
0xb9: {  	_ =	swait.ge [sflag:s8], $0x2800  }
0xba: {  	[sflag:s8] =	ssyncset.done $0x0  }
0xbb: {  	[sflag:s8] =	ssyncadd.s32 $0xFFFFD800  }
0xbc: {  	_ =	swait.ge [sflag:s19], $0x50  }
0xbd: {  	[sflag:s19] =	ssyncset.done $0x0  }
0xbe: {  	[sflag:s19] =	ssyncadd.s32 $0xFFFFFFB0  }
0xbf: {  	[tilespmem:s7], [sflag:$0x3] =	stream.indirect.gather [hbm4b:s22+s11], $0x80, s2, s11, $0xb8;
	[tilespmem:$0x5100] =	vst v63  }
0xc0: {  	_ =	swait.ge [sflag:s14], $0x2800  }
0xc1: {  	[sflag:s14] =	ssyncset.done $0x0  }
0xc2: {  	s0 =	rddreg [dreg:$0x14];
	[sflag:s14] =	ssyncadd.s32 $0xFFFFD800  }
0xc3: {  	[hbm4b:s0+s2] =	stream.linear.scatter [tilespmem:s10], [sflag:$0x6], $0x2800, $0x38;
	[tilespmem:$0x5100] =	vst v63  }
0xc4: {  	s1 =	rddreg [dreg:$0x15]  }
0xc5: {  	[tilespmem:s9], [sflag:$0x2] =	stream.linear.gather [hbm4b:s1+s2], $0x50, $0x38;
	[tilespmem:$0x5100] =	vst v63  }
0xc6: {  	_ =	swait.ge [sflag:s6], $0x2800  }
0xc7: {  	[sflag:s6] =	ssyncset.done $0x0  }
0xc8: {  	[sflag:s6] =	ssyncadd.s32 $0xFFFFD800  }
0xc9: {  	_ =	swait.ge [sflag:s16], $0x50  }
0xca: {  	[sflag:s16] =	ssyncset.done $0x0  }
0xcb: {  	[sflag:s16] =	ssyncadd.s32 $0xFFFFFFB0  }
0xcc: {  	[tilespmem:s10], [sflag:$0x4] =	stream.indirect.gather [hbm4b:s22+s11], $0x80, s9, s11, $0xb8;
	[tilespmem:$0x5100] =	vst v63  }
0xcd: {  	_ =	swait.ge [sflag:s15], $0x2800  }
0xce: {  	[sflag:s15] =	ssyncset.done $0x0  }
0xcf: {  	s0 =	rddreg [dreg:$0x16];
	[sflag:s15] =	ssyncadd.s32 $0xFFFFD800  }
0xd0: {  	[hbm4b:s0+s2] =	stream.linear.scatter [tilespmem:s7], [sflag:$0x5], $0x2800, $0x38;
	[tilespmem:$0x5100] =	vst v63  }
0xd1: {  	s1 =	rddreg [dreg:$0x17]  }
0xd2: {  	[tilespmem:s2], [sflag:$0x1] =	stream.linear.gather [hbm4b:s1+s2], $0x50, $0x38;
	[tilespmem:$0x5100] =	vst v63  }
0xd3: {  	_ =	swait.ge [sflag:s8], $0x2800  }
0xd4: {  	[sflag:s8] =	ssyncset.done $0x0  }
0xd5: {  	[sflag:s8] =	ssyncadd.s32 $0xFFFFD800  }
0xd6: {  	_ =	swait.ge [sflag:s19], $0x50  }
0xd7: {  	[sflag:s19] =	ssyncset.done $0x0  }
0xd8: {  	[sflag:s19] =	ssyncadd.s32 $0xFFFFFFB0  }
0xd9: {  	[tilespmem:s7], [sflag:$0x3] =	stream.indirect.gather [hbm4b:s22+s11], $0x80, s2, s11, $0xb8;
	[tilespmem:$0x5100] =	vst v63  }
0xda: {  	_ =	swait.ge [sflag:s14], $0x2800  }
0xdb: {  	[sflag:s14] =	ssyncset.done $0x0  }
0xdc: {  	s0 =	rddreg [dreg:$0x18];
	[sflag:s14] =	ssyncadd.s32 $0xFFFFD800  }
0xdd: {  	[hbm4b:s0+s2] =	stream.linear.scatter [tilespmem:s10], [sflag:$0x6], $0x2800, $0x38;
	[tilespmem:$0x5100] =	vst v63  }
0xde: {  	s1 =	rddreg [dreg:$0x19]  }
0xdf: {  	[tilespmem:s9], [sflag:$0x2] =	stream.linear.gather [hbm4b:s1+s2], $0x50, $0x38;
	[tilespmem:$0x5100] =	vst v63  }
0xe0: {  	_ =	swait.ge [sflag:s6], $0x2800  }
0xe1: {  	[sflag:s6] =	ssyncset.done $0x0  }
0xe2: {  	[sflag:s6] =	ssyncadd.s32 $0xFFFFD800  }
0xe3: {  	_ =	swait.ge [sflag:s16], $0x50  }
0xe4: {  	[sflag:s16] =	ssyncset.done $0x0  }
0xe5: {  	[sflag:s16] =	ssyncadd.s32 $0xFFFFFFB0  }
0xe6: {  	[tilespmem:s10], [sflag:$0x4] =	stream.indirect.gather [hbm4b:s22+s11], $0x80, s9, s11, $0xb8;
	[tilespmem:$0x5100] =	vst v63  }
0xe7: {  	_ =	swait.ge [sflag:s15], $0x2800  }
0xe8: {  	[sflag:s15] =	ssyncset.done $0x0  }
0xe9: {  	s0 =	rddreg [dreg:$0x1a];
	[sflag:s15] =	ssyncadd.s32 $0xFFFFD800  }
0xea: {  	[hbm4b:s0+s2] =	stream.linear.scatter [tilespmem:s7], [sflag:$0x5], $0x2800, $0x38;
	[tilespmem:$0x5100] =	vst v63  }
0xeb: {  	s1 =	rddreg [dreg:$0x1b]  }
0xec: {  	[tilespmem:s2], [sflag:$0x1] =	stream.linear.gather [hbm4b:s1+s2], $0x50, $0x38;
	[tilespmem:$0x5100] =	vst v63  }
0xed: {  	_ =	swait.ge [sflag:s8], $0x2800  }
0xee: {  	[sflag:s8] =	ssyncset.done $0x0  }
0xef: {  	[sflag:s8] =	ssyncadd.s32 $0xFFFFD800  }
0xf0: {  	_ =	swait.ge [sflag:s19], $0x50  }
0xf1: {  	[sflag:s19] =	ssyncset.done $0x0  }
0xf2: {  	[sflag:s19] =	ssyncadd.s32 $0xFFFFFFB0  }
0xf3: {  	[tilespmem:s7], [sflag:$0x3] =	stream.indirect.gather [hbm4b:s22+s11], $0x80, s2, s11, $0xb8;
	[tilespmem:$0x5100] =	vst v63  }
0xf4: {  	_ =	swait.ge [sflag:s14], $0x2800  }
0xf5: {  	[sflag:s14] =	ssyncset.done $0x0  }
0xf6: {  	s0 =	rddreg [dreg:$0x1c];
	[sflag:s14] =	ssyncadd.s32 $0xFFFFD800  }
0xf7: {  	[hbm4b:s0+s2] =	stream.linear.scatter [tilespmem:s10], [sflag:$0x6], $0x2800, $0x38;
	[tilespmem:$0x5100] =	vst v63  }
0xf8: {  	s1 =	rddreg [dreg:$0x1d]  }
0xf9: {  	[tilespmem:s9], [sflag:$0x2] =	stream.linear.gather [hbm4b:s1+s2], $0x50, $0x38;
	[tilespmem:$0x5100] =	vst v63  }
0xfa: {  	_ =	swait.ge [sflag:s6], $0x2800  }
0xfb: {  	[sflag:s6] =	ssyncset.done $0x0  }
0xfc: {  	[sflag:s6] =	ssyncadd.s32 $0xFFFFD800  }
0xfd: {  	_ =	swait.ge [sflag:s16], $0x50  }
0xfe: {  	[sflag:s16] =	ssyncset.done $0x0  }
0xff: {  	[sflag:s16] =	ssyncadd.s32 $0xFFFFFFB0  }
0x100: {  	[tilespmem:s10], [sflag:$0x4] =	stream.indirect.gather [hbm4b:s22+s11], $0x80, s9, s11, $0xb8;
	[tilespmem:$0x5100] =	vst v63  }
0x101: {  	_ =	swait.ge [sflag:s15], $0x2800  }
0x102: {  	[sflag:s15] =	ssyncset.done $0x0  }
0x103: {  	s0 =	rddreg [dreg:$0x1e];
	[sflag:s15] =	ssyncadd.s32 $0xFFFFD800  }
0x104: {  	[hbm4b:s0+s2] =	stream.linear.scatter [tilespmem:s7], [sflag:$0x5], $0x2800, $0x38;
	[tilespmem:$0x5100] =	vst v63  }
0x105: {  	s1 =	rddreg [dreg:$0x1f]  }
0x106: {  	[tilespmem:s2], [sflag:$0x1] =	stream.linear.gather [hbm4b:s1+s2], $0x50, $0x38;
	[tilespmem:$0x5100] =	vst v63  }
0x107: {  	_ =	swait.ge [sflag:s8], $0x2800  }
0x108: {  	[sflag:s8] =	ssyncset.done $0x0  }
0x109: {  	[sflag:s8] =	ssyncadd.s32 $0xFFFFD800  }
0x10a: {  	_ =	swait.ge [sflag:s19], $0x50  }
0x10b: {  	[sflag:s19] =	ssyncset.done $0x0  }
0x10c: {  	[sflag:s19] =	ssyncadd.s32 $0xFFFFFFB0  }
0x10d: {  	[tilespmem:s7], [sflag:$0x3] =	stream.indirect.gather [hbm4b:s22+s11], $0x80, s2, s11, $0xb8;
	[tilespmem:$0x5100] =	vst v63  }
0x10e: {  	_ =	swait.ge [sflag:s14], $0x2800  }
0x10f: {  	s0 =	sld [smem:$0x7E1]  }
0x110: {  	[sflag:s14] =	ssyncset.done $0x0  }
0x111: {  	s1 =	sld [smem:$0x7E2];
	[sflag:s14] =	ssyncadd.s32 $0xFFFFD800  }
0x112: {  	[hbm4b:s0+s2] =	stream.linear.scatter [tilespmem:s10], [sflag:$0x6], $0x2800, $0x38;
	[tilespmem:$0x5100] =	vst v63  }
0x113: {  	_ = 	snop  }
0x114: {  	[tilespmem:s9], [sflag:$0x2] =	stream.linear.gather [hbm4b:s1+s2], $0x50, $0x38;
	[tilespmem:$0x5100] =	vst v63  }
0x115: {  	_ =	swait.ge [sflag:s6], $0x2800  }
0x116: {  	[sflag:s6] =	ssyncset.done $0x0  }
0x117: {  	[sflag:s6] =	ssyncadd.s32 $0xFFFFD800  }
0x118: {  	_ =	swait.ge [sflag:s16], $0x50  }
0x119: {  	[sflag:s16] =	ssyncset.done $0x0  }
0x11a: {  	[sflag:s16] =	ssyncadd.s32 $0xFFFFFFB0  }
0x11b: {  	[tilespmem:s10], [sflag:$0x4] =	stream.indirect.gather [hbm4b:s22+s11], $0x80, s9, s11, $0xb8;
	[tilespmem:$0x5100] =	vst v63  }
0x11c: {  	_ =	swait.ge [sflag:s15], $0x2800  }
0x11d: {  	s1 =	sld [smem:$0x7E3]  }
0x11e: {  	[sflag:s15] =	ssyncset.done $0x0  }
0x11f: {  	[sflag:s15] =	ssyncadd.s32 $0xFFFFD800  }
0x120: {  	[hbm4b:s1+s2] =	stream.linear.scatter [tilespmem:s7], [sflag:$0x5], $0x2800, $0x38;
	[tilespmem:$0x5100] =	vst v63  }
0x121: {  	_ =	swait.ge [sflag:s14], $0x2800  }
0x122: {  	s1 =	sld [smem:$0x7E4]  }
0x123: {  	[sflag:s14] =	ssyncset.done $0x0  }
0x124: {  	[sflag:s14] =	ssyncadd.s32 $0xFFFFD800  }
0x125: {  	[hbm4b:s1+s2] =	stream.linear.scatter [tilespmem:s10], [sflag:$0x6], $0x2800, $0x38;
	[tilespmem:$0x5100] =	vst v63  }
0x126: {  	_ =	swait.ge [sflag:s8], $0x2800  }
0x127: {  	[sflag:s8] =	ssyncset.done $0x0  }
0x128: {  	[sflag:s8] =	ssyncadd.s32 $0xFFFFD800  }
0x129: {  	_ =	swait.ge [sflag:s6], $0x2800  }
0x12a: {  	s0 =	sld [smem:$0x7E6]  }
0x12b: {  	[sflag:s6] =	ssyncset.done $0x0  }
0x12c: {  	s1 =	sld [smem:$0x7E8];
	[sflag:s6] =	ssyncadd.s32 $0xFFFFD800  }
0x12d: {  	[tilespmem:s2], [sflag:$0x1] =	stream.linear.gather [hbm4b:s0+s2], $0x50, $0x38;
	[tilespmem:$0x5100] =	vst v63  }
0x12e: {  	_ = 	snop  }
0x12f: {  	[tilespmem:s9], [sflag:$0x2] =	stream.linear.gather [hbm4b:s1+s2], $0x50, $0x38;
	[tilespmem:$0x5100] =	vst v63  }
0x130: {  	_ =	swait.ge [sflag:s19], $0x50  }
0x131: {  	[sflag:s19] =	ssyncset.done $0x0  }
0x132: {  	[sflag:s19] =	ssyncadd.s32 $0xFFFFFFB0  }
0x133: {  	[tilespmem:s7], [sflag:$0x3] =	stream.indirect.gather [hbm4b:s3+s11], $0x80, s2, s11, $0xb8;
	[tilespmem:$0x5100] =	vst v63  }
0x134: {  	_ =	swait.ge [sflag:s16], $0x50  }
0x135: {  	[sflag:s16] =	ssyncset.done $0x0  }
0x136: {  	[sflag:s16] =	ssyncadd.s32 $0xFFFFFFB0  }
0x137: {  	[tilespmem:s10], [sflag:$0x4] =	stream.indirect.gather [hbm4b:s3+s11], $0x80, s9, s11, $0xb8;
	[tilespmem:$0x5100] =	vst v63  }
0x138: {  	_ =	swait.ge [sflag:s15], $0x2800  }
0x139: {  	s0 =	sld [smem:$0x7EA]  }
0x13a: {  	[sflag:s15] =	ssyncset.done $0x0  }
0x13b: {  	s1 =	sld [smem:$0x7EC];
	[sflag:s15] =	ssyncadd.s32 $0xFFFFD800  }
0x13c: {  	[hbm4b:s0+s2] =	stream.linear.scatter [tilespmem:s7], [sflag:$0x5], $0x2800, $0x38;
	[tilespmem:$0x5100] =	vst v63  }
0x13d: {  	_ = 	snop  }
0x13e: {  	[tilespmem:s2], [sflag:$0x1] =	stream.linear.gather [hbm4b:s1+s2], $0x50, $0x38;
	[tilespmem:$0x5100] =	vst v63  }
0x13f: {  	_ =	swait.ge [sflag:s8], $0x2800  }
0x140: {  	[sflag:s8] =	ssyncset.done $0x0  }
0x141: {  	[sflag:s8] =	ssyncadd.s32 $0xFFFFD800  }
0x142: {  	_ =	swait.ge [sflag:s19], $0x50  }
0x143: {  	[sflag:s19] =	ssyncset.done $0x0  }
0x144: {  	[sflag:s19] =	ssyncadd.s32 $0xFFFFFFB0  }
0x145: {  	[tilespmem:s7], [sflag:$0x3] =	stream.indirect.gather [hbm4b:s3+s11], $0x80, s2, s11, $0xb8;
	[tilespmem:$0x5100] =	vst v63  }
0x146: {  	_ =	swait.ge [sflag:s14], $0x2800  }
0x147: {  	s0 =	sld [smem:$0x7EE]  }
0x148: {  	[sflag:s14] =	ssyncset.done $0x0  }
0x149: {  	s1 =	sld [smem:$0x7F0];
	[sflag:s14] =	ssyncadd.s32 $0xFFFFD800  }
0x14a: {  	[hbm4b:s0+s2] =	stream.linear.scatter [tilespmem:s10], [sflag:$0x6], $0x2800, $0x38;
	[tilespmem:$0x5100] =	vst v63  }
0x14b: {  	_ = 	snop  }
0x14c: {  	[tilespmem:s9], [sflag:$0x2] =	stream.linear.gather [hbm4b:s1+s2], $0x50, $0x38;
	[tilespmem:$0x5100] =	vst v63  }
0x14d: {  	_ =	swait.ge [sflag:s6], $0x2800  }
0x14e: {  	[sflag:s6] =	ssyncset.done $0x0  }
0x14f: {  	[sflag:s6] =	ssyncadd.s32 $0xFFFFD800  }
0x150: {  	_ =	swait.ge [sflag:s16], $0x50  }
0x151: {  	[sflag:s16] =	ssyncset.done $0x0  }
0x152: {  	[sflag:s16] =	ssyncadd.s32 $0xFFFFFFB0  }
0x153: {  	[tilespmem:s10], [sflag:$0x4] =	stream.indirect.gather [hbm4b:s3+s11], $0x80, s9, s11, $0xb8;
	[tilespmem:$0x5100] =	vst v63  }
0x154: {  	_ =	swait.ge [sflag:s15], $0x2800  }
0x155: {  	s0 =	sld [smem:$0x7F2]  }
0x156: {  	[sflag:s15] =	ssyncset.done $0x0  }
0x157: {  	s1 =	sld [smem:$0x7F3];
	[sflag:s15] =	ssyncadd.s32 $0xFFFFD800  }
0x158: {  	[hbm4b:s0+s2] =	stream.linear.scatter [tilespmem:s7], [sflag:$0x5], $0x2800, $0x38;
	[tilespmem:$0x5100] =	vst v63  }
0x159: {  	_ = 	snop  }
0x15a: {  	[tilespmem:s2], [sflag:$0x1] =	stream.linear.gather [hbm4b:s1+s2], $0x50, $0x38;
	[tilespmem:$0x5100] =	vst v63  }
0x15b: {  	_ =	swait.ge [sflag:s8], $0x2800  }
0x15c: {  	[sflag:s8] =	ssyncset.done $0x0  }
0x15d: {  	[sflag:s8] =	ssyncadd.s32 $0xFFFFD800  }
0x15e: {  	_ =	swait.ge [sflag:s19], $0x50  }
0x15f: {  	[sflag:s19] =	ssyncset.done $0x0  }
0x160: {  	[sflag:s19] =	ssyncadd.s32 $0xFFFFFFB0  }
0x161: {  	[tilespmem:s7], [sflag:$0x3] =	stream.indirect.gather [hbm4b:s3+s11], $0x80, s2, s11, $0xb8;
	[tilespmem:$0x5100] =	vst v63  }
0x162: {  	_ =	swait.ge [sflag:s14], $0x2800  }
0x163: {  	s0 =	sld [smem:$0x7F5]  }
0x164: {  	[sflag:s14] =	ssyncset.done $0x0  }
0x165: {  	s1 =	sld [smem:$0x7F6];
	[sflag:s14] =	ssyncadd.s32 $0xFFFFD800  }
0x166: {  	[hbm4b:s0+s2] =	stream.linear.scatter [tilespmem:s10], [sflag:$0x6], $0x2800, $0x38;
	[tilespmem:$0x5100] =	vst v63  }
0x167: {  	_ = 	snop  }
0x168: {  	[tilespmem:s9], [sflag:$0x2] =	stream.linear.gather [hbm4b:s1+s2], $0x50, $0x38;
	[tilespmem:$0x5100] =	vst v63  }
0x169: {  	_ =	swait.ge [sflag:s6], $0x2800  }
0x16a: {  	[sflag:s6] =	ssyncset.done $0x0  }
0x16b: {  	[sflag:s6] =	ssyncadd.s32 $0xFFFFD800  }
0x16c: {  	_ =	swait.ge [sflag:s16], $0x50  }
0x16d: {  	[sflag:s16] =	ssyncset.done $0x0  }
0x16e: {  	[sflag:s16] =	ssyncadd.s32 $0xFFFFFFB0  }
0x16f: {  	[tilespmem:s10], [sflag:$0x4] =	stream.indirect.gather [hbm4b:s3+s11], $0x80, s9, s11, $0xb8;
	[tilespmem:$0x5100] =	vst v63  }
0x170: {  	_ =	swait.ge [sflag:s15], $0x2800  }
0x171: {  	s0 =	sld [smem:$0x7F7]  }
0x172: {  	[sflag:s15] =	ssyncset.done $0x0  }
0x173: {  	s1 =	sld [smem:$0x7F8];
	[sflag:s15] =	ssyncadd.s32 $0xFFFFD800  }
0x174: {  	[hbm4b:s0+s2] =	stream.linear.scatter [tilespmem:s7], [sflag:$0x5], $0x2800, $0x38;
	[tilespmem:$0x5100] =	vst v63  }
0x175: {  	_ = 	snop  }
0x176: {  	[tilespmem:s2], [sflag:$0x1] =	stream.linear.gather [hbm4b:s1+s2], $0x50, $0x38;
	[tilespmem:$0x5100] =	vst v63  }
0x177: {  	_ =	swait.ge [sflag:s8], $0x2800  }
0x178: {  	[sflag:s8] =	ssyncset.done $0x0  }
0x179: {  	[sflag:s8] =	ssyncadd.s32 $0xFFFFD800  }
0x17a: {  	_ =	swait.ge [sflag:s19], $0x50  }
0x17b: {  	[sflag:s19] =	ssyncset.done $0x0  }
0x17c: {  	[sflag:s19] =	ssyncadd.s32 $0xFFFFFFB0  }
0x17d: {  	[tilespmem:s7], [sflag:$0x3] =	stream.indirect.gather [hbm4b:s3+s11], $0x80, s2, s11, $0xb8;
	[tilespmem:$0x5100] =	vst v63  }
0x17e: {  	_ =	swait.ge [sflag:s14], $0x2800  }
0x17f: {  	s0 =	sld [smem:$0x7F9]  }
0x180: {  	[sflag:s14] =	ssyncset.done $0x0  }
0x181: {  	s1 =	sld [smem:$0x7FA];
	[sflag:s14] =	ssyncadd.s32 $0xFFFFD800  }
0x182: {  	[hbm4b:s0+s2] =	stream.linear.scatter [tilespmem:s10], [sflag:$0x6], $0x2800, $0x38;
	[tilespmem:$0x5100] =	vst v63  }
0x183: {  	_ = 	snop  }
0x184: {  	[tilespmem:s9], [sflag:$0x2] =	stream.linear.gather [hbm4b:s1+s2], $0x50, $0x38;
	[tilespmem:$0x5100] =	vst v63  }
0x185: {  	_ =	swait.ge [sflag:s6], $0x2800  }
0x186: {  	[sflag:s6] =	ssyncset.done $0x0  }
0x187: {  	[sflag:s6] =	ssyncadd.s32 $0xFFFFD800  }
0x188: {  	_ =	swait.ge [sflag:s16], $0x50  }
0x189: {  	[sflag:s16] =	ssyncset.done $0x0  }
0x18a: {  	[sflag:s16] =	ssyncadd.s32 $0xFFFFFFB0  }
0x18b: {  	[tilespmem:s10], [sflag:$0x4] =	stream.indirect.gather [hbm4b:s3+s11], $0x80, s9, s11, $0xb8;
	[tilespmem:$0x5100] =	vst v63  }
0x18c: {  	_ =	swait.ge [sflag:s15], $0x2800  }
0x18d: {  	s0 =	sld [smem:$0x7FC]  }
0x18e: {  	[sflag:s15] =	ssyncset.done $0x0  }
0x18f: {  	s1 =	sld [smem:$0x7FD];
	[sflag:s15] =	ssyncadd.s32 $0xFFFFD800  }
0x190: {  	[hbm4b:s0+s2] =	stream.linear.scatter [tilespmem:s7], [sflag:$0x5], $0x2800, $0x38;
	[tilespmem:$0x5100] =	vst v63  }
0x191: {  	_ = 	snop  }
0x192: {  	[tilespmem:s2], [sflag:$0x1] =	stream.linear.gather [hbm4b:s1+s2], $0x50, $0x38;
	[tilespmem:$0x5100] =	vst v63  }
0x193: {  	_ =	swait.ge [sflag:s8], $0x2800  }
0x194: {  	[sflag:s8] =	ssyncset.done $0x0  }
0x195: {  	[sflag:s8] =	ssyncadd.s32 $0xFFFFD800  }
0x196: {  	_ =	swait.ge [sflag:s19], $0x50  }
0x197: {  	[sflag:s19] =	ssyncset.done $0x0  }
0x198: {  	[sflag:s19] =	ssyncadd.s32 $0xFFFFFFB0  }
0x199: {  	[tilespmem:s7], [sflag:$0x3] =	stream.indirect.gather [hbm4b:s3+s11], $0x80, s2, s11, $0xb8;
	[tilespmem:$0x5100] =	vst v63  }
0x19a: {  	_ =	swait.ge [sflag:s14], $0x2800  }
0x19b: {  	[sflag:s14] =	ssyncset.done $0x0  }
0x19c: {  	[sflag:s14] =	ssyncadd.s32 $0xFFFFD800  }
0x19d: {  	[hbm4b:s30+s2] =	stream.linear.scatter [tilespmem:s10], [sflag:$0x6], $0x2800, $0x38;
	[tilespmem:$0x5100] =	vst v63  }
0x19e: {  	_ = 	snop  }
0x19f: {  	[tilespmem:s9], [sflag:$0x2] =	stream.linear.gather [hbm4b:s31+s2], $0x50, $0x38;
	[tilespmem:$0x5100] =	vst v63  }
0x1a0: {  	_ =	swait.ge [sflag:s6], $0x2800  }
0x1a1: {  	[sflag:s6] =	ssyncset.done $0x0  }
0x1a2: {  	[sflag:s6] =	ssyncadd.s32 $0xFFFFD800  }
0x1a3: {  	_ =	swait.ge [sflag:s16], $0x50  }
0x1a4: {  	[sflag:s16] =	ssyncset.done $0x0  }
0x1a5: {  	[sflag:s16] =	ssyncadd.s32 $0xFFFFFFB0  }
0x1a6: {  	[tilespmem:s10], [sflag:$0x4] =	stream.indirect.gather [hbm4b:s3+s11], $0x80, s9, s11, $0xb8;
	[tilespmem:$0x5100] =	vst v63  }
0x1a7: {  	_ =	swait.ge [sflag:s15], $0x2800  }
0x1a8: {  	[sflag:s15] =	ssyncset.done $0x0  }
0x1a9: {  	[sflag:s15] =	ssyncadd.s32 $0xFFFFD800  }
0x1aa: {  	[hbm4b:s28+s2] =	stream.linear.scatter [tilespmem:s7], [sflag:$0x5], $0x2800, $0x38;
	[tilespmem:$0x5100] =	vst v63  }
0x1ab: {  	_ = 	snop  }
0x1ac: {  	[tilespmem:s2], [sflag:$0x1] =	stream.linear.gather [hbm4b:s29+s2], $0x50, $0x38;
	[tilespmem:$0x5100] =	vst v63  }
0x1ad: {  	_ =	swait.ge [sflag:s8], $0x2800  }
0x1ae: {  	[sflag:s8] =	ssyncset.done $0x0  }
0x1af: {  	[sflag:s8] =	ssyncadd.s32 $0xFFFFD800  }
0x1b0: {  	_ =	swait.ge [sflag:s19], $0x50  }
0x1b1: {  	[sflag:s19] =	ssyncset.done $0x0  }
0x1b2: {  	[sflag:s19] =	ssyncadd.s32 $0xFFFFFFB0  }
0x1b3: {  	[tilespmem:s7], [sflag:$0x3] =	stream.indirect.gather [hbm4b:s3+s11], $0x80, s2, s11, $0xb8;
	[tilespmem:$0x5100] =	vst v63  }
0x1b4: {  	_ =	swait.ge [sflag:s14], $0x2800  }
0x1b5: {  	[sflag:s14] =	ssyncset.done $0x0  }
0x1b6: {  	[sflag:s14] =	ssyncadd.s32 $0xFFFFD800  }
0x1b7: {  	[hbm4b:s25+s2] =	stream.linear.scatter [tilespmem:s10], [sflag:$0x6], $0x2800, $0x38;
	[tilespmem:$0x5100] =	vst v63  }
0x1b8: {  	_ = 	snop  }
0x1b9: {  	[tilespmem:s9], [sflag:$0x2] =	stream.linear.gather [hbm4b:s26+s2], $0x50, $0x38;
	[tilespmem:$0x5100] =	vst v63  }
0x1ba: {  	_ =	swait.ge [sflag:s6], $0x2800  }
0x1bb: {  	[sflag:s6] =	ssyncset.done $0x0  }
0x1bc: {  	[sflag:s6] =	ssyncadd.s32 $0xFFFFD800  }
0x1bd: {  	_ =	swait.ge [sflag:s16], $0x50  }
0x1be: {  	[sflag:s16] =	ssyncset.done $0x0  }
0x1bf: {  	[sflag:s16] =	ssyncadd.s32 $0xFFFFFFB0  }
0x1c0: {  	[tilespmem:s10], [sflag:$0x4] =	stream.indirect.gather [hbm4b:s3+s11], $0x80, s9, s11, $0xb8;
	[tilespmem:$0x5100] =	vst v63  }
0x1c1: {  	_ =	swait.ge [sflag:s15], $0x2800  }
0x1c2: {  	[sflag:s15] =	ssyncset.done $0x0  }
0x1c3: {  	[sflag:s15] =	ssyncadd.s32 $0xFFFFD800  }
0x1c4: {  	[hbm4b:s23+s2] =	stream.linear.scatter [tilespmem:s7], [sflag:$0x5], $0x2800, $0x38;
	[tilespmem:$0x5100] =	vst v63  }
0x1c5: {  	_ = 	snop  }
0x1c6: {  	[tilespmem:s2], [sflag:$0x1] =	stream.linear.gather [hbm4b:s24+s2], $0x50, $0x38;
	[tilespmem:$0x5100] =	vst v63  }
0x1c7: {  	_ =	swait.ge [sflag:s8], $0x2800  }
0x1c8: {  	[sflag:s8] =	ssyncset.done $0x0  }
0x1c9: {  	[sflag:s8] =	ssyncadd.s32 $0xFFFFD800  }
0x1ca: {  	_ =	swait.ge [sflag:s19], $0x50  }
0x1cb: {  	[sflag:s19] =	ssyncset.done $0x0  }
0x1cc: {  	[sflag:s19] =	ssyncadd.s32 $0xFFFFFFB0  }
0x1cd: {  	[tilespmem:s7], [sflag:$0x3] =	stream.indirect.gather [hbm4b:s3+s11], $0x80, s2, s11, $0xb8;
	[tilespmem:$0x5100] =	vst v63  }
0x1ce: {  	_ =	swait.ge [sflag:s14], $0x2800  }
0x1cf: {  	[sflag:s14] =	ssyncset.done $0x0  }
0x1d0: {  	[sflag:s14] =	ssyncadd.s32 $0xFFFFD800  }
0x1d1: {  	[hbm4b:s20+s2] =	stream.linear.scatter [tilespmem:s10], [sflag:$0x6], $0x2800, $0x38;
	[tilespmem:$0x5100] =	vst v63  }
0x1d2: {  	_ = 	snop  }
0x1d3: {  	[tilespmem:s9], [sflag:$0x2] =	stream.linear.gather [hbm4b:s21+s2], $0x50, $0x38;
	[tilespmem:$0x5100] =	vst v63  }
0x1d4: {  	_ =	swait.ge [sflag:s6], $0x2800  }
0x1d5: {  	[sflag:s6] =	ssyncset.done $0x0  }
0x1d6: {  	[sflag:s6] =	ssyncadd.s32 $0xFFFFD800  }
0x1d7: {  	_ =	swait.ge [sflag:s16], $0x50  }
0x1d8: {  	[sflag:s16] =	ssyncset.done $0x0  }
0x1d9: {  	[sflag:s16] =	ssyncadd.s32 $0xFFFFFFB0  }
0x1da: {  	[tilespmem:s10], [sflag:$0x4] =	stream.indirect.gather [hbm4b:s3+s11], $0x80, s9, s11, $0xb8;
	[tilespmem:$0x5100] =	vst v63  }
0x1db: {  	_ =	swait.ge [sflag:s15], $0x2800  }
0x1dc: {  	[sflag:s15] =	ssyncset.done $0x0  }
0x1dd: {  	[sflag:s15] =	ssyncadd.s32 $0xFFFFD800  }
0x1de: {  	[hbm4b:s17+s2] =	stream.linear.scatter [tilespmem:s7], [sflag:$0x5], $0x2800, $0x38;
	[tilespmem:$0x5100] =	vst v63  }
0x1df: {  	_ = 	snop  }
0x1e0: {  	[tilespmem:s2], [sflag:$0x1] =	stream.linear.gather [hbm4b:s18+s2], $0x50, $0x38;
	[tilespmem:$0x5100] =	vst v63  }
0x1e1: {  	_ =	swait.ge [sflag:s8], $0x2800  }
0x1e2: {  	[sflag:s8] =	ssyncset.done $0x0  }
0x1e3: {  	[sflag:s8] =	ssyncadd.s32 $0xFFFFD800  }
0x1e4: {  	_ =	swait.ge [sflag:s19], $0x50  }
0x1e5: {  	[sflag:s19] =	ssyncset.done $0x0  }
0x1e6: {  	[sflag:s19] =	ssyncadd.s32 $0xFFFFFFB0  }
0x1e7: {  	[tilespmem:s7], [sflag:$0x3] =	stream.indirect.gather [hbm4b:s3+s11], $0x80, s2, s11, $0xb8;
	[tilespmem:$0x5100] =	vst v63  }
0x1e8: {  	_ =	swait.ge [sflag:s14], $0x2800  }
0x1e9: {  	[sflag:s14] =	ssyncset.done $0x0  }
0x1ea: {  	[sflag:s14] =	ssyncadd.s32 $0xFFFFD800  }
0x1eb: {  	[hbm4b:s12+s2] =	stream.linear.scatter [tilespmem:s10], [sflag:$0x6], $0x2800, $0x38;
	[tilespmem:$0x5100] =	vst v63  }
0x1ec: {  	_ = 	snop  }
0x1ed: {  	[tilespmem:s9], [sflag:$0x2] =	stream.linear.gather [hbm4b:s13+s2], $0x50, $0x38;
	[tilespmem:$0x5100] =	vst v63  }
0x1ee: {  	_ =	swait.ge [sflag:s6], $0x2800  }
0x1ef: {  	[sflag:s6] =	ssyncset.done $0x0  }
0x1f0: {  	[sflag:s6] =	ssyncadd.s32 $0xFFFFD800  }
0x1f1: {  	_ =	swait.ge [sflag:s16], $0x50  }
0x1f2: {  	[sflag:s16] =	ssyncset.done $0x0  }
0x1f3: {  	[sflag:s16] =	ssyncadd.s32 $0xFFFFFFB0  }
0x1f4: {  	[tilespmem:s10], [sflag:$0x4] =	stream.indirect.gather [hbm4b:s3+s11], $0x80, s9, s11, $0xb8;
	[tilespmem:$0x5100] =	vst v63  }
0x1f5: {  	_ =	swait.ge [sflag:s15], $0x2800  }
0x1f6: {  	[sflag:s15] =	ssyncset.done $0x0  }
0x1f7: {  	[sflag:s15] =	ssyncadd.s32 $0xFFFFD800  }
0x1f8: {  	[hbm4b:s5+s2] =	stream.linear.scatter [tilespmem:s7], [sflag:$0x5], $0x2800, $0x38;
	[tilespmem:$0x5100] =	vst v63  }
0x1f9: {  	_ =	swait.ge [sflag:s14], $0x2800  }
0x1fa: {  	[sflag:s14] =	ssyncset.done $0x0  }
0x1fb: {  	[sflag:s14] =	ssyncadd.s32 $0xFFFFD800  }
0x1fc: {  	[hbm4b:s4+s2] =	stream.linear.scatter [tilespmem:s10], [sflag:$0x6], $0x2800, $0x38;
	[tilespmem:$0x5100] =	vst v63  }
0x1fd: {  	_ =	swait.ge [sflag:s8], $0x2800  }
0x1fe: {  	s1 =	sld [smem:$0x7DF];
	_ =	sdelay $0x2  }
0x1ff: {  	p1 =	sne.s32 s1, $0x1  }
.Ltmp1:
0x200: {  	[sflag:s8] =	ssyncset.done $0x0;
	(pc) =	sbr.rel @!p1 .LBB2_3-.Ltmp1, $4  }
0x201: {  	[sflag:s8] =	ssyncadd.s32 $0xFFFFD800  }
0x202: {  	_ =	swait.ge [sflag:s6], $0x2800  }
0x203: {  	p0 =	por $0x1, $0x1;
	s0 =	rddreg [dreg:$0x4]  }
0x204: {  	s1 =	sadd.s32 $0xFFFFFFFF, s1;
	[sflag:s6] =	ssyncset.done $0x0;
	[smem:$0x7E0] =	sst s31  }
.LBB2_2:
0x205: {  	[sflag:s6] =	ssyncadd.s32 $0xFFFFD800;
	s31 =	smov.u32 s30  }
0x206: {  	s30 =	smov.u32 s29;
	s29 =	smov.u32 s28;
	s28 =	smov.u32 s26  }
0x207: {  	s26 =	smov.u32 s25;
	s25 =	smov.u32 s24;
	s24 =	smov.u32 s23  }
0x208: {  	s23 =	smov.u32 s21;
	s21 =	smov.u32 s20;
	s20 =	smov.u32 s18  }
0x209: {  	s18 =	smov.u32 s17;
	s17 =	smov.u32 s13;
	s13 =	smov.u32 s12  }
0x20a: {  	[tilespmem:s2], [sflag:$0x1] =	stream.linear.gather [hbm4b:s0+s2], $0x50, $0x38;
	[tilespmem:$0x5100] =	vst v63  }
0x20b: {  	s12 =	smov.u32 s5;
	s5 =	smov.u32 s4;
	s4 =	rddreg [dreg:$0x5]  }
0x20c: {  	[tilespmem:s9], [sflag:$0x2] =	stream.linear.gather [hbm4b:s4+s2], $0x50, $0x38;
	[tilespmem:$0x5100] =	vst v63  }
0x20d: {  	_ =	swait.ge [sflag:s19], $0x50  }
0x20e: {  	[sflag:s19] =	ssyncset.done $0x0  }
0x20f: {  	[sflag:s19] =	ssyncadd.s32 $0xFFFFFFB0  }
0x210: {  	[tilespmem:s7], [sflag:$0x3] =	stream.indirect.gather [hbm4b:s22+s11], $0x80, s2, s11, $0xb8;
	[tilespmem:$0x5100] =	vst v63  }
0x211: {  	_ =	swait.ge [sflag:s16], $0x50  }
0x212: {  	[sflag:s16] =	ssyncset.done $0x0  }
0x213: {  	[sflag:s16] =	ssyncadd.s32 $0xFFFFFFB0  }
0x214: {  	[tilespmem:s10], [sflag:$0x4] =	stream.indirect.gather [hbm4b:s22+s11], $0x80, s9, s11, $0xb8;
	[tilespmem:$0x5100] =	vst v63  }
0x215: {  	_ =	swait.ge [sflag:s15], $0x2800  }
0x216: {  	[sflag:s15] =	ssyncset.done $0x0  }
0x217: {  	s0 =	rddreg [dreg:$0x6];
	[sflag:s15] =	ssyncadd.s32 $0xFFFFD800  }
0x218: {  	[hbm4b:s0+s2] =	stream.linear.scatter [tilespmem:s7], [sflag:$0x5], $0x2800, $0x38;
	[tilespmem:$0x5100] =	vst v63  }
0x219: {  	s4 =	rddreg [dreg:$0x7]  }
0x21a: {  	[tilespmem:s2], [sflag:$0x1] =	stream.linear.gather [hbm4b:s4+s2], $0x50, $0x38;
	[tilespmem:$0x5100] =	vst v63  }
0x21b: {  	_ =	swait.ge [sflag:s8], $0x2800  }
0x21c: {  	[sflag:s8] =	ssyncset.done $0x0  }
0x21d: {  	[sflag:s8] =	ssyncadd.s32 $0xFFFFD800  }
0x21e: {  	_ =	swait.ge [sflag:s19], $0x50  }
0x21f: {  	[sflag:s19] =	ssyncset.done $0x0  }
0x220: {  	[sflag:s19] =	ssyncadd.s32 $0xFFFFFFB0  }
0x221: {  	[tilespmem:s7], [sflag:$0x3] =	stream.indirect.gather [hbm4b:s22+s11], $0x80, s2, s11, $0xb8;
	[tilespmem:$0x5100] =	vst v63  }
0x222: {  	_ =	swait.ge [sflag:s14], $0x2800  }
0x223: {  	[sflag:s14] =	ssyncset.done $0x0  }
0x224: {  	s0 =	rddreg [dreg:$0x8];
	[sflag:s14] =	ssyncadd.s32 $0xFFFFD800  }
0x225: {  	[hbm4b:s0+s2] =	stream.linear.scatter [tilespmem:s10], [sflag:$0x6], $0x2800, $0x38;
	[tilespmem:$0x5100] =	vst v63  }
0x226: {  	s4 =	rddreg [dreg:$0x9]  }
0x227: {  	[tilespmem:s9], [sflag:$0x2] =	stream.linear.gather [hbm4b:s4+s2], $0x50, $0x38;
	[tilespmem:$0x5100] =	vst v63  }
0x228: {  	_ =	swait.ge [sflag:s6], $0x2800  }
0x229: {  	[sflag:s6] =	ssyncset.done $0x0  }
0x22a: {  	[sflag:s6] =	ssyncadd.s32 $0xFFFFD800  }
0x22b: {  	_ =	swait.ge [sflag:s16], $0x50  }
0x22c: {  	[sflag:s16] =	ssyncset.done $0x0  }
0x22d: {  	[sflag:s16] =	ssyncadd.s32 $0xFFFFFFB0  }
0x22e: {  	[tilespmem:s10], [sflag:$0x4] =	stream.indirect.gather [hbm4b:s22+s11], $0x80, s9, s11, $0xb8;
	[tilespmem:$0x5100] =	vst v63  }
0x22f: {  	_ =	swait.ge [sflag:s15], $0x2800  }
0x230: {  	[sflag:s15] =	ssyncset.done $0x0  }
0x231: {  	s0 =	rddreg [dreg:$0xa];
	[sflag:s15] =	ssyncadd.s32 $0xFFFFD800  }
0x232: {  	[hbm4b:s0+s2] =	stream.linear.scatter [tilespmem:s7], [sflag:$0x5], $0x2800, $0x38;
	[tilespmem:$0x5100] =	vst v63  }
0x233: {  	s4 =	rddreg [dreg:$0xb]  }
0x234: {  	[tilespmem:s2], [sflag:$0x1] =	stream.linear.gather [hbm4b:s4+s2], $0x50, $0x38;
	[tilespmem:$0x5100] =	vst v63  }
0x235: {  	_ =	swait.ge [sflag:s8], $0x2800  }
0x236: {  	[sflag:s8] =	ssyncset.done $0x0  }
0x237: {  	[sflag:s8] =	ssyncadd.s32 $0xFFFFD800  }
0x238: {  	_ =	swait.ge [sflag:s19], $0x50  }
0x239: {  	[sflag:s19] =	ssyncset.done $0x0  }
0x23a: {  	[sflag:s19] =	ssyncadd.s32 $0xFFFFFFB0  }
0x23b: {  	[tilespmem:s7], [sflag:$0x3] =	stream.indirect.gather [hbm4b:s22+s11], $0x80, s2, s11, $0xb8;
	[tilespmem:$0x5100] =	vst v63  }
0x23c: {  	_ =	swait.ge [sflag:s14], $0x2800  }
0x23d: {  	[sflag:s14] =	ssyncset.done $0x0  }
0x23e: {  	s0 =	rddreg [dreg:$0xc];
	[sflag:s14] =	ssyncadd.s32 $0xFFFFD800  }
0x23f: {  	[hbm4b:s0+s2] =	stream.linear.scatter [tilespmem:s10], [sflag:$0x6], $0x2800, $0x38;
	[tilespmem:$0x5100] =	vst v63  }
0x240: {  	s4 =	rddreg [dreg:$0xd]  }
0x241: {  	[tilespmem:s9], [sflag:$0x2] =	stream.linear.gather [hbm4b:s4+s2], $0x50, $0x38;
	[tilespmem:$0x5100] =	vst v63  }
0x242: {  	_ =	swait.ge [sflag:s6], $0x2800  }
0x243: {  	[sflag:s6] =	ssyncset.done $0x0  }
0x244: {  	[sflag:s6] =	ssyncadd.s32 $0xFFFFD800  }
0x245: {  	_ =	swait.ge [sflag:s16], $0x50  }
0x246: {  	[sflag:s16] =	ssyncset.done $0x0  }
0x247: {  	[sflag:s16] =	ssyncadd.s32 $0xFFFFFFB0  }
0x248: {  	[tilespmem:s10], [sflag:$0x4] =	stream.indirect.gather [hbm4b:s22+s11], $0x80, s9, s11, $0xb8;
	[tilespmem:$0x5100] =	vst v63  }
0x249: {  	_ =	swait.ge [sflag:s15], $0x2800  }
0x24a: {  	[sflag:s15] =	ssyncset.done $0x0  }
0x24b: {  	s0 =	rddreg [dreg:$0xe];
	[sflag:s15] =	ssyncadd.s32 $0xFFFFD800  }
0x24c: {  	[hbm4b:s0+s2] =	stream.linear.scatter [tilespmem:s7], [sflag:$0x5], $0x2800, $0x38;
	[tilespmem:$0x5100] =	vst v63  }
0x24d: {  	s4 =	rddreg [dreg:$0xf]  }
0x24e: {  	[tilespmem:s2], [sflag:$0x1] =	stream.linear.gather [hbm4b:s4+s2], $0x50, $0x38;
	[tilespmem:$0x5100] =	vst v63  }
0x24f: {  	_ =	swait.ge [sflag:s8], $0x2800  }
0x250: {  	[sflag:s8] =	ssyncset.done $0x0  }
0x251: {  	[sflag:s8] =	ssyncadd.s32 $0xFFFFD800  }
0x252: {  	_ =	swait.ge [sflag:s19], $0x50  }
0x253: {  	[sflag:s19] =	ssyncset.done $0x0  }
0x254: {  	[sflag:s19] =	ssyncadd.s32 $0xFFFFFFB0  }
0x255: {  	[tilespmem:s7], [sflag:$0x3] =	stream.indirect.gather [hbm4b:s22+s11], $0x80, s2, s11, $0xb8;
	[tilespmem:$0x5100] =	vst v63  }
0x256: {  	_ =	swait.ge [sflag:s14], $0x2800  }
0x257: {  	[sflag:s14] =	ssyncset.done $0x0  }
0x258: {  	s0 =	rddreg [dreg:$0x10];
	[sflag:s14] =	ssyncadd.s32 $0xFFFFD800  }
0x259: {  	[hbm4b:s0+s2] =	stream.linear.scatter [tilespmem:s10], [sflag:$0x6], $0x2800, $0x38;
	[tilespmem:$0x5100] =	vst v63  }
0x25a: {  	s4 =	rddreg [dreg:$0x11]  }
0x25b: {  	[tilespmem:s9], [sflag:$0x2] =	stream.linear.gather [hbm4b:s4+s2], $0x50, $0x38;
	[tilespmem:$0x5100] =	vst v63  }
0x25c: {  	_ =	swait.ge [sflag:s6], $0x2800  }
0x25d: {  	[sflag:s6] =	ssyncset.done $0x0  }
0x25e: {  	[sflag:s6] =	ssyncadd.s32 $0xFFFFD800  }
0x25f: {  	_ =	swait.ge [sflag:s16], $0x50  }
0x260: {  	[sflag:s16] =	ssyncset.done $0x0  }
0x261: {  	[sflag:s16] =	ssyncadd.s32 $0xFFFFFFB0  }
0x262: {  	[tilespmem:s10], [sflag:$0x4] =	stream.indirect.gather [hbm4b:s22+s11], $0x80, s9, s11, $0xb8;
	[tilespmem:$0x5100] =	vst v63  }
0x263: {  	_ =	swait.ge [sflag:s15], $0x2800  }
0x264: {  	[sflag:s15] =	ssyncset.done $0x0  }
0x265: {  	s0 =	rddreg [dreg:$0x12];
	[sflag:s15] =	ssyncadd.s32 $0xFFFFD800  }
0x266: {  	[hbm4b:s0+s2] =	stream.linear.scatter [tilespmem:s7], [sflag:$0x5], $0x2800, $0x38;
	[tilespmem:$0x5100] =	vst v63  }
0x267: {  	s4 =	rddreg [dreg:$0x13]  }
0x268: {  	[tilespmem:s2], [sflag:$0x1] =	stream.linear.gather [hbm4b:s4+s2], $0x50, $0x38;
	[tilespmem:$0x5100] =	vst v63  }
0x269: {  	_ =	swait.ge [sflag:s8], $0x2800  }
0x26a: {  	[sflag:s8] =	ssyncset.done $0x0  }
0x26b: {  	[sflag:s8] =	ssyncadd.s32 $0xFFFFD800  }
0x26c: {  	_ =	swait.ge [sflag:s19], $0x50  }
0x26d: {  	[sflag:s19] =	ssyncset.done $0x0  }
0x26e: {  	[sflag:s19] =	ssyncadd.s32 $0xFFFFFFB0  }
0x26f: {  	[tilespmem:s7], [sflag:$0x3] =	stream.indirect.gather [hbm4b:s22+s11], $0x80, s2, s11, $0xb8;
	[tilespmem:$0x5100] =	vst v63  }
0x270: {  	_ =	swait.ge [sflag:s14], $0x2800  }
0x271: {  	[sflag:s14] =	ssyncset.done $0x0  }
0x272: {  	s0 =	rddreg [dreg:$0x14];
	[sflag:s14] =	ssyncadd.s32 $0xFFFFD800  }
0x273: {  	[hbm4b:s0+s2] =	stream.linear.scatter [tilespmem:s10], [sflag:$0x6], $0x2800, $0x38;
	[tilespmem:$0x5100] =	vst v63  }
0x274: {  	s4 =	rddreg [dreg:$0x15]  }
0x275: {  	[tilespmem:s9], [sflag:$0x2] =	stream.linear.gather [hbm4b:s4+s2], $0x50, $0x38;
	[tilespmem:$0x5100] =	vst v63  }
0x276: {  	_ =	swait.ge [sflag:s6], $0x2800  }
0x277: {  	[sflag:s6] =	ssyncset.done $0x0  }
0x278: {  	[sflag:s6] =	ssyncadd.s32 $0xFFFFD800  }
0x279: {  	_ =	swait.ge [sflag:s16], $0x50  }
0x27a: {  	[sflag:s16] =	ssyncset.done $0x0  }
0x27b: {  	[sflag:s16] =	ssyncadd.s32 $0xFFFFFFB0  }
0x27c: {  	[tilespmem:s10], [sflag:$0x4] =	stream.indirect.gather [hbm4b:s22+s11], $0x80, s9, s11, $0xb8;
	[tilespmem:$0x5100] =	vst v63  }
0x27d: {  	_ =	swait.ge [sflag:s15], $0x2800  }
0x27e: {  	[sflag:s15] =	ssyncset.done $0x0  }
0x27f: {  	s0 =	rddreg [dreg:$0x16];
	[sflag:s15] =	ssyncadd.s32 $0xFFFFD800  }
0x280: {  	[hbm4b:s0+s2] =	stream.linear.scatter [tilespmem:s7], [sflag:$0x5], $0x2800, $0x38;
	[tilespmem:$0x5100] =	vst v63  }
0x281: {  	s4 =	rddreg [dreg:$0x17]  }
0x282: {  	[tilespmem:s2], [sflag:$0x1] =	stream.linear.gather [hbm4b:s4+s2], $0x50, $0x38;
	[tilespmem:$0x5100] =	vst v63  }
0x283: {  	_ =	swait.ge [sflag:s8], $0x2800  }
0x284: {  	[sflag:s8] =	ssyncset.done $0x0  }
0x285: {  	[sflag:s8] =	ssyncadd.s32 $0xFFFFD800  }
0x286: {  	_ =	swait.ge [sflag:s19], $0x50  }
0x287: {  	[sflag:s19] =	ssyncset.done $0x0  }
0x288: {  	[sflag:s19] =	ssyncadd.s32 $0xFFFFFFB0  }
0x289: {  	[tilespmem:s7], [sflag:$0x3] =	stream.indirect.gather [hbm4b:s22+s11], $0x80, s2, s11, $0xb8;
	[tilespmem:$0x5100] =	vst v63  }
0x28a: {  	_ =	swait.ge [sflag:s14], $0x2800  }
0x28b: {  	[sflag:s14] =	ssyncset.done $0x0  }
0x28c: {  	s0 =	rddreg [dreg:$0x18];
	[sflag:s14] =	ssyncadd.s32 $0xFFFFD800  }
0x28d: {  	[hbm4b:s0+s2] =	stream.linear.scatter [tilespmem:s10], [sflag:$0x6], $0x2800, $0x38;
	[tilespmem:$0x5100] =	vst v63  }
0x28e: {  	s4 =	rddreg [dreg:$0x19]  }
0x28f: {  	[tilespmem:s9], [sflag:$0x2] =	stream.linear.gather [hbm4b:s4+s2], $0x50, $0x38;
	[tilespmem:$0x5100] =	vst v63  }
0x290: {  	_ =	swait.ge [sflag:s6], $0x2800  }
0x291: {  	[sflag:s6] =	ssyncset.done $0x0  }
0x292: {  	[sflag:s6] =	ssyncadd.s32 $0xFFFFD800  }
0x293: {  	_ =	swait.ge [sflag:s16], $0x50  }
0x294: {  	[sflag:s16] =	ssyncset.done $0x0  }
0x295: {  	[sflag:s16] =	ssyncadd.s32 $0xFFFFFFB0  }
0x296: {  	[tilespmem:s10], [sflag:$0x4] =	stream.indirect.gather [hbm4b:s22+s11], $0x80, s9, s11, $0xb8;
	[tilespmem:$0x5100] =	vst v63  }
0x297: {  	_ =	swait.ge [sflag:s15], $0x2800  }
0x298: {  	[sflag:s15] =	ssyncset.done $0x0  }
0x299: {  	s0 =	rddreg [dreg:$0x1a];
	[sflag:s15] =	ssyncadd.s32 $0xFFFFD800  }
0x29a: {  	[hbm4b:s0+s2] =	stream.linear.scatter [tilespmem:s7], [sflag:$0x5], $0x2800, $0x38;
	[tilespmem:$0x5100] =	vst v63  }
0x29b: {  	s4 =	rddreg [dreg:$0x1b]  }
0x29c: {  	[tilespmem:s2], [sflag:$0x1] =	stream.linear.gather [hbm4b:s4+s2], $0x50, $0x38;
	[tilespmem:$0x5100] =	vst v63  }
0x29d: {  	_ =	swait.ge [sflag:s8], $0x2800  }
0x29e: {  	[sflag:s8] =	ssyncset.done $0x0  }
0x29f: {  	[sflag:s8] =	ssyncadd.s32 $0xFFFFD800  }
0x2a0: {  	_ =	swait.ge [sflag:s19], $0x50  }
0x2a1: {  	[sflag:s19] =	ssyncset.done $0x0  }
0x2a2: {  	[sflag:s19] =	ssyncadd.s32 $0xFFFFFFB0  }
0x2a3: {  	[tilespmem:s7], [sflag:$0x3] =	stream.indirect.gather [hbm4b:s22+s11], $0x80, s2, s11, $0xb8;
	[tilespmem:$0x5100] =	vst v63  }
0x2a4: {  	_ =	swait.ge [sflag:s14], $0x2800  }
0x2a5: {  	[sflag:s14] =	ssyncset.done $0x0  }
0x2a6: {  	s0 =	rddreg [dreg:$0x1c];
	[sflag:s14] =	ssyncadd.s32 $0xFFFFD800  }
0x2a7: {  	[hbm4b:s0+s2] =	stream.linear.scatter [tilespmem:s10], [sflag:$0x6], $0x2800, $0x38;
	[tilespmem:$0x5100] =	vst v63  }
0x2a8: {  	s4 =	rddreg [dreg:$0x1d]  }
0x2a9: {  	[tilespmem:s9], [sflag:$0x2] =	stream.linear.gather [hbm4b:s4+s2], $0x50, $0x38;
	[tilespmem:$0x5100] =	vst v63  }
0x2aa: {  	_ =	swait.ge [sflag:s6], $0x2800  }
0x2ab: {  	[sflag:s6] =	ssyncset.done $0x0  }
0x2ac: {  	[sflag:s6] =	ssyncadd.s32 $0xFFFFD800  }
0x2ad: {  	_ =	swait.ge [sflag:s16], $0x50  }
0x2ae: {  	[sflag:s16] =	ssyncset.done $0x0  }
0x2af: {  	[sflag:s16] =	ssyncadd.s32 $0xFFFFFFB0  }
0x2b0: {  	[tilespmem:s10], [sflag:$0x4] =	stream.indirect.gather [hbm4b:s22+s11], $0x80, s9, s11, $0xb8;
	[tilespmem:$0x5100] =	vst v63  }
0x2b1: {  	_ =	swait.ge [sflag:s15], $0x2800  }
0x2b2: {  	[sflag:s15] =	ssyncset.done $0x0  }
0x2b3: {  	s0 =	rddreg [dreg:$0x1e];
	[sflag:s15] =	ssyncadd.s32 $0xFFFFD800  }
0x2b4: {  	[hbm4b:s0+s2] =	stream.linear.scatter [tilespmem:s7], [sflag:$0x5], $0x2800, $0x38;
	[tilespmem:$0x5100] =	vst v63  }
0x2b5: {  	s4 =	rddreg [dreg:$0x1f]  }
0x2b6: {  	[tilespmem:s2], [sflag:$0x1] =	stream.linear.gather [hbm4b:s4+s2], $0x50, $0x38;
	[tilespmem:$0x5100] =	vst v63  }
0x2b7: {  	_ =	swait.ge [sflag:s8], $0x2800  }
0x2b8: {  	[sflag:s8] =	ssyncset.done $0x0  }
0x2b9: {  	[sflag:s8] =	ssyncadd.s32 $0xFFFFD800  }
0x2ba: {  	_ =	swait.ge [sflag:s19], $0x50  }
0x2bb: {  	[sflag:s19] =	ssyncset.done $0x0  }
0x2bc: {  	[sflag:s19] =	ssyncadd.s32 $0xFFFFFFB0  }
0x2bd: {  	[tilespmem:s7], [sflag:$0x3] =	stream.indirect.gather [hbm4b:s22+s11], $0x80, s2, s11, $0xb8;
	[tilespmem:$0x5100] =	vst v63  }
0x2be: {  	_ =	swait.ge [sflag:s14], $0x2800  }
0x2bf: {  	s0 =	sld [smem:$0x7E1]  }
0x2c0: {  	[sflag:s14] =	ssyncset.done $0x0  }
0x2c1: {  	s4 =	sld [smem:$0x7E2];
	[sflag:s14] =	ssyncadd.s32 $0xFFFFD800  }
0x2c2: {  	[hbm4b:s0+s2] =	stream.linear.scatter [tilespmem:s10], [sflag:$0x6], $0x2800, $0x38;
	[tilespmem:$0x5100] =	vst v63  }
0x2c3: {  	_ = 	snop  }
0x2c4: {  	[tilespmem:s9], [sflag:$0x2] =	stream.linear.gather [hbm4b:s4+s2], $0x50, $0x38;
	[tilespmem:$0x5100] =	vst v63  }
0x2c5: {  	_ =	swait.ge [sflag:s6], $0x2800  }
0x2c6: {  	[sflag:s6] =	ssyncset.done $0x0  }
0x2c7: {  	[sflag:s6] =	ssyncadd.s32 $0xFFFFD800  }
0x2c8: {  	_ =	swait.ge [sflag:s16], $0x50  }
0x2c9: {  	[sflag:s16] =	ssyncset.done $0x0  }
0x2ca: {  	[sflag:s16] =	ssyncadd.s32 $0xFFFFFFB0  }
0x2cb: {  	[tilespmem:s10], [sflag:$0x4] =	stream.indirect.gather [hbm4b:s22+s11], $0x80, s9, s11, $0xb8;
	[tilespmem:$0x5100] =	vst v63  }
0x2cc: {  	_ =	swait.ge [sflag:s15], $0x2800  }
0x2cd: {  	s4 =	sld [smem:$0x7E3]  }
0x2ce: {  	[sflag:s15] =	ssyncset.done $0x0  }
0x2cf: {  	[sflag:s15] =	ssyncadd.s32 $0xFFFFD800  }
0x2d0: {  	[hbm4b:s4+s2] =	stream.linear.scatter [tilespmem:s7], [sflag:$0x5], $0x2800, $0x38;
	[tilespmem:$0x5100] =	vst v63  }
0x2d1: {  	_ =	swait.ge [sflag:s14], $0x2800  }
0x2d2: {  	s4 =	sld [smem:$0x7E4]  }
0x2d3: {  	[sflag:s14] =	ssyncset.done $0x0  }
0x2d4: {  	[sflag:s14] =	ssyncadd.s32 $0xFFFFD800  }
0x2d5: {  	[hbm4b:s4+s2] =	stream.linear.scatter [tilespmem:s10], [sflag:$0x6], $0x2800, $0x38;
	[tilespmem:$0x5100] =	vst v63  }
0x2d6: {  	_ =	swait.ge [sflag:s8], $0x2800  }
0x2d7: {  	[sflag:s8] =	ssyncset.done $0x0  }
0x2d8: {  	[sflag:s8] =	ssyncadd.s32 $0xFFFFD800  }
0x2d9: {  	_ =	swait.ge [sflag:s6], $0x2800  }
0x2da: {  	s0 =	sld [smem:$0x7E6]  }
0x2db: {  	[sflag:s6] =	ssyncset.done $0x0  }
0x2dc: {  	s4 =	sld [smem:$0x7E8];
	[sflag:s6] =	ssyncadd.s32 $0xFFFFD800  }
0x2dd: {  	[tilespmem:s2], [sflag:$0x1] =	stream.linear.gather [hbm4b:s0+s2], $0x50, $0x38;
	[tilespmem:$0x5100] =	vst v63  }
0x2de: {  	_ = 	snop  }
0x2df: {  	[tilespmem:s9], [sflag:$0x2] =	stream.linear.gather [hbm4b:s4+s2], $0x50, $0x38;
	[tilespmem:$0x5100] =	vst v63  }
0x2e0: {  	_ =	swait.ge [sflag:s19], $0x50  }
0x2e1: {  	[sflag:s19] =	ssyncset.done $0x0  }
0x2e2: {  	[sflag:s19] =	ssyncadd.s32 $0xFFFFFFB0  }
0x2e3: {  	[tilespmem:s7], [sflag:$0x3] =	stream.indirect.gather [hbm4b:s3+s11], $0x80, s2, s11, $0xb8;
	[tilespmem:$0x5100] =	vst v63  }
0x2e4: {  	_ =	swait.ge [sflag:s16], $0x50  }
0x2e5: {  	[sflag:s16] =	ssyncset.done $0x0  }
0x2e6: {  	[sflag:s16] =	ssyncadd.s32 $0xFFFFFFB0  }
0x2e7: {  	[tilespmem:s10], [sflag:$0x4] =	stream.indirect.gather [hbm4b:s3+s11], $0x80, s9, s11, $0xb8;
	[tilespmem:$0x5100] =	vst v63  }
0x2e8: {  	_ =	swait.ge [sflag:s15], $0x2800  }
0x2e9: {  	s0 =	sld [smem:$0x7EA]  }
0x2ea: {  	[sflag:s15] =	ssyncset.done $0x0  }
0x2eb: {  	s4 =	sld [smem:$0x7EC];
	[sflag:s15] =	ssyncadd.s32 $0xFFFFD800  }
0x2ec: {  	[hbm4b:s0+s2] =	stream.linear.scatter [tilespmem:s7], [sflag:$0x5], $0x2800, $0x38;
	[tilespmem:$0x5100] =	vst v63  }
0x2ed: {  	_ = 	snop  }
0x2ee: {  	[tilespmem:s2], [sflag:$0x1] =	stream.linear.gather [hbm4b:s4+s2], $0x50, $0x38;
	[tilespmem:$0x5100] =	vst v63  }
0x2ef: {  	_ =	swait.ge [sflag:s8], $0x2800  }
0x2f0: {  	[sflag:s8] =	ssyncset.done $0x0  }
0x2f1: {  	[sflag:s8] =	ssyncadd.s32 $0xFFFFD800  }
0x2f2: {  	_ =	swait.ge [sflag:s19], $0x50  }
0x2f3: {  	[sflag:s19] =	ssyncset.done $0x0  }
0x2f4: {  	[sflag:s19] =	ssyncadd.s32 $0xFFFFFFB0  }
0x2f5: {  	[tilespmem:s7], [sflag:$0x3] =	stream.indirect.gather [hbm4b:s3+s11], $0x80, s2, s11, $0xb8;
	[tilespmem:$0x5100] =	vst v63  }
0x2f6: {  	_ =	swait.ge [sflag:s14], $0x2800  }
0x2f7: {  	s0 =	sld [smem:$0x7EE]  }
0x2f8: {  	[sflag:s14] =	ssyncset.done $0x0  }
0x2f9: {  	s4 =	sld [smem:$0x7F0];
	[sflag:s14] =	ssyncadd.s32 $0xFFFFD800  }
0x2fa: {  	[hbm4b:s0+s2] =	stream.linear.scatter [tilespmem:s10], [sflag:$0x6], $0x2800, $0x38;
	[tilespmem:$0x5100] =	vst v63  }
0x2fb: {  	_ = 	snop  }
0x2fc: {  	[tilespmem:s9], [sflag:$0x2] =	stream.linear.gather [hbm4b:s4+s2], $0x50, $0x38;
	[tilespmem:$0x5100] =	vst v63  }
0x2fd: {  	_ =	swait.ge [sflag:s6], $0x2800  }
0x2fe: {  	[sflag:s6] =	ssyncset.done $0x0  }
0x2ff: {  	[sflag:s6] =	ssyncadd.s32 $0xFFFFD800  }
0x300: {  	_ =	swait.ge [sflag:s16], $0x50  }
0x301: {  	[sflag:s16] =	ssyncset.done $0x0  }
0x302: {  	[sflag:s16] =	ssyncadd.s32 $0xFFFFFFB0  }
0x303: {  	[tilespmem:s10], [sflag:$0x4] =	stream.indirect.gather [hbm4b:s3+s11], $0x80, s9, s11, $0xb8;
	[tilespmem:$0x5100] =	vst v63  }
0x304: {  	_ =	swait.ge [sflag:s15], $0x2800  }
0x305: {  	s0 =	sld [smem:$0x7F2]  }
0x306: {  	[sflag:s15] =	ssyncset.done $0x0  }
0x307: {  	s4 =	sld [smem:$0x7F3];
	[sflag:s15] =	ssyncadd.s32 $0xFFFFD800  }
0x308: {  	[hbm4b:s0+s2] =	stream.linear.scatter [tilespmem:s7], [sflag:$0x5], $0x2800, $0x38;
	[tilespmem:$0x5100] =	vst v63  }
0x309: {  	_ = 	snop  }
0x30a: {  	[tilespmem:s2], [sflag:$0x1] =	stream.linear.gather [hbm4b:s4+s2], $0x50, $0x38;
	[tilespmem:$0x5100] =	vst v63  }
0x30b: {  	_ =	swait.ge [sflag:s8], $0x2800  }
0x30c: {  	[sflag:s8] =	ssyncset.done $0x0  }
0x30d: {  	[sflag:s8] =	ssyncadd.s32 $0xFFFFD800  }
0x30e: {  	_ =	swait.ge [sflag:s19], $0x50  }
0x30f: {  	[sflag:s19] =	ssyncset.done $0x0  }
0x310: {  	[sflag:s19] =	ssyncadd.s32 $0xFFFFFFB0  }
0x311: {  	[tilespmem:s7], [sflag:$0x3] =	stream.indirect.gather [hbm4b:s3+s11], $0x80, s2, s11, $0xb8;
	[tilespmem:$0x5100] =	vst v63  }
0x312: {  	_ =	swait.ge [sflag:s14], $0x2800  }
0x313: {  	s0 =	sld [smem:$0x7F5]  }
0x314: {  	[sflag:s14] =	ssyncset.done $0x0  }
0x315: {  	s4 =	sld [smem:$0x7F6];
	[sflag:s14] =	ssyncadd.s32 $0xFFFFD800  }
0x316: {  	[hbm4b:s0+s2] =	stream.linear.scatter [tilespmem:s10], [sflag:$0x6], $0x2800, $0x38;
	[tilespmem:$0x5100] =	vst v63  }
0x317: {  	_ = 	snop  }
0x318: {  	[tilespmem:s9], [sflag:$0x2] =	stream.linear.gather [hbm4b:s4+s2], $0x50, $0x38;
	[tilespmem:$0x5100] =	vst v63  }
0x319: {  	_ =	swait.ge [sflag:s6], $0x2800  }
0x31a: {  	[sflag:s6] =	ssyncset.done $0x0  }
0x31b: {  	[sflag:s6] =	ssyncadd.s32 $0xFFFFD800  }
0x31c: {  	_ =	swait.ge [sflag:s16], $0x50  }
0x31d: {  	[sflag:s16] =	ssyncset.done $0x0  }
0x31e: {  	[sflag:s16] =	ssyncadd.s32 $0xFFFFFFB0  }
0x31f: {  	[tilespmem:s10], [sflag:$0x4] =	stream.indirect.gather [hbm4b:s3+s11], $0x80, s9, s11, $0xb8;
	[tilespmem:$0x5100] =	vst v63  }
0x320: {  	_ =	swait.ge [sflag:s15], $0x2800  }
0x321: {  	s0 =	sld [smem:$0x7F7]  }
0x322: {  	[sflag:s15] =	ssyncset.done $0x0  }
0x323: {  	s4 =	sld [smem:$0x7F8];
	[sflag:s15] =	ssyncadd.s32 $0xFFFFD800  }
0x324: {  	[hbm4b:s0+s2] =	stream.linear.scatter [tilespmem:s7], [sflag:$0x5], $0x2800, $0x38;
	[tilespmem:$0x5100] =	vst v63  }
0x325: {  	_ = 	snop  }
0x326: {  	[tilespmem:s2], [sflag:$0x1] =	stream.linear.gather [hbm4b:s4+s2], $0x50, $0x38;
	[tilespmem:$0x5100] =	vst v63  }
0x327: {  	_ =	swait.ge [sflag:s8], $0x2800  }
0x328: {  	[sflag:s8] =	ssyncset.done $0x0  }
0x329: {  	[sflag:s8] =	ssyncadd.s32 $0xFFFFD800  }
0x32a: {  	_ =	swait.ge [sflag:s19], $0x50  }
0x32b: {  	[sflag:s19] =	ssyncset.done $0x0  }
0x32c: {  	[sflag:s19] =	ssyncadd.s32 $0xFFFFFFB0  }
0x32d: {  	[tilespmem:s7], [sflag:$0x3] =	stream.indirect.gather [hbm4b:s3+s11], $0x80, s2, s11, $0xb8;
	[tilespmem:$0x5100] =	vst v63  }
0x32e: {  	_ =	swait.ge [sflag:s14], $0x2800  }
0x32f: {  	s0 =	sld [smem:$0x7F9]  }
0x330: {  	[sflag:s14] =	ssyncset.done $0x0  }
0x331: {  	s4 =	sld [smem:$0x7FA];
	[sflag:s14] =	ssyncadd.s32 $0xFFFFD800  }
0x332: {  	[hbm4b:s0+s2] =	stream.linear.scatter [tilespmem:s10], [sflag:$0x6], $0x2800, $0x38;
	[tilespmem:$0x5100] =	vst v63  }
0x333: {  	_ = 	snop  }
0x334: {  	[tilespmem:s9], [sflag:$0x2] =	stream.linear.gather [hbm4b:s4+s2], $0x50, $0x38;
	[tilespmem:$0x5100] =	vst v63  }
0x335: {  	_ =	swait.ge [sflag:s6], $0x2800  }
0x336: {  	[sflag:s6] =	ssyncset.done $0x0  }
0x337: {  	[sflag:s6] =	ssyncadd.s32 $0xFFFFD800  }
0x338: {  	_ =	swait.ge [sflag:s16], $0x50  }
0x339: {  	[sflag:s16] =	ssyncset.done $0x0  }
0x33a: {  	[sflag:s16] =	ssyncadd.s32 $0xFFFFFFB0  }
0x33b: {  	[tilespmem:s10], [sflag:$0x4] =	stream.indirect.gather [hbm4b:s3+s11], $0x80, s9, s11, $0xb8;
	[tilespmem:$0x5100] =	vst v63  }
0x33c: {  	_ =	swait.ge [sflag:s15], $0x2800  }
0x33d: {  	s0 =	sld [smem:$0x7FC]  }
0x33e: {  	[sflag:s15] =	ssyncset.done $0x0  }
0x33f: {  	s4 =	sld [smem:$0x7FD];
	[sflag:s15] =	ssyncadd.s32 $0xFFFFD800  }
0x340: {  	[hbm4b:s0+s2] =	stream.linear.scatter [tilespmem:s7], [sflag:$0x5], $0x2800, $0x38;
	[tilespmem:$0x5100] =	vst v63  }
0x341: {  	_ = 	snop  }
0x342: {  	[tilespmem:s2], [sflag:$0x1] =	stream.linear.gather [hbm4b:s4+s2], $0x50, $0x38;
	[tilespmem:$0x5100] =	vst v63  }
0x343: {  	s4 =	smov.u32 s5;
	s5 =	smov.u32 s12  }
0x344: {  	s12 =	smov.u32 s13;
	s13 =	smov.u32 s17;
	s17 =	smov.u32 s18  }
0x345: {  	s18 =	smov.u32 s20;
	s20 =	smov.u32 s21;
	s21 =	smov.u32 s23  }
0x346: {  	s23 =	smov.u32 s24;
	s24 =	smov.u32 s25;
	s25 =	smov.u32 s26  }
0x347: {  	s26 =	smov.u32 s28;
	s28 =	smov.u32 s29;
	s29 =	smov.u32 s30  }
0x348: {  	s30 =	smov.u32 s31;
	s31 =	sld [smem:$0x7E0];
	_ =	swait.ge [sflag:s8], $0x2800  }
0x349: {  	[sflag:s8] =	ssyncset.done $0x0  }
0x34a: {  	[sflag:s8] =	ssyncadd.s32 $0xFFFFD800  }
0x34b: {  	_ =	swait.ge [sflag:s19], $0x50  }
0x34c: {  	[sflag:s19] =	ssyncset.done $0x0  }
0x34d: {  	[sflag:s19] =	ssyncadd.s32 $0xFFFFFFB0  }
0x34e: {  	[tilespmem:s7], [sflag:$0x3] =	stream.indirect.gather [hbm4b:s3+s11], $0x80, s2, s11, $0xb8;
	[tilespmem:$0x5100] =	vst v63  }
0x34f: {  	_ =	swait.ge [sflag:s14], $0x2800  }
0x350: {  	[sflag:s14] =	ssyncset.done $0x0  }
0x351: {  	[sflag:s14] =	ssyncadd.s32 $0xFFFFD800  }
0x352: {  	[hbm4b:s30+s2] =	stream.linear.scatter [tilespmem:s10], [sflag:$0x6], $0x2800, $0x38;
	[tilespmem:$0x5100] =	vst v63  }
0x353: {  	_ = 	snop  }
0x354: {  	[tilespmem:s9], [sflag:$0x2] =	stream.linear.gather [hbm4b:s31+s2], $0x50, $0x38;
	[tilespmem:$0x5100] =	vst v63  }
0x355: {  	_ =	swait.ge [sflag:s6], $0x2800  }
0x356: {  	[sflag:s6] =	ssyncset.done $0x0  }
0x357: {  	[sflag:s6] =	ssyncadd.s32 $0xFFFFD800  }
0x358: {  	_ =	swait.ge [sflag:s16], $0x50  }
0x359: {  	[sflag:s16] =	ssyncset.done $0x0  }
0x35a: {  	[sflag:s16] =	ssyncadd.s32 $0xFFFFFFB0  }
0x35b: {  	[tilespmem:s10], [sflag:$0x4] =	stream.indirect.gather [hbm4b:s3+s11], $0x80, s9, s11, $0xb8;
	[tilespmem:$0x5100] =	vst v63  }
0x35c: {  	_ =	swait.ge [sflag:s15], $0x2800  }
0x35d: {  	[sflag:s15] =	ssyncset.done $0x0  }
0x35e: {  	[sflag:s15] =	ssyncadd.s32 $0xFFFFD800  }
0x35f: {  	[hbm4b:s28+s2] =	stream.linear.scatter [tilespmem:s7], [sflag:$0x5], $0x2800, $0x38;
	[tilespmem:$0x5100] =	vst v63  }
0x360: {  	_ = 	snop  }
0x361: {  	[tilespmem:s2], [sflag:$0x1] =	stream.linear.gather [hbm4b:s29+s2], $0x50, $0x38;
	[tilespmem:$0x5100] =	vst v63  }
0x362: {  	_ =	swait.ge [sflag:s8], $0x2800  }
0x363: {  	[sflag:s8] =	ssyncset.done $0x0  }
0x364: {  	[sflag:s8] =	ssyncadd.s32 $0xFFFFD800  }
0x365: {  	_ =	swait.ge [sflag:s19], $0x50  }
0x366: {  	[sflag:s19] =	ssyncset.done $0x0  }
0x367: {  	[sflag:s19] =	ssyncadd.s32 $0xFFFFFFB0  }
0x368: {  	[tilespmem:s7], [sflag:$0x3] =	stream.indirect.gather [hbm4b:s3+s11], $0x80, s2, s11, $0xb8;
	[tilespmem:$0x5100] =	vst v63  }
0x369: {  	_ =	swait.ge [sflag:s14], $0x2800  }
0x36a: {  	[sflag:s14] =	ssyncset.done $0x0  }
0x36b: {  	[sflag:s14] =	ssyncadd.s32 $0xFFFFD800  }
0x36c: {  	[hbm4b:s25+s2] =	stream.linear.scatter [tilespmem:s10], [sflag:$0x6], $0x2800, $0x38;
	[tilespmem:$0x5100] =	vst v63  }
0x36d: {  	_ = 	snop  }
0x36e: {  	[tilespmem:s9], [sflag:$0x2] =	stream.linear.gather [hbm4b:s26+s2], $0x50, $0x38;
	[tilespmem:$0x5100] =	vst v63  }
0x36f: {  	_ =	swait.ge [sflag:s6], $0x2800  }
0x370: {  	[sflag:s6] =	ssyncset.done $0x0  }
0x371: {  	[sflag:s6] =	ssyncadd.s32 $0xFFFFD800  }
0x372: {  	_ =	swait.ge [sflag:s16], $0x50  }
0x373: {  	[sflag:s16] =	ssyncset.done $0x0  }
0x374: {  	[sflag:s16] =	ssyncadd.s32 $0xFFFFFFB0  }
0x375: {  	[tilespmem:s10], [sflag:$0x4] =	stream.indirect.gather [hbm4b:s3+s11], $0x80, s9, s11, $0xb8;
	[tilespmem:$0x5100] =	vst v63  }
0x376: {  	_ =	swait.ge [sflag:s15], $0x2800  }
0x377: {  	[sflag:s15] =	ssyncset.done $0x0  }
0x378: {  	[sflag:s15] =	ssyncadd.s32 $0xFFFFD800  }
0x379: {  	[hbm4b:s23+s2] =	stream.linear.scatter [tilespmem:s7], [sflag:$0x5], $0x2800, $0x38;
	[tilespmem:$0x5100] =	vst v63  }
0x37a: {  	_ = 	snop  }
0x37b: {  	[tilespmem:s2], [sflag:$0x1] =	stream.linear.gather [hbm4b:s24+s2], $0x50, $0x38;
	[tilespmem:$0x5100] =	vst v63  }
0x37c: {  	_ =	swait.ge [sflag:s8], $0x2800  }
0x37d: {  	[sflag:s8] =	ssyncset.done $0x0  }
0x37e: {  	[sflag:s8] =	ssyncadd.s32 $0xFFFFD800  }
0x37f: {  	_ =	swait.ge [sflag:s19], $0x50  }
0x380: {  	[sflag:s19] =	ssyncset.done $0x0  }
0x381: {  	[sflag:s19] =	ssyncadd.s32 $0xFFFFFFB0  }
0x382: {  	[tilespmem:s7], [sflag:$0x3] =	stream.indirect.gather [hbm4b:s3+s11], $0x80, s2, s11, $0xb8;
	[tilespmem:$0x5100] =	vst v63  }
0x383: {  	_ =	swait.ge [sflag:s14], $0x2800  }
0x384: {  	[sflag:s14] =	ssyncset.done $0x0  }
0x385: {  	[sflag:s14] =	ssyncadd.s32 $0xFFFFD800  }
0x386: {  	[hbm4b:s20+s2] =	stream.linear.scatter [tilespmem:s10], [sflag:$0x6], $0x2800, $0x38;
	[tilespmem:$0x5100] =	vst v63  }
0x387: {  	_ = 	snop  }
0x388: {  	[tilespmem:s9], [sflag:$0x2] =	stream.linear.gather [hbm4b:s21+s2], $0x50, $0x38;
	[tilespmem:$0x5100] =	vst v63  }
0x389: {  	_ =	swait.ge [sflag:s6], $0x2800  }
0x38a: {  	[sflag:s6] =	ssyncset.done $0x0  }
0x38b: {  	[sflag:s6] =	ssyncadd.s32 $0xFFFFD800  }
0x38c: {  	_ =	swait.ge [sflag:s16], $0x50  }
0x38d: {  	[sflag:s16] =	ssyncset.done $0x0  }
0x38e: {  	[sflag:s16] =	ssyncadd.s32 $0xFFFFFFB0  }
0x38f: {  	[tilespmem:s10], [sflag:$0x4] =	stream.indirect.gather [hbm4b:s3+s11], $0x80, s9, s11, $0xb8;
	[tilespmem:$0x5100] =	vst v63  }
0x390: {  	_ =	swait.ge [sflag:s15], $0x2800  }
0x391: {  	[sflag:s15] =	ssyncset.done $0x0  }
0x392: {  	[sflag:s15] =	ssyncadd.s32 $0xFFFFD800  }
0x393: {  	[hbm4b:s17+s2] =	stream.linear.scatter [tilespmem:s7], [sflag:$0x5], $0x2800, $0x38;
	[tilespmem:$0x5100] =	vst v63  }
0x394: {  	_ = 	snop  }
0x395: {  	[tilespmem:s2], [sflag:$0x1] =	stream.linear.gather [hbm4b:s18+s2], $0x50, $0x38;
	[tilespmem:$0x5100] =	vst v63  }
0x396: {  	_ =	swait.ge [sflag:s8], $0x2800  }
0x397: {  	[sflag:s8] =	ssyncset.done $0x0  }
0x398: {  	[sflag:s8] =	ssyncadd.s32 $0xFFFFD800  }
0x399: {  	_ =	swait.ge [sflag:s19], $0x50  }
0x39a: {  	[sflag:s19] =	ssyncset.done $0x0  }
0x39b: {  	[sflag:s19] =	ssyncadd.s32 $0xFFFFFFB0  }
0x39c: {  	[tilespmem:s7], [sflag:$0x3] =	stream.indirect.gather [hbm4b:s3+s11], $0x80, s2, s11, $0xb8;
	[tilespmem:$0x5100] =	vst v63  }
0x39d: {  	_ =	swait.ge [sflag:s14], $0x2800  }
0x39e: {  	[sflag:s14] =	ssyncset.done $0x0  }
0x39f: {  	[sflag:s14] =	ssyncadd.s32 $0xFFFFD800  }
0x3a0: {  	[hbm4b:s12+s2] =	stream.linear.scatter [tilespmem:s10], [sflag:$0x6], $0x2800, $0x38;
	[tilespmem:$0x5100] =	vst v63  }
0x3a1: {  	_ = 	snop  }
0x3a2: {  	[tilespmem:s9], [sflag:$0x2] =	stream.linear.gather [hbm4b:s13+s2], $0x50, $0x38;
	[tilespmem:$0x5100] =	vst v63  }
0x3a3: {  	_ =	swait.ge [sflag:s6], $0x2800  }
0x3a4: {  	[sflag:s6] =	ssyncset.done $0x0  }
0x3a5: {  	[sflag:s6] =	ssyncadd.s32 $0xFFFFD800  }
0x3a6: {  	_ =	swait.ge [sflag:s16], $0x50  }
0x3a7: {  	[sflag:s16] =	ssyncset.done $0x0  }
0x3a8: {  	[sflag:s16] =	ssyncadd.s32 $0xFFFFFFB0  }
0x3a9: {  	[tilespmem:s10], [sflag:$0x4] =	stream.indirect.gather [hbm4b:s3+s11], $0x80, s9, s11, $0xb8;
	[tilespmem:$0x5100] =	vst v63  }
0x3aa: {  	_ =	swait.ge [sflag:s15], $0x2800  }
0x3ab: {  	[sflag:s15] =	ssyncset.done $0x0  }
0x3ac: {  	[sflag:s15] =	ssyncadd.s32 $0xFFFFD800  }
0x3ad: {  	[hbm4b:s5+s2] =	stream.linear.scatter [tilespmem:s7], [sflag:$0x5], $0x2800, $0x38;
	[tilespmem:$0x5100] =	vst v63  }
0x3ae: {  	_ =	swait.ge [sflag:s14], $0x2800  }
0x3af: {  	[sflag:s14] =	ssyncset.done $0x0  }
0x3b0: {  	p1 =	sne.s32 s1, $0x1;
	[sflag:s14] =	ssyncadd.s32 $0xFFFFD800  }
0x3b1: {  	[hbm4b:s4+s2] =	stream.linear.scatter [tilespmem:s10], [sflag:$0x6], $0x2800, $0x38;
	[tilespmem:$0x5100] =	vst v63  }
.Ltmp2:
0x3b2: {  	_ =	swait.ge [sflag:s8], $0x2800;
	(pc) =	sbr.rel @p1 .LBB2_2-.Ltmp2, $4  }
0x3b3: {  	[sflag:s8] =	ssyncset.done $0x0  }
0x3b4: {  	[sflag:s8] =	ssyncadd.s32 $0xFFFFD800  }
0x3b5: {  	_ =	swait.ge [sflag:s6], $0x2800  }
0x3b6: {  	s1 =	sadd.s32 $0xFFFFFFFF, s1;
	s0 =	rddreg [dreg:$0x4];
	[sflag:s6] =	ssyncset.done $0x0  }
.LBB2_3:
0x3b7: {  	[sflag:s6] =	ssyncadd.s32 @p0 $0xFFFFD800  }
0x3b8: {  	[tilespmem:s2], [sflag:$0x1] =	stream.linear.gather [hbm4b:s0+s2], $0x50, $0x38;
	[tilespmem:$0x5100] =	vst v63  }
0x3b9: {  	s1 =	rddreg [dreg:$0x5]  }
0x3ba: {  	[tilespmem:s9], [sflag:$0x2] =	stream.linear.gather [hbm4b:s1+s2], $0x50, $0x38;
	[tilespmem:$0x5100] =	vst v63  }
0x3bb: {  	_ =	swait.ge [sflag:s19], $0x50  }
0x3bc: {  	[sflag:s19] =	ssyncset.done $0x0  }
0x3bd: {  	[sflag:s19] =	ssyncadd.s32 $0xFFFFFFB0  }
0x3be: {  	[tilespmem:s7], [sflag:$0x3] =	stream.indirect.gather [hbm4b:s22+s11], $0x80, s2, s11, $0xb8;
	[tilespmem:$0x5100] =	vst v63  }
0x3bf: {  	_ =	swait.ge [sflag:s16], $0x50  }
0x3c0: {  	[sflag:s16] =	ssyncset.done $0x0  }
0x3c1: {  	[sflag:s16] =	ssyncadd.s32 $0xFFFFFFB0  }
0x3c2: {  	[tilespmem:s10], [sflag:$0x4] =	stream.indirect.gather [hbm4b:s22+s11], $0x80, s9, s11, $0xb8;
	[tilespmem:$0x5100] =	vst v63  }
0x3c3: {  	_ =	swait.ge [sflag:s15], $0x2800  }
0x3c4: {  	[sflag:s15] =	ssyncset.done $0x0  }
0x3c5: {  	s0 =	rddreg [dreg:$0x6];
	[sflag:s15] =	ssyncadd.s32 $0xFFFFD800  }
0x3c6: {  	[hbm4b:s0+s2] =	stream.linear.scatter [tilespmem:s7], [sflag:$0x5], $0x2800, $0x38;
	[tilespmem:$0x5100] =	vst v63  }
0x3c7: {  	s1 =	rddreg [dreg:$0x7]  }
0x3c8: {  	[tilespmem:s2], [sflag:$0x1] =	stream.linear.gather [hbm4b:s1+s2], $0x50, $0x38;
	[tilespmem:$0x5100] =	vst v63  }
0x3c9: {  	_ =	swait.ge [sflag:s8], $0x2800  }
0x3ca: {  	[sflag:s8] =	ssyncset.done $0x0  }
0x3cb: {  	[sflag:s8] =	ssyncadd.s32 $0xFFFFD800  }
0x3cc: {  	_ =	swait.ge [sflag:s19], $0x50  }
0x3cd: {  	[sflag:s19] =	ssyncset.done $0x0  }
0x3ce: {  	[sflag:s19] =	ssyncadd.s32 $0xFFFFFFB0  }
0x3cf: {  	[tilespmem:s7], [sflag:$0x3] =	stream.indirect.gather [hbm4b:s22+s11], $0x80, s2, s11, $0xb8;
	[tilespmem:$0x5100] =	vst v63  }
0x3d0: {  	_ =	swait.ge [sflag:s14], $0x2800  }
0x3d1: {  	[sflag:s14] =	ssyncset.done $0x0  }
0x3d2: {  	s0 =	rddreg [dreg:$0x8];
	[sflag:s14] =	ssyncadd.s32 $0xFFFFD800  }
0x3d3: {  	[hbm4b:s0+s2] =	stream.linear.scatter [tilespmem:s10], [sflag:$0x6], $0x2800, $0x38;
	[tilespmem:$0x5100] =	vst v63  }
0x3d4: {  	s1 =	rddreg [dreg:$0x9]  }
0x3d5: {  	[tilespmem:s9], [sflag:$0x2] =	stream.linear.gather [hbm4b:s1+s2], $0x50, $0x38;
	[tilespmem:$0x5100] =	vst v63  }
0x3d6: {  	_ =	swait.ge [sflag:s6], $0x2800  }
0x3d7: {  	[sflag:s6] =	ssyncset.done $0x0  }
0x3d8: {  	[sflag:s6] =	ssyncadd.s32 $0xFFFFD800  }
0x3d9: {  	_ =	swait.ge [sflag:s16], $0x50  }
0x3da: {  	[sflag:s16] =	ssyncset.done $0x0  }
0x3db: {  	[sflag:s16] =	ssyncadd.s32 $0xFFFFFFB0  }
0x3dc: {  	[tilespmem:s10], [sflag:$0x4] =	stream.indirect.gather [hbm4b:s22+s11], $0x80, s9, s11, $0xb8;
	[tilespmem:$0x5100] =	vst v63  }
0x3dd: {  	_ =	swait.ge [sflag:s15], $0x2800  }
0x3de: {  	[sflag:s15] =	ssyncset.done $0x0  }
0x3df: {  	s0 =	rddreg [dreg:$0xa];
	[sflag:s15] =	ssyncadd.s32 $0xFFFFD800  }
0x3e0: {  	[hbm4b:s0+s2] =	stream.linear.scatter [tilespmem:s7], [sflag:$0x5], $0x2800, $0x38;
	[tilespmem:$0x5100] =	vst v63  }
0x3e1: {  	s1 =	rddreg [dreg:$0xb]  }
0x3e2: {  	[tilespmem:s2], [sflag:$0x1] =	stream.linear.gather [hbm4b:s1+s2], $0x50, $0x38;
	[tilespmem:$0x5100] =	vst v63  }
0x3e3: {  	_ =	swait.ge [sflag:s8], $0x2800  }
0x3e4: {  	[sflag:s8] =	ssyncset.done $0x0  }
0x3e5: {  	[sflag:s8] =	ssyncadd.s32 $0xFFFFD800  }
0x3e6: {  	_ =	swait.ge [sflag:s19], $0x50  }
0x3e7: {  	[sflag:s19] =	ssyncset.done $0x0  }
0x3e8: {  	[sflag:s19] =	ssyncadd.s32 $0xFFFFFFB0  }
0x3e9: {  	[tilespmem:s7], [sflag:$0x3] =	stream.indirect.gather [hbm4b:s22+s11], $0x80, s2, s11, $0xb8;
	[tilespmem:$0x5100] =	vst v63  }
0x3ea: {  	_ =	swait.ge [sflag:s14], $0x2800  }
0x3eb: {  	[sflag:s14] =	ssyncset.done $0x0  }
0x3ec: {  	s0 =	rddreg [dreg:$0xc];
	[sflag:s14] =	ssyncadd.s32 $0xFFFFD800  }
0x3ed: {  	[hbm4b:s0+s2] =	stream.linear.scatter [tilespmem:s10], [sflag:$0x6], $0x2800, $0x38;
	[tilespmem:$0x5100] =	vst v63  }
0x3ee: {  	s1 =	rddreg [dreg:$0xd]  }
0x3ef: {  	[tilespmem:s9], [sflag:$0x2] =	stream.linear.gather [hbm4b:s1+s2], $0x50, $0x38;
	[tilespmem:$0x5100] =	vst v63  }
0x3f0: {  	_ =	swait.ge [sflag:s6], $0x2800  }
0x3f1: {  	[sflag:s6] =	ssyncset.done $0x0  }
0x3f2: {  	[sflag:s6] =	ssyncadd.s32 $0xFFFFD800  }
0x3f3: {  	_ =	swait.ge [sflag:s16], $0x50  }
0x3f4: {  	[sflag:s16] =	ssyncset.done $0x0  }
0x3f5: {  	[sflag:s16] =	ssyncadd.s32 $0xFFFFFFB0  }
0x3f6: {  	[tilespmem:s10], [sflag:$0x4] =	stream.indirect.gather [hbm4b:s22+s11], $0x80, s9, s11, $0xb8;
	[tilespmem:$0x5100] =	vst v63  }
0x3f7: {  	_ =	swait.ge [sflag:s15], $0x2800  }
0x3f8: {  	[sflag:s15] =	ssyncset.done $0x0  }
0x3f9: {  	s0 =	rddreg [dreg:$0xe];
	[sflag:s15] =	ssyncadd.s32 $0xFFFFD800  }
0x3fa: {  	[hbm4b:s0+s2] =	stream.linear.scatter [tilespmem:s7], [sflag:$0x5], $0x2800, $0x38;
	[tilespmem:$0x5100] =	vst v63  }
0x3fb: {  	s1 =	rddreg [dreg:$0xf]  }
0x3fc: {  	[tilespmem:s2], [sflag:$0x1] =	stream.linear.gather [hbm4b:s1+s2], $0x50, $0x38;
	[tilespmem:$0x5100] =	vst v63  }
0x3fd: {  	_ =	swait.ge [sflag:s8], $0x2800  }
0x3fe: {  	[sflag:s8] =	ssyncset.done $0x0  }
0x3ff: {  	[sflag:s8] =	ssyncadd.s32 $0xFFFFD800  }
0x400: {  	_ =	swait.ge [sflag:s19], $0x50  }
0x401: {  	[sflag:s19] =	ssyncset.done $0x0  }
0x402: {  	[sflag:s19] =	ssyncadd.s32 $0xFFFFFFB0  }
0x403: {  	[tilespmem:s7], [sflag:$0x3] =	stream.indirect.gather [hbm4b:s22+s11], $0x80, s2, s11, $0xb8;
	[tilespmem:$0x5100] =	vst v63  }
0x404: {  	_ =	swait.ge [sflag:s14], $0x2800  }
0x405: {  	[sflag:s14] =	ssyncset.done $0x0  }
0x406: {  	s0 =	rddreg [dreg:$0x10];
	[sflag:s14] =	ssyncadd.s32 $0xFFFFD800  }
0x407: {  	[hbm4b:s0+s2] =	stream.linear.scatter [tilespmem:s10], [sflag:$0x6], $0x2800, $0x38;
	[tilespmem:$0x5100] =	vst v63  }
0x408: {  	s1 =	rddreg [dreg:$0x11]  }
0x409: {  	[tilespmem:s9], [sflag:$0x2] =	stream.linear.gather [hbm4b:s1+s2], $0x50, $0x38;
	[tilespmem:$0x5100] =	vst v63  }
0x40a: {  	_ =	swait.ge [sflag:s6], $0x2800  }
0x40b: {  	[sflag:s6] =	ssyncset.done $0x0  }
0x40c: {  	[sflag:s6] =	ssyncadd.s32 $0xFFFFD800  }
0x40d: {  	_ =	swait.ge [sflag:s16], $0x50  }
0x40e: {  	[sflag:s16] =	ssyncset.done $0x0  }
0x40f: {  	[sflag:s16] =	ssyncadd.s32 $0xFFFFFFB0  }
0x410: {  	[tilespmem:s10], [sflag:$0x4] =	stream.indirect.gather [hbm4b:s22+s11], $0x80, s9, s11, $0xb8;
	[tilespmem:$0x5100] =	vst v63  }
0x411: {  	_ =	swait.ge [sflag:s15], $0x2800  }
0x412: {  	[sflag:s15] =	ssyncset.done $0x0  }
0x413: {  	s0 =	rddreg [dreg:$0x12];
	[sflag:s15] =	ssyncadd.s32 $0xFFFFD800  }
0x414: {  	[hbm4b:s0+s2] =	stream.linear.scatter [tilespmem:s7], [sflag:$0x5], $0x2800, $0x38;
	[tilespmem:$0x5100] =	vst v63  }
0x415: {  	s1 =	rddreg [dreg:$0x13]  }
0x416: {  	[tilespmem:s2], [sflag:$0x1] =	stream.linear.gather [hbm4b:s1+s2], $0x50, $0x38;
	[tilespmem:$0x5100] =	vst v63  }
0x417: {  	_ =	swait.ge [sflag:s8], $0x2800  }
0x418: {  	[sflag:s8] =	ssyncset.done $0x0  }
0x419: {  	[sflag:s8] =	ssyncadd.s32 $0xFFFFD800  }
0x41a: {  	_ =	swait.ge [sflag:s19], $0x50  }
0x41b: {  	[sflag:s19] =	ssyncset.done $0x0  }
0x41c: {  	[sflag:s19] =	ssyncadd.s32 $0xFFFFFFB0  }
0x41d: {  	[tilespmem:s7], [sflag:$0x3] =	stream.indirect.gather [hbm4b:s22+s11], $0x80, s2, s11, $0xb8;
	[tilespmem:$0x5100] =	vst v63  }
0x41e: {  	_ =	swait.ge [sflag:s14], $0x2800  }
0x41f: {  	[sflag:s14] =	ssyncset.done $0x0  }
0x420: {  	s0 =	rddreg [dreg:$0x14];
	[sflag:s14] =	ssyncadd.s32 $0xFFFFD800  }
0x421: {  	[hbm4b:s0+s2] =	stream.linear.scatter [tilespmem:s10], [sflag:$0x6], $0x2800, $0x38;
	[tilespmem:$0x5100] =	vst v63  }
0x422: {  	s1 =	rddreg [dreg:$0x15]  }
0x423: {  	[tilespmem:s9], [sflag:$0x2] =	stream.linear.gather [hbm4b:s1+s2], $0x50, $0x38;
	[tilespmem:$0x5100] =	vst v63  }
0x424: {  	_ =	swait.ge [sflag:s6], $0x2800  }
0x425: {  	[sflag:s6] =	ssyncset.done $0x0  }
0x426: {  	[sflag:s6] =	ssyncadd.s32 $0xFFFFD800  }
0x427: {  	_ =	swait.ge [sflag:s16], $0x50  }
0x428: {  	[sflag:s16] =	ssyncset.done $0x0  }
0x429: {  	[sflag:s16] =	ssyncadd.s32 $0xFFFFFFB0  }
0x42a: {  	[tilespmem:s10], [sflag:$0x4] =	stream.indirect.gather [hbm4b:s22+s11], $0x80, s9, s11, $0xb8;
	[tilespmem:$0x5100] =	vst v63  }
0x42b: {  	_ =	swait.ge [sflag:s15], $0x2800  }
0x42c: {  	[sflag:s15] =	ssyncset.done $0x0  }
0x42d: {  	s0 =	rddreg [dreg:$0x16];
	[sflag:s15] =	ssyncadd.s32 $0xFFFFD800  }
0x42e: {  	[hbm4b:s0+s2] =	stream.linear.scatter [tilespmem:s7], [sflag:$0x5], $0x2800, $0x38;
	[tilespmem:$0x5100] =	vst v63  }
0x42f: {  	s1 =	rddreg [dreg:$0x17]  }
0x430: {  	[tilespmem:s2], [sflag:$0x1] =	stream.linear.gather [hbm4b:s1+s2], $0x50, $0x38;
	[tilespmem:$0x5100] =	vst v63  }
0x431: {  	_ =	swait.ge [sflag:s8], $0x2800  }
0x432: {  	[sflag:s8] =	ssyncset.done $0x0  }
0x433: {  	[sflag:s8] =	ssyncadd.s32 $0xFFFFD800  }
0x434: {  	_ =	swait.ge [sflag:s19], $0x50  }
0x435: {  	[sflag:s19] =	ssyncset.done $0x0  }
0x436: {  	[sflag:s19] =	ssyncadd.s32 $0xFFFFFFB0  }
0x437: {  	[tilespmem:s7], [sflag:$0x3] =	stream.indirect.gather [hbm4b:s22+s11], $0x80, s2, s11, $0xb8;
	[tilespmem:$0x5100] =	vst v63  }
0x438: {  	_ =	swait.ge [sflag:s14], $0x2800  }
0x439: {  	[sflag:s14] =	ssyncset.done $0x0  }
0x43a: {  	s0 =	rddreg [dreg:$0x18];
	[sflag:s14] =	ssyncadd.s32 $0xFFFFD800  }
0x43b: {  	[hbm4b:s0+s2] =	stream.linear.scatter [tilespmem:s10], [sflag:$0x6], $0x2800, $0x38;
	[tilespmem:$0x5100] =	vst v63  }
0x43c: {  	s1 =	rddreg [dreg:$0x19]  }
0x43d: {  	[tilespmem:s9], [sflag:$0x2] =	stream.linear.gather [hbm4b:s1+s2], $0x50, $0x38;
	[tilespmem:$0x5100] =	vst v63  }
0x43e: {  	_ =	swait.ge [sflag:s6], $0x2800  }
0x43f: {  	[sflag:s6] =	ssyncset.done $0x0  }
0x440: {  	[sflag:s6] =	ssyncadd.s32 $0xFFFFD800  }
0x441: {  	_ =	swait.ge [sflag:s16], $0x50  }
0x442: {  	[sflag:s16] =	ssyncset.done $0x0  }
0x443: {  	[sflag:s16] =	ssyncadd.s32 $0xFFFFFFB0  }
0x444: {  	[tilespmem:s10], [sflag:$0x4] =	stream.indirect.gather [hbm4b:s22+s11], $0x80, s9, s11, $0xb8;
	[tilespmem:$0x5100] =	vst v63  }
0x445: {  	_ =	swait.ge [sflag:s15], $0x2800  }
0x446: {  	[sflag:s15] =	ssyncset.done $0x0  }
0x447: {  	s0 =	rddreg [dreg:$0x1a];
	[sflag:s15] =	ssyncadd.s32 $0xFFFFD800  }
0x448: {  	[hbm4b:s0+s2] =	stream.linear.scatter [tilespmem:s7], [sflag:$0x5], $0x2800, $0x38;
	[tilespmem:$0x5100] =	vst v63  }
0x449: {  	s1 =	rddreg [dreg:$0x1b]  }
0x44a: {  	[tilespmem:s2], [sflag:$0x1] =	stream.linear.gather [hbm4b:s1+s2], $0x50, $0x38;
	[tilespmem:$0x5100] =	vst v63  }
0x44b: {  	_ =	swait.ge [sflag:s8], $0x2800  }
0x44c: {  	[sflag:s8] =	ssyncset.done $0x0  }
0x44d: {  	[sflag:s8] =	ssyncadd.s32 $0xFFFFD800  }
0x44e: {  	_ =	swait.ge [sflag:s19], $0x50  }
0x44f: {  	[sflag:s19] =	ssyncset.done $0x0  }
0x450: {  	[sflag:s19] =	ssyncadd.s32 $0xFFFFFFB0  }
0x451: {  	[tilespmem:s7], [sflag:$0x3] =	stream.indirect.gather [hbm4b:s22+s11], $0x80, s2, s11, $0xb8;
	[tilespmem:$0x5100] =	vst v63  }
0x452: {  	_ =	swait.ge [sflag:s14], $0x2800  }
0x453: {  	[sflag:s14] =	ssyncset.done $0x0  }
0x454: {  	s0 =	rddreg [dreg:$0x1c];
	[sflag:s14] =	ssyncadd.s32 $0xFFFFD800  }
0x455: {  	[hbm4b:s0+s2] =	stream.linear.scatter [tilespmem:s10], [sflag:$0x6], $0x2800, $0x38;
	[tilespmem:$0x5100] =	vst v63  }
0x456: {  	s1 =	rddreg [dreg:$0x1d]  }
0x457: {  	[tilespmem:s9], [sflag:$0x2] =	stream.linear.gather [hbm4b:s1+s2], $0x50, $0x38;
	[tilespmem:$0x5100] =	vst v63  }
0x458: {  	_ =	swait.ge [sflag:s6], $0x2800  }
0x459: {  	[sflag:s6] =	ssyncset.done $0x0  }
0x45a: {  	[sflag:s6] =	ssyncadd.s32 $0xFFFFD800  }
0x45b: {  	_ =	swait.ge [sflag:s16], $0x50  }
0x45c: {  	[sflag:s16] =	ssyncset.done $0x0  }
0x45d: {  	[sflag:s16] =	ssyncadd.s32 $0xFFFFFFB0  }
0x45e: {  	[tilespmem:s10], [sflag:$0x4] =	stream.indirect.gather [hbm4b:s22+s11], $0x80, s9, s11, $0xb8;
	[tilespmem:$0x5100] =	vst v63  }
0x45f: {  	_ =	swait.ge [sflag:s15], $0x2800  }
0x460: {  	[sflag:s15] =	ssyncset.done $0x0  }
0x461: {  	s0 =	rddreg [dreg:$0x1e];
	[sflag:s15] =	ssyncadd.s32 $0xFFFFD800  }
0x462: {  	[hbm4b:s0+s2] =	stream.linear.scatter [tilespmem:s7], [sflag:$0x5], $0x2800, $0x38;
	[tilespmem:$0x5100] =	vst v63  }
0x463: {  	s1 =	rddreg [dreg:$0x1f]  }
0x464: {  	[tilespmem:s2], [sflag:$0x1] =	stream.linear.gather [hbm4b:s1+s2], $0x50, $0x38;
	[tilespmem:$0x5100] =	vst v63  }
0x465: {  	_ =	swait.ge [sflag:s8], $0x2800  }
0x466: {  	[sflag:s8] =	ssyncset.done $0x0  }
0x467: {  	[sflag:s8] =	ssyncadd.s32 $0xFFFFD800  }
0x468: {  	_ =	swait.ge [sflag:s19], $0x50  }
0x469: {  	[sflag:s19] =	ssyncset.done $0x0  }
0x46a: {  	[sflag:s19] =	ssyncadd.s32 $0xFFFFFFB0  }
0x46b: {  	[tilespmem:s7], [sflag:$0x3] =	stream.indirect.gather [hbm4b:s22+s11], $0x80, s2, s11, $0xb8;
	[tilespmem:$0x5100] =	vst v63  }
0x46c: {  	_ =	swait.ge [sflag:s14], $0x2800  }
0x46d: {  	s0 =	sld [smem:$0x7E1]  }
0x46e: {  	[sflag:s14] =	ssyncset.done $0x0  }
0x46f: {  	s1 =	sld [smem:$0x7E2];
	[sflag:s14] =	ssyncadd.s32 $0xFFFFD800  }
0x470: {  	[hbm4b:s0+s2] =	stream.linear.scatter [tilespmem:s10], [sflag:$0x6], $0x2800, $0x38;
	[tilespmem:$0x5100] =	vst v63  }
0x471: {  	_ = 	snop  }
0x472: {  	[tilespmem:s9], [sflag:$0x2] =	stream.linear.gather [hbm4b:s1+s2], $0x50, $0x38;
	[tilespmem:$0x5100] =	vst v63  }
0x473: {  	_ =	swait.ge [sflag:s6], $0x2800  }
0x474: {  	[sflag:s6] =	ssyncset.done $0x0  }
0x475: {  	[sflag:s6] =	ssyncadd.s32 $0xFFFFD800  }
0x476: {  	_ =	swait.ge [sflag:s16], $0x50  }
0x477: {  	[sflag:s16] =	ssyncset.done $0x0  }
0x478: {  	[sflag:s16] =	ssyncadd.s32 $0xFFFFFFB0  }
0x479: {  	[tilespmem:s10], [sflag:$0x4] =	stream.indirect.gather [hbm4b:s22+s11], $0x80, s9, s11, $0xb8;
	[tilespmem:$0x5100] =	vst v63  }
0x47a: {  	_ =	swait.ge [sflag:s15], $0x2800  }
0x47b: {  	s1 =	sld [smem:$0x7E3]  }
0x47c: {  	[sflag:s15] =	ssyncset.done $0x0  }
0x47d: {  	[sflag:s15] =	ssyncadd.s32 $0xFFFFD800  }
0x47e: {  	[hbm4b:s1+s2] =	stream.linear.scatter [tilespmem:s7], [sflag:$0x5], $0x2800, $0x38;
	[tilespmem:$0x5100] =	vst v63  }
0x47f: {  	_ =	swait.ge [sflag:s14], $0x2800  }
0x480: {  	s22 =	sld [smem:$0x7E4]  }
0x481: {  	[sflag:s14] =	ssyncset.done $0x0  }
0x482: {  	[sflag:s14] =	ssyncadd.s32 $0xFFFFD800  }
0x483: {  	[hbm4b:s22+s2] =	stream.linear.scatter [tilespmem:s10], [sflag:$0x6], $0x2800, $0x38;
	[tilespmem:$0x5100] =	vst v63  }
0x484: {  	_ =	swait.ge [sflag:s8], $0x2800  }
0x485: {  	[sflag:s8] =	ssyncset.done $0x0  }
0x486: {  	[sflag:s8] =	ssyncadd.s32 $0xFFFFD800  }
0x487: {  	_ =	swait.ge [sflag:s6], $0x2800  }
0x488: {  	s1 =	sld [smem:$0x7E6]  }
0x489: {  	[sflag:s6] =	ssyncset.done $0x0  }
0x48a: {  	s22 =	sld [smem:$0x7E8];
	[sflag:s6] =	ssyncadd.s32 $0xFFFFD800  }
0x48b: {  	[tilespmem:s2], [sflag:$0x1] =	stream.linear.gather [hbm4b:s1+s2], $0x50, $0x38;
	[tilespmem:$0x5100] =	vst v63  }
0x48c: {  	_ = 	snop  }
0x48d: {  	[tilespmem:s9], [sflag:$0x2] =	stream.linear.gather [hbm4b:s22+s2], $0x50, $0x38;
	[tilespmem:$0x5100] =	vst v63  }
0x48e: {  	_ =	swait.ge [sflag:s19], $0x50  }
0x48f: {  	[sflag:s19] =	ssyncset.done $0x0  }
0x490: {  	[sflag:s19] =	ssyncadd.s32 $0xFFFFFFB0  }
0x491: {  	[tilespmem:s7], [sflag:$0x3] =	stream.indirect.gather [hbm4b:s3+s11], $0x80, s2, s11, $0xb8;
	[tilespmem:$0x5100] =	vst v63  }
0x492: {  	_ =	swait.ge [sflag:s16], $0x50  }
0x493: {  	[sflag:s16] =	ssyncset.done $0x0  }
0x494: {  	[sflag:s16] =	ssyncadd.s32 $0xFFFFFFB0  }
0x495: {  	[tilespmem:s10], [sflag:$0x4] =	stream.indirect.gather [hbm4b:s3+s11], $0x80, s9, s11, $0xb8;
	[tilespmem:$0x5100] =	vst v63  }
0x496: {  	_ =	swait.ge [sflag:s15], $0x2800  }
0x497: {  	s1 =	sld [smem:$0x7EA]  }
0x498: {  	[sflag:s15] =	ssyncset.done $0x0  }
0x499: {  	s22 =	sld [smem:$0x7EC];
	[sflag:s15] =	ssyncadd.s32 $0xFFFFD800  }
0x49a: {  	[hbm4b:s1+s2] =	stream.linear.scatter [tilespmem:s7], [sflag:$0x5], $0x2800, $0x38;
	[tilespmem:$0x5100] =	vst v63  }
0x49b: {  	_ = 	snop  }
0x49c: {  	[tilespmem:s2], [sflag:$0x1] =	stream.linear.gather [hbm4b:s22+s2], $0x50, $0x38;
	[tilespmem:$0x5100] =	vst v63  }
0x49d: {  	_ =	swait.ge [sflag:s8], $0x2800  }
0x49e: {  	[sflag:s8] =	ssyncset.done $0x0  }
0x49f: {  	[sflag:s8] =	ssyncadd.s32 $0xFFFFD800  }
0x4a0: {  	_ =	swait.ge [sflag:s19], $0x50  }
0x4a1: {  	[sflag:s19] =	ssyncset.done $0x0  }
0x4a2: {  	[sflag:s19] =	ssyncadd.s32 $0xFFFFFFB0  }
0x4a3: {  	[tilespmem:s7], [sflag:$0x3] =	stream.indirect.gather [hbm4b:s3+s11], $0x80, s2, s11, $0xb8;
	[tilespmem:$0x5100] =	vst v63  }
0x4a4: {  	_ =	swait.ge [sflag:s14], $0x2800  }
0x4a5: {  	s1 =	sld [smem:$0x7EE]  }
0x4a6: {  	[sflag:s14] =	ssyncset.done $0x0  }
0x4a7: {  	s22 =	sld [smem:$0x7F0];
	[sflag:s14] =	ssyncadd.s32 $0xFFFFD800  }
0x4a8: {  	[hbm4b:s1+s2] =	stream.linear.scatter [tilespmem:s10], [sflag:$0x6], $0x2800, $0x38;
	[tilespmem:$0x5100] =	vst v63  }
0x4a9: {  	_ = 	snop  }
0x4aa: {  	[tilespmem:s9], [sflag:$0x2] =	stream.linear.gather [hbm4b:s22+s2], $0x50, $0x38;
	[tilespmem:$0x5100] =	vst v63  }
0x4ab: {  	_ =	swait.ge [sflag:s6], $0x2800  }
0x4ac: {  	[sflag:s6] =	ssyncset.done $0x0  }
0x4ad: {  	[sflag:s6] =	ssyncadd.s32 $0xFFFFD800  }
0x4ae: {  	_ =	swait.ge [sflag:s16], $0x50  }
0x4af: {  	[sflag:s16] =	ssyncset.done $0x0  }
0x4b0: {  	[sflag:s16] =	ssyncadd.s32 $0xFFFFFFB0  }
0x4b1: {  	[tilespmem:s10], [sflag:$0x4] =	stream.indirect.gather [hbm4b:s3+s11], $0x80, s9, s11, $0xb8;
	[tilespmem:$0x5100] =	vst v63  }
0x4b2: {  	_ =	swait.ge [sflag:s15], $0x2800  }
0x4b3: {  	s1 =	sld [smem:$0x7F2]  }
0x4b4: {  	[sflag:s15] =	ssyncset.done $0x0  }
0x4b5: {  	s22 =	sld [smem:$0x7F3];
	[sflag:s15] =	ssyncadd.s32 $0xFFFFD800  }
0x4b6: {  	[hbm4b:s1+s2] =	stream.linear.scatter [tilespmem:s7], [sflag:$0x5], $0x2800, $0x38;
	[tilespmem:$0x5100] =	vst v63  }
0x4b7: {  	_ = 	snop  }
0x4b8: {  	[tilespmem:s2], [sflag:$0x1] =	stream.linear.gather [hbm4b:s22+s2], $0x50, $0x38;
	[tilespmem:$0x5100] =	vst v63  }
0x4b9: {  	_ =	swait.ge [sflag:s8], $0x2800  }
0x4ba: {  	[sflag:s8] =	ssyncset.done $0x0  }
0x4bb: {  	[sflag:s8] =	ssyncadd.s32 $0xFFFFD800  }
0x4bc: {  	_ =	swait.ge [sflag:s19], $0x50  }
0x4bd: {  	[sflag:s19] =	ssyncset.done $0x0  }
0x4be: {  	[sflag:s19] =	ssyncadd.s32 $0xFFFFFFB0  }
0x4bf: {  	[tilespmem:s7], [sflag:$0x3] =	stream.indirect.gather [hbm4b:s3+s11], $0x80, s2, s11, $0xb8;
	[tilespmem:$0x5100] =	vst v63  }
0x4c0: {  	_ =	swait.ge [sflag:s14], $0x2800  }
0x4c1: {  	s1 =	sld [smem:$0x7F5]  }
0x4c2: {  	[sflag:s14] =	ssyncset.done $0x0  }
0x4c3: {  	s22 =	sld [smem:$0x7F6];
	[sflag:s14] =	ssyncadd.s32 $0xFFFFD800  }
0x4c4: {  	[hbm4b:s1+s2] =	stream.linear.scatter [tilespmem:s10], [sflag:$0x6], $0x2800, $0x38;
	[tilespmem:$0x5100] =	vst v63  }
0x4c5: {  	_ = 	snop  }
0x4c6: {  	[tilespmem:s9], [sflag:$0x2] =	stream.linear.gather [hbm4b:s22+s2], $0x50, $0x38;
	[tilespmem:$0x5100] =	vst v63  }
0x4c7: {  	_ =	swait.ge [sflag:s6], $0x2800  }
0x4c8: {  	[sflag:s6] =	ssyncset.done $0x0  }
0x4c9: {  	[sflag:s6] =	ssyncadd.s32 $0xFFFFD800  }
0x4ca: {  	_ =	swait.ge [sflag:s16], $0x50  }
0x4cb: {  	[sflag:s16] =	ssyncset.done $0x0  }
0x4cc: {  	[sflag:s16] =	ssyncadd.s32 $0xFFFFFFB0  }
0x4cd: {  	[tilespmem:s10], [sflag:$0x4] =	stream.indirect.gather [hbm4b:s3+s11], $0x80, s9, s11, $0xb8;
	[tilespmem:$0x5100] =	vst v63  }
0x4ce: {  	_ =	swait.ge [sflag:s15], $0x2800  }
0x4cf: {  	s1 =	sld [smem:$0x7F7]  }
0x4d0: {  	[sflag:s15] =	ssyncset.done $0x0  }
0x4d1: {  	s22 =	sld [smem:$0x7F8];
	[sflag:s15] =	ssyncadd.s32 $0xFFFFD800  }
0x4d2: {  	[hbm4b:s1+s2] =	stream.linear.scatter [tilespmem:s7], [sflag:$0x5], $0x2800, $0x38;
	[tilespmem:$0x5100] =	vst v63  }
0x4d3: {  	_ = 	snop  }
0x4d4: {  	[tilespmem:s2], [sflag:$0x1] =	stream.linear.gather [hbm4b:s22+s2], $0x50, $0x38;
	[tilespmem:$0x5100] =	vst v63  }
0x4d5: {  	_ =	swait.ge [sflag:s8], $0x2800  }
0x4d6: {  	[sflag:s8] =	ssyncset.done $0x0  }
0x4d7: {  	[sflag:s8] =	ssyncadd.s32 $0xFFFFD800  }
0x4d8: {  	_ =	swait.ge [sflag:s19], $0x50  }
0x4d9: {  	[sflag:s19] =	ssyncset.done $0x0  }
0x4da: {  	[sflag:s19] =	ssyncadd.s32 $0xFFFFFFB0  }
0x4db: {  	[tilespmem:s7], [sflag:$0x3] =	stream.indirect.gather [hbm4b:s3+s11], $0x80, s2, s11, $0xb8;
	[tilespmem:$0x5100] =	vst v63  }
0x4dc: {  	_ =	swait.ge [sflag:s14], $0x2800  }
0x4dd: {  	s1 =	sld [smem:$0x7F9]  }
0x4de: {  	[sflag:s14] =	ssyncset.done $0x0  }
0x4df: {  	s22 =	sld [smem:$0x7FA];
	[sflag:s14] =	ssyncadd.s32 $0xFFFFD800  }
0x4e0: {  	[hbm4b:s1+s2] =	stream.linear.scatter [tilespmem:s10], [sflag:$0x6], $0x2800, $0x38;
	[tilespmem:$0x5100] =	vst v63  }
0x4e1: {  	_ = 	snop  }
0x4e2: {  	[tilespmem:s9], [sflag:$0x2] =	stream.linear.gather [hbm4b:s22+s2], $0x50, $0x38;
	[tilespmem:$0x5100] =	vst v63  }
0x4e3: {  	_ =	swait.ge [sflag:s6], $0x2800  }
0x4e4: {  	[sflag:s6] =	ssyncset.done $0x0  }
0x4e5: {  	[sflag:s6] =	ssyncadd.s32 $0xFFFFD800  }
0x4e6: {  	_ =	swait.ge [sflag:s16], $0x50  }
0x4e7: {  	[sflag:s16] =	ssyncset.done $0x0  }
0x4e8: {  	[sflag:s16] =	ssyncadd.s32 $0xFFFFFFB0  }
0x4e9: {  	[tilespmem:s10], [sflag:$0x4] =	stream.indirect.gather [hbm4b:s3+s11], $0x80, s9, s11, $0xb8;
	[tilespmem:$0x5100] =	vst v63  }
0x4ea: {  	_ =	swait.ge [sflag:s15], $0x2800  }
0x4eb: {  	s1 =	sld [smem:$0x7FC]  }
0x4ec: {  	[sflag:s15] =	ssyncset.done $0x0  }
0x4ed: {  	s22 =	sld [smem:$0x7FD];
	[sflag:s15] =	ssyncadd.s32 $0xFFFFD800  }
0x4ee: {  	[hbm4b:s1+s2] =	stream.linear.scatter [tilespmem:s7], [sflag:$0x5], $0x2800, $0x38;
	[tilespmem:$0x5100] =	vst v63  }
0x4ef: {  	_ = 	snop  }
0x4f0: {  	[tilespmem:s2], [sflag:$0x1] =	stream.linear.gather [hbm4b:s22+s2], $0x50, $0x38;
	[tilespmem:$0x5100] =	vst v63  }
0x4f1: {  	_ =	swait.ge [sflag:s8], $0x2800  }
0x4f2: {  	[sflag:s8] =	ssyncset.done $0x0  }
0x4f3: {  	[sflag:s8] =	ssyncadd.s32 $0xFFFFD800  }
0x4f4: {  	_ =	swait.ge [sflag:s19], $0x50  }
0x4f5: {  	[sflag:s19] =	ssyncset.done $0x0  }
0x4f6: {  	[sflag:s19] =	ssyncadd.s32 $0xFFFFFFB0  }
0x4f7: {  	[tilespmem:s7], [sflag:$0x3] =	stream.indirect.gather [hbm4b:s3+s11], $0x80, s2, s11, $0xb8;
	[tilespmem:$0x5100] =	vst v63  }
0x4f8: {  	_ =	swait.ge [sflag:s14], $0x2800  }
0x4f9: {  	[sflag:s14] =	ssyncset.done $0x0  }
0x4fa: {  	[sflag:s14] =	ssyncadd.s32 $0xFFFFD800  }
0x4fb: {  	[hbm4b:s30+s2] =	stream.linear.scatter [tilespmem:s10], [sflag:$0x6], $0x2800, $0x38;
	[tilespmem:$0x5100] =	vst v63  }
0x4fc: {  	_ = 	snop  }
0x4fd: {  	[tilespmem:s9], [sflag:$0x2] =	stream.linear.gather [hbm4b:s31+s2], $0x50, $0x38;
	[tilespmem:$0x5100] =	vst v63  }
0x4fe: {  	_ =	swait.ge [sflag:s6], $0x2800  }
0x4ff: {  	[sflag:s6] =	ssyncset.done $0x0  }
0x500: {  	[sflag:s6] =	ssyncadd.s32 $0xFFFFD800  }
0x501: {  	_ =	swait.ge [sflag:s16], $0x50  }
0x502: {  	[sflag:s16] =	ssyncset.done $0x0  }
0x503: {  	[sflag:s16] =	ssyncadd.s32 $0xFFFFFFB0  }
0x504: {  	[tilespmem:s10], [sflag:$0x4] =	stream.indirect.gather [hbm4b:s3+s11], $0x80, s9, s11, $0xb8;
	[tilespmem:$0x5100] =	vst v63  }
0x505: {  	_ =	swait.ge [sflag:s15], $0x2800  }
0x506: {  	[sflag:s15] =	ssyncset.done $0x0  }
0x507: {  	[sflag:s15] =	ssyncadd.s32 $0xFFFFD800  }
0x508: {  	[hbm4b:s28+s2] =	stream.linear.scatter [tilespmem:s7], [sflag:$0x5], $0x2800, $0x38;
	[tilespmem:$0x5100] =	vst v63  }
0x509: {  	_ = 	snop  }
0x50a: {  	[tilespmem:s2], [sflag:$0x1] =	stream.linear.gather [hbm4b:s29+s2], $0x50, $0x38;
	[tilespmem:$0x5100] =	vst v63  }
0x50b: {  	_ =	swait.ge [sflag:s8], $0x2800  }
0x50c: {  	[sflag:s8] =	ssyncset.done $0x0  }
0x50d: {  	[sflag:s8] =	ssyncadd.s32 $0xFFFFD800  }
0x50e: {  	_ =	swait.ge [sflag:s19], $0x50  }
0x50f: {  	[sflag:s19] =	ssyncset.done $0x0  }
0x510: {  	[sflag:s19] =	ssyncadd.s32 $0xFFFFFFB0  }
0x511: {  	[tilespmem:s7], [sflag:$0x3] =	stream.indirect.gather [hbm4b:s3+s11], $0x80, s2, s11, $0xb8;
	[tilespmem:$0x5100] =	vst v63  }
0x512: {  	_ =	swait.ge [sflag:s14], $0x2800  }
0x513: {  	[sflag:s14] =	ssyncset.done $0x0  }
0x514: {  	[sflag:s14] =	ssyncadd.s32 $0xFFFFD800  }
0x515: {  	[hbm4b:s25+s2] =	stream.linear.scatter [tilespmem:s10], [sflag:$0x6], $0x2800, $0x38;
	[tilespmem:$0x5100] =	vst v63  }
0x516: {  	_ = 	snop  }
0x517: {  	[tilespmem:s9], [sflag:$0x2] =	stream.linear.gather [hbm4b:s26+s2], $0x50, $0x38;
	[tilespmem:$0x5100] =	vst v63  }
0x518: {  	_ =	swait.ge [sflag:s6], $0x2800  }
0x519: {  	[sflag:s6] =	ssyncset.done $0x0  }
0x51a: {  	[sflag:s6] =	ssyncadd.s32 $0xFFFFD800  }
0x51b: {  	_ =	swait.ge [sflag:s16], $0x50  }
0x51c: {  	[sflag:s16] =	ssyncset.done $0x0  }
0x51d: {  	[sflag:s16] =	ssyncadd.s32 $0xFFFFFFB0  }
0x51e: {  	[tilespmem:s10], [sflag:$0x4] =	stream.indirect.gather [hbm4b:s3+s11], $0x80, s9, s11, $0xb8;
	[tilespmem:$0x5100] =	vst v63  }
0x51f: {  	_ =	swait.ge [sflag:s15], $0x2800  }
0x520: {  	[sflag:s15] =	ssyncset.done $0x0  }
0x521: {  	[sflag:s15] =	ssyncadd.s32 $0xFFFFD800  }
0x522: {  	[hbm4b:s23+s2] =	stream.linear.scatter [tilespmem:s7], [sflag:$0x5], $0x2800, $0x38;
	[tilespmem:$0x5100] =	vst v63  }
0x523: {  	_ = 	snop  }
0x524: {  	[tilespmem:s2], [sflag:$0x1] =	stream.linear.gather [hbm4b:s24+s2], $0x50, $0x38;
	[tilespmem:$0x5100] =	vst v63  }
0x525: {  	_ =	swait.ge [sflag:s8], $0x2800  }
0x526: {  	[sflag:s8] =	ssyncset.done $0x0  }
0x527: {  	[sflag:s8] =	ssyncadd.s32 $0xFFFFD800  }
0x528: {  	_ =	swait.ge [sflag:s19], $0x50  }
0x529: {  	[sflag:s19] =	ssyncset.done $0x0  }
0x52a: {  	[sflag:s19] =	ssyncadd.s32 $0xFFFFFFB0  }
0x52b: {  	[tilespmem:s7], [sflag:$0x3] =	stream.indirect.gather [hbm4b:s3+s11], $0x80, s2, s11, $0xb8;
	[tilespmem:$0x5100] =	vst v63  }
0x52c: {  	_ =	swait.ge [sflag:s14], $0x2800  }
0x52d: {  	[sflag:s14] =	ssyncset.done $0x0  }
0x52e: {  	[sflag:s14] =	ssyncadd.s32 $0xFFFFD800  }
0x52f: {  	[hbm4b:s20+s2] =	stream.linear.scatter [tilespmem:s10], [sflag:$0x6], $0x2800, $0x38;
	[tilespmem:$0x5100] =	vst v63  }
0x530: {  	_ = 	snop  }
0x531: {  	[tilespmem:s9], [sflag:$0x2] =	stream.linear.gather [hbm4b:s21+s2], $0x50, $0x38;
	[tilespmem:$0x5100] =	vst v63  }
0x532: {  	_ =	swait.ge [sflag:s6], $0x2800  }
0x533: {  	[sflag:s6] =	ssyncset.done $0x0  }
0x534: {  	[sflag:s6] =	ssyncadd.s32 $0xFFFFD800  }
0x535: {  	_ =	swait.ge [sflag:s16], $0x50  }
0x536: {  	[sflag:s16] =	ssyncset.done $0x0  }
0x537: {  	[sflag:s16] =	ssyncadd.s32 $0xFFFFFFB0  }
0x538: {  	[tilespmem:s10], [sflag:$0x4] =	stream.indirect.gather [hbm4b:s3+s11], $0x80, s9, s11, $0xb8;
	[tilespmem:$0x5100] =	vst v63  }
0x539: {  	_ =	swait.ge [sflag:s15], $0x2800  }
0x53a: {  	[sflag:s15] =	ssyncset.done $0x0  }
0x53b: {  	[sflag:s15] =	ssyncadd.s32 $0xFFFFD800  }
0x53c: {  	[hbm4b:s17+s2] =	stream.linear.scatter [tilespmem:s7], [sflag:$0x5], $0x2800, $0x38;
	[tilespmem:$0x5100] =	vst v63  }
0x53d: {  	_ = 	snop  }
0x53e: {  	[tilespmem:s2], [sflag:$0x1] =	stream.linear.gather [hbm4b:s18+s2], $0x50, $0x38;
	[tilespmem:$0x5100] =	vst v63  }
0x53f: {  	_ =	swait.ge [sflag:s8], $0x2800  }
0x540: {  	[sflag:s8] =	ssyncset.done $0x0  }
0x541: {  	[sflag:s8] =	ssyncadd.s32 $0xFFFFD800  }
0x542: {  	_ =	swait.ge [sflag:s19], $0x50  }
0x543: {  	[sflag:s19] =	ssyncset.done $0x0  }
0x544: {  	[sflag:s19] =	ssyncadd.s32 $0xFFFFFFB0  }
0x545: {  	[tilespmem:s7], [sflag:$0x3] =	stream.indirect.gather [hbm4b:s3+s11], $0x80, s2, s11, $0xb8;
	[tilespmem:$0x5100] =	vst v63  }
0x546: {  	_ =	swait.ge [sflag:s14], $0x2800  }
0x547: {  	[sflag:s14] =	ssyncset.done $0x0  }
0x548: {  	[sflag:s14] =	ssyncadd.s32 $0xFFFFD800  }
0x549: {  	[hbm4b:s12+s2] =	stream.linear.scatter [tilespmem:s10], [sflag:$0x6], $0x2800, $0x38;
	[tilespmem:$0x5100] =	vst v63  }
0x54a: {  	_ = 	snop  }
0x54b: {  	[tilespmem:s9], [sflag:$0x2] =	stream.linear.gather [hbm4b:s13+s2], $0x50, $0x38;
	[tilespmem:$0x5100] =	vst v63  }
0x54c: {  	_ =	swait.ge [sflag:s6], $0x2800  }
0x54d: {  	[sflag:s6] =	ssyncset.done $0x0  }
0x54e: {  	[sflag:s6] =	ssyncadd.s32 $0xFFFFD800  }
0x54f: {  	_ =	swait.ge [sflag:s16], $0x50  }
0x550: {  	[sflag:s16] =	ssyncset.done $0x0  }
0x551: {  	[sflag:s16] =	ssyncadd.s32 $0xFFFFFFB0  }
0x552: {  	[tilespmem:s10], [sflag:$0x4] =	stream.indirect.gather [hbm4b:s3+s11], $0x80, s9, s11, $0xb8;
	[tilespmem:$0x5100] =	vst v63  }
0x553: {  	_ =	swait.ge [sflag:s15], $0x2800  }
0x554: {  	[sflag:s15] =	ssyncset.done $0x0  }
0x555: {  	[sflag:s15] =	ssyncadd.s32 $0xFFFFD800  }
0x556: {  	[hbm4b:s5+s2] =	stream.linear.scatter [tilespmem:s7], [sflag:$0x5], $0x2800, $0x38;
	[tilespmem:$0x5100] =	vst v63  }
0x557: {  	_ =	swait.ge [sflag:s14], $0x2800  }
0x558: {  	[sflag:s14] =	ssyncset.done $0x0  }
0x559: {  	[sflag:s14] =	ssyncadd.s32 $0xFFFFD800  }
0x55a: {  	[hbm4b:s4+s2] =	stream.linear.scatter [tilespmem:s10], [sflag:$0x6], $0x2800, $0x38;
	[tilespmem:$0x5100] =	vst v63  }
0x55b: {  	_ =	swait.ge [sflag:s8], $0x2800  }
0x55c: {  	[sflag:s8] =	ssyncset.done $0x0  }
0x55d: {  	[sflag:s8] =	ssyncadd.s32 $0xFFFFD800  }
0x55e: {  	_ =	swait.ge [sflag:s6], $0x2800  }
0x55f: {  	[sflag:s6] =	ssyncset.done $0x0  }
0x560: {  	[sflag:s6] =	ssyncadd.s32 $0xFFFFD800  }
0x561: {  	_ =	sfence.sel $0x180000  }
0x562: {  	[bflag:$0x0] =	sbarrier.arrive $0xFFFF  }
0x563: {  	_ =	strace $0x90000047  }
0x564: {  	s31 =	stileid.u32;
	[bflag:$0x2] =	sbarrier.arrive $0xFFFF  }
0x565: {  	p0 =	sne.s32 s31, $0x0;
	s0 =	rddreg [dreg:$0x3]  }
0x566: {  	s0 =	sadd.s32 @!p0 $0x100000, s0  }
0x567: {  	[sflag:s0] =	ssyncadd.tile.s32 @!p0 $0x1;
	_ =	shalt  }
.Lfunc_end2:
_tile_overlayer_lowered:
.L_overlay_start_2:
0x568: {  	(tag) =	ssettag $0x2  }
0x569: {  	s0 =	rddreg [dreg:$0x0];
	s2 =	stileid.u32  }
0x56a: {  	s1 =	rddreg [dreg:$0x1];
	p0 =	sne.s32 s2, $0x0  }
0x56b: {  	s3 =	rddreg [dreg:$0x2];
	[bflag:$0x3] =	sbarrier.arrive $0xFFFF;
	s2 =	simm.s32 @!p0 $0x1C07  }
0x56c: {  	[timem:s3], [sflag:s2] =	dma.local @!p0 [hbm:s0], s1  }
0x56d: {  	s0 =	simm.s32 @!p0 $0x7  }
0x56e: {  	_ =	swait.ge @!p0 [sflag:s0], s1  }
0x56f: {  	s1 =	ssub.s32 @!p0 $0x0, s1;
	[sflag:s0] =	ssyncset.done @!p0 $0x0  }
0x570: {  	[sflag:s0] =	ssyncadd.s32 @!p0 s1  }
0x571: {  	[bflag:$0x3] =	sbarrier.arrive $0xFFFF  }
0x572: {  	_ =	shalt  }

</sc_bundles>
